<compile_context>
chip_gen: v7x
topology: tpu7x:2x2x1
jax: 0.10.2.dev20260603
libtpu: 0.0.44.dev20260713+nightly
codegen_flags: <defaults>
</compile_context>

<pallas_src>
import functools

import jax
import jax.numpy as jnp
from jax import lax
from jax.experimental import pallas as pl
from jax.experimental.pallas import tpu as pltpu
from jax.experimental.pallas import tpu_sc as plsc

NENTITY = 1000000
NRELATION = 1000
DIM = 64
BATCH = 1024
NEG = 256

L = 16
NC = 2
NS = 16
NW = NC * NS
BPW = BATCH // NW
NEG_HALF = NEG // 2

_mesh = plsc.VectorSubcoreMesh(core_axis_name="c", subcore_axis_name="s")


@functools.partial(
    pl.kernel,
    mesh=_mesh,
    compiler_params=pltpu.CompilerParams(use_tc_tiling_on_sc=False),
    out_type=jax.ShapeDtypeStruct((BATCH, NEG), jnp.float32),
    scratch_types=[
        pltpu.VMEM((BPW,), jnp.int32),
        pltpu.VMEM((BPW,), jnp.int32),
        pltpu.VMEM((BPW, 2, NEG_HALF), jnp.int32),
        pltpu.VMEM((BPW, DIM), jnp.float32),
        pltpu.VMEM((BPW, DIM), jnp.float32),
        pltpu.VMEM((NEG, DIM), jnp.float32),
        pltpu.VMEM((NEG, DIM), jnp.float32),
        pltpu.VMEM((BPW, NEG), jnp.float32),
        pltpu.SemaphoreType.DMA,
        pltpu.SemaphoreType.DMA,
    ],
)
def _kge_sc(hidx_hbm, ridx_hbm, neg_hbm, ent_hbm, rel_hbm, out_hbm,
            hidx_v, ridx_v, nidx_v, hrows_v, rrows_v, tail0_v, tail1_v,
            score_v, sem0, sem1):
    wid = lax.axis_index("s") * NC + lax.axis_index("c")
    base = wid * BPW

    pltpu.sync_copy(hidx_hbm.at[pl.ds(base, BPW)], hidx_v)
    pltpu.sync_copy(ridx_hbm.at[pl.ds(base, BPW)], ridx_v)
    pltpu.sync_copy(neg_hbm.at[pl.ds(base, BPW)], nidx_v)
    pltpu.async_copy(ent_hbm.at[hidx_v], hrows_v, sem0).wait()
    pltpu.async_copy(rel_hbm.at[ridx_v], rrows_v, sem0).wait()

    def hr_body(b, carry):
        for k in range(DIM // L):
            sl = pl.ds(k * L, L)
            rrows_v[b, sl] = hrows_v[b, sl] * rrows_v[b, sl]
        return carry

    lax.fori_loop(0, BPW, hr_body, 0)

    def tail_copies(b, buf, sem):
        return (
            pltpu.make_async_copy(ent_hbm.at[nidx_v.at[b, 0]],
                                  buf.at[pl.ds(0, NEG_HALF)], sem),
            pltpu.make_async_copy(ent_hbm.at[nidx_v.at[b, 1]],
                                  buf.at[pl.ds(NEG_HALF, NEG_HALF)], sem),
        )

    def start_tails(b, buf, sem):
        for cp in tail_copies(b, buf, sem):
            cp.start()

    def wait_tails(b, buf, sem):
        for cp in tail_copies(b, buf, sem):
            cp.wait()

    lanes = lax.iota(jnp.int32, L)
    dnums = lax.GatherDimensionNumbers(
        offset_dims=(), collapsed_slice_dims=(0,), start_index_map=(0,))
    perm_idx = {k: lanes ^ k for k in (1, 2, 4, 8)}
    merge_mask = {k: (lanes & k) != 0 for k in (1, 2, 4, 8)}

    def merge(a, b, k):
        m = merge_mask[k]
        t = jnp.where(m, b, a)
        u = jnp.where(m, a, b)
        return t + lax.gather(u, perm_idx[k][:, None], dnums, (1,),
                              mode=lax.GatherScatterMode.PROMISE_IN_BOUNDS)

    def compute_row(b, tail_v):
        hr0 = rrows_v[b, pl.ds(0 * L, L)]
        hr1 = rrows_v[b, pl.ds(1 * L, L)]
        hr2 = rrows_v[b, pl.ds(2 * L, L)]
        hr3 = rrows_v[b, pl.ds(3 * L, L)]

        @plsc.parallel_loop(0, NEG // L, unroll=2)
        def grp_body(g):
            n0 = g * L
            s = []
            for j in range(L):
                n = n0 + j
                s.append(tail_v[n, pl.ds(0 * L, L)] * hr0
                         + tail_v[n, pl.ds(1 * L, L)] * hr1
                         + tail_v[n, pl.ds(2 * L, L)] * hr2
                         + tail_v[n, pl.ds(3 * L, L)] * hr3)
            t = [merge(s[2 * i], s[2 * i + 1], 1) for i in range(8)]
            u = [merge(t[2 * i], t[2 * i + 1], 2) for i in range(4)]
            v = [merge(u[2 * i], u[2 * i + 1], 4) for i in range(2)]
            score_v[b, pl.ds(n0, L)] = merge(v[0], v[1], 8)

    start_tails(0, tail0_v, sem0)

    def pair_body(i, carry):
        b0 = 2 * i
        b1 = b0 + 1
        start_tails(b1, tail1_v, sem1)
        wait_tails(b0, tail0_v, sem0)
        compute_row(b0, tail0_v)

        @pl.when(i < BPW // 2 - 1)
        def _():
            start_tails(b0 + 2, tail0_v, sem0)

        wait_tails(b1, tail1_v, sem1)
        compute_row(b1, tail1_v)
        return carry

    lax.fori_loop(0, BPW // 2, pair_body, 0)
    pltpu.sync_copy(score_v, out_hbm.at[pl.ds(base, BPW)])



CB = 256
NBLK_T = NENTITY // CB
NPAIR_T = 61
NEXTRA_T = NBLK_T - 2 * NPAIR_T * NW
NREM = NENTITY - NBLK_T * CB


@functools.partial(
    pl.kernel,
    mesh=_mesh,
    compiler_params=pltpu.CompilerParams(needs_layout_passes=False),
    out_type=jax.ShapeDtypeStruct((NENTITY // 2, 2 * DIM), jnp.float32),
    scratch_types=[
        pltpu.VMEM((DIM, CB), jnp.float32),
        pltpu.VMEM((DIM, CB), jnp.float32),
        pltpu.VMEM((DIM, NREM), jnp.float32),
        pltpu.VMEM((CB // 2, 2 * DIM), jnp.float32),
        pltpu.VMEM((CB // 2, 2 * DIM), jnp.float32),
        pltpu.SemaphoreType.DMA,
        pltpu.SemaphoreType.DMA,
        pltpu.SemaphoreType.DMA,
        pltpu.SemaphoreType.DMA,
    ],
)
def _relayout(entt_hbm, out_hbm, in0, in1, inr, out0, out1,
              rd0, rd1, wr0, wr1):
    wid = lax.axis_index("s") * NC + lax.axis_index("c")
    lanes = lax.iota(jnp.int32, L)
    cc = [g * L + lanes for g in range(CB // L)]
    crow = [lax.shift_right_logical(c, 1) for c in cc]
    ccol = [lax.bitwise_and(c, 1) * DIM for c in cc]

    def read_cp(blk, buf, sem):
        return pltpu.make_async_copy(
            entt_hbm.at[:, pl.ds(blk * CB, CB)], buf, sem)

    def write_cp(blk, buf, sem):
        return pltpu.make_async_copy(
            buf, out_hbm.at[pl.ds(blk * (CB // 2), CB // 2)], sem)

    def transpose_block(inb, outb, ngrp):
        @plsc.parallel_loop(0, DIM, unroll=4)
        def kbody(k):
            dv = lax.bitwise_and(lanes + k, DIM - 1)
            for g in range(ngrp):
                v = plsc.load_gather(inb, [dv, cc[g]])
                plsc.store_scatter(outb, [crow[g], ccol[g] + dv], v)

    read_cp(wid, in0, rd0).start()
    read_cp(wid + NW, in1, rd1).start()

    def pair_body(i, carry):
        j0 = wid + (2 * i) * NW
        j1 = j0 + NW
        read_cp(j0, in0, rd0).wait()

        @pl.when(i > 0)
        def _():
            write_cp(j0 - 2 * NW, out0, wr0).wait()

        transpose_block(in0, out0, CB // L)

        @pl.when(i < NPAIR_T - 1)
        def _():
            read_cp(j0 + 2 * NW, in0, rd0).start()

        write_cp(j0, out0, wr0).start()
        read_cp(j1, in1, rd1).wait()

        @pl.when(i > 0)
        def _():
            write_cp(j1 - 2 * NW, out1, wr1).wait()

        transpose_block(in1, out1, CB // L)

        @pl.when(i < NPAIR_T - 1)
        def _():
            read_cp(j1 + 2 * NW, in1, rd1).start()

        write_cp(j1, out1, wr1).start()
        return carry

    lax.fori_loop(0, NPAIR_T, pair_body, 0)
    last0 = wid + (2 * NPAIR_T - 2) * NW
    write_cp(last0, out0, wr0).wait()
    write_cp(last0 + NW, out1, wr1).wait()

    @pl.when(wid < NEXTRA_T)
    def _():
        jx = 2 * NPAIR_T * NW + wid
        read_cp(jx, in0, rd0).start()
        read_cp(jx, in0, rd0).wait()
        transpose_block(in0, out0, CB // L)
        write_cp(jx, out0, wr0).start()
        write_cp(jx, out0, wr0).wait()

    @pl.when(wid == NW - 1)
    def _():
        c0 = NBLK_T * CB
        rcp = pltpu.make_async_copy(
            entt_hbm.at[:, pl.ds(c0, NREM)], inr, rd1)
        rcp.start()
        rcp.wait()
        transpose_block(inr, out1, NREM // L)
        wcp = pltpu.make_async_copy(
            out1.at[pl.ds(0, NREM // 2)],
            out_hbm.at[pl.ds(c0 // 2, NREM // 2)], wr1)
        wcp.start()
        wcp.wait()


def kernel(pos_part, neg_part, entity_embedding, relation_embedding):
    hidx = pos_part[:, 0].astype(jnp.int32)
    ridx = pos_part[:, 1].astype(jnp.int32)
    neg3 = neg_part.astype(jnp.int32).reshape(BATCH, 2, NEG_HALF)
    ent_lin = _relayout(entity_embedding.T).reshape(NENTITY, DIM)
    return _kge_sc(hidx, ridx, neg3, ent_lin, relation_embedding)

# --- scband reference (transcript-rebuilt; emitter-appended) ---
"""Pipeline reference for scband-kgemodel-74552042324766 (READ-ONLY COPY).

The authoritative reference and input builder live on the scoring server;
editing this copy changes nothing except your own understanding.
"""

import jax, jax.numpy as jnp
import numpy as np

NENTITY = 1000000
NRELATION = 1000
DIM = 64
BATCH = 1024
NEG = 256


def setup_inputs(seed: int = 0) -> dict:
    key = jax.random.key(seed)
    k1, k2, k3, k4 = jax.random.split(key, 4)
    entity_embedding = jax.random.normal(k1, (NENTITY, DIM), dtype=jnp.float32) * 0.05
    relation_embedding = jax.random.normal(k2, (NRELATION, DIM), dtype=jnp.float32) * 0.05
    # pos_part columns are (head, relation, tail); keep all indices < NRELATION so
    # every column is in-range for both tables (NRELATION < NENTITY).
    pos_part = jax.random.randint(k3, (BATCH, 3), 0, NRELATION)
    # negative tail candidates span the full entity vocabulary -> random gathers over 1M rows
    neg_part = jax.random.randint(k4, (BATCH, NEG), 0, NENTITY)
    return {
        "pos_part": pos_part,
        "neg_part": neg_part,
        "entity_embedding": entity_embedding,
        "relation_embedding": relation_embedding,
    }


def reference(pos_part, neg_part, entity_embedding, relation_embedding):
    # Faithful translation of KGEModel.forward with type == 'tail_batch' and a
    # DistMult score (the score() the training loop in the source assumes).
    batch_size, negative_sample_size = neg_part.shape[0], neg_part.shape[1]
    head = jnp.take(entity_embedding, pos_part[:, 0], axis=0)[:, None, :]
    relation = jnp.take(relation_embedding, pos_part[:, 1], axis=0)[:, None, :]
    tail = jnp.take(entity_embedding, neg_part.reshape(-1), axis=0).reshape(
        batch_size, negative_sample_size, -1
    )
    score = jnp.sum(head * relation * tail, axis=-1)
    return score

if __name__ == "__main__":
    import jax
    _d = setup_inputs()
    print(jax.jit(kernel)(*tuple(_d.values())))

</pallas_src>

<mosaic_0001>
#map = affine_map<(d0, d1) -> (0, 0)>
module attributes {stable_mosaic.version = 14 : i64} {
  func.func @_relayout(%arg0: i32, %arg1: i32, %arg2: memref<64x1000000xf32, #tpu.memory_space<hbm>>, %arg3: memref<500000x128xf32, #tpu.memory_space<hbm>>, %arg4: memref<64x256xf32, #tpu.memory_space<vmem>>, %arg5: memref<64x256xf32, #tpu.memory_space<vmem>>, %arg6: memref<64x64xf32, #tpu.memory_space<vmem>>, %arg7: memref<128x128xf32, #tpu.memory_space<vmem>>, %arg8: memref<128x128xf32, #tpu.memory_space<vmem>>, %arg9: memref<!tpu.dma_semaphore, #tpu.memory_space<semaphore_mem>>, %arg10: memref<!tpu.dma_semaphore, #tpu.memory_space<semaphore_mem>>, %arg11: memref<!tpu.dma_semaphore, #tpu.memory_space<semaphore_mem>>, %arg12: memref<!tpu.dma_semaphore, #tpu.memory_space<semaphore_mem>>) attributes {dimension_semantics = [#tpu.dimension_semantics<core_parallel>, #tpu.dimension_semantics<subcore_parallel>], iteration_bounds = array<i64: 2, 16>, scalar_prefetch = 0 : i64, scratch_operands = 9 : i64, tpu.core_type = #tpu.core_type<sc_vector_subcore>, window_params = [{transform_indices = #map}, {transform_indices = #map}]} {
    %mul3A = arith.constant 2 : i32
    %mul3A_0 = arith.muli %arg1, %mul3A : i32
    %add3A = arith.addi %mul3A_0, %arg0 : i32
    %iota3A = tpu.iota {dimensions = array<i32: 0>} : vector<16xi32>
    %add3A_1 = arith.constant 0 : i32
    %add3A_2 = vector.broadcast %add3A_1 : i32 to vector<16xi32>
    %add3A_3 = arith.addi %add3A_2, %iota3A : vector<16xi32>
    %add3A_4 = arith.constant 16 : i32
    %add3A_5 = vector.broadcast %add3A_4 : i32 to vector<16xi32>
    %add3A_6 = arith.addi %add3A_5, %iota3A : vector<16xi32>
    %add3A_7 = arith.constant 32 : i32
    %add3A_8 = vector.broadcast %add3A_7 : i32 to vector<16xi32>
    %add3A_9 = arith.addi %add3A_8, %iota3A : vector<16xi32>
    %add3A_10 = arith.constant 48 : i32
    %add3A_11 = vector.broadcast %add3A_10 : i32 to vector<16xi32>
    %add3A_12 = arith.addi %add3A_11, %iota3A : vector<16xi32>
    %add3A_13 = arith.constant 64 : i32
    %add3A_14 = vector.broadcast %add3A_13 : i32 to vector<16xi32>
    %add3A_15 = arith.addi %add3A_14, %iota3A : vector<16xi32>
    %add3A_16 = arith.constant 80 : i32
    %add3A_17 = vector.broadcast %add3A_16 : i32 to vector<16xi32>
    %add3A_18 = arith.addi %add3A_17, %iota3A : vector<16xi32>
    %add3A_19 = arith.constant 96 : i32
    %add3A_20 = vector.broadcast %add3A_19 : i32 to vector<16xi32>
    %add3A_21 = arith.addi %add3A_20, %iota3A : vector<16xi32>
    %add3A_22 = arith.constant 112 : i32
    %add3A_23 = vector.broadcast %add3A_22 : i32 to vector<16xi32>
    %add3A_24 = arith.addi %add3A_23, %iota3A : vector<16xi32>
    %add3A_25 = arith.constant 128 : i32
    %add3A_26 = vector.broadcast %add3A_25 : i32 to vector<16xi32>
    %add3A_27 = arith.addi %add3A_26, %iota3A : vector<16xi32>
    %add3A_28 = arith.constant 144 : i32
    %add3A_29 = vector.broadcast %add3A_28 : i32 to vector<16xi32>
    %add3A_30 = arith.addi %add3A_29, %iota3A : vector<16xi32>
    %add3A_31 = arith.constant 160 : i32
    %add3A_32 = vector.broadcast %add3A_31 : i32 to vector<16xi32>
    %add3A_33 = arith.addi %add3A_32, %iota3A : vector<16xi32>
    %add3A_34 = arith.constant 176 : i32
    %add3A_35 = vector.broadcast %add3A_34 : i32 to vector<16xi32>
    %add3A_36 = arith.addi %add3A_35, %iota3A : vector<16xi32>
    %add3A_37 = arith.constant 192 : i32
    %add3A_38 = vector.broadcast %add3A_37 : i32 to vector<16xi32>
    %add3A_39 = arith.addi %add3A_38, %iota3A : vector<16xi32>
    %add3A_40 = arith.constant 208 : i32
    %add3A_41 = vector.broadcast %add3A_40 : i32 to vector<16xi32>
    %add3A_42 = arith.addi %add3A_41, %iota3A : vector<16xi32>
    %add3A_43 = arith.constant 224 : i32
    %add3A_44 = vector.broadcast %add3A_43 : i32 to vector<16xi32>
    %add3A_45 = arith.addi %add3A_44, %iota3A : vector<16xi32>
    %add3A_46 = arith.constant 240 : i32
    %add3A_47 = vector.broadcast %add3A_46 : i32 to vector<16xi32>
    %add3A_48 = arith.addi %add3A_47, %iota3A : vector<16xi32>
    %shift_right_logical3A = arith.constant 1 : i32
    %shift_right_logical3A_49 = vector.broadcast %shift_right_logical3A : i32 to vector<16xi32>
    %shift_right_logical3A_50 = arith.shrui %add3A_3, %shift_right_logical3A_49 : vector<16xi32>
    %shift_right_logical3A_51 = arith.constant 1 : i32
    %shift_right_logical3A_52 = vector.broadcast %shift_right_logical3A_51 : i32 to vector<16xi32>
    %shift_right_logical3A_53 = arith.shrui %add3A_6, %shift_right_logical3A_52 : vector<16xi32>
    %shift_right_logical3A_54 = arith.constant 1 : i32
    %shift_right_logical3A_55 = vector.broadcast %shift_right_logical3A_54 : i32 to vector<16xi32>
    %shift_right_logical3A_56 = arith.shrui %add3A_9, %shift_right_logical3A_55 : vector<16xi32>
    %shift_right_logical3A_57 = arith.constant 1 : i32
    %shift_right_logical3A_58 = vector.broadcast %shift_right_logical3A_57 : i32 to vector<16xi32>
    %shift_right_logical3A_59 = arith.shrui %add3A_12, %shift_right_logical3A_58 : vector<16xi32>
    %shift_right_logical3A_60 = arith.constant 1 : i32
    %shift_right_logical3A_61 = vector.broadcast %shift_right_logical3A_60 : i32 to vector<16xi32>
    %shift_right_logical3A_62 = arith.shrui %add3A_15, %shift_right_logical3A_61 : vector<16xi32>
    %shift_right_logical3A_63 = arith.constant 1 : i32
    %shift_right_logical3A_64 = vector.broadcast %shift_right_logical3A_63 : i32 to vector<16xi32>
    %shift_right_logical3A_65 = arith.shrui %add3A_18, %shift_right_logical3A_64 : vector<16xi32>
    %shift_right_logical3A_66 = arith.constant 1 : i32
    %shift_right_logical3A_67 = vector.broadcast %shift_right_logical3A_66 : i32 to vector<16xi32>
    %shift_right_logical3A_68 = arith.shrui %add3A_21, %shift_right_logical3A_67 : vector<16xi32>
    %shift_right_logical3A_69 = arith.constant 1 : i32
    %shift_right_logical3A_70 = vector.broadcast %shift_right_logical3A_69 : i32 to vector<16xi32>
    %shift_right_logical3A_71 = arith.shrui %add3A_24, %shift_right_logical3A_70 : vector<16xi32>
    %shift_right_logical3A_72 = arith.constant 1 : i32
    %shift_right_logical3A_73 = vector.broadcast %shift_right_logical3A_72 : i32 to vector<16xi32>
    %shift_right_logical3A_74 = arith.shrui %add3A_27, %shift_right_logical3A_73 : vector<16xi32>
    %shift_right_logical3A_75 = arith.constant 1 : i32
    %shift_right_logical3A_76 = vector.broadcast %shift_right_logical3A_75 : i32 to vector<16xi32>
    %shift_right_logical3A_77 = arith.shrui %add3A_30, %shift_right_logical3A_76 : vector<16xi32>
    %shift_right_logical3A_78 = arith.constant 1 : i32
    %shift_right_logical3A_79 = vector.broadcast %shift_right_logical3A_78 : i32 to vector<16xi32>
    %shift_right_logical3A_80 = arith.shrui %add3A_33, %shift_right_logical3A_79 : vector<16xi32>
    %shift_right_logical3A_81 = arith.constant 1 : i32
    %shift_right_logical3A_82 = vector.broadcast %shift_right_logical3A_81 : i32 to vector<16xi32>
    %shift_right_logical3A_83 = arith.shrui %add3A_36, %shift_right_logical3A_82 : vector<16xi32>
    %shift_right_logical3A_84 = arith.constant 1 : i32
    %shift_right_logical3A_85 = vector.broadcast %shift_right_logical3A_84 : i32 to vector<16xi32>
    %shift_right_logical3A_86 = arith.shrui %add3A_39, %shift_right_logical3A_85 : vector<16xi32>
    %shift_right_logical3A_87 = arith.constant 1 : i32
    %shift_right_logical3A_88 = vector.broadcast %shift_right_logical3A_87 : i32 to vector<16xi32>
    %shift_right_logical3A_89 = arith.shrui %add3A_42, %shift_right_logical3A_88 : vector<16xi32>
    %shift_right_logical3A_90 = arith.constant 1 : i32
    %shift_right_logical3A_91 = vector.broadcast %shift_right_logical3A_90 : i32 to vector<16xi32>
    %shift_right_logical3A_92 = arith.shrui %add3A_45, %shift_right_logical3A_91 : vector<16xi32>
    %shift_right_logical3A_93 = arith.constant 1 : i32
    %shift_right_logical3A_94 = vector.broadcast %shift_right_logical3A_93 : i32 to vector<16xi32>
    %shift_right_logical3A_95 = arith.shrui %add3A_48, %shift_right_logical3A_94 : vector<16xi32>
    %and3A = arith.constant 1 : i32
    %and3A_96 = vector.broadcast %and3A : i32 to vector<16xi32>
    %and3A_97 = arith.andi %add3A_3, %and3A_96 : vector<16xi32>
    %mul3A_98 = arith.constant 64 : i32
    %mul3A_99 = vector.broadcast %mul3A_98 : i32 to vector<16xi32>
    %mul3A_100 = arith.muli %and3A_97, %mul3A_99 : vector<16xi32>
    %and3A_101 = arith.constant 1 : i32
    %and3A_102 = vector.broadcast %and3A_101 : i32 to vector<16xi32>
    %and3A_103 = arith.andi %add3A_6, %and3A_102 : vector<16xi32>
    %mul3A_104 = arith.constant 64 : i32
    %mul3A_105 = vector.broadcast %mul3A_104 : i32 to vector<16xi32>
    %mul3A_106 = arith.muli %and3A_103, %mul3A_105 : vector<16xi32>
    %and3A_107 = arith.constant 1 : i32
    %and3A_108 = vector.broadcast %and3A_107 : i32 to vector<16xi32>
    %and3A_109 = arith.andi %add3A_9, %and3A_108 : vector<16xi32>
    %mul3A_110 = arith.constant 64 : i32
    %mul3A_111 = vector.broadcast %mul3A_110 : i32 to vector<16xi32>
    %mul3A_112 = arith.muli %and3A_109, %mul3A_111 : vector<16xi32>
    %and3A_113 = arith.constant 1 : i32
    %and3A_114 = vector.broadcast %and3A_113 : i32 to vector<16xi32>
    %and3A_115 = arith.andi %add3A_12, %and3A_114 : vector<16xi32>
    %mul3A_116 = arith.constant 64 : i32
    %mul3A_117 = vector.broadcast %mul3A_116 : i32 to vector<16xi32>
    %mul3A_118 = arith.muli %and3A_115, %mul3A_117 : vector<16xi32>
    %and3A_119 = arith.constant 1 : i32
    %and3A_120 = vector.broadcast %and3A_119 : i32 to vector<16xi32>
    %and3A_121 = arith.andi %add3A_15, %and3A_120 : vector<16xi32>
    %mul3A_122 = arith.constant 64 : i32
    %mul3A_123 = vector.broadcast %mul3A_122 : i32 to vector<16xi32>
    %mul3A_124 = arith.muli %and3A_121, %mul3A_123 : vector<16xi32>
    %and3A_125 = arith.constant 1 : i32
    %and3A_126 = vector.broadcast %and3A_125 : i32 to vector<16xi32>
    %and3A_127 = arith.andi %add3A_18, %and3A_126 : vector<16xi32>
    %mul3A_128 = arith.constant 64 : i32
    %mul3A_129 = vector.broadcast %mul3A_128 : i32 to vector<16xi32>
    %mul3A_130 = arith.muli %and3A_127, %mul3A_129 : vector<16xi32>
    %and3A_131 = arith.constant 1 : i32
    %and3A_132 = vector.broadcast %and3A_131 : i32 to vector<16xi32>
    %and3A_133 = arith.andi %add3A_21, %and3A_132 : vector<16xi32>
    %mul3A_134 = arith.constant 64 : i32
    %mul3A_135 = vector.broadcast %mul3A_134 : i32 to vector<16xi32>
    %mul3A_136 = arith.muli %and3A_133, %mul3A_135 : vector<16xi32>
    %and3A_137 = arith.constant 1 : i32
    %and3A_138 = vector.broadcast %and3A_137 : i32 to vector<16xi32>
    %and3A_139 = arith.andi %add3A_24, %and3A_138 : vector<16xi32>
    %mul3A_140 = arith.constant 64 : i32
    %mul3A_141 = vector.broadcast %mul3A_140 : i32 to vector<16xi32>
    %mul3A_142 = arith.muli %and3A_139, %mul3A_141 : vector<16xi32>
    %and3A_143 = arith.constant 1 : i32
    %and3A_144 = vector.broadcast %and3A_143 : i32 to vector<16xi32>
    %and3A_145 = arith.andi %add3A_27, %and3A_144 : vector<16xi32>
    %mul3A_146 = arith.constant 64 : i32
    %mul3A_147 = vector.broadcast %mul3A_146 : i32 to vector<16xi32>
    %mul3A_148 = arith.muli %and3A_145, %mul3A_147 : vector<16xi32>
    %and3A_149 = arith.constant 1 : i32
    %and3A_150 = vector.broadcast %and3A_149 : i32 to vector<16xi32>
    %and3A_151 = arith.andi %add3A_30, %and3A_150 : vector<16xi32>
    %mul3A_152 = arith.constant 64 : i32
    %mul3A_153 = vector.broadcast %mul3A_152 : i32 to vector<16xi32>
    %mul3A_154 = arith.muli %and3A_151, %mul3A_153 : vector<16xi32>
    %and3A_155 = arith.constant 1 : i32
    %and3A_156 = vector.broadcast %and3A_155 : i32 to vector<16xi32>
    %and3A_157 = arith.andi %add3A_33, %and3A_156 : vector<16xi32>
    %mul3A_158 = arith.constant 64 : i32
    %mul3A_159 = vector.broadcast %mul3A_158 : i32 to vector<16xi32>
    %mul3A_160 = arith.muli %and3A_157, %mul3A_159 : vector<16xi32>
    %and3A_161 = arith.constant 1 : i32
    %and3A_162 = vector.broadcast %and3A_161 : i32 to vector<16xi32>
    %and3A_163 = arith.andi %add3A_36, %and3A_162 : vector<16xi32>
    %mul3A_164 = arith.constant 64 : i32
    %mul3A_165 = vector.broadcast %mul3A_164 : i32 to vector<16xi32>
    %mul3A_166 = arith.muli %and3A_163, %mul3A_165 : vector<16xi32>
    %and3A_167 = arith.constant 1 : i32
    %and3A_168 = vector.broadcast %and3A_167 : i32 to vector<16xi32>
    %and3A_169 = arith.andi %add3A_39, %and3A_168 : vector<16xi32>
    %mul3A_170 = arith.constant 64 : i32
    %mul3A_171 = vector.broadcast %mul3A_170 : i32 to vector<16xi32>
    %mul3A_172 = arith.muli %and3A_169, %mul3A_171 : vector<16xi32>
    %and3A_173 = arith.constant 1 : i32
    %and3A_174 = vector.broadcast %and3A_173 : i32 to vector<16xi32>
    %and3A_175 = arith.andi %add3A_42, %and3A_174 : vector<16xi32>
    %mul3A_176 = arith.constant 64 : i32
    %mul3A_177 = vector.broadcast %mul3A_176 : i32 to vector<16xi32>
    %mul3A_178 = arith.muli %and3A_175, %mul3A_177 : vector<16xi32>
    %and3A_179 = arith.constant 1 : i32
    %and3A_180 = vector.broadcast %and3A_179 : i32 to vector<16xi32>
    %and3A_181 = arith.andi %add3A_45, %and3A_180 : vector<16xi32>
    %mul3A_182 = arith.constant 64 : i32
    %mul3A_183 = vector.broadcast %mul3A_182 : i32 to vector<16xi32>
    %mul3A_184 = arith.muli %and3A_181, %mul3A_183 : vector<16xi32>
    %and3A_185 = arith.constant 1 : i32
    %and3A_186 = vector.broadcast %and3A_185 : i32 to vector<16xi32>
    %and3A_187 = arith.andi %add3A_48, %and3A_186 : vector<16xi32>
    %mul3A_188 = arith.constant 64 : i32
    %mul3A_189 = vector.broadcast %mul3A_188 : i32 to vector<16xi32>
    %mul3A_190 = arith.muli %and3A_187, %mul3A_189 : vector<16xi32>
    %mul3A_191 = arith.constant 256 : i32
    %mul3A_192 = arith.muli %add3A, %mul3A_191 : i32
    %dma_start3A = arith.constant 0 : i32
    %dma_start3A_193 = tpu.memref_slice %arg2[%dma_start3A, %mul3A_192] : memref<64x1000000xf32, #tpu.memory_space<hbm>> -> memref<64x256xf32, #tpu.memory_space<hbm>>
    %dma_start3A_194 = arith.constant 0 : i32
    %dma_start3A_195 = tpu.memref_slice %arg2[%dma_start3A_194, %mul3A_192] : memref<64x1000000xf32, #tpu.memory_space<hbm>> -> memref<64x256xf32, #tpu.memory_space<hbm>>
    tpu.enqueue_dma source(%dma_start3A_195 : memref<64x256xf32, #tpu.memory_space<hbm>>) target(%arg4 : memref<64x256xf32, #tpu.memory_space<vmem>>) target_semaphore(%arg9 : memref<!tpu.dma_semaphore, #tpu.memory_space<semaphore_mem>>)
    %add3A_196 = arith.constant 32 : i32
    %add3A_197 = arith.addi %add3A, %add3A_196 : i32
    %mul3A_198 = arith.constant 256 : i32
    %mul3A_199 = arith.muli %add3A_197, %mul3A_198 : i32
    %dma_start3A_200 = arith.constant 0 : i32
    %dma_start3A_201 = tpu.memref_slice %arg2[%dma_start3A_200, %mul3A_199] : memref<64x1000000xf32, #tpu.memory_space<hbm>> -> memref<64x256xf32, #tpu.memory_space<hbm>>
    %dma_start3A_202 = arith.constant 0 : i32
    %dma_start3A_203 = tpu.memref_slice %arg2[%dma_start3A_202, %mul3A_199] : memref<64x1000000xf32, #tpu.memory_space<hbm>> -> memref<64x256xf32, #tpu.memory_space<hbm>>
    tpu.enqueue_dma source(%dma_start3A_203 : memref<64x256xf32, #tpu.memory_space<hbm>>) target(%arg5 : memref<64x256xf32, #tpu.memory_space<vmem>>) target_semaphore(%arg10 : memref<!tpu.dma_semaphore, #tpu.memory_space<semaphore_mem>>)
    %scan3A = arith.constant 0 : i32
    %scan3A_204 = arith.constant 0 : i32
    %scan3A_205 = arith.constant 61 : i32
    %scan3A_206 = arith.addi %scan3A_204, %scan3A_205 : i32
    %scan3A_207 = arith.constant 1 : i32
    scf.for %scan3A_230 = %scan3A_204 to %scan3A_206 step %scan3A_207  : i32 {
      %mul3A_231 = arith.constant 2 : i32
      %mul3A_232 = arith.muli %mul3A_231, %scan3A_230 : i32
      %mul3A_233 = arith.constant 32 : i32
      %mul3A_234 = arith.muli %mul3A_232, %mul3A_233 : i32
      %add3A_235 = arith.addi %add3A, %mul3A_234 : i32
      %add3A_236 = arith.constant 32 : i32
      %add3A_237 = arith.addi %add3A_235, %add3A_236 : i32
      %mul3A_238 = arith.constant 256 : i32
      %mul3A_239 = arith.muli %add3A_235, %mul3A_238 : i32
      %dma_wait3A_240 = arith.constant 0 : i32
      %dma_wait3A_241 = tpu.memref_slice %arg2[%dma_wait3A_240, %mul3A_239] : memref<64x1000000xf32, #tpu.memory_space<hbm>> -> memref<64x256xf32, #tpu.memory_space<hbm>>
      %dma_wait3A_242 = arith.constant 0 : i32
      %dma_wait3A_243 = tpu.memref_slice %arg2[%dma_wait3A_242, %mul3A_239] : memref<64x1000000xf32, #tpu.memory_space<hbm>> -> memref<64x256xf32, #tpu.memory_space<hbm>>
      tpu.wait_dma2 semaphore(%arg9 : memref<!tpu.dma_semaphore, #tpu.memory_space<semaphore_mem>>) src(%dma_wait3A_243 : memref<64x256xf32, #tpu.memory_space<hbm>>) dst(%arg4 : memref<64x256xf32, #tpu.memory_space<vmem>>)
      %gt3A = arith.constant 0 : i32
      %gt3A_244 = arith.cmpi sgt, %scan3A_230, %gt3A : i32
      %convert_element_type3A_245 = arith.extui %gt3A_244 : i1 to i32
      %cond3A_246 = arith.constant 0 : i32
      %cond3A_247 = arith.cmpi ne, %convert_element_type3A_245, %cond3A_246 : i32
      scf.if %cond3A_247 {
        %sub3A = arith.constant 64 : i32
        %sub3A_286 = arith.subi %add3A_235, %sub3A : i32
        %mul3A_287 = arith.constant 128 : i32
        %mul3A_288 = arith.muli %sub3A_286, %mul3A_287 : i32
        %dma_wait3A_289 = arith.constant 0 : i32
        %dma_wait3A_290 = tpu.memref_slice %arg3[%mul3A_288, %dma_wait3A_289] : memref<500000x128xf32, #tpu.memory_space<hbm>> -> memref<128x128xf32, #tpu.memory_space<hbm>>
        %dma_wait3A_291 = arith.constant 0 : i32
        %dma_wait3A_292 = tpu.memref_slice %arg3[%mul3A_288, %dma_wait3A_291] : memref<500000x128xf32, #tpu.memory_space<hbm>> -> memref<128x128xf32, #tpu.memory_space<hbm>>
        tpu.wait_dma2 semaphore(%arg11 : memref<!tpu.dma_semaphore, #tpu.memory_space<semaphore_mem>>) src(%arg7 : memref<128x128xf32, #tpu.memory_space<vmem>>) dst(%dma_wait3A_292 : memref<128x128xf32, #tpu.memory_space<hbm>>)
      } else {
      }
      %parallel_loop3A = arith.constant 0 : i32
      %parallel_loop3A_248 = arith.constant 64 : i32
      %parallel_loop3A_249 = arith.constant 1 : i32
      scf.for %parallel_loop3A_286 = %parallel_loop3A to %parallel_loop3A_248 step %parallel_loop3A_249  : i32 {
        %parallel_loop3A_287 = vector.broadcast %parallel_loop3A_286 : i32 to vector<16xi32>
        %parallel_loop3A_288 = arith.addi %iota3A, %parallel_loop3A_287 : vector<16xi32>
        %parallel_loop3A_289 = arith.constant 63 : i32
        %parallel_loop3A_290 = vector.broadcast %parallel_loop3A_289 : i32 to vector<16xi32>
        %parallel_loop3A_291 = arith.andi %parallel_loop3A_288, %parallel_loop3A_290 : vector<16xi32>
        %parallel_loop3A_292 = tpu.vector_load_idx %arg4[%parallel_loop3A_291, %add3A_3] : memref<64x256xf32, #tpu.memory_space<vmem>>[vector<16xi32>, vector<16xi32>], vector<16xf32>,
        %parallel_loop3A_293 = arith.addi %mul3A_100, %parallel_loop3A_291 : vector<16xi32>
        tpu.vector_store_idx %arg7[%shift_right_logical3A_50, %parallel_loop3A_293], %parallel_loop3A_292 : memref<128x128xf32, #tpu.memory_space<vmem>>[vector<16xi32>, vector<16xi32>], vector<16xf32>,
        %parallel_loop3A_294 = tpu.vector_load_idx %arg4[%parallel_loop3A_291, %add3A_6] : memref<64x256xf32, #tpu.memory_space<vmem>>[vector<16xi32>, vector<16xi32>], vector<16xf32>,
        %parallel_loop3A_295 = arith.addi %mul3A_106, %parallel_loop3A_291 : vector<16xi32>
        tpu.vector_store_idx %arg7[%shift_right_logical3A_53, %parallel_loop3A_295], %parallel_loop3A_294 : memref<128x128xf32, #tpu.memory_space<vmem>>[vector<16xi32>, vector<16xi32>], vector<16xf32>,
        %parallel_loop3A_296 = tpu.vector_load_idx %arg4[%parallel_loop3A_291, %add3A_9] : memref<64x256xf32, #tpu.memory_space<vmem>>[vector<16xi32>, vector<16xi32>], vector<16xf32>,
        %parallel_loop3A_297 = arith.addi %mul3A_112, %parallel_loop3A_291 : vector<16xi32>
        tpu.vector_store_idx %arg7[%shift_right_logical3A_56, %parallel_loop3A_297], %parallel_loop3A_296 : memref<128x128xf32, #tpu.memory_space<vmem>>[vector<16xi32>, vector<16xi32>], vector<16xf32>,
        %parallel_loop3A_298 = tpu.vector_load_idx %arg4[%parallel_loop3A_291, %add3A_12] : memref<64x256xf32, #tpu.memory_space<vmem>>[vector<16xi32>, vector<16xi32>], vector<16xf32>,
        %parallel_loop3A_299 = arith.addi %mul3A_118, %parallel_loop3A_291 : vector<16xi32>
        tpu.vector_store_idx %arg7[%shift_right_logical3A_59, %parallel_loop3A_299], %parallel_loop3A_298 : memref<128x128xf32, #tpu.memory_space<vmem>>[vector<16xi32>, vector<16xi32>], vector<16xf32>,
        %parallel_loop3A_300 = tpu.vector_load_idx %arg4[%parallel_loop3A_291, %add3A_15] : memref<64x256xf32, #tpu.memory_space<vmem>>[vector<16xi32>, vector<16xi32>], vector<16xf32>,
        %parallel_loop3A_301 = arith.addi %mul3A_124, %parallel_loop3A_291 : vector<16xi32>
        tpu.vector_store_idx %arg7[%shift_right_logical3A_62, %parallel_loop3A_301], %parallel_loop3A_300 : memref<128x128xf32, #tpu.memory_space<vmem>>[vector<16xi32>, vector<16xi32>], vector<16xf32>,
        %parallel_loop3A_302 = tpu.vector_load_idx %arg4[%parallel_loop3A_291, %add3A_18] : memref<64x256xf32, #tpu.memory_space<vmem>>[vector<16xi32>, vector<16xi32>], vector<16xf32>,
        %parallel_loop3A_303 = arith.addi %mul3A_130, %parallel_loop3A_291 : vector<16xi32>
        tpu.vector_store_idx %arg7[%shift_right_logical3A_65, %parallel_loop3A_303], %parallel_loop3A_302 : memref<128x128xf32, #tpu.memory_space<vmem>>[vector<16xi32>, vector<16xi32>], vector<16xf32>,
        %parallel_loop3A_304 = tpu.vector_load_idx %arg4[%parallel_loop3A_291, %add3A_21] : memref<64x256xf32, #tpu.memory_space<vmem>>[vector<16xi32>, vector<16xi32>], vector<16xf32>,
        %parallel_loop3A_305 = arith.addi %mul3A_136, %parallel_loop3A_291 : vector<16xi32>
        tpu.vector_store_idx %arg7[%shift_right_logical3A_68, %parallel_loop3A_305], %parallel_loop3A_304 : memref<128x128xf32, #tpu.memory_space<vmem>>[vector<16xi32>, vector<16xi32>], vector<16xf32>,
        %parallel_loop3A_306 = tpu.vector_load_idx %arg4[%parallel_loop3A_291, %add3A_24] : memref<64x256xf32, #tpu.memory_space<vmem>>[vector<16xi32>, vector<16xi32>], vector<16xf32>,
        %parallel_loop3A_307 = arith.addi %mul3A_142, %parallel_loop3A_291 : vector<16xi32>
        tpu.vector_store_idx %arg7[%shift_right_logical3A_71, %parallel_loop3A_307], %parallel_loop3A_306 : memref<128x128xf32, #tpu.memory_space<vmem>>[vector<16xi32>, vector<16xi32>], vector<16xf32>,
        %parallel_loop3A_308 = tpu.vector_load_idx %arg4[%parallel_loop3A_291, %add3A_27] : memref<64x256xf32, #tpu.memory_space<vmem>>[vector<16xi32>, vector<16xi32>], vector<16xf32>,
        %parallel_loop3A_309 = arith.addi %mul3A_148, %parallel_loop3A_291 : vector<16xi32>
        tpu.vector_store_idx %arg7[%shift_right_logical3A_74, %parallel_loop3A_309], %parallel_loop3A_308 : memref<128x128xf32, #tpu.memory_space<vmem>>[vector<16xi32>, vector<16xi32>], vector<16xf32>,
        %parallel_loop3A_310 = tpu.vector_load_idx %arg4[%parallel_loop3A_291, %add3A_30] : memref<64x256xf32, #tpu.memory_space<vmem>>[vector<16xi32>, vector<16xi32>], vector<16xf32>,
        %parallel_loop3A_311 = arith.addi %mul3A_154, %parallel_loop3A_291 : vector<16xi32>
        tpu.vector_store_idx %arg7[%shift_right_logical3A_77, %parallel_loop3A_311], %parallel_loop3A_310 : memref<128x128xf32, #tpu.memory_space<vmem>>[vector<16xi32>, vector<16xi32>], vector<16xf32>,
        %parallel_loop3A_312 = tpu.vector_load_idx %arg4[%parallel_loop3A_291, %add3A_33] : memref<64x256xf32, #tpu.memory_space<vmem>>[vector<16xi32>, vector<16xi32>], vector<16xf32>,
        %parallel_loop3A_313 = arith.addi %mul3A_160, %parallel_loop3A_291 : vector<16xi32>
        tpu.vector_store_idx %arg7[%shift_right_logical3A_80, %parallel_loop3A_313], %parallel_loop3A_312 : memref<128x128xf32, #tpu.memory_space<vmem>>[vector<16xi32>, vector<16xi32>], vector<16xf32>,
        %parallel_loop3A_314 = tpu.vector_load_idx %arg4[%parallel_loop3A_291, %add3A_36] : memref<64x256xf32, #tpu.memory_space<vmem>>[vector<16xi32>, vector<16xi32>], vector<16xf32>,
        %parallel_loop3A_315 = arith.addi %mul3A_166, %parallel_loop3A_291 : vector<16xi32>
        tpu.vector_store_idx %arg7[%shift_right_logical3A_83, %parallel_loop3A_315], %parallel_loop3A_314 : memref<128x128xf32, #tpu.memory_space<vmem>>[vector<16xi32>, vector<16xi32>], vector<16xf32>,
        %parallel_loop3A_316 = tpu.vector_load_idx %arg4[%parallel_loop3A_291, %add3A_39] : memref<64x256xf32, #tpu.memory_space<vmem>>[vector<16xi32>, vector<16xi32>], vector<16xf32>,
        %parallel_loop3A_317 = arith.addi %mul3A_172, %parallel_loop3A_291 : vector<16xi32>
        tpu.vector_store_idx %arg7[%shift_right_logical3A_86, %parallel_loop3A_317], %parallel_loop3A_316 : memref<128x128xf32, #tpu.memory_space<vmem>>[vector<16xi32>, vector<16xi32>], vector<16xf32>,
        %parallel_loop3A_318 = tpu.vector_load_idx %arg4[%parallel_loop3A_291, %add3A_42] : memref<64x256xf32, #tpu.memory_space<vmem>>[vector<16xi32>, vector<16xi32>], vector<16xf32>,
        %parallel_loop3A_319 = arith.addi %mul3A_178, %parallel_loop3A_291 : vector<16xi32>
        tpu.vector_store_idx %arg7[%shift_right_logical3A_89, %parallel_loop3A_319], %parallel_loop3A_318 : memref<128x128xf32, #tpu.memory_space<vmem>>[vector<16xi32>, vector<16xi32>], vector<16xf32>,
        %parallel_loop3A_320 = tpu.vector_load_idx %arg4[%parallel_loop3A_291, %add3A_45] : memref<64x256xf32, #tpu.memory_space<vmem>>[vector<16xi32>, vector<16xi32>], vector<16xf32>,
        %parallel_loop3A_321 = arith.addi %mul3A_184, %parallel_loop3A_291 : vector<16xi32>
        tpu.vector_store_idx %arg7[%shift_right_logical3A_92, %parallel_loop3A_321], %parallel_loop3A_320 : memref<128x128xf32, #tpu.memory_space<vmem>>[vector<16xi32>, vector<16xi32>], vector<16xf32>,
        %parallel_loop3A_322 = tpu.vector_load_idx %arg4[%parallel_loop3A_291, %add3A_48] : memref<64x256xf32, #tpu.memory_space<vmem>>[vector<16xi32>, vector<16xi32>], vector<16xf32>,
        %parallel_loop3A_323 = arith.addi %mul3A_190, %parallel_loop3A_291 : vector<16xi32>
        tpu.vector_store_idx %arg7[%shift_right_logical3A_95, %parallel_loop3A_323], %parallel_loop3A_322 : memref<128x128xf32, #tpu.memory_space<vmem>>[vector<16xi32>, vector<16xi32>], vector<16xf32>,
      } {sc.loop_unroll_factor = 4 : i64, sc.parallel_access}
      %lt3A_250 = arith.constant 60 : i32
      %lt3A_251 = arith.cmpi slt, %scan3A_230, %lt3A_250 : i32
      %convert_element_type3A_252 = arith.extui %lt3A_251 : i1 to i32
      %cond3A_253 = arith.constant 0 : i32
      %cond3A_254 = arith.cmpi ne, %convert_element_type3A_252, %cond3A_253 : i32
      scf.if %cond3A_254 {
        %add3A_286 = arith.constant 64 : i32
        %add3A_287 = arith.addi %add3A_235, %add3A_286 : i32
        %mul3A_288 = arith.constant 256 : i32
        %mul3A_289 = arith.muli %add3A_287, %mul3A_288 : i32
        %dma_start3A_290 = arith.constant 0 : i32
        %dma_start3A_291 = tpu.memref_slice %arg2[%dma_start3A_290, %mul3A_289] : memref<64x1000000xf32, #tpu.memory_space<hbm>> -> memref<64x256xf32, #tpu.memory_space<hbm>>
        %dma_start3A_292 = arith.constant 0 : i32
        %dma_start3A_293 = tpu.memref_slice %arg2[%dma_start3A_292, %mul3A_289] : memref<64x1000000xf32, #tpu.memory_space<hbm>> -> memref<64x256xf32, #tpu.memory_space<hbm>>
        tpu.enqueue_dma source(%dma_start3A_293 : memref<64x256xf32, #tpu.memory_space<hbm>>) target(%arg4 : memref<64x256xf32, #tpu.memory_space<vmem>>) target_semaphore(%arg9 : memref<!tpu.dma_semaphore, #tpu.memory_space<semaphore_mem>>)
      } else {
      }
      %mul3A_255 = arith.constant 128 : i32
      %mul3A_256 = arith.muli %add3A_235, %mul3A_255 : i32
      %dma_start3A_257 = arith.constant 0 : i32
      %dma_start3A_258 = tpu.memref_slice %arg3[%mul3A_256, %dma_start3A_257] : memref<500000x128xf32, #tpu.memory_space<hbm>> -> memref<128x128xf32, #tpu.memory_space<hbm>>
      %dma_start3A_259 = arith.constant 0 : i32
      %dma_start3A_260 = tpu.memref_slice %arg3[%mul3A_256, %dma_start3A_259] : memref<500000x128xf32, #tpu.memory_space<hbm>> -> memref<128x128xf32, #tpu.memory_space<hbm>>
      tpu.enqueue_dma source(%arg7 : memref<128x128xf32, #tpu.memory_space<vmem>>) target(%dma_start3A_260 : memref<128x128xf32, #tpu.memory_space<hbm>>) target_semaphore(%arg11 : memref<!tpu.dma_semaphore, #tpu.memory_space<semaphore_mem>>)
      %mul3A_261 = arith.constant 256 : i32
      %mul3A_262 = arith.muli %add3A_237, %mul3A_261 : i32
      %dma_wait3A_263 = arith.constant 0 : i32
      %dma_wait3A_264 = tpu.memref_slice %arg2[%dma_wait3A_263, %mul3A_262] : memref<64x1000000xf32, #tpu.memory_space<hbm>> -> memref<64x256xf32, #tpu.memory_space<hbm>>
      %dma_wait3A_265 = arith.constant 0 : i32
      %dma_wait3A_266 = tpu.memref_slice %arg2[%dma_wait3A_265, %mul3A_262] : memref<64x1000000xf32, #tpu.memory_space<hbm>> -> memref<64x256xf32, #tpu.memory_space<hbm>>
      tpu.wait_dma2 semaphore(%arg10 : memref<!tpu.dma_semaphore, #tpu.memory_space<semaphore_mem>>) src(%dma_wait3A_266 : memref<64x256xf32, #tpu.memory_space<hbm>>) dst(%arg5 : memref<64x256xf32, #tpu.memory_space<vmem>>)
      %gt3A_267 = arith.constant 0 : i32
      %gt3A_268 = arith.cmpi sgt, %scan3A_230, %gt3A_267 : i32
      %convert_element_type3A_269 = arith.extui %gt3A_268 : i1 to i32
      %cond3A_270 = arith.constant 0 : i32
      %cond3A_271 = arith.cmpi ne, %convert_element_type3A_269, %cond3A_270 : i32
      scf.if %cond3A_271 {
        %sub3A = arith.constant 64 : i32
        %sub3A_286 = arith.subi %add3A_237, %sub3A : i32
        %mul3A_287 = arith.constant 128 : i32
        %mul3A_288 = arith.muli %sub3A_286, %mul3A_287 : i32
        %dma_wait3A_289 = arith.constant 0 : i32
        %dma_wait3A_290 = tpu.memref_slice %arg3[%mul3A_288, %dma_wait3A_289] : memref<500000x128xf32, #tpu.memory_space<hbm>> -> memref<128x128xf32, #tpu.memory_space<hbm>>
        %dma_wait3A_291 = arith.constant 0 : i32
        %dma_wait3A_292 = tpu.memref_slice %arg3[%mul3A_288, %dma_wait3A_291] : memref<500000x128xf32, #tpu.memory_space<hbm>> -> memref<128x128xf32, #tpu.memory_space<hbm>>
        tpu.wait_dma2 semaphore(%arg12 : memref<!tpu.dma_semaphore, #tpu.memory_space<semaphore_mem>>) src(%arg8 : memref<128x128xf32, #tpu.memory_space<vmem>>) dst(%dma_wait3A_292 : memref<128x128xf32, #tpu.memory_space<hbm>>)
      } else {
      }
      %parallel_loop3A_272 = arith.constant 0 : i32
      %parallel_loop3A_273 = arith.constant 64 : i32
      %parallel_loop3A_274 = arith.constant 1 : i32
      scf.for %parallel_loop3A_286 = %parallel_loop3A_272 to %parallel_loop3A_273 step %parallel_loop3A_274  : i32 {
        %parallel_loop3A_287 = vector.broadcast %parallel_loop3A_286 : i32 to vector<16xi32>
        %parallel_loop3A_288 = arith.addi %iota3A, %parallel_loop3A_287 : vector<16xi32>
        %parallel_loop3A_289 = arith.constant 63 : i32
        %parallel_loop3A_290 = vector.broadcast %parallel_loop3A_289 : i32 to vector<16xi32>
        %parallel_loop3A_291 = arith.andi %parallel_loop3A_288, %parallel_loop3A_290 : vector<16xi32>
        %parallel_loop3A_292 = tpu.vector_load_idx %arg5[%parallel_loop3A_291, %add3A_3] : memref<64x256xf32, #tpu.memory_space<vmem>>[vector<16xi32>, vector<16xi32>], vector<16xf32>,
        %parallel_loop3A_293 = arith.addi %mul3A_100, %parallel_loop3A_291 : vector<16xi32>
        tpu.vector_store_idx %arg8[%shift_right_logical3A_50, %parallel_loop3A_293], %parallel_loop3A_292 : memref<128x128xf32, #tpu.memory_space<vmem>>[vector<16xi32>, vector<16xi32>], vector<16xf32>,
        %parallel_loop3A_294 = tpu.vector_load_idx %arg5[%parallel_loop3A_291, %add3A_6] : memref<64x256xf32, #tpu.memory_space<vmem>>[vector<16xi32>, vector<16xi32>], vector<16xf32>,
        %parallel_loop3A_295 = arith.addi %mul3A_106, %parallel_loop3A_291 : vector<16xi32>
        tpu.vector_store_idx %arg8[%shift_right_logical3A_53, %parallel_loop3A_295], %parallel_loop3A_294 : memref<128x128xf32, #tpu.memory_space<vmem>>[vector<16xi32>, vector<16xi32>], vector<16xf32>,
        %parallel_loop3A_296 = tpu.vector_load_idx %arg5[%parallel_loop3A_291, %add3A_9] : memref<64x256xf32, #tpu.memory_space<vmem>>[vector<16xi32>, vector<16xi32>], vector<16xf32>,
        %parallel_loop3A_297 = arith.addi %mul3A_112, %parallel_loop3A_291 : vector<16xi32>
        tpu.vector_store_idx %arg8[%shift_right_logical3A_56, %parallel_loop3A_297], %parallel_loop3A_296 : memref<128x128xf32, #tpu.memory_space<vmem>>[vector<16xi32>, vector<16xi32>], vector<16xf32>,
        %parallel_loop3A_298 = tpu.vector_load_idx %arg5[%parallel_loop3A_291, %add3A_12] : memref<64x256xf32, #tpu.memory_space<vmem>>[vector<16xi32>, vector<16xi32>], vector<16xf32>,
        %parallel_loop3A_299 = arith.addi %mul3A_118, %parallel_loop3A_291 : vector<16xi32>
        tpu.vector_store_idx %arg8[%shift_right_logical3A_59, %parallel_loop3A_299], %parallel_loop3A_298 : memref<128x128xf32, #tpu.memory_space<vmem>>[vector<16xi32>, vector<16xi32>], vector<16xf32>,
        %parallel_loop3A_300 = tpu.vector_load_idx %arg5[%parallel_loop3A_291, %add3A_15] : memref<64x256xf32, #tpu.memory_space<vmem>>[vector<16xi32>, vector<16xi32>], vector<16xf32>,
        %parallel_loop3A_301 = arith.addi %mul3A_124, %parallel_loop3A_291 : vector<16xi32>
        tpu.vector_store_idx %arg8[%shift_right_logical3A_62, %parallel_loop3A_301], %parallel_loop3A_300 : memref<128x128xf32, #tpu.memory_space<vmem>>[vector<16xi32>, vector<16xi32>], vector<16xf32>,
        %parallel_loop3A_302 = tpu.vector_load_idx %arg5[%parallel_loop3A_291, %add3A_18] : memref<64x256xf32, #tpu.memory_space<vmem>>[vector<16xi32>, vector<16xi32>], vector<16xf32>,
        %parallel_loop3A_303 = arith.addi %mul3A_130, %parallel_loop3A_291 : vector<16xi32>
        tpu.vector_store_idx %arg8[%shift_right_logical3A_65, %parallel_loop3A_303], %parallel_loop3A_302 : memref<128x128xf32, #tpu.memory_space<vmem>>[vector<16xi32>, vector<16xi32>], vector<16xf32>,
        %parallel_loop3A_304 = tpu.vector_load_idx %arg5[%parallel_loop3A_291, %add3A_21] : memref<64x256xf32, #tpu.memory_space<vmem>>[vector<16xi32>, vector<16xi32>], vector<16xf32>,
        %parallel_loop3A_305 = arith.addi %mul3A_136, %parallel_loop3A_291 : vector<16xi32>
        tpu.vector_store_idx %arg8[%shift_right_logical3A_68, %parallel_loop3A_305], %parallel_loop3A_304 : memref<128x128xf32, #tpu.memory_space<vmem>>[vector<16xi32>, vector<16xi32>], vector<16xf32>,
        %parallel_loop3A_306 = tpu.vector_load_idx %arg5[%parallel_loop3A_291, %add3A_24] : memref<64x256xf32, #tpu.memory_space<vmem>>[vector<16xi32>, vector<16xi32>], vector<16xf32>,
        %parallel_loop3A_307 = arith.addi %mul3A_142, %parallel_loop3A_291 : vector<16xi32>
        tpu.vector_store_idx %arg8[%shift_right_logical3A_71, %parallel_loop3A_307], %parallel_loop3A_306 : memref<128x128xf32, #tpu.memory_space<vmem>>[vector<16xi32>, vector<16xi32>], vector<16xf32>,
        %parallel_loop3A_308 = tpu.vector_load_idx %arg5[%parallel_loop3A_291, %add3A_27] : memref<64x256xf32, #tpu.memory_space<vmem>>[vector<16xi32>, vector<16xi32>], vector<16xf32>,
        %parallel_loop3A_309 = arith.addi %mul3A_148, %parallel_loop3A_291 : vector<16xi32>
        tpu.vector_store_idx %arg8[%shift_right_logical3A_74, %parallel_loop3A_309], %parallel_loop3A_308 : memref<128x128xf32, #tpu.memory_space<vmem>>[vector<16xi32>, vector<16xi32>], vector<16xf32>,
        %parallel_loop3A_310 = tpu.vector_load_idx %arg5[%parallel_loop3A_291, %add3A_30] : memref<64x256xf32, #tpu.memory_space<vmem>>[vector<16xi32>, vector<16xi32>], vector<16xf32>,
        %parallel_loop3A_311 = arith.addi %mul3A_154, %parallel_loop3A_291 : vector<16xi32>
        tpu.vector_store_idx %arg8[%shift_right_logical3A_77, %parallel_loop3A_311], %parallel_loop3A_310 : memref<128x128xf32, #tpu.memory_space<vmem>>[vector<16xi32>, vector<16xi32>], vector<16xf32>,
        %parallel_loop3A_312 = tpu.vector_load_idx %arg5[%parallel_loop3A_291, %add3A_33] : memref<64x256xf32, #tpu.memory_space<vmem>>[vector<16xi32>, vector<16xi32>], vector<16xf32>,
        %parallel_loop3A_313 = arith.addi %mul3A_160, %parallel_loop3A_291 : vector<16xi32>
        tpu.vector_store_idx %arg8[%shift_right_logical3A_80, %parallel_loop3A_313], %parallel_loop3A_312 : memref<128x128xf32, #tpu.memory_space<vmem>>[vector<16xi32>, vector<16xi32>], vector<16xf32>,
        %parallel_loop3A_314 = tpu.vector_load_idx %arg5[%parallel_loop3A_291, %add3A_36] : memref<64x256xf32, #tpu.memory_space<vmem>>[vector<16xi32>, vector<16xi32>], vector<16xf32>,
        %parallel_loop3A_315 = arith.addi %mul3A_166, %parallel_loop3A_291 : vector<16xi32>
        tpu.vector_store_idx %arg8[%shift_right_logical3A_83, %parallel_loop3A_315], %parallel_loop3A_314 : memref<128x128xf32, #tpu.memory_space<vmem>>[vector<16xi32>, vector<16xi32>], vector<16xf32>,
        %parallel_loop3A_316 = tpu.vector_load_idx %arg5[%parallel_loop3A_291, %add3A_39] : memref<64x256xf32, #tpu.memory_space<vmem>>[vector<16xi32>, vector<16xi32>], vector<16xf32>,
        %parallel_loop3A_317 = arith.addi %mul3A_172, %parallel_loop3A_291 : vector<16xi32>
        tpu.vector_store_idx %arg8[%shift_right_logical3A_86, %parallel_loop3A_317], %parallel_loop3A_316 : memref<128x128xf32, #tpu.memory_space<vmem>>[vector<16xi32>, vector<16xi32>], vector<16xf32>,
        %parallel_loop3A_318 = tpu.vector_load_idx %arg5[%parallel_loop3A_291, %add3A_42] : memref<64x256xf32, #tpu.memory_space<vmem>>[vector<16xi32>, vector<16xi32>], vector<16xf32>,
        %parallel_loop3A_319 = arith.addi %mul3A_178, %parallel_loop3A_291 : vector<16xi32>
        tpu.vector_store_idx %arg8[%shift_right_logical3A_89, %parallel_loop3A_319], %parallel_loop3A_318 : memref<128x128xf32, #tpu.memory_space<vmem>>[vector<16xi32>, vector<16xi32>], vector<16xf32>,
        %parallel_loop3A_320 = tpu.vector_load_idx %arg5[%parallel_loop3A_291, %add3A_45] : memref<64x256xf32, #tpu.memory_space<vmem>>[vector<16xi32>, vector<16xi32>], vector<16xf32>,
        %parallel_loop3A_321 = arith.addi %mul3A_184, %parallel_loop3A_291 : vector<16xi32>
        tpu.vector_store_idx %arg8[%shift_right_logical3A_92, %parallel_loop3A_321], %parallel_loop3A_320 : memref<128x128xf32, #tpu.memory_space<vmem>>[vector<16xi32>, vector<16xi32>], vector<16xf32>,
        %parallel_loop3A_322 = tpu.vector_load_idx %arg5[%parallel_loop3A_291, %add3A_48] : memref<64x256xf32, #tpu.memory_space<vmem>>[vector<16xi32>, vector<16xi32>], vector<16xf32>,
        %parallel_loop3A_323 = arith.addi %mul3A_190, %parallel_loop3A_291 : vector<16xi32>
        tpu.vector_store_idx %arg8[%shift_right_logical3A_95, %parallel_loop3A_323], %parallel_loop3A_322 : memref<128x128xf32, #tpu.memory_space<vmem>>[vector<16xi32>, vector<16xi32>], vector<16xf32>,
      } {sc.loop_unroll_factor = 4 : i64, sc.parallel_access}
      %lt3A_275 = arith.constant 60 : i32
      %lt3A_276 = arith.cmpi slt, %scan3A_230, %lt3A_275 : i32
      %convert_element_type3A_277 = arith.extui %lt3A_276 : i1 to i32
      %cond3A_278 = arith.constant 0 : i32
      %cond3A_279 = arith.cmpi ne, %convert_element_type3A_277, %cond3A_278 : i32
      scf.if %cond3A_279 {
        %add3A_286 = arith.constant 64 : i32
        %add3A_287 = arith.addi %add3A_237, %add3A_286 : i32
        %mul3A_288 = arith.constant 256 : i32
        %mul3A_289 = arith.muli %add3A_287, %mul3A_288 : i32
        %dma_start3A_290 = arith.constant 0 : i32
        %dma_start3A_291 = tpu.memref_slice %arg2[%dma_start3A_290, %mul3A_289] : memref<64x1000000xf32, #tpu.memory_space<hbm>> -> memref<64x256xf32, #tpu.memory_space<hbm>>
        %dma_start3A_292 = arith.constant 0 : i32
        %dma_start3A_293 = tpu.memref_slice %arg2[%dma_start3A_292, %mul3A_289] : memref<64x1000000xf32, #tpu.memory_space<hbm>> -> memref<64x256xf32, #tpu.memory_space<hbm>>
        tpu.enqueue_dma source(%dma_start3A_293 : memref<64x256xf32, #tpu.memory_space<hbm>>) target(%arg5 : memref<64x256xf32, #tpu.memory_space<vmem>>) target_semaphore(%arg10 : memref<!tpu.dma_semaphore, #tpu.memory_space<semaphore_mem>>)
      } else {
      }
      %mul3A_280 = arith.constant 128 : i32
      %mul3A_281 = arith.muli %add3A_237, %mul3A_280 : i32
      %dma_start3A_282 = arith.constant 0 : i32
      %dma_start3A_283 = tpu.memref_slice %arg3[%mul3A_281, %dma_start3A_282] : memref<500000x128xf32, #tpu.memory_space<hbm>> -> memref<128x128xf32, #tpu.memory_space<hbm>>
      %dma_start3A_284 = arith.constant 0 : i32
      %dma_start3A_285 = tpu.memref_slice %arg3[%mul3A_281, %dma_start3A_284] : memref<500000x128xf32, #tpu.memory_space<hbm>> -> memref<128x128xf32, #tpu.memory_space<hbm>>
      tpu.enqueue_dma source(%arg8 : memref<128x128xf32, #tpu.memory_space<vmem>>) target(%dma_start3A_285 : memref<128x128xf32, #tpu.memory_space<hbm>>) target_semaphore(%arg12 : memref<!tpu.dma_semaphore, #tpu.memory_space<semaphore_mem>>)
    }
    %scan3A_208 = arith.constant 61 : i32
    %add3A_209 = arith.constant 3840 : i32
    %add3A_210 = arith.addi %add3A, %add3A_209 : i32
    %mul3A_211 = arith.constant 128 : i32
    %mul3A_212 = arith.muli %add3A_210, %mul3A_211 : i32
    %dma_wait3A = arith.constant 0 : i32
    %dma_wait3A_213 = tpu.memref_slice %arg3[%mul3A_212, %dma_wait3A] : memref<500000x128xf32, #tpu.memory_space<hbm>> -> memref<128x128xf32, #tpu.memory_space<hbm>>
    %dma_wait3A_214 = arith.constant 0 : i32
    %dma_wait3A_215 = tpu.memref_slice %arg3[%mul3A_212, %dma_wait3A_214] : memref<500000x128xf32, #tpu.memory_space<hbm>> -> memref<128x128xf32, #tpu.memory_space<hbm>>
    tpu.wait_dma2 semaphore(%arg11 : memref<!tpu.dma_semaphore, #tpu.memory_space<semaphore_mem>>) src(%arg7 : memref<128x128xf32, #tpu.memory_space<vmem>>) dst(%dma_wait3A_215 : memref<128x128xf32, #tpu.memory_space<hbm>>)
    %add3A_216 = arith.constant 32 : i32
    %add3A_217 = arith.addi %add3A_210, %add3A_216 : i32
    %mul3A_218 = arith.constant 128 : i32
    %mul3A_219 = arith.muli %add3A_217, %mul3A_218 : i32
    %dma_wait3A_220 = arith.constant 0 : i32
    %dma_wait3A_221 = tpu.memref_slice %arg3[%mul3A_219, %dma_wait3A_220] : memref<500000x128xf32, #tpu.memory_space<hbm>> -> memref<128x128xf32, #tpu.memory_space<hbm>>
    %dma_wait3A_222 = arith.constant 0 : i32
    %dma_wait3A_223 = tpu.memref_slice %arg3[%mul3A_219, %dma_wait3A_222] : memref<500000x128xf32, #tpu.memory_space<hbm>> -> memref<128x128xf32, #tpu.memory_space<hbm>>
    tpu.wait_dma2 semaphore(%arg12 : memref<!tpu.dma_semaphore, #tpu.memory_space<semaphore_mem>>) src(%arg8 : memref<128x128xf32, #tpu.memory_space<vmem>>) dst(%dma_wait3A_223 : memref<128x128xf32, #tpu.memory_space<hbm>>)
    %lt3A = arith.constant 2 : i32
    %lt3A_224 = arith.cmpi slt, %add3A, %lt3A : i32
    %convert_element_type3A = arith.extui %lt3A_224 : i1 to i32
    %cond3A = arith.constant 0 : i32
    %cond3A_225 = arith.cmpi ne, %convert_element_type3A, %cond3A : i32
    scf.if %cond3A_225 {
      %add3A_230 = arith.constant 3904 : i32
      %add3A_231 = arith.addi %add3A_230, %add3A : i32
      %mul3A_232 = arith.constant 256 : i32
      %mul3A_233 = arith.muli %add3A_231, %mul3A_232 : i32
      %dma_start3A_234 = arith.constant 0 : i32
      %dma_start3A_235 = tpu.memref_slice %arg2[%dma_start3A_234, %mul3A_233] : memref<64x1000000xf32, #tpu.memory_space<hbm>> -> memref<64x256xf32, #tpu.memory_space<hbm>>
      %dma_start3A_236 = arith.constant 0 : i32
      %dma_start3A_237 = tpu.memref_slice %arg2[%dma_start3A_236, %mul3A_233] : memref<64x1000000xf32, #tpu.memory_space<hbm>> -> memref<64x256xf32, #tpu.memory_space<hbm>>
      tpu.enqueue_dma source(%dma_start3A_237 : memref<64x256xf32, #tpu.memory_space<hbm>>) target(%arg4 : memref<64x256xf32, #tpu.memory_space<vmem>>) target_semaphore(%arg9 : memref<!tpu.dma_semaphore, #tpu.memory_space<semaphore_mem>>)
      %mul3A_238 = arith.constant 256 : i32
      %mul3A_239 = arith.muli %add3A_231, %mul3A_238 : i32
      %dma_wait3A_240 = arith.constant 0 : i32
      %dma_wait3A_241 = tpu.memref_slice %arg2[%dma_wait3A_240, %mul3A_239] : memref<64x1000000xf32, #tpu.memory_space<hbm>> -> memref<64x256xf32, #tpu.memory_space<hbm>>
      %dma_wait3A_242 = arith.constant 0 : i32
      %dma_wait3A_243 = tpu.memref_slice %arg2[%dma_wait3A_242, %mul3A_239] : memref<64x1000000xf32, #tpu.memory_space<hbm>> -> memref<64x256xf32, #tpu.memory_space<hbm>>
      tpu.wait_dma2 semaphore(%arg9 : memref<!tpu.dma_semaphore, #tpu.memory_space<semaphore_mem>>) src(%dma_wait3A_243 : memref<64x256xf32, #tpu.memory_space<hbm>>) dst(%arg4 : memref<64x256xf32, #tpu.memory_space<vmem>>)
      %parallel_loop3A = arith.constant 0 : i32
      %parallel_loop3A_244 = arith.constant 64 : i32
      %parallel_loop3A_245 = arith.constant 1 : i32
      scf.for %parallel_loop3A_258 = %parallel_loop3A to %parallel_loop3A_244 step %parallel_loop3A_245  : i32 {
        %parallel_loop3A_259 = vector.broadcast %parallel_loop3A_258 : i32 to vector<16xi32>
        %parallel_loop3A_260 = arith.addi %iota3A, %parallel_loop3A_259 : vector<16xi32>
        %parallel_loop3A_261 = arith.constant 63 : i32
        %parallel_loop3A_262 = vector.broadcast %parallel_loop3A_261 : i32 to vector<16xi32>
        %parallel_loop3A_263 = arith.andi %parallel_loop3A_260, %parallel_loop3A_262 : vector<16xi32>
        %parallel_loop3A_264 = tpu.vector_load_idx %arg4[%parallel_loop3A_263, %add3A_3] : memref<64x256xf32, #tpu.memory_space<vmem>>[vector<16xi32>, vector<16xi32>], vector<16xf32>,
        %parallel_loop3A_265 = arith.addi %mul3A_100, %parallel_loop3A_263 : vector<16xi32>
        tpu.vector_store_idx %arg7[%shift_right_logical3A_50, %parallel_loop3A_265], %parallel_loop3A_264 : memref<128x128xf32, #tpu.memory_space<vmem>>[vector<16xi32>, vector<16xi32>], vector<16xf32>,
        %parallel_loop3A_266 = tpu.vector_load_idx %arg4[%parallel_loop3A_263, %add3A_6] : memref<64x256xf32, #tpu.memory_space<vmem>>[vector<16xi32>, vector<16xi32>], vector<16xf32>,
        %parallel_loop3A_267 = arith.addi %mul3A_106, %parallel_loop3A_263 : vector<16xi32>
        tpu.vector_store_idx %arg7[%shift_right_logical3A_53, %parallel_loop3A_267], %parallel_loop3A_266 : memref<128x128xf32, #tpu.memory_space<vmem>>[vector<16xi32>, vector<16xi32>], vector<16xf32>,
        %parallel_loop3A_268 = tpu.vector_load_idx %arg4[%parallel_loop3A_263, %add3A_9] : memref<64x256xf32, #tpu.memory_space<vmem>>[vector<16xi32>, vector<16xi32>], vector<16xf32>,
        %parallel_loop3A_269 = arith.addi %mul3A_112, %parallel_loop3A_263 : vector<16xi32>
        tpu.vector_store_idx %arg7[%shift_right_logical3A_56, %parallel_loop3A_269], %parallel_loop3A_268 : memref<128x128xf32, #tpu.memory_space<vmem>>[vector<16xi32>, vector<16xi32>], vector<16xf32>,
        %parallel_loop3A_270 = tpu.vector_load_idx %arg4[%parallel_loop3A_263, %add3A_12] : memref<64x256xf32, #tpu.memory_space<vmem>>[vector<16xi32>, vector<16xi32>], vector<16xf32>,
        %parallel_loop3A_271 = arith.addi %mul3A_118, %parallel_loop3A_263 : vector<16xi32>
        tpu.vector_store_idx %arg7[%shift_right_logical3A_59, %parallel_loop3A_271], %parallel_loop3A_270 : memref<128x128xf32, #tpu.memory_space<vmem>>[vector<16xi32>, vector<16xi32>], vector<16xf32>,
        %parallel_loop3A_272 = tpu.vector_load_idx %arg4[%parallel_loop3A_263, %add3A_15] : memref<64x256xf32, #tpu.memory_space<vmem>>[vector<16xi32>, vector<16xi32>], vector<16xf32>,
        %parallel_loop3A_273 = arith.addi %mul3A_124, %parallel_loop3A_263 : vector<16xi32>
        tpu.vector_store_idx %arg7[%shift_right_logical3A_62, %parallel_loop3A_273], %parallel_loop3A_272 : memref<128x128xf32, #tpu.memory_space<vmem>>[vector<16xi32>, vector<16xi32>], vector<16xf32>,
        %parallel_loop3A_274 = tpu.vector_load_idx %arg4[%parallel_loop3A_263, %add3A_18] : memref<64x256xf32, #tpu.memory_space<vmem>>[vector<16xi32>, vector<16xi32>], vector<16xf32>,
        %parallel_loop3A_275 = arith.addi %mul3A_130, %parallel_loop3A_263 : vector<16xi32>
        tpu.vector_store_idx %arg7[%shift_right_logical3A_65, %parallel_loop3A_275], %parallel_loop3A_274 : memref<128x128xf32, #tpu.memory_space<vmem>>[vector<16xi32>, vector<16xi32>], vector<16xf32>,
        %parallel_loop3A_276 = tpu.vector_load_idx %arg4[%parallel_loop3A_263, %add3A_21] : memref<64x256xf32, #tpu.memory_space<vmem>>[vector<16xi32>, vector<16xi32>], vector<16xf32>,
        %parallel_loop3A_277 = arith.addi %mul3A_136, %parallel_loop3A_263 : vector<16xi32>
        tpu.vector_store_idx %arg7[%shift_right_logical3A_68, %parallel_loop3A_277], %parallel_loop3A_276 : memref<128x128xf32, #tpu.memory_space<vmem>>[vector<16xi32>, vector<16xi32>], vector<16xf32>,
        %parallel_loop3A_278 = tpu.vector_load_idx %arg4[%parallel_loop3A_263, %add3A_24] : memref<64x256xf32, #tpu.memory_space<vmem>>[vector<16xi32>, vector<16xi32>], vector<16xf32>,
        %parallel_loop3A_279 = arith.addi %mul3A_142, %parallel_loop3A_263 : vector<16xi32>
        tpu.vector_store_idx %arg7[%shift_right_logical3A_71, %parallel_loop3A_279], %parallel_loop3A_278 : memref<128x128xf32, #tpu.memory_space<vmem>>[vector<16xi32>, vector<16xi32>], vector<16xf32>,
        %parallel_loop3A_280 = tpu.vector_load_idx %arg4[%parallel_loop3A_263, %add3A_27] : memref<64x256xf32, #tpu.memory_space<vmem>>[vector<16xi32>, vector<16xi32>], vector<16xf32>,
        %parallel_loop3A_281 = arith.addi %mul3A_148, %parallel_loop3A_263 : vector<16xi32>
        tpu.vector_store_idx %arg7[%shift_right_logical3A_74, %parallel_loop3A_281], %parallel_loop3A_280 : memref<128x128xf32, #tpu.memory_space<vmem>>[vector<16xi32>, vector<16xi32>], vector<16xf32>,
        %parallel_loop3A_282 = tpu.vector_load_idx %arg4[%parallel_loop3A_263, %add3A_30] : memref<64x256xf32, #tpu.memory_space<vmem>>[vector<16xi32>, vector<16xi32>], vector<16xf32>,
        %parallel_loop3A_283 = arith.addi %mul3A_154, %parallel_loop3A_263 : vector<16xi32>
        tpu.vector_store_idx %arg7[%shift_right_logical3A_77, %parallel_loop3A_283], %parallel_loop3A_282 : memref<128x128xf32, #tpu.memory_space<vmem>>[vector<16xi32>, vector<16xi32>], vector<16xf32>,
        %parallel_loop3A_284 = tpu.vector_load_idx %arg4[%parallel_loop3A_263, %add3A_33] : memref<64x256xf32, #tpu.memory_space<vmem>>[vector<16xi32>, vector<16xi32>], vector<16xf32>,
        %parallel_loop3A_285 = arith.addi %mul3A_160, %parallel_loop3A_263 : vector<16xi32>
        tpu.vector_store_idx %arg7[%shift_right_logical3A_80, %parallel_loop3A_285], %parallel_loop3A_284 : memref<128x128xf32, #tpu.memory_space<vmem>>[vector<16xi32>, vector<16xi32>], vector<16xf32>,
        %parallel_loop3A_286 = tpu.vector_load_idx %arg4[%parallel_loop3A_263, %add3A_36] : memref<64x256xf32, #tpu.memory_space<vmem>>[vector<16xi32>, vector<16xi32>], vector<16xf32>,
        %parallel_loop3A_287 = arith.addi %mul3A_166, %parallel_loop3A_263 : vector<16xi32>
        tpu.vector_store_idx %arg7[%shift_right_logical3A_83, %parallel_loop3A_287], %parallel_loop3A_286 : memref<128x128xf32, #tpu.memory_space<vmem>>[vector<16xi32>, vector<16xi32>], vector<16xf32>,
        %parallel_loop3A_288 = tpu.vector_load_idx %arg4[%parallel_loop3A_263, %add3A_39] : memref<64x256xf32, #tpu.memory_space<vmem>>[vector<16xi32>, vector<16xi32>], vector<16xf32>,
        %parallel_loop3A_289 = arith.addi %mul3A_172, %parallel_loop3A_263 : vector<16xi32>
        tpu.vector_store_idx %arg7[%shift_right_logical3A_86, %parallel_loop3A_289], %parallel_loop3A_288 : memref<128x128xf32, #tpu.memory_space<vmem>>[vector<16xi32>, vector<16xi32>], vector<16xf32>,
        %parallel_loop3A_290 = tpu.vector_load_idx %arg4[%parallel_loop3A_263, %add3A_42] : memref<64x256xf32, #tpu.memory_space<vmem>>[vector<16xi32>, vector<16xi32>], vector<16xf32>,
        %parallel_loop3A_291 = arith.addi %mul3A_178, %parallel_loop3A_263 : vector<16xi32>
        tpu.vector_store_idx %arg7[%shift_right_logical3A_89, %parallel_loop3A_291], %parallel_loop3A_290 : memref<128x128xf32, #tpu.memory_space<vmem>>[vector<16xi32>, vector<16xi32>], vector<16xf32>,
        %parallel_loop3A_292 = tpu.vector_load_idx %arg4[%parallel_loop3A_263, %add3A_45] : memref<64x256xf32, #tpu.memory_space<vmem>>[vector<16xi32>, vector<16xi32>], vector<16xf32>,
        %parallel_loop3A_293 = arith.addi %mul3A_184, %parallel_loop3A_263 : vector<16xi32>
        tpu.vector_store_idx %arg7[%shift_right_logical3A_92, %parallel_loop3A_293], %parallel_loop3A_292 : memref<128x128xf32, #tpu.memory_space<vmem>>[vector<16xi32>, vector<16xi32>], vector<16xf32>,
        %parallel_loop3A_294 = tpu.vector_load_idx %arg4[%parallel_loop3A_263, %add3A_48] : memref<64x256xf32, #tpu.memory_space<vmem>>[vector<16xi32>, vector<16xi32>], vector<16xf32>,
        %parallel_loop3A_295 = arith.addi %mul3A_190, %parallel_loop3A_263 : vector<16xi32>
        tpu.vector_store_idx %arg7[%shift_right_logical3A_95, %parallel_loop3A_295], %parallel_loop3A_294 : memref<128x128xf32, #tpu.memory_space<vmem>>[vector<16xi32>, vector<16xi32>], vector<16xf32>,
      } {sc.loop_unroll_factor = 4 : i64, sc.parallel_access}
      %mul3A_246 = arith.constant 128 : i32
      %mul3A_247 = arith.muli %add3A_231, %mul3A_246 : i32
      %dma_start3A_248 = arith.constant 0 : i32
      %dma_start3A_249 = tpu.memref_slice %arg3[%mul3A_247, %dma_start3A_248] : memref<500000x128xf32, #tpu.memory_space<hbm>> -> memref<128x128xf32, #tpu.memory_space<hbm>>
      %dma_start3A_250 = arith.constant 0 : i32
      %dma_start3A_251 = tpu.memref_slice %arg3[%mul3A_247, %dma_start3A_250] : memref<500000x128xf32, #tpu.memory_space<hbm>> -> memref<128x128xf32, #tpu.memory_space<hbm>>
      tpu.enqueue_dma source(%arg7 : memref<128x128xf32, #tpu.memory_space<vmem>>) target(%dma_start3A_251 : memref<128x128xf32, #tpu.memory_space<hbm>>) target_semaphore(%arg11 : memref<!tpu.dma_semaphore, #tpu.memory_space<semaphore_mem>>)
      %mul3A_252 = arith.constant 128 : i32
      %mul3A_253 = arith.muli %add3A_231, %mul3A_252 : i32
      %dma_wait3A_254 = arith.constant 0 : i32
      %dma_wait3A_255 = tpu.memref_slice %arg3[%mul3A_253, %dma_wait3A_254] : memref<500000x128xf32, #tpu.memory_space<hbm>> -> memref<128x128xf32, #tpu.memory_space<hbm>>
      %dma_wait3A_256 = arith.constant 0 : i32
      %dma_wait3A_257 = tpu.memref_slice %arg3[%mul3A_253, %dma_wait3A_256] : memref<500000x128xf32, #tpu.memory_space<hbm>> -> memref<128x128xf32, #tpu.memory_space<hbm>>
      tpu.wait_dma2 semaphore(%arg11 : memref<!tpu.dma_semaphore, #tpu.memory_space<semaphore_mem>>) src(%arg7 : memref<128x128xf32, #tpu.memory_space<vmem>>) dst(%dma_wait3A_257 : memref<128x128xf32, #tpu.memory_space<hbm>>)
    } else {
    }
    %eq3A = arith.constant 31 : i32
    %eq3A_226 = arith.cmpi eq, %add3A, %eq3A : i32
    %convert_element_type3A_227 = arith.extui %eq3A_226 : i1 to i32
    %cond3A_228 = arith.constant 0 : i32
    %cond3A_229 = arith.cmpi ne, %convert_element_type3A_227, %cond3A_228 : i32
    scf.if %cond3A_229 {
      %dma_start3A_230 = arith.constant 0 : i32
      %dma_start3A_231 = arith.constant 999936 : i32
      %dma_start3A_232 = tpu.memref_slice %arg2[%dma_start3A_230, %dma_start3A_231] : memref<64x1000000xf32, #tpu.memory_space<hbm>> -> memref<64x64xf32, #tpu.memory_space<hbm>>
      %dma_start3A_233 = arith.constant 0 : i32
      %dma_start3A_234 = arith.constant 999936 : i32
      %dma_start3A_235 = tpu.memref_slice %arg2[%dma_start3A_233, %dma_start3A_234] : memref<64x1000000xf32, #tpu.memory_space<hbm>> -> memref<64x64xf32, #tpu.memory_space<hbm>>
      tpu.enqueue_dma source(%dma_start3A_235 : memref<64x64xf32, #tpu.memory_space<hbm>>) target(%arg6 : memref<64x64xf32, #tpu.memory_space<vmem>>) target_semaphore(%arg10 : memref<!tpu.dma_semaphore, #tpu.memory_space<semaphore_mem>>)
      %dma_wait3A_236 = arith.constant 0 : i32
      %dma_wait3A_237 = arith.constant 999936 : i32
      %dma_wait3A_238 = tpu.memref_slice %arg2[%dma_wait3A_236, %dma_wait3A_237] : memref<64x1000000xf32, #tpu.memory_space<hbm>> -> memref<64x64xf32, #tpu.memory_space<hbm>>
      %dma_wait3A_239 = arith.constant 0 : i32
      %dma_wait3A_240 = arith.constant 999936 : i32
      %dma_wait3A_241 = tpu.memref_slice %arg2[%dma_wait3A_239, %dma_wait3A_240] : memref<64x1000000xf32, #tpu.memory_space<hbm>> -> memref<64x64xf32, #tpu.memory_space<hbm>>
      tpu.wait_dma2 semaphore(%arg10 : memref<!tpu.dma_semaphore, #tpu.memory_space<semaphore_mem>>) src(%dma_wait3A_241 : memref<64x64xf32, #tpu.memory_space<hbm>>) dst(%arg6 : memref<64x64xf32, #tpu.memory_space<vmem>>)
      %parallel_loop3A = arith.constant 0 : i32
      %parallel_loop3A_242 = arith.constant 64 : i32
      %parallel_loop3A_243 = arith.constant 1 : i32
      scf.for %parallel_loop3A_268 = %parallel_loop3A to %parallel_loop3A_242 step %parallel_loop3A_243  : i32 {
        %parallel_loop3A_269 = vector.broadcast %parallel_loop3A_268 : i32 to vector<16xi32>
        %parallel_loop3A_270 = arith.addi %iota3A, %parallel_loop3A_269 : vector<16xi32>
        %parallel_loop3A_271 = arith.constant 63 : i32
        %parallel_loop3A_272 = vector.broadcast %parallel_loop3A_271 : i32 to vector<16xi32>
        %parallel_loop3A_273 = arith.andi %parallel_loop3A_270, %parallel_loop3A_272 : vector<16xi32>
        %parallel_loop3A_274 = tpu.vector_load_idx %arg6[%parallel_loop3A_273, %add3A_3] : memref<64x64xf32, #tpu.memory_space<vmem>>[vector<16xi32>, vector<16xi32>], vector<16xf32>,
        %parallel_loop3A_275 = arith.addi %mul3A_100, %parallel_loop3A_273 : vector<16xi32>
        tpu.vector_store_idx %arg8[%shift_right_logical3A_50, %parallel_loop3A_275], %parallel_loop3A_274 : memref<128x128xf32, #tpu.memory_space<vmem>>[vector<16xi32>, vector<16xi32>], vector<16xf32>,
        %parallel_loop3A_276 = tpu.vector_load_idx %arg6[%parallel_loop3A_273, %add3A_6] : memref<64x64xf32, #tpu.memory_space<vmem>>[vector<16xi32>, vector<16xi32>], vector<16xf32>,
        %parallel_loop3A_277 = arith.addi %mul3A_106, %parallel_loop3A_273 : vector<16xi32>
        tpu.vector_store_idx %arg8[%shift_right_logical3A_53, %parallel_loop3A_277], %parallel_loop3A_276 : memref<128x128xf32, #tpu.memory_space<vmem>>[vector<16xi32>, vector<16xi32>], vector<16xf32>,
        %parallel_loop3A_278 = tpu.vector_load_idx %arg6[%parallel_loop3A_273, %add3A_9] : memref<64x64xf32, #tpu.memory_space<vmem>>[vector<16xi32>, vector<16xi32>], vector<16xf32>,
        %parallel_loop3A_279 = arith.addi %mul3A_112, %parallel_loop3A_273 : vector<16xi32>
        tpu.vector_store_idx %arg8[%shift_right_logical3A_56, %parallel_loop3A_279], %parallel_loop3A_278 : memref<128x128xf32, #tpu.memory_space<vmem>>[vector<16xi32>, vector<16xi32>], vector<16xf32>,
        %parallel_loop3A_280 = tpu.vector_load_idx %arg6[%parallel_loop3A_273, %add3A_12] : memref<64x64xf32, #tpu.memory_space<vmem>>[vector<16xi32>, vector<16xi32>], vector<16xf32>,
        %parallel_loop3A_281 = arith.addi %mul3A_118, %parallel_loop3A_273 : vector<16xi32>
        tpu.vector_store_idx %arg8[%shift_right_logical3A_59, %parallel_loop3A_281], %parallel_loop3A_280 : memref<128x128xf32, #tpu.memory_space<vmem>>[vector<16xi32>, vector<16xi32>], vector<16xf32>,
      } {sc.loop_unroll_factor = 4 : i64, sc.parallel_access}
      %dma_start3A_244 = arith.constant 0 : i32
      %dma_start3A_245 = arith.constant 0 : i32
      %dma_start3A_246 = tpu.memref_slice %arg8[%dma_start3A_244, %dma_start3A_245] : memref<128x128xf32, #tpu.memory_space<vmem>> -> memref<32x128xf32, #tpu.memory_space<vmem>>
      %dma_start3A_247 = arith.constant 499968 : i32
      %dma_start3A_248 = arith.constant 0 : i32
      %dma_start3A_249 = tpu.memref_slice %arg3[%dma_start3A_247, %dma_start3A_248] : memref<500000x128xf32, #tpu.memory_space<hbm>> -> memref<32x128xf32, #tpu.memory_space<hbm>>
      %dma_start3A_250 = arith.constant 499968 : i32
      %dma_start3A_251 = arith.constant 0 : i32
      %dma_start3A_252 = tpu.memref_slice %arg3[%dma_start3A_250, %dma_start3A_251] : memref<500000x128xf32, #tpu.memory_space<hbm>> -> memref<32x128xf32, #tpu.memory_space<hbm>>
      %dma_start3A_253 = arith.constant 0 : i32
      %dma_start3A_254 = arith.constant 0 : i32
      %dma_start3A_255 = tpu.memref_slice %arg8[%dma_start3A_253, %dma_start3A_254] : memref<128x128xf32, #tpu.memory_space<vmem>> -> memref<32x128xf32, #tpu.memory_space<vmem>>
      tpu.enqueue_dma source(%dma_start3A_255 : memref<32x128xf32, #tpu.memory_space<vmem>>) target(%dma_start3A_252 : memref<32x128xf32, #tpu.memory_space<hbm>>) target_semaphore(%arg12 : memref<!tpu.dma_semaphore, #tpu.memory_space<semaphore_mem>>)
      %dma_wait3A_256 = arith.constant 0 : i32
      %dma_wait3A_257 = arith.constant 0 : i32
      %dma_wait3A_258 = tpu.memref_slice %arg8[%dma_wait3A_256, %dma_wait3A_257] : memref<128x128xf32, #tpu.memory_space<vmem>> -> memref<32x128xf32, #tpu.memory_space<vmem>>
      %dma_wait3A_259 = arith.constant 499968 : i32
      %dma_wait3A_260 = arith.constant 0 : i32
      %dma_wait3A_261 = tpu.memref_slice %arg3[%dma_wait3A_259, %dma_wait3A_260] : memref<500000x128xf32, #tpu.memory_space<hbm>> -> memref<32x128xf32, #tpu.memory_space<hbm>>
      %dma_wait3A_262 = arith.constant 499968 : i32
      %dma_wait3A_263 = arith.constant 0 : i32
      %dma_wait3A_264 = tpu.memref_slice %arg3[%dma_wait3A_262, %dma_wait3A_263] : memref<500000x128xf32, #tpu.memory_space<hbm>> -> memref<32x128xf32, #tpu.memory_space<hbm>>
      %dma_wait3A_265 = arith.constant 0 : i32
      %dma_wait3A_266 = arith.constant 0 : i32
      %dma_wait3A_267 = tpu.memref_slice %arg8[%dma_wait3A_265, %dma_wait3A_266] : memref<128x128xf32, #tpu.memory_space<vmem>> -> memref<32x128xf32, #tpu.memory_space<vmem>>
      tpu.wait_dma2 semaphore(%arg12 : memref<!tpu.dma_semaphore, #tpu.memory_space<semaphore_mem>>) src(%dma_wait3A_267 : memref<32x128xf32, #tpu.memory_space<vmem>>) dst(%dma_wait3A_264 : memref<32x128xf32, #tpu.memory_space<hbm>>)
    } else {
    }
    return
  }
}

#map = affine_map<(d0, d1) -> (0)>
#map1 = affine_map<(d0, d1) -> (0, 0, 0)>
#map2 = affine_map<(d0, d1) -> (0, 0)>
module attributes {stable_mosaic.version = 14 : i64} {
  func.func @_kge_sc(%arg0: i32, %arg1: i32, %arg2: memref<1024xi32, #tpu.memory_space<hbm>>, %arg3: memref<1024xi32, #tpu.memory_space<hbm>>, %arg4: memref<1024x2x128xi32, #tpu.memory_space<hbm>>, %arg5: memref<1000000x64xf32, #tpu.memory_space<hbm>>, %arg6: memref<1000x64xf32, #tpu.memory_space<hbm>>, %arg7: memref<1024x256xf32, #tpu.memory_space<hbm>>, %arg8: memref<32xi32, #tpu.memory_space<vmem>>, %arg9: memref<32xi32, #tpu.memory_space<vmem>>, %arg10: memref<32x2x128xi32, #tpu.memory_space<vmem>>, %arg11: memref<32x64xf32, #tpu.memory_space<vmem>>, %arg12: memref<32x64xf32, #tpu.memory_space<vmem>>, %arg13: memref<256x64xf32, #tpu.memory_space<vmem>>, %arg14: memref<256x64xf32, #tpu.memory_space<vmem>>, %arg15: memref<32x256xf32, #tpu.memory_space<vmem>>, %arg16: memref<!tpu.dma_semaphore, #tpu.memory_space<semaphore_mem>>, %arg17: memref<!tpu.dma_semaphore, #tpu.memory_space<semaphore_mem>>) attributes {dimension_semantics = [#tpu.dimension_semantics<core_parallel>, #tpu.dimension_semantics<subcore_parallel>], iteration_bounds = array<i64: 2, 16>, scalar_prefetch = 0 : i64, scratch_operands = 10 : i64, tpu.core_type = #tpu.core_type<sc_vector_subcore>, window_params = [{transform_indices = #map}, {transform_indices = #map}, {transform_indices = #map1}, {transform_indices = #map2}, {transform_indices = #map2}, {transform_indices = #map2}]} {
    %mul3A = arith.constant 2 : i32
    %mul3A_0 = arith.muli %arg1, %mul3A : i32
    %add3A = arith.addi %mul3A_0, %arg0 : i32
    %mul3A_1 = arith.constant 32 : i32
    %mul3A_2 = arith.muli %add3A, %mul3A_1 : i32
    "tpu.region"() ({
      %run_scoped3A = tpu.sem_alloc : memref<!tpu.dma_semaphore, #tpu.memory_space<semaphore_mem>>
      %dma_start3A_79 = tpu.memref_slice %arg2[%mul3A_2] : memref<1024xi32, #tpu.memory_space<hbm>> -> memref<32xi32, #tpu.memory_space<hbm>>
      %dma_start3A_80 = tpu.memref_slice %arg2[%mul3A_2] : memref<1024xi32, #tpu.memory_space<hbm>> -> memref<32xi32, #tpu.memory_space<hbm>>
      tpu.enqueue_dma source(%dma_start3A_80 : memref<32xi32, #tpu.memory_space<hbm>>) target(%arg8 : memref<32xi32, #tpu.memory_space<vmem>>) target_semaphore(%run_scoped3A : memref<!tpu.dma_semaphore, #tpu.memory_space<semaphore_mem>>)
      %dma_wait3A_81 = tpu.memref_slice %arg2[%mul3A_2] : memref<1024xi32, #tpu.memory_space<hbm>> -> memref<32xi32, #tpu.memory_space<hbm>>
      %dma_wait3A_82 = tpu.memref_slice %arg2[%mul3A_2] : memref<1024xi32, #tpu.memory_space<hbm>> -> memref<32xi32, #tpu.memory_space<hbm>>
      tpu.wait_dma2 semaphore(%run_scoped3A : memref<!tpu.dma_semaphore, #tpu.memory_space<semaphore_mem>>) src(%dma_wait3A_82 : memref<32xi32, #tpu.memory_space<hbm>>) dst(%arg8 : memref<32xi32, #tpu.memory_space<vmem>>)
      tpu.yield
    }) : () -> ()
    "tpu.region"() ({
      %run_scoped3A = tpu.sem_alloc : memref<!tpu.dma_semaphore, #tpu.memory_space<semaphore_mem>>
      %dma_start3A_79 = tpu.memref_slice %arg3[%mul3A_2] : memref<1024xi32, #tpu.memory_space<hbm>> -> memref<32xi32, #tpu.memory_space<hbm>>
      %dma_start3A_80 = tpu.memref_slice %arg3[%mul3A_2] : memref<1024xi32, #tpu.memory_space<hbm>> -> memref<32xi32, #tpu.memory_space<hbm>>
      tpu.enqueue_dma source(%dma_start3A_80 : memref<32xi32, #tpu.memory_space<hbm>>) target(%arg9 : memref<32xi32, #tpu.memory_space<vmem>>) target_semaphore(%run_scoped3A : memref<!tpu.dma_semaphore, #tpu.memory_space<semaphore_mem>>)
      %dma_wait3A_81 = tpu.memref_slice %arg3[%mul3A_2] : memref<1024xi32, #tpu.memory_space<hbm>> -> memref<32xi32, #tpu.memory_space<hbm>>
      %dma_wait3A_82 = tpu.memref_slice %arg3[%mul3A_2] : memref<1024xi32, #tpu.memory_space<hbm>> -> memref<32xi32, #tpu.memory_space<hbm>>
      tpu.wait_dma2 semaphore(%run_scoped3A : memref<!tpu.dma_semaphore, #tpu.memory_space<semaphore_mem>>) src(%dma_wait3A_82 : memref<32xi32, #tpu.memory_space<hbm>>) dst(%arg9 : memref<32xi32, #tpu.memory_space<vmem>>)
      tpu.yield
    }) : () -> ()
    "tpu.region"() ({
      %run_scoped3A = tpu.sem_alloc : memref<!tpu.dma_semaphore, #tpu.memory_space<semaphore_mem>>
      %dma_start3A_79 = arith.constant 0 : i32
      %dma_start3A_80 = arith.constant 0 : i32
      %dma_start3A_81 = tpu.memref_slice %arg4[%mul3A_2, %dma_start3A_79, %dma_start3A_80] : memref<1024x2x128xi32, #tpu.memory_space<hbm>> -> memref<32x2x128xi32, #tpu.memory_space<hbm>>
      %dma_start3A_82 = arith.constant 0 : i32
      %dma_start3A_83 = arith.constant 0 : i32
      %dma_start3A_84 = tpu.memref_slice %arg4[%mul3A_2, %dma_start3A_82, %dma_start3A_83] : memref<1024x2x128xi32, #tpu.memory_space<hbm>> -> memref<32x2x128xi32, #tpu.memory_space<hbm>>
      tpu.enqueue_dma source(%dma_start3A_84 : memref<32x2x128xi32, #tpu.memory_space<hbm>>) target(%arg10 : memref<32x2x128xi32, #tpu.memory_space<vmem>>) target_semaphore(%run_scoped3A : memref<!tpu.dma_semaphore, #tpu.memory_space<semaphore_mem>>)
      %dma_wait3A_85 = arith.constant 0 : i32
      %dma_wait3A_86 = arith.constant 0 : i32
      %dma_wait3A_87 = tpu.memref_slice %arg4[%mul3A_2, %dma_wait3A_85, %dma_wait3A_86] : memref<1024x2x128xi32, #tpu.memory_space<hbm>> -> memref<32x2x128xi32, #tpu.memory_space<hbm>>
      %dma_wait3A_88 = arith.constant 0 : i32
      %dma_wait3A_89 = arith.constant 0 : i32
      %dma_wait3A_90 = tpu.memref_slice %arg4[%mul3A_2, %dma_wait3A_88, %dma_wait3A_89] : memref<1024x2x128xi32, #tpu.memory_space<hbm>> -> memref<32x2x128xi32, #tpu.memory_space<hbm>>
      tpu.wait_dma2 semaphore(%run_scoped3A : memref<!tpu.dma_semaphore, #tpu.memory_space<semaphore_mem>>) src(%dma_wait3A_90 : memref<32x2x128xi32, #tpu.memory_space<hbm>>) dst(%arg10 : memref<32x2x128xi32, #tpu.memory_space<vmem>>)
      tpu.yield
    }) : () -> ()
    %dma_start3A = arith.constant 0 : i32
    %dma_start3A_3 = arith.constant 0 : i32
    %dma_start3A_4 = tpu.memref_slice %arg5[%dma_start3A, %dma_start3A_3] : memref<1000000x64xf32, #tpu.memory_space<hbm>> -> memref<1000000x64xf32, #tpu.memory_space<hbm>>
    tpu.enqueue_indirect_dma source(%dma_start3A_4 : memref<1000000x64xf32, #tpu.memory_space<hbm>>) target(%arg11 : memref<32x64xf32, #tpu.memory_space<vmem>>) offsets(%arg8 : memref<32xi32, #tpu.memory_space<vmem>>) semaphore(%arg16 : memref<!tpu.dma_semaphore, #tpu.memory_space<semaphore_mem>>)
    %dma_wait3A = arith.constant 0 : i32
    %dma_wait3A_5 = arith.constant 0 : i32
    %dma_wait3A_6 = tpu.memref_slice %arg5[%dma_wait3A, %dma_wait3A_5] : memref<1000000x64xf32, #tpu.memory_space<hbm>> -> memref<1000000x64xf32, #tpu.memory_space<hbm>>
    tpu.wait_indirect_dma semaphore(%arg16 : memref<!tpu.dma_semaphore, #tpu.memory_space<semaphore_mem>>) src(%dma_wait3A_6 : memref<1000000x64xf32, #tpu.memory_space<hbm>>) dst(%arg11 : memref<32x64xf32, #tpu.memory_space<vmem>>)
    %dma_start3A_7 = arith.constant 0 : i32
    %dma_start3A_8 = arith.constant 0 : i32
    %dma_start3A_9 = tpu.memref_slice %arg6[%dma_start3A_7, %dma_start3A_8] : memref<1000x64xf32, #tpu.memory_space<hbm>> -> memref<1000x64xf32, #tpu.memory_space<hbm>>
    tpu.enqueue_indirect_dma source(%dma_start3A_9 : memref<1000x64xf32, #tpu.memory_space<hbm>>) target(%arg12 : memref<32x64xf32, #tpu.memory_space<vmem>>) offsets(%arg9 : memref<32xi32, #tpu.memory_space<vmem>>) semaphore(%arg16 : memref<!tpu.dma_semaphore, #tpu.memory_space<semaphore_mem>>)
    %dma_wait3A_10 = arith.constant 0 : i32
    %dma_wait3A_11 = arith.constant 0 : i32
    %dma_wait3A_12 = tpu.memref_slice %arg6[%dma_wait3A_10, %dma_wait3A_11] : memref<1000x64xf32, #tpu.memory_space<hbm>> -> memref<1000x64xf32, #tpu.memory_space<hbm>>
    tpu.wait_indirect_dma semaphore(%arg16 : memref<!tpu.dma_semaphore, #tpu.memory_space<semaphore_mem>>) src(%dma_wait3A_12 : memref<1000x64xf32, #tpu.memory_space<hbm>>) dst(%arg12 : memref<32x64xf32, #tpu.memory_space<vmem>>)
    %scan3A = arith.constant 0 : i32
    %scan3A_13 = arith.constant 0 : i32
    %scan3A_14 = arith.constant 32 : i32
    %scan3A_15 = arith.addi %scan3A_13, %scan3A_14 : i32
    %scan3A_16 = arith.constant 1 : i32
    scf.for %scan3A_79 = %scan3A_13 to %scan3A_15 step %scan3A_16  : i32 {
      %get3A = arith.index_cast %scan3A_79 : i32 to index
      %get3A_80 = arith.constant 0 : index
      %get3A_81 = tpu.vector_load %arg11[%get3A, %get3A_80] {strides = array<i32>} : memref<32x64xf32, #tpu.memory_space<vmem>>, vector<1x16xf32>,
      %get3A_82 = vector.shape_cast %get3A_81 : vector<1x16xf32> to vector<16xf32>
      %get3A_83 = arith.index_cast %scan3A_79 : i32 to index
      %get3A_84 = arith.constant 0 : index
      %get3A_85 = tpu.vector_load %arg12[%get3A_83, %get3A_84] {strides = array<i32>} : memref<32x64xf32, #tpu.memory_space<vmem>>, vector<1x16xf32>,
      %get3A_86 = vector.shape_cast %get3A_85 : vector<1x16xf32> to vector<16xf32>
      %mul3A_87 = arith.mulf %get3A_82, %get3A_86 : vector<16xf32>
      %swap3A = arith.index_cast %scan3A_79 : i32 to index
      %swap3A_88 = arith.constant 0 : index
      %swap3A_89 = tpu.vector_load %arg12[%swap3A, %swap3A_88] {strides = array<i32>} : memref<32x64xf32, #tpu.memory_space<vmem>>, vector<1x16xf32>,
      %swap3A_90 = vector.shape_cast %swap3A_89 : vector<1x16xf32> to vector<16xf32>
      %swap3A_91 = vector.shape_cast %mul3A_87 : vector<16xf32> to vector<1x16xf32>
      tpu.vector_store %arg12[%swap3A, %swap3A_88], %swap3A_91 {strides = array<i32>} : memref<32x64xf32, #tpu.memory_space<vmem>>, vector<1x16xf32>,
      %get3A_92 = arith.index_cast %scan3A_79 : i32 to index
      %get3A_93 = arith.constant 16 : index
      %get3A_94 = tpu.vector_load %arg11[%get3A_92, %get3A_93] {strides = array<i32>} : memref<32x64xf32, #tpu.memory_space<vmem>>, vector<1x16xf32>,
      %get3A_95 = vector.shape_cast %get3A_94 : vector<1x16xf32> to vector<16xf32>
      %get3A_96 = arith.index_cast %scan3A_79 : i32 to index
      %get3A_97 = arith.constant 16 : index
      %get3A_98 = tpu.vector_load %arg12[%get3A_96, %get3A_97] {strides = array<i32>} : memref<32x64xf32, #tpu.memory_space<vmem>>, vector<1x16xf32>,
      %get3A_99 = vector.shape_cast %get3A_98 : vector<1x16xf32> to vector<16xf32>
      %mul3A_100 = arith.mulf %get3A_95, %get3A_99 : vector<16xf32>
      %swap3A_101 = arith.index_cast %scan3A_79 : i32 to index
      %swap3A_102 = arith.constant 16 : index
      %swap3A_103 = tpu.vector_load %arg12[%swap3A_101, %swap3A_102] {strides = array<i32>} : memref<32x64xf32, #tpu.memory_space<vmem>>, vector<1x16xf32>,
      %swap3A_104 = vector.shape_cast %swap3A_103 : vector<1x16xf32> to vector<16xf32>
      %swap3A_105 = vector.shape_cast %mul3A_100 : vector<16xf32> to vector<1x16xf32>
      tpu.vector_store %arg12[%swap3A_101, %swap3A_102], %swap3A_105 {strides = array<i32>} : memref<32x64xf32, #tpu.memory_space<vmem>>, vector<1x16xf32>,
      %get3A_106 = arith.index_cast %scan3A_79 : i32 to index
      %get3A_107 = arith.constant 32 : index
      %get3A_108 = tpu.vector_load %arg11[%get3A_106, %get3A_107] {strides = array<i32>} : memref<32x64xf32, #tpu.memory_space<vmem>>, vector<1x16xf32>,
      %get3A_109 = vector.shape_cast %get3A_108 : vector<1x16xf32> to vector<16xf32>
      %get3A_110 = arith.index_cast %scan3A_79 : i32 to index
      %get3A_111 = arith.constant 32 : index
      %get3A_112 = tpu.vector_load %arg12[%get3A_110, %get3A_111] {strides = array<i32>} : memref<32x64xf32, #tpu.memory_space<vmem>>, vector<1x16xf32>,
      %get3A_113 = vector.shape_cast %get3A_112 : vector<1x16xf32> to vector<16xf32>
      %mul3A_114 = arith.mulf %get3A_109, %get3A_113 : vector<16xf32>
      %swap3A_115 = arith.index_cast %scan3A_79 : i32 to index
      %swap3A_116 = arith.constant 32 : index
      %swap3A_117 = tpu.vector_load %arg12[%swap3A_115, %swap3A_116] {strides = array<i32>} : memref<32x64xf32, #tpu.memory_space<vmem>>, vector<1x16xf32>,
      %swap3A_118 = vector.shape_cast %swap3A_117 : vector<1x16xf32> to vector<16xf32>
      %swap3A_119 = vector.shape_cast %mul3A_114 : vector<16xf32> to vector<1x16xf32>
      tpu.vector_store %arg12[%swap3A_115, %swap3A_116], %swap3A_119 {strides = array<i32>} : memref<32x64xf32, #tpu.memory_space<vmem>>, vector<1x16xf32>,
      %get3A_120 = arith.index_cast %scan3A_79 : i32 to index
      %get3A_121 = arith.constant 48 : index
      %get3A_122 = tpu.vector_load %arg11[%get3A_120, %get3A_121] {strides = array<i32>} : memref<32x64xf32, #tpu.memory_space<vmem>>, vector<1x16xf32>,
      %get3A_123 = vector.shape_cast %get3A_122 : vector<1x16xf32> to vector<16xf32>
      %get3A_124 = arith.index_cast %scan3A_79 : i32 to index
      %get3A_125 = arith.constant 48 : index
      %get3A_126 = tpu.vector_load %arg12[%get3A_124, %get3A_125] {strides = array<i32>} : memref<32x64xf32, #tpu.memory_space<vmem>>, vector<1x16xf32>,
      %get3A_127 = vector.shape_cast %get3A_126 : vector<1x16xf32> to vector<16xf32>
      %mul3A_128 = arith.mulf %get3A_123, %get3A_127 : vector<16xf32>
      %swap3A_129 = arith.index_cast %scan3A_79 : i32 to index
      %swap3A_130 = arith.constant 48 : index
      %swap3A_131 = tpu.vector_load %arg12[%swap3A_129, %swap3A_130] {strides = array<i32>} : memref<32x64xf32, #tpu.memory_space<vmem>>, vector<1x16xf32>,
      %swap3A_132 = vector.shape_cast %swap3A_131 : vector<1x16xf32> to vector<16xf32>
      %swap3A_133 = vector.shape_cast %mul3A_128 : vector<16xf32> to vector<1x16xf32>
      tpu.vector_store %arg12[%swap3A_129, %swap3A_130], %swap3A_133 {strides = array<i32>} : memref<32x64xf32, #tpu.memory_space<vmem>>, vector<1x16xf32>,
    }
    %scan3A_17 = arith.constant 32 : i32
    %iota3A = tpu.iota {dimensions = array<i32: 0>} : vector<16xi32>
    %xor3A = arith.constant 1 : i32
    %xor3A_18 = vector.broadcast %xor3A : i32 to vector<16xi32>
    %xor3A_19 = arith.xori %iota3A, %xor3A_18 : vector<16xi32>
    %xor3A_20 = arith.constant 2 : i32
    %xor3A_21 = vector.broadcast %xor3A_20 : i32 to vector<16xi32>
    %xor3A_22 = arith.xori %iota3A, %xor3A_21 : vector<16xi32>
    %xor3A_23 = arith.constant 4 : i32
    %xor3A_24 = vector.broadcast %xor3A_23 : i32 to vector<16xi32>
    %xor3A_25 = arith.xori %iota3A, %xor3A_24 : vector<16xi32>
    %xor3A_26 = arith.constant 8 : i32
    %xor3A_27 = vector.broadcast %xor3A_26 : i32 to vector<16xi32>
    %xor3A_28 = arith.xori %iota3A, %xor3A_27 : vector<16xi32>
    %and3A = arith.constant 1 : i32
    %and3A_29 = vector.broadcast %and3A : i32 to vector<16xi32>
    %and3A_30 = arith.andi %iota3A, %and3A_29 : vector<16xi32>
    %ne3A = arith.constant 0 : i32
    %ne3A_31 = vector.broadcast %ne3A : i32 to vector<16xi32>
    %ne3A_32 = arith.cmpi ne, %and3A_30, %ne3A_31 : vector<16xi32>
    %and3A_33 = arith.constant 2 : i32
    %and3A_34 = vector.broadcast %and3A_33 : i32 to vector<16xi32>
    %and3A_35 = arith.andi %iota3A, %and3A_34 : vector<16xi32>
    %ne3A_36 = arith.constant 0 : i32
    %ne3A_37 = vector.broadcast %ne3A_36 : i32 to vector<16xi32>
    %ne3A_38 = arith.cmpi ne, %and3A_35, %ne3A_37 : vector<16xi32>
    %and3A_39 = arith.constant 4 : i32
    %and3A_40 = vector.broadcast %and3A_39 : i32 to vector<16xi32>
    %and3A_41 = arith.andi %iota3A, %and3A_40 : vector<16xi32>
    %ne3A_42 = arith.constant 0 : i32
    %ne3A_43 = vector.broadcast %ne3A_42 : i32 to vector<16xi32>
    %ne3A_44 = arith.cmpi ne, %and3A_41, %ne3A_43 : vector<16xi32>
    %and3A_45 = arith.constant 8 : i32
    %and3A_46 = vector.broadcast %and3A_45 : i32 to vector<16xi32>
    %and3A_47 = arith.andi %iota3A, %and3A_46 : vector<16xi32>
    %ne3A_48 = arith.constant 0 : i32
    %ne3A_49 = vector.broadcast %ne3A_48 : i32 to vector<16xi32>
    %ne3A_50 = arith.cmpi ne, %and3A_47, %ne3A_49 : vector<16xi32>
    %dma_start3A_51 = arith.constant 0 : i32
    %dma_start3A_52 = arith.constant 0 : i32
    %dma_start3A_53 = arith.constant 0 : i32
    %dma_start3A_54 = arith.constant 0 : i32
    %dma_start3A_55 = tpu.memref_slice %arg13[%dma_start3A_53, %dma_start3A_54] : memref<256x64xf32, #tpu.memory_space<vmem>> -> memref<128x64xf32, #tpu.memory_space<vmem>>
    %dma_start3A_56 = arith.constant 0 : i32
    %dma_start3A_57 = tpu.memref_slice %arg10[%dma_start3A_51, %dma_start3A_52, %dma_start3A_56] : memref<32x2x128xi32, #tpu.memory_space<vmem>> -> memref<1x1x128xi32, #tpu.memory_space<vmem>>
    %dma_start3A_58 = tpu.memref_squeeze %dma_start3A_57 : memref<1x1x128xi32, #tpu.memory_space<vmem>> -> memref<128xi32, #tpu.memory_space<vmem>>
    %dma_start3A_59 = arith.constant 0 : i32
    %dma_start3A_60 = arith.constant 0 : i32
    %dma_start3A_61 = tpu.memref_slice %arg5[%dma_start3A_59, %dma_start3A_60] : memref<1000000x64xf32, #tpu.memory_space<hbm>> -> memref<1000000x64xf32, #tpu.memory_space<hbm>>
    tpu.enqueue_indirect_dma source(%dma_start3A_61 : memref<1000000x64xf32, #tpu.memory_space<hbm>>) target(%dma_start3A_55 : memref<128x64xf32, #tpu.memory_space<vmem>>) offsets(%dma_start3A_58 : memref<128xi32, #tpu.memory_space<vmem>>) semaphore(%arg16 : memref<!tpu.dma_semaphore, #tpu.memory_space<semaphore_mem>>)
    %dma_start3A_62 = arith.constant 0 : i32
    %dma_start3A_63 = arith.constant 1 : i32
    %dma_start3A_64 = arith.constant 128 : i32
    %dma_start3A_65 = arith.constant 0 : i32
    %dma_start3A_66 = tpu.memref_slice %arg13[%dma_start3A_64, %dma_start3A_65] : memref<256x64xf32, #tpu.memory_space<vmem>> -> memref<128x64xf32, #tpu.memory_space<vmem>>
    %dma_start3A_67 = arith.constant 0 : i32
    %dma_start3A_68 = tpu.memref_slice %arg10[%dma_start3A_62, %dma_start3A_63, %dma_start3A_67] : memref<32x2x128xi32, #tpu.memory_space<vmem>> -> memref<1x1x128xi32, #tpu.memory_space<vmem>>
    %dma_start3A_69 = tpu.memref_squeeze %dma_start3A_68 : memref<1x1x128xi32, #tpu.memory_space<vmem>> -> memref<128xi32, #tpu.memory_space<vmem>>
    %dma_start3A_70 = arith.constant 0 : i32
    %dma_start3A_71 = arith.constant 0 : i32
    %dma_start3A_72 = tpu.memref_slice %arg5[%dma_start3A_70, %dma_start3A_71] : memref<1000000x64xf32, #tpu.memory_space<hbm>> -> memref<1000000x64xf32, #tpu.memory_space<hbm>>
    tpu.enqueue_indirect_dma source(%dma_start3A_72 : memref<1000000x64xf32, #tpu.memory_space<hbm>>) target(%dma_start3A_66 : memref<128x64xf32, #tpu.memory_space<vmem>>) offsets(%dma_start3A_69 : memref<128xi32, #tpu.memory_space<vmem>>) semaphore(%arg16 : memref<!tpu.dma_semaphore, #tpu.memory_space<semaphore_mem>>)
    %scan3A_73 = arith.constant 0 : i32
    %scan3A_74 = arith.constant 0 : i32
    %scan3A_75 = arith.constant 16 : i32
    %scan3A_76 = arith.addi %scan3A_74, %scan3A_75 : i32
    %scan3A_77 = arith.constant 1 : i32
    scf.for %scan3A_79 = %scan3A_74 to %scan3A_76 step %scan3A_77  : i32 {
      %mul3A_80 = arith.constant 2 : i32
      %mul3A_81 = arith.muli %mul3A_80, %scan3A_79 : i32
      %add3A_82 = arith.constant 1 : i32
      %add3A_83 = arith.addi %mul3A_81, %add3A_82 : i32
      %dma_start3A_84 = arith.constant 0 : i32
      %dma_start3A_85 = arith.constant 0 : i32
      %dma_start3A_86 = arith.constant 0 : i32
      %dma_start3A_87 = tpu.memref_slice %arg14[%dma_start3A_85, %dma_start3A_86] : memref<256x64xf32, #tpu.memory_space<vmem>> -> memref<128x64xf32, #tpu.memory_space<vmem>>
      %dma_start3A_88 = arith.constant 0 : i32
      %dma_start3A_89 = tpu.memref_slice %arg10[%add3A_83, %dma_start3A_84, %dma_start3A_88] : memref<32x2x128xi32, #tpu.memory_space<vmem>> -> memref<1x1x128xi32, #tpu.memory_space<vmem>>
      %dma_start3A_90 = tpu.memref_squeeze %dma_start3A_89 : memref<1x1x128xi32, #tpu.memory_space<vmem>> -> memref<128xi32, #tpu.memory_space<vmem>>
      %dma_start3A_91 = arith.constant 0 : i32
      %dma_start3A_92 = arith.constant 0 : i32
      %dma_start3A_93 = tpu.memref_slice %arg5[%dma_start3A_91, %dma_start3A_92] : memref<1000000x64xf32, #tpu.memory_space<hbm>> -> memref<1000000x64xf32, #tpu.memory_space<hbm>>
      tpu.enqueue_indirect_dma source(%dma_start3A_93 : memref<1000000x64xf32, #tpu.memory_space<hbm>>) target(%dma_start3A_87 : memref<128x64xf32, #tpu.memory_space<vmem>>) offsets(%dma_start3A_90 : memref<128xi32, #tpu.memory_space<vmem>>) semaphore(%arg17 : memref<!tpu.dma_semaphore, #tpu.memory_space<semaphore_mem>>)
      %dma_start3A_94 = arith.constant 1 : i32
      %dma_start3A_95 = arith.constant 128 : i32
      %dma_start3A_96 = arith.constant 0 : i32
      %dma_start3A_97 = tpu.memref_slice %arg14[%dma_start3A_95, %dma_start3A_96] : memref<256x64xf32, #tpu.memory_space<vmem>> -> memref<128x64xf32, #tpu.memory_space<vmem>>
      %dma_start3A_98 = arith.constant 0 : i32
      %dma_start3A_99 = tpu.memref_slice %arg10[%add3A_83, %dma_start3A_94, %dma_start3A_98] : memref<32x2x128xi32, #tpu.memory_space<vmem>> -> memref<1x1x128xi32, #tpu.memory_space<vmem>>
      %dma_start3A_100 = tpu.memref_squeeze %dma_start3A_99 : memref<1x1x128xi32, #tpu.memory_space<vmem>> -> memref<128xi32, #tpu.memory_space<vmem>>
      %dma_start3A_101 = arith.constant 0 : i32
      %dma_start3A_102 = arith.constant 0 : i32
      %dma_start3A_103 = tpu.memref_slice %arg5[%dma_start3A_101, %dma_start3A_102] : memref<1000000x64xf32, #tpu.memory_space<hbm>> -> memref<1000000x64xf32, #tpu.memory_space<hbm>>
      tpu.enqueue_indirect_dma source(%dma_start3A_103 : memref<1000000x64xf32, #tpu.memory_space<hbm>>) target(%dma_start3A_97 : memref<128x64xf32, #tpu.memory_space<vmem>>) offsets(%dma_start3A_100 : memref<128xi32, #tpu.memory_space<vmem>>) semaphore(%arg17 : memref<!tpu.dma_semaphore, #tpu.memory_space<semaphore_mem>>)
      %dma_wait3A_104 = arith.constant 0 : i32
      %dma_wait3A_105 = arith.constant 0 : i32
      %dma_wait3A_106 = arith.constant 0 : i32
      %dma_wait3A_107 = tpu.memref_slice %arg13[%dma_wait3A_105, %dma_wait3A_106] : memref<256x64xf32, #tpu.memory_space<vmem>> -> memref<128x64xf32, #tpu.memory_space<vmem>>
      %dma_wait3A_108 = arith.constant 0 : i32
      %dma_wait3A_109 = tpu.memref_slice %arg10[%mul3A_81, %dma_wait3A_104, %dma_wait3A_108] : memref<32x2x128xi32, #tpu.memory_space<vmem>> -> memref<1x1x128xi32, #tpu.memory_space<vmem>>
      %dma_wait3A_110 = tpu.memref_squeeze %dma_wait3A_109 : memref<1x1x128xi32, #tpu.memory_space<vmem>> -> memref<128xi32, #tpu.memory_space<vmem>>
      %dma_wait3A_111 = arith.constant 0 : i32
      %dma_wait3A_112 = arith.constant 0 : i32
      %dma_wait3A_113 = tpu.memref_slice %arg5[%dma_wait3A_111, %dma_wait3A_112] : memref<1000000x64xf32, #tpu.memory_space<hbm>> -> memref<1000000x64xf32, #tpu.memory_space<hbm>>
      tpu.wait_indirect_dma semaphore(%arg16 : memref<!tpu.dma_semaphore, #tpu.memory_space<semaphore_mem>>) src(%dma_wait3A_113 : memref<1000000x64xf32, #tpu.memory_space<hbm>>) dst(%dma_wait3A_107 : memref<128x64xf32, #tpu.memory_space<vmem>>)
      %dma_wait3A_114 = arith.constant 1 : i32
      %dma_wait3A_115 = arith.constant 128 : i32
      %dma_wait3A_116 = arith.constant 0 : i32
      %dma_wait3A_117 = tpu.memref_slice %arg13[%dma_wait3A_115, %dma_wait3A_116] : memref<256x64xf32, #tpu.memory_space<vmem>> -> memref<128x64xf32, #tpu.memory_space<vmem>>
      %dma_wait3A_118 = arith.constant 0 : i32
      %dma_wait3A_119 = tpu.memref_slice %arg10[%mul3A_81, %dma_wait3A_114, %dma_wait3A_118] : memref<32x2x128xi32, #tpu.memory_space<vmem>> -> memref<1x1x128xi32, #tpu.memory_space<vmem>>
      %dma_wait3A_120 = tpu.memref_squeeze %dma_wait3A_119 : memref<1x1x128xi32, #tpu.memory_space<vmem>> -> memref<128xi32, #tpu.memory_space<vmem>>
      %dma_wait3A_121 = arith.constant 0 : i32
      %dma_wait3A_122 = arith.constant 0 : i32
      %dma_wait3A_123 = tpu.memref_slice %arg5[%dma_wait3A_121, %dma_wait3A_122] : memref<1000000x64xf32, #tpu.memory_space<hbm>> -> memref<1000000x64xf32, #tpu.memory_space<hbm>>
      tpu.wait_indirect_dma semaphore(%arg16 : memref<!tpu.dma_semaphore, #tpu.memory_space<semaphore_mem>>) src(%dma_wait3A_123 : memref<1000000x64xf32, #tpu.memory_space<hbm>>) dst(%dma_wait3A_117 : memref<128x64xf32, #tpu.memory_space<vmem>>)
      %get3A = arith.index_cast %mul3A_81 : i32 to index
      %get3A_124 = arith.constant 0 : index
      %get3A_125 = tpu.vector_load %arg12[%get3A, %get3A_124] {strides = array<i32>} : memref<32x64xf32, #tpu.memory_space<vmem>>, vector<1x16xf32>,
      %get3A_126 = vector.shape_cast %get3A_125 : vector<1x16xf32> to vector<16xf32>
      %get3A_127 = arith.index_cast %mul3A_81 : i32 to index
      %get3A_128 = arith.constant 16 : index
      %get3A_129 = tpu.vector_load %arg12[%get3A_127, %get3A_128] {strides = array<i32>} : memref<32x64xf32, #tpu.memory_space<vmem>>, vector<1x16xf32>,
      %get3A_130 = vector.shape_cast %get3A_129 : vector<1x16xf32> to vector<16xf32>
      %get3A_131 = arith.index_cast %mul3A_81 : i32 to index
      %get3A_132 = arith.constant 32 : index
      %get3A_133 = tpu.vector_load %arg12[%get3A_131, %get3A_132] {strides = array<i32>} : memref<32x64xf32, #tpu.memory_space<vmem>>, vector<1x16xf32>,
      %get3A_134 = vector.shape_cast %get3A_133 : vector<1x16xf32> to vector<16xf32>
      %get3A_135 = arith.index_cast %mul3A_81 : i32 to index
      %get3A_136 = arith.constant 48 : index
      %get3A_137 = tpu.vector_load %arg12[%get3A_135, %get3A_136] {strides = array<i32>} : memref<32x64xf32, #tpu.memory_space<vmem>>, vector<1x16xf32>,
      %get3A_138 = vector.shape_cast %get3A_137 : vector<1x16xf32> to vector<16xf32>
      %parallel_loop3A = arith.constant 0 : i32
      %parallel_loop3A_139 = arith.constant 16 : i32
      %parallel_loop3A_140 = arith.constant 1 : i32
      scf.for %parallel_loop3A_182 = %parallel_loop3A to %parallel_loop3A_139 step %parallel_loop3A_140  : i32 {
        %parallel_loop3A_183 = arith.constant 16 : i32
        %parallel_loop3A_184 = arith.muli %parallel_loop3A_182, %parallel_loop3A_183 : i32
        %parallel_loop3A_185 = arith.constant 0 : i32
        %parallel_loop3A_186 = arith.addi %parallel_loop3A_184, %parallel_loop3A_185 : i32
        %parallel_loop3A_187 = arith.index_cast %parallel_loop3A_186 : i32 to index
        %parallel_loop3A_188 = arith.constant 0 : index
        %parallel_loop3A_189 = tpu.vector_load %arg13[%parallel_loop3A_187, %parallel_loop3A_188] {strides = array<i32>} : memref<256x64xf32, #tpu.memory_space<vmem>>, vector<1x16xf32>,
        %parallel_loop3A_190 = vector.shape_cast %parallel_loop3A_189 : vector<1x16xf32> to vector<16xf32>
        %parallel_loop3A_191 = arith.mulf %parallel_loop3A_190, %get3A_126 : vector<16xf32>
        %parallel_loop3A_192 = arith.index_cast %parallel_loop3A_186 : i32 to index
        %parallel_loop3A_193 = arith.constant 16 : index
        %parallel_loop3A_194 = tpu.vector_load %arg13[%parallel_loop3A_192, %parallel_loop3A_193] {strides = array<i32>} : memref<256x64xf32, #tpu.memory_space<vmem>>, vector<1x16xf32>,
        %parallel_loop3A_195 = vector.shape_cast %parallel_loop3A_194 : vector<1x16xf32> to vector<16xf32>
        %parallel_loop3A_196 = arith.mulf %parallel_loop3A_195, %get3A_130 : vector<16xf32>
        %parallel_loop3A_197 = arith.addf %parallel_loop3A_191, %parallel_loop3A_196 : vector<16xf32>
        %parallel_loop3A_198 = arith.index_cast %parallel_loop3A_186 : i32 to index
        %parallel_loop3A_199 = arith.constant 32 : index
        %parallel_loop3A_200 = tpu.vector_load %arg13[%parallel_loop3A_198, %parallel_loop3A_199] {strides = array<i32>} : memref<256x64xf32, #tpu.memory_space<vmem>>, vector<1x16xf32>,
        %parallel_loop3A_201 = vector.shape_cast %parallel_loop3A_200 : vector<1x16xf32> to vector<16xf32>
        %parallel_loop3A_202 = arith.mulf %parallel_loop3A_201, %get3A_134 : vector<16xf32>
        %parallel_loop3A_203 = arith.addf %parallel_loop3A_197, %parallel_loop3A_202 : vector<16xf32>
        %parallel_loop3A_204 = arith.index_cast %parallel_loop3A_186 : i32 to index
        %parallel_loop3A_205 = arith.constant 48 : index
        %parallel_loop3A_206 = tpu.vector_load %arg13[%parallel_loop3A_204, %parallel_loop3A_205] {strides = array<i32>} : memref<256x64xf32, #tpu.memory_space<vmem>>, vector<1x16xf32>,
        %parallel_loop3A_207 = vector.shape_cast %parallel_loop3A_206 : vector<1x16xf32> to vector<16xf32>
        %parallel_loop3A_208 = arith.mulf %parallel_loop3A_207, %get3A_138 : vector<16xf32>
        %parallel_loop3A_209 = arith.addf %parallel_loop3A_203, %parallel_loop3A_208 : vector<16xf32>
        %parallel_loop3A_210 = arith.constant 1 : i32
        %parallel_loop3A_211 = arith.addi %parallel_loop3A_184, %parallel_loop3A_210 : i32
        %parallel_loop3A_212 = arith.index_cast %parallel_loop3A_211 : i32 to index
        %parallel_loop3A_213 = arith.constant 0 : index
        %parallel_loop3A_214 = tpu.vector_load %arg13[%parallel_loop3A_212, %parallel_loop3A_213] {strides = array<i32>} : memref<256x64xf32, #tpu.memory_space<vmem>>, vector<1x16xf32>,
        %parallel_loop3A_215 = vector.shape_cast %parallel_loop3A_214 : vector<1x16xf32> to vector<16xf32>
        %parallel_loop3A_216 = arith.mulf %parallel_loop3A_215, %get3A_126 : vector<16xf32>
        %parallel_loop3A_217 = arith.index_cast %parallel_loop3A_211 : i32 to index
        %parallel_loop3A_218 = arith.constant 16 : index
        %parallel_loop3A_219 = tpu.vector_load %arg13[%parallel_loop3A_217, %parallel_loop3A_218] {strides = array<i32>} : memref<256x64xf32, #tpu.memory_space<vmem>>, vector<1x16xf32>,
        %parallel_loop3A_220 = vector.shape_cast %parallel_loop3A_219 : vector<1x16xf32> to vector<16xf32>
        %parallel_loop3A_221 = arith.mulf %parallel_loop3A_220, %get3A_130 : vector<16xf32>
        %parallel_loop3A_222 = arith.addf %parallel_loop3A_216, %parallel_loop3A_221 : vector<16xf32>
        %parallel_loop3A_223 = arith.index_cast %parallel_loop3A_211 : i32 to index
        %parallel_loop3A_224 = arith.constant 32 : index
        %parallel_loop3A_225 = tpu.vector_load %arg13[%parallel_loop3A_223, %parallel_loop3A_224] {strides = array<i32>} : memref<256x64xf32, #tpu.memory_space<vmem>>, vector<1x16xf32>,
        %parallel_loop3A_226 = vector.shape_cast %parallel_loop3A_225 : vector<1x16xf32> to vector<16xf32>
        %parallel_loop3A_227 = arith.mulf %parallel_loop3A_226, %get3A_134 : vector<16xf32>
        %parallel_loop3A_228 = arith.addf %parallel_loop3A_222, %parallel_loop3A_227 : vector<16xf32>
        %parallel_loop3A_229 = arith.index_cast %parallel_loop3A_211 : i32 to index
        %parallel_loop3A_230 = arith.constant 48 : index
        %parallel_loop3A_231 = tpu.vector_load %arg13[%parallel_loop3A_229, %parallel_loop3A_230] {strides = array<i32>} : memref<256x64xf32, #tpu.memory_space<vmem>>, vector<1x16xf32>,
        %parallel_loop3A_232 = vector.shape_cast %parallel_loop3A_231 : vector<1x16xf32> to vector<16xf32>
        %parallel_loop3A_233 = arith.mulf %parallel_loop3A_232, %get3A_138 : vector<16xf32>
        %parallel_loop3A_234 = arith.addf %parallel_loop3A_228, %parallel_loop3A_233 : vector<16xf32>
        %parallel_loop3A_235 = arith.constant 2 : i32
        %parallel_loop3A_236 = arith.addi %parallel_loop3A_184, %parallel_loop3A_235 : i32
        %parallel_loop3A_237 = arith.index_cast %parallel_loop3A_236 : i32 to index
        %parallel_loop3A_238 = arith.constant 0 : index
        %parallel_loop3A_239 = tpu.vector_load %arg13[%parallel_loop3A_237, %parallel_loop3A_238] {strides = array<i32>} : memref<256x64xf32, #tpu.memory_space<vmem>>, vector<1x16xf32>,
        %parallel_loop3A_240 = vector.shape_cast %parallel_loop3A_239 : vector<1x16xf32> to vector<16xf32>
        %parallel_loop3A_241 = arith.mulf %parallel_loop3A_240, %get3A_126 : vector<16xf32>
        %parallel_loop3A_242 = arith.index_cast %parallel_loop3A_236 : i32 to index
        %parallel_loop3A_243 = arith.constant 16 : index
        %parallel_loop3A_244 = tpu.vector_load %arg13[%parallel_loop3A_242, %parallel_loop3A_243] {strides = array<i32>} : memref<256x64xf32, #tpu.memory_space<vmem>>, vector<1x16xf32>,
        %parallel_loop3A_245 = vector.shape_cast %parallel_loop3A_244 : vector<1x16xf32> to vector<16xf32>
        %parallel_loop3A_246 = arith.mulf %parallel_loop3A_245, %get3A_130 : vector<16xf32>
        %parallel_loop3A_247 = arith.addf %parallel_loop3A_241, %parallel_loop3A_246 : vector<16xf32>
        %parallel_loop3A_248 = arith.index_cast %parallel_loop3A_236 : i32 to index
        %parallel_loop3A_249 = arith.constant 32 : index
        %parallel_loop3A_250 = tpu.vector_load %arg13[%parallel_loop3A_248, %parallel_loop3A_249] {strides = array<i32>} : memref<256x64xf32, #tpu.memory_space<vmem>>, vector<1x16xf32>,
        %parallel_loop3A_251 = vector.shape_cast %parallel_loop3A_250 : vector<1x16xf32> to vector<16xf32>
        %parallel_loop3A_252 = arith.mulf %parallel_loop3A_251, %get3A_134 : vector<16xf32>
        %parallel_loop3A_253 = arith.addf %parallel_loop3A_247, %parallel_loop3A_252 : vector<16xf32>
        %parallel_loop3A_254 = arith.index_cast %parallel_loop3A_236 : i32 to index
        %parallel_loop3A_255 = arith.constant 48 : index
        %parallel_loop3A_256 = tpu.vector_load %arg13[%parallel_loop3A_254, %parallel_loop3A_255] {strides = array<i32>} : memref<256x64xf32, #tpu.memory_space<vmem>>, vector<1x16xf32>,
        %parallel_loop3A_257 = vector.shape_cast %parallel_loop3A_256 : vector<1x16xf32> to vector<16xf32>
        %parallel_loop3A_258 = arith.mulf %parallel_loop3A_257, %get3A_138 : vector<16xf32>
        %parallel_loop3A_259 = arith.addf %parallel_loop3A_253, %parallel_loop3A_258 : vector<16xf32>
        %parallel_loop3A_260 = arith.constant 3 : i32
        %parallel_loop3A_261 = arith.addi %parallel_loop3A_184, %parallel_loop3A_260 : i32
        %parallel_loop3A_262 = arith.index_cast %parallel_loop3A_261 : i32 to index
        %parallel_loop3A_263 = arith.constant 0 : index
        %parallel_loop3A_264 = tpu.vector_load %arg13[%parallel_loop3A_262, %parallel_loop3A_263] {strides = array<i32>} : memref<256x64xf32, #tpu.memory_space<vmem>>, vector<1x16xf32>,
        %parallel_loop3A_265 = vector.shape_cast %parallel_loop3A_264 : vector<1x16xf32> to vector<16xf32>
        %parallel_loop3A_266 = arith.mulf %parallel_loop3A_265, %get3A_126 : vector<16xf32>
        %parallel_loop3A_267 = arith.index_cast %parallel_loop3A_261 : i32 to index
        %parallel_loop3A_268 = arith.constant 16 : index
        %parallel_loop3A_269 = tpu.vector_load %arg13[%parallel_loop3A_267, %parallel_loop3A_268] {strides = array<i32>} : memref<256x64xf32, #tpu.memory_space<vmem>>, vector<1x16xf32>,
        %parallel_loop3A_270 = vector.shape_cast %parallel_loop3A_269 : vector<1x16xf32> to vector<16xf32>
        %parallel_loop3A_271 = arith.mulf %parallel_loop3A_270, %get3A_130 : vector<16xf32>
        %parallel_loop3A_272 = arith.addf %parallel_loop3A_266, %parallel_loop3A_271 : vector<16xf32>
        %parallel_loop3A_273 = arith.index_cast %parallel_loop3A_261 : i32 to index
        %parallel_loop3A_274 = arith.constant 32 : index
        %parallel_loop3A_275 = tpu.vector_load %arg13[%parallel_loop3A_273, %parallel_loop3A_274] {strides = array<i32>} : memref<256x64xf32, #tpu.memory_space<vmem>>, vector<1x16xf32>,
        %parallel_loop3A_276 = vector.shape_cast %parallel_loop3A_275 : vector<1x16xf32> to vector<16xf32>
        %parallel_loop3A_277 = arith.mulf %parallel_loop3A_276, %get3A_134 : vector<16xf32>
        %parallel_loop3A_278 = arith.addf %parallel_loop3A_272, %parallel_loop3A_277 : vector<16xf32>
        %parallel_loop3A_279 = arith.index_cast %parallel_loop3A_261 : i32 to index
        %parallel_loop3A_280 = arith.constant 48 : index
        %parallel_loop3A_281 = tpu.vector_load %arg13[%parallel_loop3A_279, %parallel_loop3A_280] {strides = array<i32>} : memref<256x64xf32, #tpu.memory_space<vmem>>, vector<1x16xf32>,
        %parallel_loop3A_282 = vector.shape_cast %parallel_loop3A_281 : vector<1x16xf32> to vector<16xf32>
        %parallel_loop3A_283 = arith.mulf %parallel_loop3A_282, %get3A_138 : vector<16xf32>
        %parallel_loop3A_284 = arith.addf %parallel_loop3A_278, %parallel_loop3A_283 : vector<16xf32>
        %parallel_loop3A_285 = arith.constant 4 : i32
        %parallel_loop3A_286 = arith.addi %parallel_loop3A_184, %parallel_loop3A_285 : i32
        %parallel_loop3A_287 = arith.index_cast %parallel_loop3A_286 : i32 to index
        %parallel_loop3A_288 = arith.constant 0 : index
        %parallel_loop3A_289 = tpu.vector_load %arg13[%parallel_loop3A_287, %parallel_loop3A_288] {strides = array<i32>} : memref<256x64xf32, #tpu.memory_space<vmem>>, vector<1x16xf32>,
        %parallel_loop3A_290 = vector.shape_cast %parallel_loop3A_289 : vector<1x16xf32> to vector<16xf32>
        %parallel_loop3A_291 = arith.mulf %parallel_loop3A_290, %get3A_126 : vector<16xf32>
        %parallel_loop3A_292 = arith.index_cast %parallel_loop3A_286 : i32 to index
        %parallel_loop3A_293 = arith.constant 16 : index
        %parallel_loop3A_294 = tpu.vector_load %arg13[%parallel_loop3A_292, %parallel_loop3A_293] {strides = array<i32>} : memref<256x64xf32, #tpu.memory_space<vmem>>, vector<1x16xf32>,
        %parallel_loop3A_295 = vector.shape_cast %parallel_loop3A_294 : vector<1x16xf32> to vector<16xf32>
        %parallel_loop3A_296 = arith.mulf %parallel_loop3A_295, %get3A_130 : vector<16xf32>
        %parallel_loop3A_297 = arith.addf %parallel_loop3A_291, %parallel_loop3A_296 : vector<16xf32>
        %parallel_loop3A_298 = arith.index_cast %parallel_loop3A_286 : i32 to index
        %parallel_loop3A_299 = arith.constant 32 : index
        %parallel_loop3A_300 = tpu.vector_load %arg13[%parallel_loop3A_298, %parallel_loop3A_299] {strides = array<i32>} : memref<256x64xf32, #tpu.memory_space<vmem>>, vector<1x16xf32>,
        %parallel_loop3A_301 = vector.shape_cast %parallel_loop3A_300 : vector<1x16xf32> to vector<16xf32>
        %parallel_loop3A_302 = arith.mulf %parallel_loop3A_301, %get3A_134 : vector<16xf32>
        %parallel_loop3A_303 = arith.addf %parallel_loop3A_297, %parallel_loop3A_302 : vector<16xf32>
        %parallel_loop3A_304 = arith.index_cast %parallel_loop3A_286 : i32 to index
        %parallel_loop3A_305 = arith.constant 48 : index
        %parallel_loop3A_306 = tpu.vector_load %arg13[%parallel_loop3A_304, %parallel_loop3A_305] {strides = array<i32>} : memref<256x64xf32, #tpu.memory_space<vmem>>, vector<1x16xf32>,
        %parallel_loop3A_307 = vector.shape_cast %parallel_loop3A_306 : vector<1x16xf32> to vector<16xf32>
        %parallel_loop3A_308 = arith.mulf %parallel_loop3A_307, %get3A_138 : vector<16xf32>
        %parallel_loop3A_309 = arith.addf %parallel_loop3A_303, %parallel_loop3A_308 : vector<16xf32>
        %parallel_loop3A_310 = arith.constant 5 : i32
        %parallel_loop3A_311 = arith.addi %parallel_loop3A_184, %parallel_loop3A_310 : i32
        %parallel_loop3A_312 = arith.index_cast %parallel_loop3A_311 : i32 to index
        %parallel_loop3A_313 = arith.constant 0 : index
        %parallel_loop3A_314 = tpu.vector_load %arg13[%parallel_loop3A_312, %parallel_loop3A_313] {strides = array<i32>} : memref<256x64xf32, #tpu.memory_space<vmem>>, vector<1x16xf32>,
        %parallel_loop3A_315 = vector.shape_cast %parallel_loop3A_314 : vector<1x16xf32> to vector<16xf32>
        %parallel_loop3A_316 = arith.mulf %parallel_loop3A_315, %get3A_126 : vector<16xf32>
        %parallel_loop3A_317 = arith.index_cast %parallel_loop3A_311 : i32 to index
        %parallel_loop3A_318 = arith.constant 16 : index
        %parallel_loop3A_319 = tpu.vector_load %arg13[%parallel_loop3A_317, %parallel_loop3A_318] {strides = array<i32>} : memref<256x64xf32, #tpu.memory_space<vmem>>, vector<1x16xf32>,
        %parallel_loop3A_320 = vector.shape_cast %parallel_loop3A_319 : vector<1x16xf32> to vector<16xf32>
        %parallel_loop3A_321 = arith.mulf %parallel_loop3A_320, %get3A_130 : vector<16xf32>
        %parallel_loop3A_322 = arith.addf %parallel_loop3A_316, %parallel_loop3A_321 : vector<16xf32>
        %parallel_loop3A_323 = arith.index_cast %parallel_loop3A_311 : i32 to index
        %parallel_loop3A_324 = arith.constant 32 : index
        %parallel_loop3A_325 = tpu.vector_load %arg13[%parallel_loop3A_323, %parallel_loop3A_324] {strides = array<i32>} : memref<256x64xf32, #tpu.memory_space<vmem>>, vector<1x16xf32>,
        %parallel_loop3A_326 = vector.shape_cast %parallel_loop3A_325 : vector<1x16xf32> to vector<16xf32>
        %parallel_loop3A_327 = arith.mulf %parallel_loop3A_326, %get3A_134 : vector<16xf32>
        %parallel_loop3A_328 = arith.addf %parallel_loop3A_322, %parallel_loop3A_327 : vector<16xf32>
        %parallel_loop3A_329 = arith.index_cast %parallel_loop3A_311 : i32 to index
        %parallel_loop3A_330 = arith.constant 48 : index
        %parallel_loop3A_331 = tpu.vector_load %arg13[%parallel_loop3A_329, %parallel_loop3A_330] {strides = array<i32>} : memref<256x64xf32, #tpu.memory_space<vmem>>, vector<1x16xf32>,
        %parallel_loop3A_332 = vector.shape_cast %parallel_loop3A_331 : vector<1x16xf32> to vector<16xf32>
        %parallel_loop3A_333 = arith.mulf %parallel_loop3A_332, %get3A_138 : vector<16xf32>
        %parallel_loop3A_334 = arith.addf %parallel_loop3A_328, %parallel_loop3A_333 : vector<16xf32>
        %parallel_loop3A_335 = arith.constant 6 : i32
        %parallel_loop3A_336 = arith.addi %parallel_loop3A_184, %parallel_loop3A_335 : i32
        %parallel_loop3A_337 = arith.index_cast %parallel_loop3A_336 : i32 to index
        %parallel_loop3A_338 = arith.constant 0 : index
        %parallel_loop3A_339 = tpu.vector_load %arg13[%parallel_loop3A_337, %parallel_loop3A_338] {strides = array<i32>} : memref<256x64xf32, #tpu.memory_space<vmem>>, vector<1x16xf32>,
        %parallel_loop3A_340 = vector.shape_cast %parallel_loop3A_339 : vector<1x16xf32> to vector<16xf32>
        %parallel_loop3A_341 = arith.mulf %parallel_loop3A_340, %get3A_126 : vector<16xf32>
        %parallel_loop3A_342 = arith.index_cast %parallel_loop3A_336 : i32 to index
        %parallel_loop3A_343 = arith.constant 16 : index
        %parallel_loop3A_344 = tpu.vector_load %arg13[%parallel_loop3A_342, %parallel_loop3A_343] {strides = array<i32>} : memref<256x64xf32, #tpu.memory_space<vmem>>, vector<1x16xf32>,
        %parallel_loop3A_345 = vector.shape_cast %parallel_loop3A_344 : vector<1x16xf32> to vector<16xf32>
        %parallel_loop3A_346 = arith.mulf %parallel_loop3A_345, %get3A_130 : vector<16xf32>
        %parallel_loop3A_347 = arith.addf %parallel_loop3A_341, %parallel_loop3A_346 : vector<16xf32>
        %parallel_loop3A_348 = arith.index_cast %parallel_loop3A_336 : i32 to index
        %parallel_loop3A_349 = arith.constant 32 : index
        %parallel_loop3A_350 = tpu.vector_load %arg13[%parallel_loop3A_348, %parallel_loop3A_349] {strides = array<i32>} : memref<256x64xf32, #tpu.memory_space<vmem>>, vector<1x16xf32>,
        %parallel_loop3A_351 = vector.shape_cast %parallel_loop3A_350 : vector<1x16xf32> to vector<16xf32>
        %parallel_loop3A_352 = arith.mulf %parallel_loop3A_351, %get3A_134 : vector<16xf32>
        %parallel_loop3A_353 = arith.addf %parallel_loop3A_347, %parallel_loop3A_352 : vector<16xf32>
        %parallel_loop3A_354 = arith.index_cast %parallel_loop3A_336 : i32 to index
        %parallel_loop3A_355 = arith.constant 48 : index
        %parallel_loop3A_356 = tpu.vector_load %arg13[%parallel_loop3A_354, %parallel_loop3A_355] {strides = array<i32>} : memref<256x64xf32, #tpu.memory_space<vmem>>, vector<1x16xf32>,
        %parallel_loop3A_357 = vector.shape_cast %parallel_loop3A_356 : vector<1x16xf32> to vector<16xf32>
        %parallel_loop3A_358 = arith.mulf %parallel_loop3A_357, %get3A_138 : vector<16xf32>
        %parallel_loop3A_359 = arith.addf %parallel_loop3A_353, %parallel_loop3A_358 : vector<16xf32>
        %parallel_loop3A_360 = arith.constant 7 : i32
        %parallel_loop3A_361 = arith.addi %parallel_loop3A_184, %parallel_loop3A_360 : i32
        %parallel_loop3A_362 = arith.index_cast %parallel_loop3A_361 : i32 to index
        %parallel_loop3A_363 = arith.constant 0 : index
        %parallel_loop3A_364 = tpu.vector_load %arg13[%parallel_loop3A_362, %parallel_loop3A_363] {strides = array<i32>} : memref<256x64xf32, #tpu.memory_space<vmem>>, vector<1x16xf32>,
        %parallel_loop3A_365 = vector.shape_cast %parallel_loop3A_364 : vector<1x16xf32> to vector<16xf32>
        %parallel_loop3A_366 = arith.mulf %parallel_loop3A_365, %get3A_126 : vector<16xf32>
        %parallel_loop3A_367 = arith.index_cast %parallel_loop3A_361 : i32 to index
        %parallel_loop3A_368 = arith.constant 16 : index
        %parallel_loop3A_369 = tpu.vector_load %arg13[%parallel_loop3A_367, %parallel_loop3A_368] {strides = array<i32>} : memref<256x64xf32, #tpu.memory_space<vmem>>, vector<1x16xf32>,
        %parallel_loop3A_370 = vector.shape_cast %parallel_loop3A_369 : vector<1x16xf32> to vector<16xf32>
        %parallel_loop3A_371 = arith.mulf %parallel_loop3A_370, %get3A_130 : vector<16xf32>
        %parallel_loop3A_372 = arith.addf %parallel_loop3A_366, %parallel_loop3A_371 : vector<16xf32>
        %parallel_loop3A_373 = arith.index_cast %parallel_loop3A_361 : i32 to index
        %parallel_loop3A_374 = arith.constant 32 : index
        %parallel_loop3A_375 = tpu.vector_load %arg13[%parallel_loop3A_373, %parallel_loop3A_374] {strides = array<i32>} : memref<256x64xf32, #tpu.memory_space<vmem>>, vector<1x16xf32>,
        %parallel_loop3A_376 = vector.shape_cast %parallel_loop3A_375 : vector<1x16xf32> to vector<16xf32>
        %parallel_loop3A_377 = arith.mulf %parallel_loop3A_376, %get3A_134 : vector<16xf32>
        %parallel_loop3A_378 = arith.addf %parallel_loop3A_372, %parallel_loop3A_377 : vector<16xf32>
        %parallel_loop3A_379 = arith.index_cast %parallel_loop3A_361 : i32 to index
        %parallel_loop3A_380 = arith.constant 48 : index
        %parallel_loop3A_381 = tpu.vector_load %arg13[%parallel_loop3A_379, %parallel_loop3A_380] {strides = array<i32>} : memref<256x64xf32, #tpu.memory_space<vmem>>, vector<1x16xf32>,
        %parallel_loop3A_382 = vector.shape_cast %parallel_loop3A_381 : vector<1x16xf32> to vector<16xf32>
        %parallel_loop3A_383 = arith.mulf %parallel_loop3A_382, %get3A_138 : vector<16xf32>
        %parallel_loop3A_384 = arith.addf %parallel_loop3A_378, %parallel_loop3A_383 : vector<16xf32>
        %parallel_loop3A_385 = arith.constant 8 : i32
        %parallel_loop3A_386 = arith.addi %parallel_loop3A_184, %parallel_loop3A_385 : i32
        %parallel_loop3A_387 = arith.index_cast %parallel_loop3A_386 : i32 to index
        %parallel_loop3A_388 = arith.constant 0 : index
        %parallel_loop3A_389 = tpu.vector_load %arg13[%parallel_loop3A_387, %parallel_loop3A_388] {strides = array<i32>} : memref<256x64xf32, #tpu.memory_space<vmem>>, vector<1x16xf32>,
        %parallel_loop3A_390 = vector.shape_cast %parallel_loop3A_389 : vector<1x16xf32> to vector<16xf32>
        %parallel_loop3A_391 = arith.mulf %parallel_loop3A_390, %get3A_126 : vector<16xf32>
        %parallel_loop3A_392 = arith.index_cast %parallel_loop3A_386 : i32 to index
        %parallel_loop3A_393 = arith.constant 16 : index
        %parallel_loop3A_394 = tpu.vector_load %arg13[%parallel_loop3A_392, %parallel_loop3A_393] {strides = array<i32>} : memref<256x64xf32, #tpu.memory_space<vmem>>, vector<1x16xf32>,
        %parallel_loop3A_395 = vector.shape_cast %parallel_loop3A_394 : vector<1x16xf32> to vector<16xf32>
        %parallel_loop3A_396 = arith.mulf %parallel_loop3A_395, %get3A_130 : vector<16xf32>
        %parallel_loop3A_397 = arith.addf %parallel_loop3A_391, %parallel_loop3A_396 : vector<16xf32>
        %parallel_loop3A_398 = arith.index_cast %parallel_loop3A_386 : i32 to index
        %parallel_loop3A_399 = arith.constant 32 : index
        %parallel_loop3A_400 = tpu.vector_load %arg13[%parallel_loop3A_398, %parallel_loop3A_399] {strides = array<i32>} : memref<256x64xf32, #tpu.memory_space<vmem>>, vector<1x16xf32>,
        %parallel_loop3A_401 = vector.shape_cast %parallel_loop3A_400 : vector<1x16xf32> to vector<16xf32>
        %parallel_loop3A_402 = arith.mulf %parallel_loop3A_401, %get3A_134 : vector<16xf32>
        %parallel_loop3A_403 = arith.addf %parallel_loop3A_397, %parallel_loop3A_402 : vector<16xf32>
        %parallel_loop3A_404 = arith.index_cast %parallel_loop3A_386 : i32 to index
        %parallel_loop3A_405 = arith.constant 48 : index
        %parallel_loop3A_406 = tpu.vector_load %arg13[%parallel_loop3A_404, %parallel_loop3A_405] {strides = array<i32>} : memref<256x64xf32, #tpu.memory_space<vmem>>, vector<1x16xf32>,
        %parallel_loop3A_407 = vector.shape_cast %parallel_loop3A_406 : vector<1x16xf32> to vector<16xf32>
        %parallel_loop3A_408 = arith.mulf %parallel_loop3A_407, %get3A_138 : vector<16xf32>
        %parallel_loop3A_409 = arith.addf %parallel_loop3A_403, %parallel_loop3A_408 : vector<16xf32>
        %parallel_loop3A_410 = arith.constant 9 : i32
        %parallel_loop3A_411 = arith.addi %parallel_loop3A_184, %parallel_loop3A_410 : i32
        %parallel_loop3A_412 = arith.index_cast %parallel_loop3A_411 : i32 to index
        %parallel_loop3A_413 = arith.constant 0 : index
        %parallel_loop3A_414 = tpu.vector_load %arg13[%parallel_loop3A_412, %parallel_loop3A_413] {strides = array<i32>} : memref<256x64xf32, #tpu.memory_space<vmem>>, vector<1x16xf32>,
        %parallel_loop3A_415 = vector.shape_cast %parallel_loop3A_414 : vector<1x16xf32> to vector<16xf32>
        %parallel_loop3A_416 = arith.mulf %parallel_loop3A_415, %get3A_126 : vector<16xf32>
        %parallel_loop3A_417 = arith.index_cast %parallel_loop3A_411 : i32 to index
        %parallel_loop3A_418 = arith.constant 16 : index
        %parallel_loop3A_419 = tpu.vector_load %arg13[%parallel_loop3A_417, %parallel_loop3A_418] {strides = array<i32>} : memref<256x64xf32, #tpu.memory_space<vmem>>, vector<1x16xf32>,
        %parallel_loop3A_420 = vector.shape_cast %parallel_loop3A_419 : vector<1x16xf32> to vector<16xf32>
        %parallel_loop3A_421 = arith.mulf %parallel_loop3A_420, %get3A_130 : vector<16xf32>
        %parallel_loop3A_422 = arith.addf %parallel_loop3A_416, %parallel_loop3A_421 : vector<16xf32>
        %parallel_loop3A_423 = arith.index_cast %parallel_loop3A_411 : i32 to index
        %parallel_loop3A_424 = arith.constant 32 : index
        %parallel_loop3A_425 = tpu.vector_load %arg13[%parallel_loop3A_423, %parallel_loop3A_424] {strides = array<i32>} : memref<256x64xf32, #tpu.memory_space<vmem>>, vector<1x16xf32>,
        %parallel_loop3A_426 = vector.shape_cast %parallel_loop3A_425 : vector<1x16xf32> to vector<16xf32>
        %parallel_loop3A_427 = arith.mulf %parallel_loop3A_426, %get3A_134 : vector<16xf32>
        %parallel_loop3A_428 = arith.addf %parallel_loop3A_422, %parallel_loop3A_427 : vector<16xf32>
        %parallel_loop3A_429 = arith.index_cast %parallel_loop3A_411 : i32 to index
        %parallel_loop3A_430 = arith.constant 48 : index
        %parallel_loop3A_431 = tpu.vector_load %arg13[%parallel_loop3A_429, %parallel_loop3A_430] {strides = array<i32>} : memref<256x64xf32, #tpu.memory_space<vmem>>, vector<1x16xf32>,
        %parallel_loop3A_432 = vector.shape_cast %parallel_loop3A_431 : vector<1x16xf32> to vector<16xf32>
        %parallel_loop3A_433 = arith.mulf %parallel_loop3A_432, %get3A_138 : vector<16xf32>
        %parallel_loop3A_434 = arith.addf %parallel_loop3A_428, %parallel_loop3A_433 : vector<16xf32>
        %parallel_loop3A_435 = arith.constant 10 : i32
        %parallel_loop3A_436 = arith.addi %parallel_loop3A_184, %parallel_loop3A_435 : i32
        %parallel_loop3A_437 = arith.index_cast %parallel_loop3A_436 : i32 to index
        %parallel_loop3A_438 = arith.constant 0 : index
        %parallel_loop3A_439 = tpu.vector_load %arg13[%parallel_loop3A_437, %parallel_loop3A_438] {strides = array<i32>} : memref<256x64xf32, #tpu.memory_space<vmem>>, vector<1x16xf32>,
        %parallel_loop3A_440 = vector.shape_cast %parallel_loop3A_439 : vector<1x16xf32> to vector<16xf32>
        %parallel_loop3A_441 = arith.mulf %parallel_loop3A_440, %get3A_126 : vector<16xf32>
        %parallel_loop3A_442 = arith.index_cast %parallel_loop3A_436 : i32 to index
        %parallel_loop3A_443 = arith.constant 16 : index
        %parallel_loop3A_444 = tpu.vector_load %arg13[%parallel_loop3A_442, %parallel_loop3A_443] {strides = array<i32>} : memref<256x64xf32, #tpu.memory_space<vmem>>, vector<1x16xf32>,
        %parallel_loop3A_445 = vector.shape_cast %parallel_loop3A_444 : vector<1x16xf32> to vector<16xf32>
        %parallel_loop3A_446 = arith.mulf %parallel_loop3A_445, %get3A_130 : vector<16xf32>
        %parallel_loop3A_447 = arith.addf %parallel_loop3A_441, %parallel_loop3A_446 : vector<16xf32>
        %parallel_loop3A_448 = arith.index_cast %parallel_loop3A_436 : i32 to index
        %parallel_loop3A_449 = arith.constant 32 : index
        %parallel_loop3A_450 = tpu.vector_load %arg13[%parallel_loop3A_448, %parallel_loop3A_449] {strides = array<i32>} : memref<256x64xf32, #tpu.memory_space<vmem>>, vector<1x16xf32>,
        %parallel_loop3A_451 = vector.shape_cast %parallel_loop3A_450 : vector<1x16xf32> to vector<16xf32>
        %parallel_loop3A_452 = arith.mulf %parallel_loop3A_451, %get3A_134 : vector<16xf32>
        %parallel_loop3A_453 = arith.addf %parallel_loop3A_447, %parallel_loop3A_452 : vector<16xf32>
        %parallel_loop3A_454 = arith.index_cast %parallel_loop3A_436 : i32 to index
        %parallel_loop3A_455 = arith.constant 48 : index
        %parallel_loop3A_456 = tpu.vector_load %arg13[%parallel_loop3A_454, %parallel_loop3A_455] {strides = array<i32>} : memref<256x64xf32, #tpu.memory_space<vmem>>, vector<1x16xf32>,
        %parallel_loop3A_457 = vector.shape_cast %parallel_loop3A_456 : vector<1x16xf32> to vector<16xf32>
        %parallel_loop3A_458 = arith.mulf %parallel_loop3A_457, %get3A_138 : vector<16xf32>
        %parallel_loop3A_459 = arith.addf %parallel_loop3A_453, %parallel_loop3A_458 : vector<16xf32>
        %parallel_loop3A_460 = arith.constant 11 : i32
        %parallel_loop3A_461 = arith.addi %parallel_loop3A_184, %parallel_loop3A_460 : i32
        %parallel_loop3A_462 = arith.index_cast %parallel_loop3A_461 : i32 to index
        %parallel_loop3A_463 = arith.constant 0 : index
        %parallel_loop3A_464 = tpu.vector_load %arg13[%parallel_loop3A_462, %parallel_loop3A_463] {strides = array<i32>} : memref<256x64xf32, #tpu.memory_space<vmem>>, vector<1x16xf32>,
        %parallel_loop3A_465 = vector.shape_cast %parallel_loop3A_464 : vector<1x16xf32> to vector<16xf32>
        %parallel_loop3A_466 = arith.mulf %parallel_loop3A_465, %get3A_126 : vector<16xf32>
        %parallel_loop3A_467 = arith.index_cast %parallel_loop3A_461 : i32 to index
        %parallel_loop3A_468 = arith.constant 16 : index
        %parallel_loop3A_469 = tpu.vector_load %arg13[%parallel_loop3A_467, %parallel_loop3A_468] {strides = array<i32>} : memref<256x64xf32, #tpu.memory_space<vmem>>, vector<1x16xf32>,
        %parallel_loop3A_470 = vector.shape_cast %parallel_loop3A_469 : vector<1x16xf32> to vector<16xf32>
        %parallel_loop3A_471 = arith.mulf %parallel_loop3A_470, %get3A_130 : vector<16xf32>
        %parallel_loop3A_472 = arith.addf %parallel_loop3A_466, %parallel_loop3A_471 : vector<16xf32>
        %parallel_loop3A_473 = arith.index_cast %parallel_loop3A_461 : i32 to index
        %parallel_loop3A_474 = arith.constant 32 : index
        %parallel_loop3A_475 = tpu.vector_load %arg13[%parallel_loop3A_473, %parallel_loop3A_474] {strides = array<i32>} : memref<256x64xf32, #tpu.memory_space<vmem>>, vector<1x16xf32>,
        %parallel_loop3A_476 = vector.shape_cast %parallel_loop3A_475 : vector<1x16xf32> to vector<16xf32>
        %parallel_loop3A_477 = arith.mulf %parallel_loop3A_476, %get3A_134 : vector<16xf32>
        %parallel_loop3A_478 = arith.addf %parallel_loop3A_472, %parallel_loop3A_477 : vector<16xf32>
        %parallel_loop3A_479 = arith.index_cast %parallel_loop3A_461 : i32 to index
        %parallel_loop3A_480 = arith.constant 48 : index
        %parallel_loop3A_481 = tpu.vector_load %arg13[%parallel_loop3A_479, %parallel_loop3A_480] {strides = array<i32>} : memref<256x64xf32, #tpu.memory_space<vmem>>, vector<1x16xf32>,
        %parallel_loop3A_482 = vector.shape_cast %parallel_loop3A_481 : vector<1x16xf32> to vector<16xf32>
        %parallel_loop3A_483 = arith.mulf %parallel_loop3A_482, %get3A_138 : vector<16xf32>
        %parallel_loop3A_484 = arith.addf %parallel_loop3A_478, %parallel_loop3A_483 : vector<16xf32>
        %parallel_loop3A_485 = arith.constant 12 : i32
        %parallel_loop3A_486 = arith.addi %parallel_loop3A_184, %parallel_loop3A_485 : i32
        %parallel_loop3A_487 = arith.index_cast %parallel_loop3A_486 : i32 to index
        %parallel_loop3A_488 = arith.constant 0 : index
        %parallel_loop3A_489 = tpu.vector_load %arg13[%parallel_loop3A_487, %parallel_loop3A_488] {strides = array<i32>} : memref<256x64xf32, #tpu.memory_space<vmem>>, vector<1x16xf32>,
        %parallel_loop3A_490 = vector.shape_cast %parallel_loop3A_489 : vector<1x16xf32> to vector<16xf32>
        %parallel_loop3A_491 = arith.mulf %parallel_loop3A_490, %get3A_126 : vector<16xf32>
        %parallel_loop3A_492 = arith.index_cast %parallel_loop3A_486 : i32 to index
        %parallel_loop3A_493 = arith.constant 16 : index
        %parallel_loop3A_494 = tpu.vector_load %arg13[%parallel_loop3A_492, %parallel_loop3A_493] {strides = array<i32>} : memref<256x64xf32, #tpu.memory_space<vmem>>, vector<1x16xf32>,
        %parallel_loop3A_495 = vector.shape_cast %parallel_loop3A_494 : vector<1x16xf32> to vector<16xf32>
        %parallel_loop3A_496 = arith.mulf %parallel_loop3A_495, %get3A_130 : vector<16xf32>
        %parallel_loop3A_497 = arith.addf %parallel_loop3A_491, %parallel_loop3A_496 : vector<16xf32>
        %parallel_loop3A_498 = arith.index_cast %parallel_loop3A_486 : i32 to index
        %parallel_loop3A_499 = arith.constant 32 : index
        %parallel_loop3A_500 = tpu.vector_load %arg13[%parallel_loop3A_498, %parallel_loop3A_499] {strides = array<i32>} : memref<256x64xf32, #tpu.memory_space<vmem>>, vector<1x16xf32>,
        %parallel_loop3A_501 = vector.shape_cast %parallel_loop3A_500 : vector<1x16xf32> to vector<16xf32>
        %parallel_loop3A_502 = arith.mulf %parallel_loop3A_501, %get3A_134 : vector<16xf32>
        %parallel_loop3A_503 = arith.addf %parallel_loop3A_497, %parallel_loop3A_502 : vector<16xf32>
        %parallel_loop3A_504 = arith.index_cast %parallel_loop3A_486 : i32 to index
        %parallel_loop3A_505 = arith.constant 48 : index
        %parallel_loop3A_506 = tpu.vector_load %arg13[%parallel_loop3A_504, %parallel_loop3A_505] {strides = array<i32>} : memref<256x64xf32, #tpu.memory_space<vmem>>, vector<1x16xf32>,
        %parallel_loop3A_507 = vector.shape_cast %parallel_loop3A_506 : vector<1x16xf32> to vector<16xf32>
        %parallel_loop3A_508 = arith.mulf %parallel_loop3A_507, %get3A_138 : vector<16xf32>
        %parallel_loop3A_509 = arith.addf %parallel_loop3A_503, %parallel_loop3A_508 : vector<16xf32>
        %parallel_loop3A_510 = arith.constant 13 : i32
        %parallel_loop3A_511 = arith.addi %parallel_loop3A_184, %parallel_loop3A_510 : i32
        %parallel_loop3A_512 = arith.index_cast %parallel_loop3A_511 : i32 to index
        %parallel_loop3A_513 = arith.constant 0 : index
        %parallel_loop3A_514 = tpu.vector_load %arg13[%parallel_loop3A_512, %parallel_loop3A_513] {strides = array<i32>} : memref<256x64xf32, #tpu.memory_space<vmem>>, vector<1x16xf32>,
        %parallel_loop3A_515 = vector.shape_cast %parallel_loop3A_514 : vector<1x16xf32> to vector<16xf32>
        %parallel_loop3A_516 = arith.mulf %parallel_loop3A_515, %get3A_126 : vector<16xf32>
        %parallel_loop3A_517 = arith.index_cast %parallel_loop3A_511 : i32 to index
        %parallel_loop3A_518 = arith.constant 16 : index
        %parallel_loop3A_519 = tpu.vector_load %arg13[%parallel_loop3A_517, %parallel_loop3A_518] {strides = array<i32>} : memref<256x64xf32, #tpu.memory_space<vmem>>, vector<1x16xf32>,
        %parallel_loop3A_520 = vector.shape_cast %parallel_loop3A_519 : vector<1x16xf32> to vector<16xf32>
        %parallel_loop3A_521 = arith.mulf %parallel_loop3A_520, %get3A_130 : vector<16xf32>
        %parallel_loop3A_522 = arith.addf %parallel_loop3A_516, %parallel_loop3A_521 : vector<16xf32>
        %parallel_loop3A_523 = arith.index_cast %parallel_loop3A_511 : i32 to index
        %parallel_loop3A_524 = arith.constant 32 : index
        %parallel_loop3A_525 = tpu.vector_load %arg13[%parallel_loop3A_523, %parallel_loop3A_524] {strides = array<i32>} : memref<256x64xf32, #tpu.memory_space<vmem>>, vector<1x16xf32>,
        %parallel_loop3A_526 = vector.shape_cast %parallel_loop3A_525 : vector<1x16xf32> to vector<16xf32>
        %parallel_loop3A_527 = arith.mulf %parallel_loop3A_526, %get3A_134 : vector<16xf32>
        %parallel_loop3A_528 = arith.addf %parallel_loop3A_522, %parallel_loop3A_527 : vector<16xf32>
        %parallel_loop3A_529 = arith.index_cast %parallel_loop3A_511 : i32 to index
        %parallel_loop3A_530 = arith.constant 48 : index
        %parallel_loop3A_531 = tpu.vector_load %arg13[%parallel_loop3A_529, %parallel_loop3A_530] {strides = array<i32>} : memref<256x64xf32, #tpu.memory_space<vmem>>, vector<1x16xf32>,
        %parallel_loop3A_532 = vector.shape_cast %parallel_loop3A_531 : vector<1x16xf32> to vector<16xf32>
        %parallel_loop3A_533 = arith.mulf %parallel_loop3A_532, %get3A_138 : vector<16xf32>
        %parallel_loop3A_534 = arith.addf %parallel_loop3A_528, %parallel_loop3A_533 : vector<16xf32>
        %parallel_loop3A_535 = arith.constant 14 : i32
        %parallel_loop3A_536 = arith.addi %parallel_loop3A_184, %parallel_loop3A_535 : i32
        %parallel_loop3A_537 = arith.index_cast %parallel_loop3A_536 : i32 to index
        %parallel_loop3A_538 = arith.constant 0 : index
        %parallel_loop3A_539 = tpu.vector_load %arg13[%parallel_loop3A_537, %parallel_loop3A_538] {strides = array<i32>} : memref<256x64xf32, #tpu.memory_space<vmem>>, vector<1x16xf32>,
        %parallel_loop3A_540 = vector.shape_cast %parallel_loop3A_539 : vector<1x16xf32> to vector<16xf32>
        %parallel_loop3A_541 = arith.mulf %parallel_loop3A_540, %get3A_126 : vector<16xf32>
        %parallel_loop3A_542 = arith.index_cast %parallel_loop3A_536 : i32 to index
        %parallel_loop3A_543 = arith.constant 16 : index
        %parallel_loop3A_544 = tpu.vector_load %arg13[%parallel_loop3A_542, %parallel_loop3A_543] {strides = array<i32>} : memref<256x64xf32, #tpu.memory_space<vmem>>, vector<1x16xf32>,
        %parallel_loop3A_545 = vector.shape_cast %parallel_loop3A_544 : vector<1x16xf32> to vector<16xf32>
        %parallel_loop3A_546 = arith.mulf %parallel_loop3A_545, %get3A_130 : vector<16xf32>
        %parallel_loop3A_547 = arith.addf %parallel_loop3A_541, %parallel_loop3A_546 : vector<16xf32>
        %parallel_loop3A_548 = arith.index_cast %parallel_loop3A_536 : i32 to index
        %parallel_loop3A_549 = arith.constant 32 : index
        %parallel_loop3A_550 = tpu.vector_load %arg13[%parallel_loop3A_548, %parallel_loop3A_549] {strides = array<i32>} : memref<256x64xf32, #tpu.memory_space<vmem>>, vector<1x16xf32>,
        %parallel_loop3A_551 = vector.shape_cast %parallel_loop3A_550 : vector<1x16xf32> to vector<16xf32>
        %parallel_loop3A_552 = arith.mulf %parallel_loop3A_551, %get3A_134 : vector<16xf32>
        %parallel_loop3A_553 = arith.addf %parallel_loop3A_547, %parallel_loop3A_552 : vector<16xf32>
        %parallel_loop3A_554 = arith.index_cast %parallel_loop3A_536 : i32 to index
        %parallel_loop3A_555 = arith.constant 48 : index
        %parallel_loop3A_556 = tpu.vector_load %arg13[%parallel_loop3A_554, %parallel_loop3A_555] {strides = array<i32>} : memref<256x64xf32, #tpu.memory_space<vmem>>, vector<1x16xf32>,
        %parallel_loop3A_557 = vector.shape_cast %parallel_loop3A_556 : vector<1x16xf32> to vector<16xf32>
        %parallel_loop3A_558 = arith.mulf %parallel_loop3A_557, %get3A_138 : vector<16xf32>
        %parallel_loop3A_559 = arith.addf %parallel_loop3A_553, %parallel_loop3A_558 : vector<16xf32>
        %parallel_loop3A_560 = arith.constant 15 : i32
        %parallel_loop3A_561 = arith.addi %parallel_loop3A_184, %parallel_loop3A_560 : i32
        %parallel_loop3A_562 = arith.index_cast %parallel_loop3A_561 : i32 to index
        %parallel_loop3A_563 = arith.constant 0 : index
        %parallel_loop3A_564 = tpu.vector_load %arg13[%parallel_loop3A_562, %parallel_loop3A_563] {strides = array<i32>} : memref<256x64xf32, #tpu.memory_space<vmem>>, vector<1x16xf32>,
        %parallel_loop3A_565 = vector.shape_cast %parallel_loop3A_564 : vector<1x16xf32> to vector<16xf32>
        %parallel_loop3A_566 = arith.mulf %parallel_loop3A_565, %get3A_126 : vector<16xf32>
        %parallel_loop3A_567 = arith.index_cast %parallel_loop3A_561 : i32 to index
        %parallel_loop3A_568 = arith.constant 16 : index
        %parallel_loop3A_569 = tpu.vector_load %arg13[%parallel_loop3A_567, %parallel_loop3A_568] {strides = array<i32>} : memref<256x64xf32, #tpu.memory_space<vmem>>, vector<1x16xf32>,
        %parallel_loop3A_570 = vector.shape_cast %parallel_loop3A_569 : vector<1x16xf32> to vector<16xf32>
        %parallel_loop3A_571 = arith.mulf %parallel_loop3A_570, %get3A_130 : vector<16xf32>
        %parallel_loop3A_572 = arith.addf %parallel_loop3A_566, %parallel_loop3A_571 : vector<16xf32>
        %parallel_loop3A_573 = arith.index_cast %parallel_loop3A_561 : i32 to index
        %parallel_loop3A_574 = arith.constant 32 : index
        %parallel_loop3A_575 = tpu.vector_load %arg13[%parallel_loop3A_573, %parallel_loop3A_574] {strides = array<i32>} : memref<256x64xf32, #tpu.memory_space<vmem>>, vector<1x16xf32>,
        %parallel_loop3A_576 = vector.shape_cast %parallel_loop3A_575 : vector<1x16xf32> to vector<16xf32>
        %parallel_loop3A_577 = arith.mulf %parallel_loop3A_576, %get3A_134 : vector<16xf32>
        %parallel_loop3A_578 = arith.addf %parallel_loop3A_572, %parallel_loop3A_577 : vector<16xf32>
        %parallel_loop3A_579 = arith.index_cast %parallel_loop3A_561 : i32 to index
        %parallel_loop3A_580 = arith.constant 48 : index
        %parallel_loop3A_581 = tpu.vector_load %arg13[%parallel_loop3A_579, %parallel_loop3A_580] {strides = array<i32>} : memref<256x64xf32, #tpu.memory_space<vmem>>, vector<1x16xf32>,
        %parallel_loop3A_582 = vector.shape_cast %parallel_loop3A_581 : vector<1x16xf32> to vector<16xf32>
        %parallel_loop3A_583 = arith.mulf %parallel_loop3A_582, %get3A_138 : vector<16xf32>
        %parallel_loop3A_584 = arith.addf %parallel_loop3A_578, %parallel_loop3A_583 : vector<16xf32>
        %parallel_loop3A_585 = arith.select %ne3A_32, %parallel_loop3A_234, %parallel_loop3A_209 : vector<16xi1>, vector<16xf32>
        %parallel_loop3A_586 = arith.select %ne3A_32, %parallel_loop3A_209, %parallel_loop3A_234 : vector<16xi1>, vector<16xf32>
        %parallel_loop3A_587 = vector.shape_cast %xor3A_19 : vector<16xi32> to vector<16x1xi32>
        %parallel_loop3A_588 = vector.shape_cast %parallel_loop3A_587 : vector<16x1xi32> to vector<16xi32>
        %parallel_loop3A_589 = tpu.dynamic_gather %parallel_loop3A_586[%parallel_loop3A_588] in [0] : vector<16xf32>, vector<16xi32> -> vector<16xf32>
        %parallel_loop3A_590 = arith.addf %parallel_loop3A_585, %parallel_loop3A_589 : vector<16xf32>
        %parallel_loop3A_591 = arith.select %ne3A_32, %parallel_loop3A_284, %parallel_loop3A_259 : vector<16xi1>, vector<16xf32>
        %parallel_loop3A_592 = arith.select %ne3A_32, %parallel_loop3A_259, %parallel_loop3A_284 : vector<16xi1>, vector<16xf32>
        %parallel_loop3A_593 = vector.shape_cast %xor3A_19 : vector<16xi32> to vector<16x1xi32>
        %parallel_loop3A_594 = vector.shape_cast %parallel_loop3A_593 : vector<16x1xi32> to vector<16xi32>
        %parallel_loop3A_595 = tpu.dynamic_gather %parallel_loop3A_592[%parallel_loop3A_594] in [0] : vector<16xf32>, vector<16xi32> -> vector<16xf32>
        %parallel_loop3A_596 = arith.addf %parallel_loop3A_591, %parallel_loop3A_595 : vector<16xf32>
        %parallel_loop3A_597 = arith.select %ne3A_32, %parallel_loop3A_334, %parallel_loop3A_309 : vector<16xi1>, vector<16xf32>
        %parallel_loop3A_598 = arith.select %ne3A_32, %parallel_loop3A_309, %parallel_loop3A_334 : vector<16xi1>, vector<16xf32>
        %parallel_loop3A_599 = vector.shape_cast %xor3A_19 : vector<16xi32> to vector<16x1xi32>
        %parallel_loop3A_600 = vector.shape_cast %parallel_loop3A_599 : vector<16x1xi32> to vector<16xi32>
        %parallel_loop3A_601 = tpu.dynamic_gather %parallel_loop3A_598[%parallel_loop3A_600] in [0] : vector<16xf32>, vector<16xi32> -> vector<16xf32>
        %parallel_loop3A_602 = arith.addf %parallel_loop3A_597, %parallel_loop3A_601 : vector<16xf32>
        %parallel_loop3A_603 = arith.select %ne3A_32, %parallel_loop3A_384, %parallel_loop3A_359 : vector<16xi1>, vector<16xf32>
        %parallel_loop3A_604 = arith.select %ne3A_32, %parallel_loop3A_359, %parallel_loop3A_384 : vector<16xi1>, vector<16xf32>
        %parallel_loop3A_605 = vector.shape_cast %xor3A_19 : vector<16xi32> to vector<16x1xi32>
        %parallel_loop3A_606 = vector.shape_cast %parallel_loop3A_605 : vector<16x1xi32> to vector<16xi32>
        %parallel_loop3A_607 = tpu.dynamic_gather %parallel_loop3A_604[%parallel_loop3A_606] in [0] : vector<16xf32>, vector<16xi32> -> vector<16xf32>
        %parallel_loop3A_608 = arith.addf %parallel_loop3A_603, %parallel_loop3A_607 : vector<16xf32>
        %parallel_loop3A_609 = arith.select %ne3A_32, %parallel_loop3A_434, %parallel_loop3A_409 : vector<16xi1>, vector<16xf32>
        %parallel_loop3A_610 = arith.select %ne3A_32, %parallel_loop3A_409, %parallel_loop3A_434 : vector<16xi1>, vector<16xf32>
        %parallel_loop3A_611 = vector.shape_cast %xor3A_19 : vector<16xi32> to vector<16x1xi32>
        %parallel_loop3A_612 = vector.shape_cast %parallel_loop3A_611 : vector<16x1xi32> to vector<16xi32>
        %parallel_loop3A_613 = tpu.dynamic_gather %parallel_loop3A_610[%parallel_loop3A_612] in [0] : vector<16xf32>, vector<16xi32> -> vector<16xf32>
        %parallel_loop3A_614 = arith.addf %parallel_loop3A_609, %parallel_loop3A_613 : vector<16xf32>
        %parallel_loop3A_615 = arith.select %ne3A_32, %parallel_loop3A_484, %parallel_loop3A_459 : vector<16xi1>, vector<16xf32>
        %parallel_loop3A_616 = arith.select %ne3A_32, %parallel_loop3A_459, %parallel_loop3A_484 : vector<16xi1>, vector<16xf32>
        %parallel_loop3A_617 = vector.shape_cast %xor3A_19 : vector<16xi32> to vector<16x1xi32>
        %parallel_loop3A_618 = vector.shape_cast %parallel_loop3A_617 : vector<16x1xi32> to vector<16xi32>
        %parallel_loop3A_619 = tpu.dynamic_gather %parallel_loop3A_616[%parallel_loop3A_618] in [0] : vector<16xf32>, vector<16xi32> -> vector<16xf32>
        %parallel_loop3A_620 = arith.addf %parallel_loop3A_615, %parallel_loop3A_619 : vector<16xf32>
        %parallel_loop3A_621 = arith.select %ne3A_32, %parallel_loop3A_534, %parallel_loop3A_509 : vector<16xi1>, vector<16xf32>
        %parallel_loop3A_622 = arith.select %ne3A_32, %parallel_loop3A_509, %parallel_loop3A_534 : vector<16xi1>, vector<16xf32>
        %parallel_loop3A_623 = vector.shape_cast %xor3A_19 : vector<16xi32> to vector<16x1xi32>
        %parallel_loop3A_624 = vector.shape_cast %parallel_loop3A_623 : vector<16x1xi32> to vector<16xi32>
        %parallel_loop3A_625 = tpu.dynamic_gather %parallel_loop3A_622[%parallel_loop3A_624] in [0] : vector<16xf32>, vector<16xi32> -> vector<16xf32>
        %parallel_loop3A_626 = arith.addf %parallel_loop3A_621, %parallel_loop3A_625 : vector<16xf32>
        %parallel_loop3A_627 = arith.select %ne3A_32, %parallel_loop3A_584, %parallel_loop3A_559 : vector<16xi1>, vector<16xf32>
        %parallel_loop3A_628 = arith.select %ne3A_32, %parallel_loop3A_559, %parallel_loop3A_584 : vector<16xi1>, vector<16xf32>
        %parallel_loop3A_629 = vector.shape_cast %xor3A_19 : vector<16xi32> to vector<16x1xi32>
        %parallel_loop3A_630 = vector.shape_cast %parallel_loop3A_629 : vector<16x1xi32> to vector<16xi32>
        %parallel_loop3A_631 = tpu.dynamic_gather %parallel_loop3A_628[%parallel_loop3A_630] in [0] : vector<16xf32>, vector<16xi32> -> vector<16xf32>
        %parallel_loop3A_632 = arith.addf %parallel_loop3A_627, %parallel_loop3A_631 : vector<16xf32>
        %parallel_loop3A_633 = arith.select %ne3A_38, %parallel_loop3A_596, %parallel_loop3A_590 : vector<16xi1>, vector<16xf32>
        %parallel_loop3A_634 = arith.select %ne3A_38, %parallel_loop3A_590, %parallel_loop3A_596 : vector<16xi1>, vector<16xf32>
        %parallel_loop3A_635 = vector.shape_cast %xor3A_22 : vector<16xi32> to vector<16x1xi32>
        %parallel_loop3A_636 = vector.shape_cast %parallel_loop3A_635 : vector<16x1xi32> to vector<16xi32>
        %parallel_loop3A_637 = tpu.dynamic_gather %parallel_loop3A_634[%parallel_loop3A_636] in [0] : vector<16xf32>, vector<16xi32> -> vector<16xf32>
        %parallel_loop3A_638 = arith.addf %parallel_loop3A_633, %parallel_loop3A_637 : vector<16xf32>
        %parallel_loop3A_639 = arith.select %ne3A_38, %parallel_loop3A_608, %parallel_loop3A_602 : vector<16xi1>, vector<16xf32>
        %parallel_loop3A_640 = arith.select %ne3A_38, %parallel_loop3A_602, %parallel_loop3A_608 : vector<16xi1>, vector<16xf32>
        %parallel_loop3A_641 = vector.shape_cast %xor3A_22 : vector<16xi32> to vector<16x1xi32>
        %parallel_loop3A_642 = vector.shape_cast %parallel_loop3A_641 : vector<16x1xi32> to vector<16xi32>
        %parallel_loop3A_643 = tpu.dynamic_gather %parallel_loop3A_640[%parallel_loop3A_642] in [0] : vector<16xf32>, vector<16xi32> -> vector<16xf32>
        %parallel_loop3A_644 = arith.addf %parallel_loop3A_639, %parallel_loop3A_643 : vector<16xf32>
        %parallel_loop3A_645 = arith.select %ne3A_38, %parallel_loop3A_620, %parallel_loop3A_614 : vector<16xi1>, vector<16xf32>
        %parallel_loop3A_646 = arith.select %ne3A_38, %parallel_loop3A_614, %parallel_loop3A_620 : vector<16xi1>, vector<16xf32>
        %parallel_loop3A_647 = vector.shape_cast %xor3A_22 : vector<16xi32> to vector<16x1xi32>
        %parallel_loop3A_648 = vector.shape_cast %parallel_loop3A_647 : vector<16x1xi32> to vector<16xi32>
        %parallel_loop3A_649 = tpu.dynamic_gather %parallel_loop3A_646[%parallel_loop3A_648] in [0] : vector<16xf32>, vector<16xi32> -> vector<16xf32>
        %parallel_loop3A_650 = arith.addf %parallel_loop3A_645, %parallel_loop3A_649 : vector<16xf32>
        %parallel_loop3A_651 = arith.select %ne3A_38, %parallel_loop3A_632, %parallel_loop3A_626 : vector<16xi1>, vector<16xf32>
        %parallel_loop3A_652 = arith.select %ne3A_38, %parallel_loop3A_626, %parallel_loop3A_632 : vector<16xi1>, vector<16xf32>
        %parallel_loop3A_653 = vector.shape_cast %xor3A_22 : vector<16xi32> to vector<16x1xi32>
        %parallel_loop3A_654 = vector.shape_cast %parallel_loop3A_653 : vector<16x1xi32> to vector<16xi32>
        %parallel_loop3A_655 = tpu.dynamic_gather %parallel_loop3A_652[%parallel_loop3A_654] in [0] : vector<16xf32>, vector<16xi32> -> vector<16xf32>
        %parallel_loop3A_656 = arith.addf %parallel_loop3A_651, %parallel_loop3A_655 : vector<16xf32>
        %parallel_loop3A_657 = arith.select %ne3A_44, %parallel_loop3A_644, %parallel_loop3A_638 : vector<16xi1>, vector<16xf32>
        %parallel_loop3A_658 = arith.select %ne3A_44, %parallel_loop3A_638, %parallel_loop3A_644 : vector<16xi1>, vector<16xf32>
        %parallel_loop3A_659 = vector.shape_cast %xor3A_25 : vector<16xi32> to vector<16x1xi32>
        %parallel_loop3A_660 = vector.shape_cast %parallel_loop3A_659 : vector<16x1xi32> to vector<16xi32>
        %parallel_loop3A_661 = tpu.dynamic_gather %parallel_loop3A_658[%parallel_loop3A_660] in [0] : vector<16xf32>, vector<16xi32> -> vector<16xf32>
        %parallel_loop3A_662 = arith.addf %parallel_loop3A_657, %parallel_loop3A_661 : vector<16xf32>
        %parallel_loop3A_663 = arith.select %ne3A_44, %parallel_loop3A_656, %parallel_loop3A_650 : vector<16xi1>, vector<16xf32>
        %parallel_loop3A_664 = arith.select %ne3A_44, %parallel_loop3A_650, %parallel_loop3A_656 : vector<16xi1>, vector<16xf32>
        %parallel_loop3A_665 = vector.shape_cast %xor3A_25 : vector<16xi32> to vector<16x1xi32>
        %parallel_loop3A_666 = vector.shape_cast %parallel_loop3A_665 : vector<16x1xi32> to vector<16xi32>
        %parallel_loop3A_667 = tpu.dynamic_gather %parallel_loop3A_664[%parallel_loop3A_666] in [0] : vector<16xf32>, vector<16xi32> -> vector<16xf32>
        %parallel_loop3A_668 = arith.addf %parallel_loop3A_663, %parallel_loop3A_667 : vector<16xf32>
        %parallel_loop3A_669 = arith.select %ne3A_50, %parallel_loop3A_668, %parallel_loop3A_662 : vector<16xi1>, vector<16xf32>
        %parallel_loop3A_670 = arith.select %ne3A_50, %parallel_loop3A_662, %parallel_loop3A_668 : vector<16xi1>, vector<16xf32>
        %parallel_loop3A_671 = vector.shape_cast %xor3A_28 : vector<16xi32> to vector<16x1xi32>
        %parallel_loop3A_672 = vector.shape_cast %parallel_loop3A_671 : vector<16x1xi32> to vector<16xi32>
        %parallel_loop3A_673 = tpu.dynamic_gather %parallel_loop3A_670[%parallel_loop3A_672] in [0] : vector<16xf32>, vector<16xi32> -> vector<16xf32>
        %parallel_loop3A_674 = arith.addf %parallel_loop3A_669, %parallel_loop3A_673 : vector<16xf32>
        %parallel_loop3A_675 = arith.index_cast %mul3A_81 : i32 to index
        %parallel_loop3A_676 = arith.index_cast %parallel_loop3A_184 : i32 to index
        %parallel_loop3A_677 = tpu.vector_load %arg15[%parallel_loop3A_675, %parallel_loop3A_676] {strides = array<i32>} : memref<32x256xf32, #tpu.memory_space<vmem>>, vector<1x16xf32>,
        %parallel_loop3A_678 = vector.shape_cast %parallel_loop3A_677 : vector<1x16xf32> to vector<16xf32>
        %parallel_loop3A_679 = vector.shape_cast %parallel_loop3A_674 : vector<16xf32> to vector<1x16xf32>
        tpu.vector_store %arg15[%parallel_loop3A_675, %parallel_loop3A_676], %parallel_loop3A_679 {strides = array<i32>} : memref<32x256xf32, #tpu.memory_space<vmem>>, vector<1x16xf32>,
      } {sc.loop_unroll_factor = 2 : i64, sc.parallel_access}
      %lt3A = arith.constant 15 : i32
      %lt3A_141 = arith.cmpi slt, %scan3A_79, %lt3A : i32
      %convert_element_type3A = arith.extui %lt3A_141 : i1 to i32
      %cond3A = arith.constant 0 : i32
      %cond3A_142 = arith.cmpi ne, %convert_element_type3A, %cond3A : i32
      scf.if %cond3A_142 {
        %add3A_182 = arith.constant 2 : i32
        %add3A_183 = arith.addi %mul3A_81, %add3A_182 : i32
        %dma_start3A_184 = arith.constant 0 : i32
        %dma_start3A_185 = arith.constant 0 : i32
        %dma_start3A_186 = arith.constant 0 : i32
        %dma_start3A_187 = tpu.memref_slice %arg13[%dma_start3A_185, %dma_start3A_186] : memref<256x64xf32, #tpu.memory_space<vmem>> -> memref<128x64xf32, #tpu.memory_space<vmem>>
        %dma_start3A_188 = arith.constant 0 : i32
        %dma_start3A_189 = tpu.memref_slice %arg10[%add3A_183, %dma_start3A_184, %dma_start3A_188] : memref<32x2x128xi32, #tpu.memory_space<vmem>> -> memref<1x1x128xi32, #tpu.memory_space<vmem>>
        %dma_start3A_190 = tpu.memref_squeeze %dma_start3A_189 : memref<1x1x128xi32, #tpu.memory_space<vmem>> -> memref<128xi32, #tpu.memory_space<vmem>>
        %dma_start3A_191 = arith.constant 0 : i32
        %dma_start3A_192 = arith.constant 0 : i32
        %dma_start3A_193 = tpu.memref_slice %arg5[%dma_start3A_191, %dma_start3A_192] : memref<1000000x64xf32, #tpu.memory_space<hbm>> -> memref<1000000x64xf32, #tpu.memory_space<hbm>>
        tpu.enqueue_indirect_dma source(%dma_start3A_193 : memref<1000000x64xf32, #tpu.memory_space<hbm>>) target(%dma_start3A_187 : memref<128x64xf32, #tpu.memory_space<vmem>>) offsets(%dma_start3A_190 : memref<128xi32, #tpu.memory_space<vmem>>) semaphore(%arg16 : memref<!tpu.dma_semaphore, #tpu.memory_space<semaphore_mem>>)
        %dma_start3A_194 = arith.constant 1 : i32
        %dma_start3A_195 = arith.constant 128 : i32
        %dma_start3A_196 = arith.constant 0 : i32
        %dma_start3A_197 = tpu.memref_slice %arg13[%dma_start3A_195, %dma_start3A_196] : memref<256x64xf32, #tpu.memory_space<vmem>> -> memref<128x64xf32, #tpu.memory_space<vmem>>
        %dma_start3A_198 = arith.constant 0 : i32
        %dma_start3A_199 = tpu.memref_slice %arg10[%add3A_183, %dma_start3A_194, %dma_start3A_198] : memref<32x2x128xi32, #tpu.memory_space<vmem>> -> memref<1x1x128xi32, #tpu.memory_space<vmem>>
        %dma_start3A_200 = tpu.memref_squeeze %dma_start3A_199 : memref<1x1x128xi32, #tpu.memory_space<vmem>> -> memref<128xi32, #tpu.memory_space<vmem>>
        %dma_start3A_201 = arith.constant 0 : i32
        %dma_start3A_202 = arith.constant 0 : i32
        %dma_start3A_203 = tpu.memref_slice %arg5[%dma_start3A_201, %dma_start3A_202] : memref<1000000x64xf32, #tpu.memory_space<hbm>> -> memref<1000000x64xf32, #tpu.memory_space<hbm>>
        tpu.enqueue_indirect_dma source(%dma_start3A_203 : memref<1000000x64xf32, #tpu.memory_space<hbm>>) target(%dma_start3A_197 : memref<128x64xf32, #tpu.memory_space<vmem>>) offsets(%dma_start3A_200 : memref<128xi32, #tpu.memory_space<vmem>>) semaphore(%arg16 : memref<!tpu.dma_semaphore, #tpu.memory_space<semaphore_mem>>)
      } else {
      }
      %dma_wait3A_143 = arith.constant 0 : i32
      %dma_wait3A_144 = arith.constant 0 : i32
      %dma_wait3A_145 = arith.constant 0 : i32
      %dma_wait3A_146 = tpu.memref_slice %arg14[%dma_wait3A_144, %dma_wait3A_145] : memref<256x64xf32, #tpu.memory_space<vmem>> -> memref<128x64xf32, #tpu.memory_space<vmem>>
      %dma_wait3A_147 = arith.constant 0 : i32
      %dma_wait3A_148 = tpu.memref_slice %arg10[%add3A_83, %dma_wait3A_143, %dma_wait3A_147] : memref<32x2x128xi32, #tpu.memory_space<vmem>> -> memref<1x1x128xi32, #tpu.memory_space<vmem>>
      %dma_wait3A_149 = tpu.memref_squeeze %dma_wait3A_148 : memref<1x1x128xi32, #tpu.memory_space<vmem>> -> memref<128xi32, #tpu.memory_space<vmem>>
      %dma_wait3A_150 = arith.constant 0 : i32
      %dma_wait3A_151 = arith.constant 0 : i32
      %dma_wait3A_152 = tpu.memref_slice %arg5[%dma_wait3A_150, %dma_wait3A_151] : memref<1000000x64xf32, #tpu.memory_space<hbm>> -> memref<1000000x64xf32, #tpu.memory_space<hbm>>
      tpu.wait_indirect_dma semaphore(%arg17 : memref<!tpu.dma_semaphore, #tpu.memory_space<semaphore_mem>>) src(%dma_wait3A_152 : memref<1000000x64xf32, #tpu.memory_space<hbm>>) dst(%dma_wait3A_146 : memref<128x64xf32, #tpu.memory_space<vmem>>)
      %dma_wait3A_153 = arith.constant 1 : i32
      %dma_wait3A_154 = arith.constant 128 : i32
      %dma_wait3A_155 = arith.constant 0 : i32
      %dma_wait3A_156 = tpu.memref_slice %arg14[%dma_wait3A_154, %dma_wait3A_155] : memref<256x64xf32, #tpu.memory_space<vmem>> -> memref<128x64xf32, #tpu.memory_space<vmem>>
      %dma_wait3A_157 = arith.constant 0 : i32
      %dma_wait3A_158 = tpu.memref_slice %arg10[%add3A_83, %dma_wait3A_153, %dma_wait3A_157] : memref<32x2x128xi32, #tpu.memory_space<vmem>> -> memref<1x1x128xi32, #tpu.memory_space<vmem>>
      %dma_wait3A_159 = tpu.memref_squeeze %dma_wait3A_158 : memref<1x1x128xi32, #tpu.memory_space<vmem>> -> memref<128xi32, #tpu.memory_space<vmem>>
      %dma_wait3A_160 = arith.constant 0 : i32
      %dma_wait3A_161 = arith.constant 0 : i32
      %dma_wait3A_162 = tpu.memref_slice %arg5[%dma_wait3A_160, %dma_wait3A_161] : memref<1000000x64xf32, #tpu.memory_space<hbm>> -> memref<1000000x64xf32, #tpu.memory_space<hbm>>
      tpu.wait_indirect_dma semaphore(%arg17 : memref<!tpu.dma_semaphore, #tpu.memory_space<semaphore_mem>>) src(%dma_wait3A_162 : memref<1000000x64xf32, #tpu.memory_space<hbm>>) dst(%dma_wait3A_156 : memref<128x64xf32, #tpu.memory_space<vmem>>)
      %get3A_163 = arith.index_cast %add3A_83 : i32 to index
      %get3A_164 = arith.constant 0 : index
      %get3A_165 = tpu.vector_load %arg12[%get3A_163, %get3A_164] {strides = array<i32>} : memref<32x64xf32, #tpu.memory_space<vmem>>, vector<1x16xf32>,
      %get3A_166 = vector.shape_cast %get3A_165 : vector<1x16xf32> to vector<16xf32>
      %get3A_167 = arith.index_cast %add3A_83 : i32 to index
      %get3A_168 = arith.constant 16 : index
      %get3A_169 = tpu.vector_load %arg12[%get3A_167, %get3A_168] {strides = array<i32>} : memref<32x64xf32, #tpu.memory_space<vmem>>, vector<1x16xf32>,
      %get3A_170 = vector.shape_cast %get3A_169 : vector<1x16xf32> to vector<16xf32>
      %get3A_171 = arith.index_cast %add3A_83 : i32 to index
      %get3A_172 = arith.constant 32 : index
      %get3A_173 = tpu.vector_load %arg12[%get3A_171, %get3A_172] {strides = array<i32>} : memref<32x64xf32, #tpu.memory_space<vmem>>, vector<1x16xf32>,
      %get3A_174 = vector.shape_cast %get3A_173 : vector<1x16xf32> to vector<16xf32>
      %get3A_175 = arith.index_cast %add3A_83 : i32 to index
      %get3A_176 = arith.constant 48 : index
      %get3A_177 = tpu.vector_load %arg12[%get3A_175, %get3A_176] {strides = array<i32>} : memref<32x64xf32, #tpu.memory_space<vmem>>, vector<1x16xf32>,
      %get3A_178 = vector.shape_cast %get3A_177 : vector<1x16xf32> to vector<16xf32>
      %parallel_loop3A_179 = arith.constant 0 : i32
      %parallel_loop3A_180 = arith.constant 16 : i32
      %parallel_loop3A_181 = arith.constant 1 : i32
      scf.for %parallel_loop3A_182 = %parallel_loop3A_179 to %parallel_loop3A_180 step %parallel_loop3A_181  : i32 {
        %parallel_loop3A_183 = arith.constant 16 : i32
        %parallel_loop3A_184 = arith.muli %parallel_loop3A_182, %parallel_loop3A_183 : i32
        %parallel_loop3A_185 = arith.constant 0 : i32
        %parallel_loop3A_186 = arith.addi %parallel_loop3A_184, %parallel_loop3A_185 : i32
        %parallel_loop3A_187 = arith.index_cast %parallel_loop3A_186 : i32 to index
        %parallel_loop3A_188 = arith.constant 0 : index
        %parallel_loop3A_189 = tpu.vector_load %arg14[%parallel_loop3A_187, %parallel_loop3A_188] {strides = array<i32>} : memref<256x64xf32, #tpu.memory_space<vmem>>, vector<1x16xf32>,
        %parallel_loop3A_190 = vector.shape_cast %parallel_loop3A_189 : vector<1x16xf32> to vector<16xf32>
        %parallel_loop3A_191 = arith.mulf %parallel_loop3A_190, %get3A_166 : vector<16xf32>
        %parallel_loop3A_192 = arith.index_cast %parallel_loop3A_186 : i32 to index
        %parallel_loop3A_193 = arith.constant 16 : index
        %parallel_loop3A_194 = tpu.vector_load %arg14[%parallel_loop3A_192, %parallel_loop3A_193] {strides = array<i32>} : memref<256x64xf32, #tpu.memory_space<vmem>>, vector<1x16xf32>,
        %parallel_loop3A_195 = vector.shape_cast %parallel_loop3A_194 : vector<1x16xf32> to vector<16xf32>
        %parallel_loop3A_196 = arith.mulf %parallel_loop3A_195, %get3A_170 : vector<16xf32>
        %parallel_loop3A_197 = arith.addf %parallel_loop3A_191, %parallel_loop3A_196 : vector<16xf32>
        %parallel_loop3A_198 = arith.index_cast %parallel_loop3A_186 : i32 to index
        %parallel_loop3A_199 = arith.constant 32 : index
        %parallel_loop3A_200 = tpu.vector_load %arg14[%parallel_loop3A_198, %parallel_loop3A_199] {strides = array<i32>} : memref<256x64xf32, #tpu.memory_space<vmem>>, vector<1x16xf32>,
        %parallel_loop3A_201 = vector.shape_cast %parallel_loop3A_200 : vector<1x16xf32> to vector<16xf32>
        %parallel_loop3A_202 = arith.mulf %parallel_loop3A_201, %get3A_174 : vector<16xf32>
        %parallel_loop3A_203 = arith.addf %parallel_loop3A_197, %parallel_loop3A_202 : vector<16xf32>
        %parallel_loop3A_204 = arith.index_cast %parallel_loop3A_186 : i32 to index
        %parallel_loop3A_205 = arith.constant 48 : index
        %parallel_loop3A_206 = tpu.vector_load %arg14[%parallel_loop3A_204, %parallel_loop3A_205] {strides = array<i32>} : memref<256x64xf32, #tpu.memory_space<vmem>>, vector<1x16xf32>,
        %parallel_loop3A_207 = vector.shape_cast %parallel_loop3A_206 : vector<1x16xf32> to vector<16xf32>
        %parallel_loop3A_208 = arith.mulf %parallel_loop3A_207, %get3A_178 : vector<16xf32>
        %parallel_loop3A_209 = arith.addf %parallel_loop3A_203, %parallel_loop3A_208 : vector<16xf32>
        %parallel_loop3A_210 = arith.constant 1 : i32
        %parallel_loop3A_211 = arith.addi %parallel_loop3A_184, %parallel_loop3A_210 : i32
        %parallel_loop3A_212 = arith.index_cast %parallel_loop3A_211 : i32 to index
        %parallel_loop3A_213 = arith.constant 0 : index
        %parallel_loop3A_214 = tpu.vector_load %arg14[%parallel_loop3A_212, %parallel_loop3A_213] {strides = array<i32>} : memref<256x64xf32, #tpu.memory_space<vmem>>, vector<1x16xf32>,
        %parallel_loop3A_215 = vector.shape_cast %parallel_loop3A_214 : vector<1x16xf32> to vector<16xf32>
        %parallel_loop3A_216 = arith.mulf %parallel_loop3A_215, %get3A_166 : vector<16xf32>
        %parallel_loop3A_217 = arith.index_cast %parallel_loop3A_211 : i32 to index
        %parallel_loop3A_218 = arith.constant 16 : index
        %parallel_loop3A_219 = tpu.vector_load %arg14[%parallel_loop3A_217, %parallel_loop3A_218] {strides = array<i32>} : memref<256x64xf32, #tpu.memory_space<vmem>>, vector<1x16xf32>,
        %parallel_loop3A_220 = vector.shape_cast %parallel_loop3A_219 : vector<1x16xf32> to vector<16xf32>
        %parallel_loop3A_221 = arith.mulf %parallel_loop3A_220, %get3A_170 : vector<16xf32>
        %parallel_loop3A_222 = arith.addf %parallel_loop3A_216, %parallel_loop3A_221 : vector<16xf32>
        %parallel_loop3A_223 = arith.index_cast %parallel_loop3A_211 : i32 to index
        %parallel_loop3A_224 = arith.constant 32 : index
        %parallel_loop3A_225 = tpu.vector_load %arg14[%parallel_loop3A_223, %parallel_loop3A_224] {strides = array<i32>} : memref<256x64xf32, #tpu.memory_space<vmem>>, vector<1x16xf32>,
        %parallel_loop3A_226 = vector.shape_cast %parallel_loop3A_225 : vector<1x16xf32> to vector<16xf32>
        %parallel_loop3A_227 = arith.mulf %parallel_loop3A_226, %get3A_174 : vector<16xf32>
        %parallel_loop3A_228 = arith.addf %parallel_loop3A_222, %parallel_loop3A_227 : vector<16xf32>
        %parallel_loop3A_229 = arith.index_cast %parallel_loop3A_211 : i32 to index
        %parallel_loop3A_230 = arith.constant 48 : index
        %parallel_loop3A_231 = tpu.vector_load %arg14[%parallel_loop3A_229, %parallel_loop3A_230] {strides = array<i32>} : memref<256x64xf32, #tpu.memory_space<vmem>>, vector<1x16xf32>,
        %parallel_loop3A_232 = vector.shape_cast %parallel_loop3A_231 : vector<1x16xf32> to vector<16xf32>
        %parallel_loop3A_233 = arith.mulf %parallel_loop3A_232, %get3A_178 : vector<16xf32>
        %parallel_loop3A_234 = arith.addf %parallel_loop3A_228, %parallel_loop3A_233 : vector<16xf32>
        %parallel_loop3A_235 = arith.constant 2 : i32
        %parallel_loop3A_236 = arith.addi %parallel_loop3A_184, %parallel_loop3A_235 : i32
        %parallel_loop3A_237 = arith.index_cast %parallel_loop3A_236 : i32 to index
        %parallel_loop3A_238 = arith.constant 0 : index
        %parallel_loop3A_239 = tpu.vector_load %arg14[%parallel_loop3A_237, %parallel_loop3A_238] {strides = array<i32>} : memref<256x64xf32, #tpu.memory_space<vmem>>, vector<1x16xf32>,
        %parallel_loop3A_240 = vector.shape_cast %parallel_loop3A_239 : vector<1x16xf32> to vector<16xf32>
        %parallel_loop3A_241 = arith.mulf %parallel_loop3A_240, %get3A_166 : vector<16xf32>
        %parallel_loop3A_242 = arith.index_cast %parallel_loop3A_236 : i32 to index
        %parallel_loop3A_243 = arith.constant 16 : index
        %parallel_loop3A_244 = tpu.vector_load %arg14[%parallel_loop3A_242, %parallel_loop3A_243] {strides = array<i32>} : memref<256x64xf32, #tpu.memory_space<vmem>>, vector<1x16xf32>,
        %parallel_loop3A_245 = vector.shape_cast %parallel_loop3A_244 : vector<1x16xf32> to vector<16xf32>
        %parallel_loop3A_246 = arith.mulf %parallel_loop3A_245, %get3A_170 : vector<16xf32>
        %parallel_loop3A_247 = arith.addf %parallel_loop3A_241, %parallel_loop3A_246 : vector<16xf32>
        %parallel_loop3A_248 = arith.index_cast %parallel_loop3A_236 : i32 to index
        %parallel_loop3A_249 = arith.constant 32 : index
        %parallel_loop3A_250 = tpu.vector_load %arg14[%parallel_loop3A_248, %parallel_loop3A_249] {strides = array<i32>} : memref<256x64xf32, #tpu.memory_space<vmem>>, vector<1x16xf32>,
        %parallel_loop3A_251 = vector.shape_cast %parallel_loop3A_250 : vector<1x16xf32> to vector<16xf32>
        %parallel_loop3A_252 = arith.mulf %parallel_loop3A_251, %get3A_174 : vector<16xf32>
        %parallel_loop3A_253 = arith.addf %parallel_loop3A_247, %parallel_loop3A_252 : vector<16xf32>
        %parallel_loop3A_254 = arith.index_cast %parallel_loop3A_236 : i32 to index
        %parallel_loop3A_255 = arith.constant 48 : index
        %parallel_loop3A_256 = tpu.vector_load %arg14[%parallel_loop3A_254, %parallel_loop3A_255] {strides = array<i32>} : memref<256x64xf32, #tpu.memory_space<vmem>>, vector<1x16xf32>,
        %parallel_loop3A_257 = vector.shape_cast %parallel_loop3A_256 : vector<1x16xf32> to vector<16xf32>
        %parallel_loop3A_258 = arith.mulf %parallel_loop3A_257, %get3A_178 : vector<16xf32>
        %parallel_loop3A_259 = arith.addf %parallel_loop3A_253, %parallel_loop3A_258 : vector<16xf32>
        %parallel_loop3A_260 = arith.constant 3 : i32
        %parallel_loop3A_261 = arith.addi %parallel_loop3A_184, %parallel_loop3A_260 : i32
        %parallel_loop3A_262 = arith.index_cast %parallel_loop3A_261 : i32 to index
        %parallel_loop3A_263 = arith.constant 0 : index
        %parallel_loop3A_264 = tpu.vector_load %arg14[%parallel_loop3A_262, %parallel_loop3A_263] {strides = array<i32>} : memref<256x64xf32, #tpu.memory_space<vmem>>, vector<1x16xf32>,
        %parallel_loop3A_265 = vector.shape_cast %parallel_loop3A_264 : vector<1x16xf32> to vector<16xf32>
        %parallel_loop3A_266 = arith.mulf %parallel_loop3A_265, %get3A_166 : vector<16xf32>
        %parallel_loop3A_267 = arith.index_cast %parallel_loop3A_261 : i32 to index
        %parallel_loop3A_268 = arith.constant 16 : index
        %parallel_loop3A_269 = tpu.vector_load %arg14[%parallel_loop3A_267, %parallel_loop3A_268] {strides = array<i32>} : memref<256x64xf32, #tpu.memory_space<vmem>>, vector<1x16xf32>,
        %parallel_loop3A_270 = vector.shape_cast %parallel_loop3A_269 : vector<1x16xf32> to vector<16xf32>
        %parallel_loop3A_271 = arith.mulf %parallel_loop3A_270, %get3A_170 : vector<16xf32>
        %parallel_loop3A_272 = arith.addf %parallel_loop3A_266, %parallel_loop3A_271 : vector<16xf32>
        %parallel_loop3A_273 = arith.index_cast %parallel_loop3A_261 : i32 to index
        %parallel_loop3A_274 = arith.constant 32 : index
        %parallel_loop3A_275 = tpu.vector_load %arg14[%parallel_loop3A_273, %parallel_loop3A_274] {strides = array<i32>} : memref<256x64xf32, #tpu.memory_space<vmem>>, vector<1x16xf32>,
        %parallel_loop3A_276 = vector.shape_cast %parallel_loop3A_275 : vector<1x16xf32> to vector<16xf32>
        %parallel_loop3A_277 = arith.mulf %parallel_loop3A_276, %get3A_174 : vector<16xf32>
        %parallel_loop3A_278 = arith.addf %parallel_loop3A_272, %parallel_loop3A_277 : vector<16xf32>
        %parallel_loop3A_279 = arith.index_cast %parallel_loop3A_261 : i32 to index
        %parallel_loop3A_280 = arith.constant 48 : index
        %parallel_loop3A_281 = tpu.vector_load %arg14[%parallel_loop3A_279, %parallel_loop3A_280] {strides = array<i32>} : memref<256x64xf32, #tpu.memory_space<vmem>>, vector<1x16xf32>,
        %parallel_loop3A_282 = vector.shape_cast %parallel_loop3A_281 : vector<1x16xf32> to vector<16xf32>
        %parallel_loop3A_283 = arith.mulf %parallel_loop3A_282, %get3A_178 : vector<16xf32>
        %parallel_loop3A_284 = arith.addf %parallel_loop3A_278, %parallel_loop3A_283 : vector<16xf32>
        %parallel_loop3A_285 = arith.constant 4 : i32
        %parallel_loop3A_286 = arith.addi %parallel_loop3A_184, %parallel_loop3A_285 : i32
        %parallel_loop3A_287 = arith.index_cast %parallel_loop3A_286 : i32 to index
        %parallel_loop3A_288 = arith.constant 0 : index
        %parallel_loop3A_289 = tpu.vector_load %arg14[%parallel_loop3A_287, %parallel_loop3A_288] {strides = array<i32>} : memref<256x64xf32, #tpu.memory_space<vmem>>, vector<1x16xf32>,
        %parallel_loop3A_290 = vector.shape_cast %parallel_loop3A_289 : vector<1x16xf32> to vector<16xf32>
        %parallel_loop3A_291 = arith.mulf %parallel_loop3A_290, %get3A_166 : vector<16xf32>
        %parallel_loop3A_292 = arith.index_cast %parallel_loop3A_286 : i32 to index
        %parallel_loop3A_293 = arith.constant 16 : index
        %parallel_loop3A_294 = tpu.vector_load %arg14[%parallel_loop3A_292, %parallel_loop3A_293] {strides = array<i32>} : memref<256x64xf32, #tpu.memory_space<vmem>>, vector<1x16xf32>,
        %parallel_loop3A_295 = vector.shape_cast %parallel_loop3A_294 : vector<1x16xf32> to vector<16xf32>
        %parallel_loop3A_296 = arith.mulf %parallel_loop3A_295, %get3A_170 : vector<16xf32>
        %parallel_loop3A_297 = arith.addf %parallel_loop3A_291, %parallel_loop3A_296 : vector<16xf32>
        %parallel_loop3A_298 = arith.index_cast %parallel_loop3A_286 : i32 to index
        %parallel_loop3A_299 = arith.constant 32 : index
        %parallel_loop3A_300 = tpu.vector_load %arg14[%parallel_loop3A_298, %parallel_loop3A_299] {strides = array<i32>} : memref<256x64xf32, #tpu.memory_space<vmem>>, vector<1x16xf32>,
        %parallel_loop3A_301 = vector.shape_cast %parallel_loop3A_300 : vector<1x16xf32> to vector<16xf32>
        %parallel_loop3A_302 = arith.mulf %parallel_loop3A_301, %get3A_174 : vector<16xf32>
        %parallel_loop3A_303 = arith.addf %parallel_loop3A_297, %parallel_loop3A_302 : vector<16xf32>
        %parallel_loop3A_304 = arith.index_cast %parallel_loop3A_286 : i32 to index
        %parallel_loop3A_305 = arith.constant 48 : index
        %parallel_loop3A_306 = tpu.vector_load %arg14[%parallel_loop3A_304, %parallel_loop3A_305] {strides = array<i32>} : memref<256x64xf32, #tpu.memory_space<vmem>>, vector<1x16xf32>,
        %parallel_loop3A_307 = vector.shape_cast %parallel_loop3A_306 : vector<1x16xf32> to vector<16xf32>
        %parallel_loop3A_308 = arith.mulf %parallel_loop3A_307, %get3A_178 : vector<16xf32>
        %parallel_loop3A_309 = arith.addf %parallel_loop3A_303, %parallel_loop3A_308 : vector<16xf32>
        %parallel_loop3A_310 = arith.constant 5 : i32
        %parallel_loop3A_311 = arith.addi %parallel_loop3A_184, %parallel_loop3A_310 : i32
        %parallel_loop3A_312 = arith.index_cast %parallel_loop3A_311 : i32 to index
        %parallel_loop3A_313 = arith.constant 0 : index
        %parallel_loop3A_314 = tpu.vector_load %arg14[%parallel_loop3A_312, %parallel_loop3A_313] {strides = array<i32>} : memref<256x64xf32, #tpu.memory_space<vmem>>, vector<1x16xf32>,
        %parallel_loop3A_315 = vector.shape_cast %parallel_loop3A_314 : vector<1x16xf32> to vector<16xf32>
        %parallel_loop3A_316 = arith.mulf %parallel_loop3A_315, %get3A_166 : vector<16xf32>
        %parallel_loop3A_317 = arith.index_cast %parallel_loop3A_311 : i32 to index
        %parallel_loop3A_318 = arith.constant 16 : index
        %parallel_loop3A_319 = tpu.vector_load %arg14[%parallel_loop3A_317, %parallel_loop3A_318] {strides = array<i32>} : memref<256x64xf32, #tpu.memory_space<vmem>>, vector<1x16xf32>,
        %parallel_loop3A_320 = vector.shape_cast %parallel_loop3A_319 : vector<1x16xf32> to vector<16xf32>
        %parallel_loop3A_321 = arith.mulf %parallel_loop3A_320, %get3A_170 : vector<16xf32>
        %parallel_loop3A_322 = arith.addf %parallel_loop3A_316, %parallel_loop3A_321 : vector<16xf32>
        %parallel_loop3A_323 = arith.index_cast %parallel_loop3A_311 : i32 to index
        %parallel_loop3A_324 = arith.constant 32 : index
        %parallel_loop3A_325 = tpu.vector_load %arg14[%parallel_loop3A_323, %parallel_loop3A_324] {strides = array<i32>} : memref<256x64xf32, #tpu.memory_space<vmem>>, vector<1x16xf32>,
        %parallel_loop3A_326 = vector.shape_cast %parallel_loop3A_325 : vector<1x16xf32> to vector<16xf32>
        %parallel_loop3A_327 = arith.mulf %parallel_loop3A_326, %get3A_174 : vector<16xf32>
        %parallel_loop3A_328 = arith.addf %parallel_loop3A_322, %parallel_loop3A_327 : vector<16xf32>
        %parallel_loop3A_329 = arith.index_cast %parallel_loop3A_311 : i32 to index
        %parallel_loop3A_330 = arith.constant 48 : index
        %parallel_loop3A_331 = tpu.vector_load %arg14[%parallel_loop3A_329, %parallel_loop3A_330] {strides = array<i32>} : memref<256x64xf32, #tpu.memory_space<vmem>>, vector<1x16xf32>,
        %parallel_loop3A_332 = vector.shape_cast %parallel_loop3A_331 : vector<1x16xf32> to vector<16xf32>
        %parallel_loop3A_333 = arith.mulf %parallel_loop3A_332, %get3A_178 : vector<16xf32>
        %parallel_loop3A_334 = arith.addf %parallel_loop3A_328, %parallel_loop3A_333 : vector<16xf32>
        %parallel_loop3A_335 = arith.constant 6 : i32
        %parallel_loop3A_336 = arith.addi %parallel_loop3A_184, %parallel_loop3A_335 : i32
        %parallel_loop3A_337 = arith.index_cast %parallel_loop3A_336 : i32 to index
        %parallel_loop3A_338 = arith.constant 0 : index
        %parallel_loop3A_339 = tpu.vector_load %arg14[%parallel_loop3A_337, %parallel_loop3A_338] {strides = array<i32>} : memref<256x64xf32, #tpu.memory_space<vmem>>, vector<1x16xf32>,
        %parallel_loop3A_340 = vector.shape_cast %parallel_loop3A_339 : vector<1x16xf32> to vector<16xf32>
        %parallel_loop3A_341 = arith.mulf %parallel_loop3A_340, %get3A_166 : vector<16xf32>
        %parallel_loop3A_342 = arith.index_cast %parallel_loop3A_336 : i32 to index
        %parallel_loop3A_343 = arith.constant 16 : index
        %parallel_loop3A_344 = tpu.vector_load %arg14[%parallel_loop3A_342, %parallel_loop3A_343] {strides = array<i32>} : memref<256x64xf32, #tpu.memory_space<vmem>>, vector<1x16xf32>,
        %parallel_loop3A_345 = vector.shape_cast %parallel_loop3A_344 : vector<1x16xf32> to vector<16xf32>
        %parallel_loop3A_346 = arith.mulf %parallel_loop3A_345, %get3A_170 : vector<16xf32>
        %parallel_loop3A_347 = arith.addf %parallel_loop3A_341, %parallel_loop3A_346 : vector<16xf32>
        %parallel_loop3A_348 = arith.index_cast %parallel_loop3A_336 : i32 to index
        %parallel_loop3A_349 = arith.constant 32 : index
        %parallel_loop3A_350 = tpu.vector_load %arg14[%parallel_loop3A_348, %parallel_loop3A_349] {strides = array<i32>} : memref<256x64xf32, #tpu.memory_space<vmem>>, vector<1x16xf32>,
        %parallel_loop3A_351 = vector.shape_cast %parallel_loop3A_350 : vector<1x16xf32> to vector<16xf32>
        %parallel_loop3A_352 = arith.mulf %parallel_loop3A_351, %get3A_174 : vector<16xf32>
        %parallel_loop3A_353 = arith.addf %parallel_loop3A_347, %parallel_loop3A_352 : vector<16xf32>
        %parallel_loop3A_354 = arith.index_cast %parallel_loop3A_336 : i32 to index
        %parallel_loop3A_355 = arith.constant 48 : index
        %parallel_loop3A_356 = tpu.vector_load %arg14[%parallel_loop3A_354, %parallel_loop3A_355] {strides = array<i32>} : memref<256x64xf32, #tpu.memory_space<vmem>>, vector<1x16xf32>,
        %parallel_loop3A_357 = vector.shape_cast %parallel_loop3A_356 : vector<1x16xf32> to vector<16xf32>
        %parallel_loop3A_358 = arith.mulf %parallel_loop3A_357, %get3A_178 : vector<16xf32>
        %parallel_loop3A_359 = arith.addf %parallel_loop3A_353, %parallel_loop3A_358 : vector<16xf32>
        %parallel_loop3A_360 = arith.constant 7 : i32
        %parallel_loop3A_361 = arith.addi %parallel_loop3A_184, %parallel_loop3A_360 : i32
        %parallel_loop3A_362 = arith.index_cast %parallel_loop3A_361 : i32 to index
        %parallel_loop3A_363 = arith.constant 0 : index
        %parallel_loop3A_364 = tpu.vector_load %arg14[%parallel_loop3A_362, %parallel_loop3A_363] {strides = array<i32>} : memref<256x64xf32, #tpu.memory_space<vmem>>, vector<1x16xf32>,
        %parallel_loop3A_365 = vector.shape_cast %parallel_loop3A_364 : vector<1x16xf32> to vector<16xf32>
        %parallel_loop3A_366 = arith.mulf %parallel_loop3A_365, %get3A_166 : vector<16xf32>
        %parallel_loop3A_367 = arith.index_cast %parallel_loop3A_361 : i32 to index
        %parallel_loop3A_368 = arith.constant 16 : index
        %parallel_loop3A_369 = tpu.vector_load %arg14[%parallel_loop3A_367, %parallel_loop3A_368] {strides = array<i32>} : memref<256x64xf32, #tpu.memory_space<vmem>>, vector<1x16xf32>,
        %parallel_loop3A_370 = vector.shape_cast %parallel_loop3A_369 : vector<1x16xf32> to vector<16xf32>
        %parallel_loop3A_371 = arith.mulf %parallel_loop3A_370, %get3A_170 : vector<16xf32>
        %parallel_loop3A_372 = arith.addf %parallel_loop3A_366, %parallel_loop3A_371 : vector<16xf32>
        %parallel_loop3A_373 = arith.index_cast %parallel_loop3A_361 : i32 to index
        %parallel_loop3A_374 = arith.constant 32 : index
        %parallel_loop3A_375 = tpu.vector_load %arg14[%parallel_loop3A_373, %parallel_loop3A_374] {strides = array<i32>} : memref<256x64xf32, #tpu.memory_space<vmem>>, vector<1x16xf32>,
        %parallel_loop3A_376 = vector.shape_cast %parallel_loop3A_375 : vector<1x16xf32> to vector<16xf32>
        %parallel_loop3A_377 = arith.mulf %parallel_loop3A_376, %get3A_174 : vector<16xf32>
        %parallel_loop3A_378 = arith.addf %parallel_loop3A_372, %parallel_loop3A_377 : vector<16xf32>
        %parallel_loop3A_379 = arith.index_cast %parallel_loop3A_361 : i32 to index
        %parallel_loop3A_380 = arith.constant 48 : index
        %parallel_loop3A_381 = tpu.vector_load %arg14[%parallel_loop3A_379, %parallel_loop3A_380] {strides = array<i32>} : memref<256x64xf32, #tpu.memory_space<vmem>>, vector<1x16xf32>,
        %parallel_loop3A_382 = vector.shape_cast %parallel_loop3A_381 : vector<1x16xf32> to vector<16xf32>
        %parallel_loop3A_383 = arith.mulf %parallel_loop3A_382, %get3A_178 : vector<16xf32>
        %parallel_loop3A_384 = arith.addf %parallel_loop3A_378, %parallel_loop3A_383 : vector<16xf32>
        %parallel_loop3A_385 = arith.constant 8 : i32
        %parallel_loop3A_386 = arith.addi %parallel_loop3A_184, %parallel_loop3A_385 : i32
        %parallel_loop3A_387 = arith.index_cast %parallel_loop3A_386 : i32 to index
        %parallel_loop3A_388 = arith.constant 0 : index
        %parallel_loop3A_389 = tpu.vector_load %arg14[%parallel_loop3A_387, %parallel_loop3A_388] {strides = array<i32>} : memref<256x64xf32, #tpu.memory_space<vmem>>, vector<1x16xf32>,
        %parallel_loop3A_390 = vector.shape_cast %parallel_loop3A_389 : vector<1x16xf32> to vector<16xf32>
        %parallel_loop3A_391 = arith.mulf %parallel_loop3A_390, %get3A_166 : vector<16xf32>
        %parallel_loop3A_392 = arith.index_cast %parallel_loop3A_386 : i32 to index
        %parallel_loop3A_393 = arith.constant 16 : index
        %parallel_loop3A_394 = tpu.vector_load %arg14[%parallel_loop3A_392, %parallel_loop3A_393] {strides = array<i32>} : memref<256x64xf32, #tpu.memory_space<vmem>>, vector<1x16xf32>,
        %parallel_loop3A_395 = vector.shape_cast %parallel_loop3A_394 : vector<1x16xf32> to vector<16xf32>
        %parallel_loop3A_396 = arith.mulf %parallel_loop3A_395, %get3A_170 : vector<16xf32>
        %parallel_loop3A_397 = arith.addf %parallel_loop3A_391, %parallel_loop3A_396 : vector<16xf32>
        %parallel_loop3A_398 = arith.index_cast %parallel_loop3A_386 : i32 to index
        %parallel_loop3A_399 = arith.constant 32 : index
        %parallel_loop3A_400 = tpu.vector_load %arg14[%parallel_loop3A_398, %parallel_loop3A_399] {strides = array<i32>} : memref<256x64xf32, #tpu.memory_space<vmem>>, vector<1x16xf32>,
        %parallel_loop3A_401 = vector.shape_cast %parallel_loop3A_400 : vector<1x16xf32> to vector<16xf32>
        %parallel_loop3A_402 = arith.mulf %parallel_loop3A_401, %get3A_174 : vector<16xf32>
        %parallel_loop3A_403 = arith.addf %parallel_loop3A_397, %parallel_loop3A_402 : vector<16xf32>
        %parallel_loop3A_404 = arith.index_cast %parallel_loop3A_386 : i32 to index
        %parallel_loop3A_405 = arith.constant 48 : index
        %parallel_loop3A_406 = tpu.vector_load %arg14[%parallel_loop3A_404, %parallel_loop3A_405] {strides = array<i32>} : memref<256x64xf32, #tpu.memory_space<vmem>>, vector<1x16xf32>,
        %parallel_loop3A_407 = vector.shape_cast %parallel_loop3A_406 : vector<1x16xf32> to vector<16xf32>
        %parallel_loop3A_408 = arith.mulf %parallel_loop3A_407, %get3A_178 : vector<16xf32>
        %parallel_loop3A_409 = arith.addf %parallel_loop3A_403, %parallel_loop3A_408 : vector<16xf32>
        %parallel_loop3A_410 = arith.constant 9 : i32
        %parallel_loop3A_411 = arith.addi %parallel_loop3A_184, %parallel_loop3A_410 : i32
        %parallel_loop3A_412 = arith.index_cast %parallel_loop3A_411 : i32 to index
        %parallel_loop3A_413 = arith.constant 0 : index
        %parallel_loop3A_414 = tpu.vector_load %arg14[%parallel_loop3A_412, %parallel_loop3A_413] {strides = array<i32>} : memref<256x64xf32, #tpu.memory_space<vmem>>, vector<1x16xf32>,
        %parallel_loop3A_415 = vector.shape_cast %parallel_loop3A_414 : vector<1x16xf32> to vector<16xf32>
        %parallel_loop3A_416 = arith.mulf %parallel_loop3A_415, %get3A_166 : vector<16xf32>
        %parallel_loop3A_417 = arith.index_cast %parallel_loop3A_411 : i32 to index
        %parallel_loop3A_418 = arith.constant 16 : index
        %parallel_loop3A_419 = tpu.vector_load %arg14[%parallel_loop3A_417, %parallel_loop3A_418] {strides = array<i32>} : memref<256x64xf32, #tpu.memory_space<vmem>>, vector<1x16xf32>,
        %parallel_loop3A_420 = vector.shape_cast %parallel_loop3A_419 : vector<1x16xf32> to vector<16xf32>
        %parallel_loop3A_421 = arith.mulf %parallel_loop3A_420, %get3A_170 : vector<16xf32>
        %parallel_loop3A_422 = arith.addf %parallel_loop3A_416, %parallel_loop3A_421 : vector<16xf32>
        %parallel_loop3A_423 = arith.index_cast %parallel_loop3A_411 : i32 to index
        %parallel_loop3A_424 = arith.constant 32 : index
        %parallel_loop3A_425 = tpu.vector_load %arg14[%parallel_loop3A_423, %parallel_loop3A_424] {strides = array<i32>} : memref<256x64xf32, #tpu.memory_space<vmem>>, vector<1x16xf32>,
        %parallel_loop3A_426 = vector.shape_cast %parallel_loop3A_425 : vector<1x16xf32> to vector<16xf32>
        %parallel_loop3A_427 = arith.mulf %parallel_loop3A_426, %get3A_174 : vector<16xf32>
        %parallel_loop3A_428 = arith.addf %parallel_loop3A_422, %parallel_loop3A_427 : vector<16xf32>
        %parallel_loop3A_429 = arith.index_cast %parallel_loop3A_411 : i32 to index
        %parallel_loop3A_430 = arith.constant 48 : index
        %parallel_loop3A_431 = tpu.vector_load %arg14[%parallel_loop3A_429, %parallel_loop3A_430] {strides = array<i32>} : memref<256x64xf32, #tpu.memory_space<vmem>>, vector<1x16xf32>,
        %parallel_loop3A_432 = vector.shape_cast %parallel_loop3A_431 : vector<1x16xf32> to vector<16xf32>
        %parallel_loop3A_433 = arith.mulf %parallel_loop3A_432, %get3A_178 : vector<16xf32>
        %parallel_loop3A_434 = arith.addf %parallel_loop3A_428, %parallel_loop3A_433 : vector<16xf32>
        %parallel_loop3A_435 = arith.constant 10 : i32
        %parallel_loop3A_436 = arith.addi %parallel_loop3A_184, %parallel_loop3A_435 : i32
        %parallel_loop3A_437 = arith.index_cast %parallel_loop3A_436 : i32 to index
        %parallel_loop3A_438 = arith.constant 0 : index
        %parallel_loop3A_439 = tpu.vector_load %arg14[%parallel_loop3A_437, %parallel_loop3A_438] {strides = array<i32>} : memref<256x64xf32, #tpu.memory_space<vmem>>, vector<1x16xf32>,
        %parallel_loop3A_440 = vector.shape_cast %parallel_loop3A_439 : vector<1x16xf32> to vector<16xf32>
        %parallel_loop3A_441 = arith.mulf %parallel_loop3A_440, %get3A_166 : vector<16xf32>
        %parallel_loop3A_442 = arith.index_cast %parallel_loop3A_436 : i32 to index
        %parallel_loop3A_443 = arith.constant 16 : index
        %parallel_loop3A_444 = tpu.vector_load %arg14[%parallel_loop3A_442, %parallel_loop3A_443] {strides = array<i32>} : memref<256x64xf32, #tpu.memory_space<vmem>>, vector<1x16xf32>,
        %parallel_loop3A_445 = vector.shape_cast %parallel_loop3A_444 : vector<1x16xf32> to vector<16xf32>
        %parallel_loop3A_446 = arith.mulf %parallel_loop3A_445, %get3A_170 : vector<16xf32>
        %parallel_loop3A_447 = arith.addf %parallel_loop3A_441, %parallel_loop3A_446 : vector<16xf32>
        %parallel_loop3A_448 = arith.index_cast %parallel_loop3A_436 : i32 to index
        %parallel_loop3A_449 = arith.constant 32 : index
        %parallel_loop3A_450 = tpu.vector_load %arg14[%parallel_loop3A_448, %parallel_loop3A_449] {strides = array<i32>} : memref<256x64xf32, #tpu.memory_space<vmem>>, vector<1x16xf32>,
        %parallel_loop3A_451 = vector.shape_cast %parallel_loop3A_450 : vector<1x16xf32> to vector<16xf32>
        %parallel_loop3A_452 = arith.mulf %parallel_loop3A_451, %get3A_174 : vector<16xf32>
        %parallel_loop3A_453 = arith.addf %parallel_loop3A_447, %parallel_loop3A_452 : vector<16xf32>
        %parallel_loop3A_454 = arith.index_cast %parallel_loop3A_436 : i32 to index
        %parallel_loop3A_455 = arith.constant 48 : index
        %parallel_loop3A_456 = tpu.vector_load %arg14[%parallel_loop3A_454, %parallel_loop3A_455] {strides = array<i32>} : memref<256x64xf32, #tpu.memory_space<vmem>>, vector<1x16xf32>,
        %parallel_loop3A_457 = vector.shape_cast %parallel_loop3A_456 : vector<1x16xf32> to vector<16xf32>
        %parallel_loop3A_458 = arith.mulf %parallel_loop3A_457, %get3A_178 : vector<16xf32>
        %parallel_loop3A_459 = arith.addf %parallel_loop3A_453, %parallel_loop3A_458 : vector<16xf32>
        %parallel_loop3A_460 = arith.constant 11 : i32
        %parallel_loop3A_461 = arith.addi %parallel_loop3A_184, %parallel_loop3A_460 : i32
        %parallel_loop3A_462 = arith.index_cast %parallel_loop3A_461 : i32 to index
        %parallel_loop3A_463 = arith.constant 0 : index
        %parallel_loop3A_464 = tpu.vector_load %arg14[%parallel_loop3A_462, %parallel_loop3A_463] {strides = array<i32>} : memref<256x64xf32, #tpu.memory_space<vmem>>, vector<1x16xf32>,
        %parallel_loop3A_465 = vector.shape_cast %parallel_loop3A_464 : vector<1x16xf32> to vector<16xf32>
        %parallel_loop3A_466 = arith.mulf %parallel_loop3A_465, %get3A_166 : vector<16xf32>
        %parallel_loop3A_467 = arith.index_cast %parallel_loop3A_461 : i32 to index
        %parallel_loop3A_468 = arith.constant 16 : index
        %parallel_loop3A_469 = tpu.vector_load %arg14[%parallel_loop3A_467, %parallel_loop3A_468] {strides = array<i32>} : memref<256x64xf32, #tpu.memory_space<vmem>>, vector<1x16xf32>,
        %parallel_loop3A_470 = vector.shape_cast %parallel_loop3A_469 : vector<1x16xf32> to vector<16xf32>
        %parallel_loop3A_471 = arith.mulf %parallel_loop3A_470, %get3A_170 : vector<16xf32>
        %parallel_loop3A_472 = arith.addf %parallel_loop3A_466, %parallel_loop3A_471 : vector<16xf32>
        %parallel_loop3A_473 = arith.index_cast %parallel_loop3A_461 : i32 to index
        %parallel_loop3A_474 = arith.constant 32 : index
        %parallel_loop3A_475 = tpu.vector_load %arg14[%parallel_loop3A_473, %parallel_loop3A_474] {strides = array<i32>} : memref<256x64xf32, #tpu.memory_space<vmem>>, vector<1x16xf32>,
        %parallel_loop3A_476 = vector.shape_cast %parallel_loop3A_475 : vector<1x16xf32> to vector<16xf32>
        %parallel_loop3A_477 = arith.mulf %parallel_loop3A_476, %get3A_174 : vector<16xf32>
        %parallel_loop3A_478 = arith.addf %parallel_loop3A_472, %parallel_loop3A_477 : vector<16xf32>
        %parallel_loop3A_479 = arith.index_cast %parallel_loop3A_461 : i32 to index
        %parallel_loop3A_480 = arith.constant 48 : index
        %parallel_loop3A_481 = tpu.vector_load %arg14[%parallel_loop3A_479, %parallel_loop3A_480] {strides = array<i32>} : memref<256x64xf32, #tpu.memory_space<vmem>>, vector<1x16xf32>,
        %parallel_loop3A_482 = vector.shape_cast %parallel_loop3A_481 : vector<1x16xf32> to vector<16xf32>
        %parallel_loop3A_483 = arith.mulf %parallel_loop3A_482, %get3A_178 : vector<16xf32>
        %parallel_loop3A_484 = arith.addf %parallel_loop3A_478, %parallel_loop3A_483 : vector<16xf32>
        %parallel_loop3A_485 = arith.constant 12 : i32
        %parallel_loop3A_486 = arith.addi %parallel_loop3A_184, %parallel_loop3A_485 : i32
        %parallel_loop3A_487 = arith.index_cast %parallel_loop3A_486 : i32 to index
        %parallel_loop3A_488 = arith.constant 0 : index
        %parallel_loop3A_489 = tpu.vector_load %arg14[%parallel_loop3A_487, %parallel_loop3A_488] {strides = array<i32>} : memref<256x64xf32, #tpu.memory_space<vmem>>, vector<1x16xf32>,
        %parallel_loop3A_490 = vector.shape_cast %parallel_loop3A_489 : vector<1x16xf32> to vector<16xf32>
        %parallel_loop3A_491 = arith.mulf %parallel_loop3A_490, %get3A_166 : vector<16xf32>
        %parallel_loop3A_492 = arith.index_cast %parallel_loop3A_486 : i32 to index
        %parallel_loop3A_493 = arith.constant 16 : index
        %parallel_loop3A_494 = tpu.vector_load %arg14[%parallel_loop3A_492, %parallel_loop3A_493] {strides = array<i32>} : memref<256x64xf32, #tpu.memory_space<vmem>>, vector<1x16xf32>,
        %parallel_loop3A_495 = vector.shape_cast %parallel_loop3A_494 : vector<1x16xf32> to vector<16xf32>
        %parallel_loop3A_496 = arith.mulf %parallel_loop3A_495, %get3A_170 : vector<16xf32>
        %parallel_loop3A_497 = arith.addf %parallel_loop3A_491, %parallel_loop3A_496 : vector<16xf32>
        %parallel_loop3A_498 = arith.index_cast %parallel_loop3A_486 : i32 to index
        %parallel_loop3A_499 = arith.constant 32 : index
        %parallel_loop3A_500 = tpu.vector_load %arg14[%parallel_loop3A_498, %parallel_loop3A_499] {strides = array<i32>} : memref<256x64xf32, #tpu.memory_space<vmem>>, vector<1x16xf32>,
        %parallel_loop3A_501 = vector.shape_cast %parallel_loop3A_500 : vector<1x16xf32> to vector<16xf32>
        %parallel_loop3A_502 = arith.mulf %parallel_loop3A_501, %get3A_174 : vector<16xf32>
        %parallel_loop3A_503 = arith.addf %parallel_loop3A_497, %parallel_loop3A_502 : vector<16xf32>
        %parallel_loop3A_504 = arith.index_cast %parallel_loop3A_486 : i32 to index
        %parallel_loop3A_505 = arith.constant 48 : index
        %parallel_loop3A_506 = tpu.vector_load %arg14[%parallel_loop3A_504, %parallel_loop3A_505] {strides = array<i32>} : memref<256x64xf32, #tpu.memory_space<vmem>>, vector<1x16xf32>,
        %parallel_loop3A_507 = vector.shape_cast %parallel_loop3A_506 : vector<1x16xf32> to vector<16xf32>
        %parallel_loop3A_508 = arith.mulf %parallel_loop3A_507, %get3A_178 : vector<16xf32>
        %parallel_loop3A_509 = arith.addf %parallel_loop3A_503, %parallel_loop3A_508 : vector<16xf32>
        %parallel_loop3A_510 = arith.constant 13 : i32
        %parallel_loop3A_511 = arith.addi %parallel_loop3A_184, %parallel_loop3A_510 : i32
        %parallel_loop3A_512 = arith.index_cast %parallel_loop3A_511 : i32 to index
        %parallel_loop3A_513 = arith.constant 0 : index
        %parallel_loop3A_514 = tpu.vector_load %arg14[%parallel_loop3A_512, %parallel_loop3A_513] {strides = array<i32>} : memref<256x64xf32, #tpu.memory_space<vmem>>, vector<1x16xf32>,
        %parallel_loop3A_515 = vector.shape_cast %parallel_loop3A_514 : vector<1x16xf32> to vector<16xf32>
        %parallel_loop3A_516 = arith.mulf %parallel_loop3A_515, %get3A_166 : vector<16xf32>
        %parallel_loop3A_517 = arith.index_cast %parallel_loop3A_511 : i32 to index
        %parallel_loop3A_518 = arith.constant 16 : index
        %parallel_loop3A_519 = tpu.vector_load %arg14[%parallel_loop3A_517, %parallel_loop3A_518] {strides = array<i32>} : memref<256x64xf32, #tpu.memory_space<vmem>>, vector<1x16xf32>,
        %parallel_loop3A_520 = vector.shape_cast %parallel_loop3A_519 : vector<1x16xf32> to vector<16xf32>
        %parallel_loop3A_521 = arith.mulf %parallel_loop3A_520, %get3A_170 : vector<16xf32>
        %parallel_loop3A_522 = arith.addf %parallel_loop3A_516, %parallel_loop3A_521 : vector<16xf32>
        %parallel_loop3A_523 = arith.index_cast %parallel_loop3A_511 : i32 to index
        %parallel_loop3A_524 = arith.constant 32 : index
        %parallel_loop3A_525 = tpu.vector_load %arg14[%parallel_loop3A_523, %parallel_loop3A_524] {strides = array<i32>} : memref<256x64xf32, #tpu.memory_space<vmem>>, vector<1x16xf32>,
        %parallel_loop3A_526 = vector.shape_cast %parallel_loop3A_525 : vector<1x16xf32> to vector<16xf32>
        %parallel_loop3A_527 = arith.mulf %parallel_loop3A_526, %get3A_174 : vector<16xf32>
        %parallel_loop3A_528 = arith.addf %parallel_loop3A_522, %parallel_loop3A_527 : vector<16xf32>
        %parallel_loop3A_529 = arith.index_cast %parallel_loop3A_511 : i32 to index
        %parallel_loop3A_530 = arith.constant 48 : index
        %parallel_loop3A_531 = tpu.vector_load %arg14[%parallel_loop3A_529, %parallel_loop3A_530] {strides = array<i32>} : memref<256x64xf32, #tpu.memory_space<vmem>>, vector<1x16xf32>,
        %parallel_loop3A_532 = vector.shape_cast %parallel_loop3A_531 : vector<1x16xf32> to vector<16xf32>
        %parallel_loop3A_533 = arith.mulf %parallel_loop3A_532, %get3A_178 : vector<16xf32>
        %parallel_loop3A_534 = arith.addf %parallel_loop3A_528, %parallel_loop3A_533 : vector<16xf32>
        %parallel_loop3A_535 = arith.constant 14 : i32
        %parallel_loop3A_536 = arith.addi %parallel_loop3A_184, %parallel_loop3A_535 : i32
        %parallel_loop3A_537 = arith.index_cast %parallel_loop3A_536 : i32 to index
        %parallel_loop3A_538 = arith.constant 0 : index
        %parallel_loop3A_539 = tpu.vector_load %arg14[%parallel_loop3A_537, %parallel_loop3A_538] {strides = array<i32>} : memref<256x64xf32, #tpu.memory_space<vmem>>, vector<1x16xf32>,
        %parallel_loop3A_540 = vector.shape_cast %parallel_loop3A_539 : vector<1x16xf32> to vector<16xf32>
        %parallel_loop3A_541 = arith.mulf %parallel_loop3A_540, %get3A_166 : vector<16xf32>
        %parallel_loop3A_542 = arith.index_cast %parallel_loop3A_536 : i32 to index
        %parallel_loop3A_543 = arith.constant 16 : index
        %parallel_loop3A_544 = tpu.vector_load %arg14[%parallel_loop3A_542, %parallel_loop3A_543] {strides = array<i32>} : memref<256x64xf32, #tpu.memory_space<vmem>>, vector<1x16xf32>,
        %parallel_loop3A_545 = vector.shape_cast %parallel_loop3A_544 : vector<1x16xf32> to vector<16xf32>
        %parallel_loop3A_546 = arith.mulf %parallel_loop3A_545, %get3A_170 : vector<16xf32>
        %parallel_loop3A_547 = arith.addf %parallel_loop3A_541, %parallel_loop3A_546 : vector<16xf32>
        %parallel_loop3A_548 = arith.index_cast %parallel_loop3A_536 : i32 to index
        %parallel_loop3A_549 = arith.constant 32 : index
        %parallel_loop3A_550 = tpu.vector_load %arg14[%parallel_loop3A_548, %parallel_loop3A_549] {strides = array<i32>} : memref<256x64xf32, #tpu.memory_space<vmem>>, vector<1x16xf32>,
        %parallel_loop3A_551 = vector.shape_cast %parallel_loop3A_550 : vector<1x16xf32> to vector<16xf32>
        %parallel_loop3A_552 = arith.mulf %parallel_loop3A_551, %get3A_174 : vector<16xf32>
        %parallel_loop3A_553 = arith.addf %parallel_loop3A_547, %parallel_loop3A_552 : vector<16xf32>
        %parallel_loop3A_554 = arith.index_cast %parallel_loop3A_536 : i32 to index
        %parallel_loop3A_555 = arith.constant 48 : index
        %parallel_loop3A_556 = tpu.vector_load %arg14[%parallel_loop3A_554, %parallel_loop3A_555] {strides = array<i32>} : memref<256x64xf32, #tpu.memory_space<vmem>>, vector<1x16xf32>,
        %parallel_loop3A_557 = vector.shape_cast %parallel_loop3A_556 : vector<1x16xf32> to vector<16xf32>
        %parallel_loop3A_558 = arith.mulf %parallel_loop3A_557, %get3A_178 : vector<16xf32>
        %parallel_loop3A_559 = arith.addf %parallel_loop3A_553, %parallel_loop3A_558 : vector<16xf32>
        %parallel_loop3A_560 = arith.constant 15 : i32
        %parallel_loop3A_561 = arith.addi %parallel_loop3A_184, %parallel_loop3A_560 : i32
        %parallel_loop3A_562 = arith.index_cast %parallel_loop3A_561 : i32 to index
        %parallel_loop3A_563 = arith.constant 0 : index
        %parallel_loop3A_564 = tpu.vector_load %arg14[%parallel_loop3A_562, %parallel_loop3A_563] {strides = array<i32>} : memref<256x64xf32, #tpu.memory_space<vmem>>, vector<1x16xf32>,
        %parallel_loop3A_565 = vector.shape_cast %parallel_loop3A_564 : vector<1x16xf32> to vector<16xf32>
        %parallel_loop3A_566 = arith.mulf %parallel_loop3A_565, %get3A_166 : vector<16xf32>
        %parallel_loop3A_567 = arith.index_cast %parallel_loop3A_561 : i32 to index
        %parallel_loop3A_568 = arith.constant 16 : index
        %parallel_loop3A_569 = tpu.vector_load %arg14[%parallel_loop3A_567, %parallel_loop3A_568] {strides = array<i32>} : memref<256x64xf32, #tpu.memory_space<vmem>>, vector<1x16xf32>,
        %parallel_loop3A_570 = vector.shape_cast %parallel_loop3A_569 : vector<1x16xf32> to vector<16xf32>
        %parallel_loop3A_571 = arith.mulf %parallel_loop3A_570, %get3A_170 : vector<16xf32>
        %parallel_loop3A_572 = arith.addf %parallel_loop3A_566, %parallel_loop3A_571 : vector<16xf32>
        %parallel_loop3A_573 = arith.index_cast %parallel_loop3A_561 : i32 to index
        %parallel_loop3A_574 = arith.constant 32 : index
        %parallel_loop3A_575 = tpu.vector_load %arg14[%parallel_loop3A_573, %parallel_loop3A_574] {strides = array<i32>} : memref<256x64xf32, #tpu.memory_space<vmem>>, vector<1x16xf32>,
        %parallel_loop3A_576 = vector.shape_cast %parallel_loop3A_575 : vector<1x16xf32> to vector<16xf32>
        %parallel_loop3A_577 = arith.mulf %parallel_loop3A_576, %get3A_174 : vector<16xf32>
        %parallel_loop3A_578 = arith.addf %parallel_loop3A_572, %parallel_loop3A_577 : vector<16xf32>
        %parallel_loop3A_579 = arith.index_cast %parallel_loop3A_561 : i32 to index
        %parallel_loop3A_580 = arith.constant 48 : index
        %parallel_loop3A_581 = tpu.vector_load %arg14[%parallel_loop3A_579, %parallel_loop3A_580] {strides = array<i32>} : memref<256x64xf32, #tpu.memory_space<vmem>>, vector<1x16xf32>,
        %parallel_loop3A_582 = vector.shape_cast %parallel_loop3A_581 : vector<1x16xf32> to vector<16xf32>
        %parallel_loop3A_583 = arith.mulf %parallel_loop3A_582, %get3A_178 : vector<16xf32>
        %parallel_loop3A_584 = arith.addf %parallel_loop3A_578, %parallel_loop3A_583 : vector<16xf32>
        %parallel_loop3A_585 = arith.select %ne3A_32, %parallel_loop3A_234, %parallel_loop3A_209 : vector<16xi1>, vector<16xf32>
        %parallel_loop3A_586 = arith.select %ne3A_32, %parallel_loop3A_209, %parallel_loop3A_234 : vector<16xi1>, vector<16xf32>
        %parallel_loop3A_587 = vector.shape_cast %xor3A_19 : vector<16xi32> to vector<16x1xi32>
        %parallel_loop3A_588 = vector.shape_cast %parallel_loop3A_587 : vector<16x1xi32> to vector<16xi32>
        %parallel_loop3A_589 = tpu.dynamic_gather %parallel_loop3A_586[%parallel_loop3A_588] in [0] : vector<16xf32>, vector<16xi32> -> vector<16xf32>
        %parallel_loop3A_590 = arith.addf %parallel_loop3A_585, %parallel_loop3A_589 : vector<16xf32>
        %parallel_loop3A_591 = arith.select %ne3A_32, %parallel_loop3A_284, %parallel_loop3A_259 : vector<16xi1>, vector<16xf32>
        %parallel_loop3A_592 = arith.select %ne3A_32, %parallel_loop3A_259, %parallel_loop3A_284 : vector<16xi1>, vector<16xf32>
        %parallel_loop3A_593 = vector.shape_cast %xor3A_19 : vector<16xi32> to vector<16x1xi32>
        %parallel_loop3A_594 = vector.shape_cast %parallel_loop3A_593 : vector<16x1xi32> to vector<16xi32>
        %parallel_loop3A_595 = tpu.dynamic_gather %parallel_loop3A_592[%parallel_loop3A_594] in [0] : vector<16xf32>, vector<16xi32> -> vector<16xf32>
        %parallel_loop3A_596 = arith.addf %parallel_loop3A_591, %parallel_loop3A_595 : vector<16xf32>
        %parallel_loop3A_597 = arith.select %ne3A_32, %parallel_loop3A_334, %parallel_loop3A_309 : vector<16xi1>, vector<16xf32>
        %parallel_loop3A_598 = arith.select %ne3A_32, %parallel_loop3A_309, %parallel_loop3A_334 : vector<16xi1>, vector<16xf32>
        %parallel_loop3A_599 = vector.shape_cast %xor3A_19 : vector<16xi32> to vector<16x1xi32>
        %parallel_loop3A_600 = vector.shape_cast %parallel_loop3A_599 : vector<16x1xi32> to vector<16xi32>
        %parallel_loop3A_601 = tpu.dynamic_gather %parallel_loop3A_598[%parallel_loop3A_600] in [0] : vector<16xf32>, vector<16xi32> -> vector<16xf32>
        %parallel_loop3A_602 = arith.addf %parallel_loop3A_597, %parallel_loop3A_601 : vector<16xf32>
        %parallel_loop3A_603 = arith.select %ne3A_32, %parallel_loop3A_384, %parallel_loop3A_359 : vector<16xi1>, vector<16xf32>
        %parallel_loop3A_604 = arith.select %ne3A_32, %parallel_loop3A_359, %parallel_loop3A_384 : vector<16xi1>, vector<16xf32>
        %parallel_loop3A_605 = vector.shape_cast %xor3A_19 : vector<16xi32> to vector<16x1xi32>
        %parallel_loop3A_606 = vector.shape_cast %parallel_loop3A_605 : vector<16x1xi32> to vector<16xi32>
        %parallel_loop3A_607 = tpu.dynamic_gather %parallel_loop3A_604[%parallel_loop3A_606] in [0] : vector<16xf32>, vector<16xi32> -> vector<16xf32>
        %parallel_loop3A_608 = arith.addf %parallel_loop3A_603, %parallel_loop3A_607 : vector<16xf32>
        %parallel_loop3A_609 = arith.select %ne3A_32, %parallel_loop3A_434, %parallel_loop3A_409 : vector<16xi1>, vector<16xf32>
        %parallel_loop3A_610 = arith.select %ne3A_32, %parallel_loop3A_409, %parallel_loop3A_434 : vector<16xi1>, vector<16xf32>
        %parallel_loop3A_611 = vector.shape_cast %xor3A_19 : vector<16xi32> to vector<16x1xi32>
        %parallel_loop3A_612 = vector.shape_cast %parallel_loop3A_611 : vector<16x1xi32> to vector<16xi32>
        %parallel_loop3A_613 = tpu.dynamic_gather %parallel_loop3A_610[%parallel_loop3A_612] in [0] : vector<16xf32>, vector<16xi32> -> vector<16xf32>
        %parallel_loop3A_614 = arith.addf %parallel_loop3A_609, %parallel_loop3A_613 : vector<16xf32>
        %parallel_loop3A_615 = arith.select %ne3A_32, %parallel_loop3A_484, %parallel_loop3A_459 : vector<16xi1>, vector<16xf32>
        %parallel_loop3A_616 = arith.select %ne3A_32, %parallel_loop3A_459, %parallel_loop3A_484 : vector<16xi1>, vector<16xf32>
        %parallel_loop3A_617 = vector.shape_cast %xor3A_19 : vector<16xi32> to vector<16x1xi32>
        %parallel_loop3A_618 = vector.shape_cast %parallel_loop3A_617 : vector<16x1xi32> to vector<16xi32>
        %parallel_loop3A_619 = tpu.dynamic_gather %parallel_loop3A_616[%parallel_loop3A_618] in [0] : vector<16xf32>, vector<16xi32> -> vector<16xf32>
        %parallel_loop3A_620 = arith.addf %parallel_loop3A_615, %parallel_loop3A_619 : vector<16xf32>
        %parallel_loop3A_621 = arith.select %ne3A_32, %parallel_loop3A_534, %parallel_loop3A_509 : vector<16xi1>, vector<16xf32>
        %parallel_loop3A_622 = arith.select %ne3A_32, %parallel_loop3A_509, %parallel_loop3A_534 : vector<16xi1>, vector<16xf32>
        %parallel_loop3A_623 = vector.shape_cast %xor3A_19 : vector<16xi32> to vector<16x1xi32>
        %parallel_loop3A_624 = vector.shape_cast %parallel_loop3A_623 : vector<16x1xi32> to vector<16xi32>
        %parallel_loop3A_625 = tpu.dynamic_gather %parallel_loop3A_622[%parallel_loop3A_624] in [0] : vector<16xf32>, vector<16xi32> -> vector<16xf32>
        %parallel_loop3A_626 = arith.addf %parallel_loop3A_621, %parallel_loop3A_625 : vector<16xf32>
        %parallel_loop3A_627 = arith.select %ne3A_32, %parallel_loop3A_584, %parallel_loop3A_559 : vector<16xi1>, vector<16xf32>
        %parallel_loop3A_628 = arith.select %ne3A_32, %parallel_loop3A_559, %parallel_loop3A_584 : vector<16xi1>, vector<16xf32>
        %parallel_loop3A_629 = vector.shape_cast %xor3A_19 : vector<16xi32> to vector<16x1xi32>
        %parallel_loop3A_630 = vector.shape_cast %parallel_loop3A_629 : vector<16x1xi32> to vector<16xi32>
        %parallel_loop3A_631 = tpu.dynamic_gather %parallel_loop3A_628[%parallel_loop3A_630] in [0] : vector<16xf32>, vector<16xi32> -> vector<16xf32>
        %parallel_loop3A_632 = arith.addf %parallel_loop3A_627, %parallel_loop3A_631 : vector<16xf32>
        %parallel_loop3A_633 = arith.select %ne3A_38, %parallel_loop3A_596, %parallel_loop3A_590 : vector<16xi1>, vector<16xf32>
        %parallel_loop3A_634 = arith.select %ne3A_38, %parallel_loop3A_590, %parallel_loop3A_596 : vector<16xi1>, vector<16xf32>
        %parallel_loop3A_635 = vector.shape_cast %xor3A_22 : vector<16xi32> to vector<16x1xi32>
        %parallel_loop3A_636 = vector.shape_cast %parallel_loop3A_635 : vector<16x1xi32> to vector<16xi32>
        %parallel_loop3A_637 = tpu.dynamic_gather %parallel_loop3A_634[%parallel_loop3A_636] in [0] : vector<16xf32>, vector<16xi32> -> vector<16xf32>
        %parallel_loop3A_638 = arith.addf %parallel_loop3A_633, %parallel_loop3A_637 : vector<16xf32>
        %parallel_loop3A_639 = arith.select %ne3A_38, %parallel_loop3A_608, %parallel_loop3A_602 : vector<16xi1>, vector<16xf32>
        %parallel_loop3A_640 = arith.select %ne3A_38, %parallel_loop3A_602, %parallel_loop3A_608 : vector<16xi1>, vector<16xf32>
        %parallel_loop3A_641 = vector.shape_cast %xor3A_22 : vector<16xi32> to vector<16x1xi32>
        %parallel_loop3A_642 = vector.shape_cast %parallel_loop3A_641 : vector<16x1xi32> to vector<16xi32>
        %parallel_loop3A_643 = tpu.dynamic_gather %parallel_loop3A_640[%parallel_loop3A_642] in [0] : vector<16xf32>, vector<16xi32> -> vector<16xf32>
        %parallel_loop3A_644 = arith.addf %parallel_loop3A_639, %parallel_loop3A_643 : vector<16xf32>
        %parallel_loop3A_645 = arith.select %ne3A_38, %parallel_loop3A_620, %parallel_loop3A_614 : vector<16xi1>, vector<16xf32>
        %parallel_loop3A_646 = arith.select %ne3A_38, %parallel_loop3A_614, %parallel_loop3A_620 : vector<16xi1>, vector<16xf32>
        %parallel_loop3A_647 = vector.shape_cast %xor3A_22 : vector<16xi32> to vector<16x1xi32>
        %parallel_loop3A_648 = vector.shape_cast %parallel_loop3A_647 : vector<16x1xi32> to vector<16xi32>
        %parallel_loop3A_649 = tpu.dynamic_gather %parallel_loop3A_646[%parallel_loop3A_648] in [0] : vector<16xf32>, vector<16xi32> -> vector<16xf32>
        %parallel_loop3A_650 = arith.addf %parallel_loop3A_645, %parallel_loop3A_649 : vector<16xf32>
        %parallel_loop3A_651 = arith.select %ne3A_38, %parallel_loop3A_632, %parallel_loop3A_626 : vector<16xi1>, vector<16xf32>
        %parallel_loop3A_652 = arith.select %ne3A_38, %parallel_loop3A_626, %parallel_loop3A_632 : vector<16xi1>, vector<16xf32>
        %parallel_loop3A_653 = vector.shape_cast %xor3A_22 : vector<16xi32> to vector<16x1xi32>
        %parallel_loop3A_654 = vector.shape_cast %parallel_loop3A_653 : vector<16x1xi32> to vector<16xi32>
        %parallel_loop3A_655 = tpu.dynamic_gather %parallel_loop3A_652[%parallel_loop3A_654] in [0] : vector<16xf32>, vector<16xi32> -> vector<16xf32>
        %parallel_loop3A_656 = arith.addf %parallel_loop3A_651, %parallel_loop3A_655 : vector<16xf32>
        %parallel_loop3A_657 = arith.select %ne3A_44, %parallel_loop3A_644, %parallel_loop3A_638 : vector<16xi1>, vector<16xf32>
        %parallel_loop3A_658 = arith.select %ne3A_44, %parallel_loop3A_638, %parallel_loop3A_644 : vector<16xi1>, vector<16xf32>
        %parallel_loop3A_659 = vector.shape_cast %xor3A_25 : vector<16xi32> to vector<16x1xi32>
        %parallel_loop3A_660 = vector.shape_cast %parallel_loop3A_659 : vector<16x1xi32> to vector<16xi32>
        %parallel_loop3A_661 = tpu.dynamic_gather %parallel_loop3A_658[%parallel_loop3A_660] in [0] : vector<16xf32>, vector<16xi32> -> vector<16xf32>
        %parallel_loop3A_662 = arith.addf %parallel_loop3A_657, %parallel_loop3A_661 : vector<16xf32>
        %parallel_loop3A_663 = arith.select %ne3A_44, %parallel_loop3A_656, %parallel_loop3A_650 : vector<16xi1>, vector<16xf32>
        %parallel_loop3A_664 = arith.select %ne3A_44, %parallel_loop3A_650, %parallel_loop3A_656 : vector<16xi1>, vector<16xf32>
        %parallel_loop3A_665 = vector.shape_cast %xor3A_25 : vector<16xi32> to vector<16x1xi32>
        %parallel_loop3A_666 = vector.shape_cast %parallel_loop3A_665 : vector<16x1xi32> to vector<16xi32>
        %parallel_loop3A_667 = tpu.dynamic_gather %parallel_loop3A_664[%parallel_loop3A_666] in [0] : vector<16xf32>, vector<16xi32> -> vector<16xf32>
        %parallel_loop3A_668 = arith.addf %parallel_loop3A_663, %parallel_loop3A_667 : vector<16xf32>
        %parallel_loop3A_669 = arith.select %ne3A_50, %parallel_loop3A_668, %parallel_loop3A_662 : vector<16xi1>, vector<16xf32>
        %parallel_loop3A_670 = arith.select %ne3A_50, %parallel_loop3A_662, %parallel_loop3A_668 : vector<16xi1>, vector<16xf32>
        %parallel_loop3A_671 = vector.shape_cast %xor3A_28 : vector<16xi32> to vector<16x1xi32>
        %parallel_loop3A_672 = vector.shape_cast %parallel_loop3A_671 : vector<16x1xi32> to vector<16xi32>
        %parallel_loop3A_673 = tpu.dynamic_gather %parallel_loop3A_670[%parallel_loop3A_672] in [0] : vector<16xf32>, vector<16xi32> -> vector<16xf32>
        %parallel_loop3A_674 = arith.addf %parallel_loop3A_669, %parallel_loop3A_673 : vector<16xf32>
        %parallel_loop3A_675 = arith.index_cast %add3A_83 : i32 to index
        %parallel_loop3A_676 = arith.index_cast %parallel_loop3A_184 : i32 to index
        %parallel_loop3A_677 = tpu.vector_load %arg15[%parallel_loop3A_675, %parallel_loop3A_676] {strides = array<i32>} : memref<32x256xf32, #tpu.memory_space<vmem>>, vector<1x16xf32>,
        %parallel_loop3A_678 = vector.shape_cast %parallel_loop3A_677 : vector<1x16xf32> to vector<16xf32>
        %parallel_loop3A_679 = vector.shape_cast %parallel_loop3A_674 : vector<16xf32> to vector<1x16xf32>
        tpu.vector_store %arg15[%parallel_loop3A_675, %parallel_loop3A_676], %parallel_loop3A_679 {strides = array<i32>} : memref<32x256xf32, #tpu.memory_space<vmem>>, vector<1x16xf32>,
      } {sc.loop_unroll_factor = 2 : i64, sc.parallel_access}
    }
    %scan3A_78 = arith.constant 16 : i32
    "tpu.region"() ({
      %run_scoped3A = tpu.sem_alloc : memref<!tpu.dma_semaphore, #tpu.memory_space<semaphore_mem>>
      %dma_start3A_79 = arith.constant 0 : i32
      %dma_start3A_80 = tpu.memref_slice %arg7[%mul3A_2, %dma_start3A_79] : memref<1024x256xf32, #tpu.memory_space<hbm>> -> memref<32x256xf32, #tpu.memory_space<hbm>>
      %dma_start3A_81 = arith.constant 0 : i32
      %dma_start3A_82 = tpu.memref_slice %arg7[%mul3A_2, %dma_start3A_81] : memref<1024x256xf32, #tpu.memory_space<hbm>> -> memref<32x256xf32, #tpu.memory_space<hbm>>
      tpu.enqueue_dma source(%arg15 : memref<32x256xf32, #tpu.memory_space<vmem>>) target(%dma_start3A_82 : memref<32x256xf32, #tpu.memory_space<hbm>>) target_semaphore(%run_scoped3A : memref<!tpu.dma_semaphore, #tpu.memory_space<semaphore_mem>>)
      %dma_wait3A_83 = arith.constant 0 : i32
      %dma_wait3A_84 = tpu.memref_slice %arg7[%mul3A_2, %dma_wait3A_83] : memref<1024x256xf32, #tpu.memory_space<hbm>> -> memref<32x256xf32, #tpu.memory_space<hbm>>
      %dma_wait3A_85 = arith.constant 0 : i32
      %dma_wait3A_86 = tpu.memref_slice %arg7[%mul3A_2, %dma_wait3A_85] : memref<1024x256xf32, #tpu.memory_space<hbm>> -> memref<32x256xf32, #tpu.memory_space<hbm>>
      tpu.wait_dma2 semaphore(%run_scoped3A : memref<!tpu.dma_semaphore, #tpu.memory_space<semaphore_mem>>) src(%arg15 : memref<32x256xf32, #tpu.memory_space<vmem>>) dst(%dma_wait3A_86 : memref<32x256xf32, #tpu.memory_space<hbm>>)
      tpu.yield
    }) : () -> ()
    return
  }
}

</mosaic_0001>

<sc_bundles>
// kernel: kernel.4.cloned.1.call-start
scs
__scs_entry_jumppad:
0x0: {  	(pc) =	sbr.rel $0x88, $3  }
0x1: {  	(tag) =	ssettag $0x0;
	lr =	simm.s32 $0x1  }
0x2: {  	[smem:$0x3F9D] =	sst lr;
	_ =	strace $0xD0000000  }
0x3: {  	_ = 	snop  }
0x4: {  	_ = 	snop  }
0x5: {  	_ = 	snop  }
0x6: {  	_ = 	snop  }
0x7: {  	_ = 	snop  }
__scs_overlays_trampoline_lowered:
0x8: {  	[smem:$0x3FAC] =	sst s0  }
0x9: {  	[smem:$0x3FAD] =	sst s1  }
0xa: {  	[smem:$0x3FAE] =	sst s2  }
0xb: {  	[smem:$0x3FAF] =	sst s3  }
0xc: {  	[smem:$0x3FB0] =	sst s4  }
0xd: {  	[smem:$0x3FB1] =	sst s5  }
0xe: {  	[smem:$0x3FB2] =	sst s6  }
0xf: {  	[smem:$0x3FB3] =	sst s7  }
0x10: {  	[smem:$0x3FB4] =	sst s8  }
0x11: {  	[smem:$0x3FB5] =	sst s9;
	s0 =	simm.s32 @!p0 $0x0  }
0x12: {  	s1 =	sld [smem:$0x3F9B];
	s0 =	simm.s32 @p0 $0x1  }
0x13: {  	[smem:$0x3FB6] =	sst s0;
	s0 =	simm.s32 @!p1 $0x0  }
0x14: {  	s2 =	sld [smem:$0x3F9A];
	s0 =	simm.s32 @p1 $0x1  }
0x15: {  	[smem:$0x3FB7] =	sst s0;
	s0 =	simm.s32 @!p2 $0x0  }
0x16: {  	s3 =	sld [smem:$0x3FDB];
	s0 =	simm.s32 @p2 $0x1  }
0x17: {  	s4 =	simm.s32 $0x1BF5;
	[smem:$0x3FB9] =	sst s0  }
0x18: {  	s0 =	sld [smem:$0x3F9C];
	_ =	swait.ge [sflag:s4], $0x0  }
0x19: {  	s7 =	sld [smem:$0x3F9D]  }
0x1a: {  	s8 =	sadd.s32 $0xFFFFE003, lr  }
0x1b: {  	s9 =	sadd.s32 $0xFFFFFEF7, lr;
	s5 =	simm.s32 $0xFFFFFFFF;
	p2 =	slt.u32 s8, $0xFFFFF086  }
0x1c: {  	p1 =	slt.u32 s9, $0xF7A;
	s5 =	simm.s32 @!p2 $0x0  }
0x1d: {  	s5 =	simm.s32 @p1 $0x1;
	p0 =	seq.s32 s7, s2  }
0x1e: {  	s7 =	smul.u32 @!p0 $0xF7A, s2;
	p2 =	seq.s32 @!p0 s5, $0x0  }
0x1f: {  	s9 =	smul.u32 $0xF7A, s1;
	s8 =	simm.s32 @!p0 $0x1BF5;
	p2 =	por !p2, p0  }
0x20: {  	[sflag:s8] =	ssyncset.s32 @!p0 $0xFFFFF086;
	s6 =	sadd.s32 @!p0 s3, s7;
	s7 =	simm.s32 @!p0 $0x108  }
0x21: {  	s3 =	sadd.s32 s3, s9;
	s6 =	sadd.s32 @!p0 $0x88, s6;
	s7 =	simm.s32 @p2 $0x1082  }
0x22: {  	[simem:s7], [sflag:s8] =	dma.local @!p0 [hbm:s6], $0xF7A  }
0x23: {  	s9 =	sor.u32 $0xD0000000, s2;
	s6 =	simm.s32 $0x108;
	_ =	swait.ge @!p0 [sflag:s8], $0x0  }
0x24: {  	s3 =	sadd.s32 $0x88, s3;
	s6 =	simm.s32 @!p1 $0x1082;
	[sflag:s4] =	ssyncset.s32 $0xFFFFF086  }
0x25: {  	[simem:s6], [sflag:s4] =	dma.local [hbm:s3], $0xF7A  }
0x26: {  	[smem:$0x3F9D] =	sst s1;
	(tag) =	ssettag s2;
	_ =	strace s9  }
0x27: {  	s1 =	sld [smem:$0x3FAD]  }
0x28: {  	s2 =	sld [smem:$0x3FAE]  }
0x29: {  	s4 =	sld [smem:$0x3FB0]  }
0x2a: {  	p0 =	seq.s32 s5, $0x0;
	s5 =	sld [smem:$0x3FB1]  }
0x2b: {  	s6 =	sld [smem:$0x3FB2]  }
0x2c: {  	s7 =	sld [smem:$0x3FB3]  }
0x2d: {  	s3 =	simm.s32 $0x108;
	s8 =	sld [smem:$0x3FB4]  }
0x2e: {  	s3 =	simm.s32 @!p0 $0x1082;
	s9 =	sld [smem:$0x3FB5]  }
0x2f: {  	lr =	sadd.s32 s0, s3;
	s0 =	sld [smem:$0x3FAC]  }
0x30: {  	s3 =	sld [smem:$0x3FAF]  }
0x31: {  	[smem:$0x3FB8] =	sst s10  }
0x32: {  	s10 =	sld [smem:$0x3FB6];
	_ =	sdelay $0x3  }
0x33: {  	p0 =	seq.s32 s10, $0x1;
	s10 =	sld [smem:$0x3FB8];
	_ =	sdelay $0x3  }
0x34: {  	[smem:$0x3FB8] =	sst s10  }
0x35: {  	s10 =	sld [smem:$0x3FB7];
	_ =	sdelay $0x3  }
0x36: {  	p1 =	seq.s32 s10, $0x1;
	s10 =	sld [smem:$0x3FB8];
	_ =	sdelay $0x3  }
0x37: {  	[smem:$0x3FB8] =	sst s10  }
0x38: {  	s10 =	sld [smem:$0x3FB9]  }
0x39: {  	_ = 	snop;
	(pc) =	sbr.ind lr, $3  }
0x3a: {  	_ = 	snop  }
0x3b: {  	_ = 	snop  }
0x3c: {  	p2 =	seq.s32 s10, $0x1;
	s10 =	sld [smem:$0x3FB8]  }
0x3d: {  	_ =	shalt  }
0x3e: {  	_ =	shalt  }
0x3f: {  	_ =	shalt  }
0x40: {  	_ =	shalt  }
0x41: {  	_ =	shalt  }
0x42: {  	_ =	shalt  }
0x43: {  	_ =	shalt  }
0x44: {  	_ =	shalt  }
0x45: {  	_ =	shalt  }
0x46: {  	_ =	shalt  }
0x47: {  	_ =	shalt  }
0x48: {  	_ =	shalt  }
0x49: {  	_ =	shalt  }
0x4a: {  	_ =	shalt  }
0x4b: {  	_ =	shalt  }
0x4c: {  	_ =	shalt  }
0x4d: {  	_ =	shalt  }
0x4e: {  	_ =	shalt  }
0x4f: {  	_ =	shalt  }
0x50: {  	_ =	shalt  }
0x51: {  	_ =	shalt  }
0x52: {  	_ =	shalt  }
0x53: {  	_ =	shalt  }
0x54: {  	_ =	shalt  }
0x55: {  	_ =	shalt  }
0x56: {  	_ =	shalt  }
0x57: {  	_ =	shalt  }
0x58: {  	_ =	shalt  }
0x59: {  	_ =	shalt  }
0x5a: {  	_ =	shalt  }
0x5b: {  	_ =	shalt  }
0x5c: {  	_ =	shalt  }
0x5d: {  	_ =	shalt  }
0x5e: {  	_ =	shalt  }
0x5f: {  	_ =	shalt  }
0x60: {  	_ =	shalt  }
0x61: {  	_ =	shalt  }
0x62: {  	_ =	shalt  }
0x63: {  	_ =	shalt  }
0x64: {  	_ =	shalt  }
0x65: {  	_ =	shalt  }
0x66: {  	_ =	shalt  }
0x67: {  	_ =	shalt  }
0x68: {  	_ =	shalt  }
0x69: {  	_ =	shalt  }
0x6a: {  	_ =	shalt  }
0x6b: {  	_ =	shalt  }
0x6c: {  	_ =	shalt  }
0x6d: {  	_ =	shalt  }
0x6e: {  	_ =	shalt  }
0x6f: {  	_ =	shalt  }
0x70: {  	_ =	shalt  }
0x71: {  	_ =	shalt  }
0x72: {  	_ =	shalt  }
0x73: {  	_ =	shalt  }
0x74: {  	_ =	shalt  }
0x75: {  	_ =	shalt  }
0x76: {  	_ =	shalt  }
0x77: {  	_ =	shalt  }
0x78: {  	_ =	shalt  }
0x79: {  	_ =	shalt  }
0x7a: {  	_ =	shalt  }
0x7b: {  	_ =	shalt  }
0x7c: {  	_ =	shalt  }
0x7d: {  	_ =	shalt  }
0x7e: {  	_ =	shalt  }
0x7f: {  	_ =	shalt  }
0x80: {  	_ =	shalt  }
0x81: {  	_ =	shalt  }
0x82: {  	_ =	shalt  }
0x83: {  	_ =	shalt  }
0x84: {  	_ =	shalt  }
0x85: {  	_ =	shalt  }
0x86: {  	_ =	shalt  }
0x87: {  	_ =	shalt  }
.Lfunc_end0:
.L_simem_size_0:
called_computation_lowered:
.L_overlay_start_0:
0x88: {  	s2 =	sld [smem:$0x3FD9]  }
0x89: {  	s3 =	sld [smem:$0x3FFE];
	_ =	sdelay $0x1  }
0x8a: {  	s1 =	srdreg.scid  }
0x8b: {  	s0 =	sand.u32 $0x1, s1  }
0x8c: {  	s17 =	sshll.u32 s0, $0xA;
	s2 =	sadd.s32 s3, s2  }
0x8d: {  	s2 =	sadd.s32 s2, s17  }
0x8e: {  	[smem:$0x3FC4] =	sst s2  }
0x8f: {  	_ = 	snop  }
0x90: {  	s2 =	sld [smem:$0x3FC7];
	(tm) =	ssettm $0x1  }
0x91: {  	s18 =	sld [smem:$0x3FFB];
	_ =	sdelay $0x3  }
0x92: {  	_ =	strace s18  }
0x93: {  	s3 =	sld [smem:$0x3FFC];
	_ =	sdelay $0x3  }
0x94: {  	_ =	strace s3  }
0x95: {  	s3 =	sld [smem:$0x3FFD];
	_ =	sdelay $0x3  }
0x96: {  	_ =	strace s3  }
0x97: {  	_ =	strace $0x8FFFFFFF  }
0x98: {  	s19 =	sld [smem:$0x3FDB];
	_ =	sdelay $0x1  }
0x99: {  	s4 =	simm.s32 $_scs_section_size  }
0x9a: {  	s5 =	simm.s32 $_size__tile_overlayer_lowered;
	s6 =	simm.s32 $_tile_overlayer_lowered  }
0x9b: {  	s22 =	simm.s32 $0x1BFF;
	s21 =	sshll.u32 s6, $0x1;
	s3 =	sadd.s32 s4, s19  }
0x9c: {  	s7 =	simm.s32 $0x0;
	s20 =	sshll.u32 s5, $0x1;
	s5 =	sadd.s32 s21, s3  }
0x9d: {  	[timem:s7], [sflag:s22] =	dma.local [hbm:s5], s20  }
0x9e: {  	_ =	swait.ge [sflag:s22], s20  }
0x9f: {  	s4 =	ssub.s32 $0x0, s20;
	[sflag:s22] =	ssyncset.done $0x0  }
0xa0: {  	[sflag:s22] =	ssyncadd.s32 s4;
	_ =	sdelay $0x1  }
0xa1: {  	s23 =	simm.s32 $0x1B8B  }
0xa2: {  	_ =	swait.ge [sflag:s23], $0x1  }
0xa3: {  	[sflag:s23] =	ssyncset.done $0x0  }
0xa4: {  	s25 =	simm.s32 $0x1B8E;
	s24 =	sld [smem:$0x3FFE];
	[sflag:s23] =	ssyncadd.s32 $0xFFFFFFFF  }
0xa5: {  	s26 =	simm.s32 $execute0_lowered;
	[smem:$0x3FD2] =	sst s25  }
0xa6: {  	s5 =	sshll.u32 s26, $0x1;
	_ =	strace $0x80000046;
	[dreg:$0x1] =	wrdreg $0xFFFFFFFF  }
0xa7: {  	s28 =	simm.s32 $_size_execute0_lowered;
	s3 =	sadd.s32 s3, s5;
	[dreg:$0x0] =	wrdreg $0x0  }
0xa8: {  	s5 =	sshll.u32 s28, $0x1;
	[dreg:$0x2] =	wrdreg s3  }
0xa9: {  	[dreg:$0x3] =	wrdreg s5  }
0xaa: {  	[dreg:$0x4] =	wrdreg $0xC0  }
0xab: {  	_ =	task [dreg:s7], $0x5FFFF  }
0xac: {  	[dreg:$0x1] =	wrdreg $0xFFFFFFFF  }
0xad: {  	[dreg:$0x0] =	wrdreg $0x60  }
0xae: {  	[dreg:$0x2] =	wrdreg s2  }
0xaf: {  	[dreg:$0x3] =	wrdreg s24  }
0xb0: {  	[dreg:$0x4] =	wrdreg $0x9  }
0xb1: {  	_ =	task.clear_ibuf [dreg:s7], $0x5FFFF;
	_ =	strace $0x90000046  }
0xb2: {  	s29 =	simm.s32 $0x9;
	_ =	strace $0x80000048  }
0xb3: {  	_ =	swait.ge [sflag:s29], $0x1  }
0xb4: {  	[sflag:s29] =	ssyncadd.s32 $0xFFFFFFFF  }
0xb5: {  	_ =	strace $0x90000048  }
0xb6: {  	_ =	sfence  }
0xb7: {  	s30 =	sld [smem:$0x0];
	_ =	sdelay $0x2  }
0xb8: {  	s31 =	sshll.u32 s1, $0xD;
	s1 =	sshrl.u32 s1, $0x2  }
0xb9: {  	s3 =	sand.u32 $0x4000, s31;
	s1 =	sadd.s32 s1, s30  }
0xba: {  	s0 =	sor.u32 s3, s0;
	s1 =	sshll.u32 s1, $0x11  }
0xbb: {  	s0 =	sor.u32 s1, s0  }
0xbc: {  	s0 =	sadd.s32 $0x8F2B, s0  }
0xbd: {  	[sflag:s0] =	ssyncadd.remote.s32 $0x1  }
0xbe: {  	_ =	sfence.sel $0xFFFF  }
0xbf: {  	[dreg:$0x0] =	wrdreg $0xFFFFFFFF;
	(pc) =	sbr.abs _section_cstart, $3  }
0xc0: {  	[dreg:$0x1] =	wrdreg $0xFFFFFFFF  }
0xc1: {  	_ =	task.clear_ibuf [dreg:s7], $0x2FFFF;
	_ =	strace $0x9FFFFFFF  }
0xc2: {  	(tm) =	ssettm $0x7FFFFFFF  }
0xc3: {  	_ =	shalt  }
tec
execute0_lowered:
.L_overlay_start_1:
0x0: {  	(tag) =	ssettag $0x1  }
0x1: {  	s11 =	rddreg [dreg:$0x0];
	s1 =	simm.s32 $0x0;
	v14 =	vlaneseq.u32  }
0x2: {  	[smem:$0x7FF] =	sst s1;
	v52 =	vor.u32 $0x400, v14  }
0x3: {  	s12 =	rddreg [dreg:$0x1];
	v12 =	vor.u32 $0x420, v14;
	_ =	strace $0x80000047;
	[tilespmem:$0x1FE50] =	vst v52  }
0x4: {  	v43 =	vor.u32 $0x430, v14;
	[tilespmem:$0x1FE60] =	vst v12  }
0x5: {  	v5 =	vor.u32 $0x440, v14;
	[tilespmem:$0x1FE80] =	vst v43  }
0x6: {  	v2 =	vor.u32 $0x40, v14;
	[tilespmem:$0x1FEA0] =	vst v5  }
0x7: {  	v15 =	vor.u32 $0x20, v14;
	[tilespmem:$0x1FEC0] =	vst v2  }
0x8: {  	v11 =	vor.u32 $0x60, v14;
	[tilespmem:$0x1FEF0] =	vst v15  }
0x9: {  	v7 =	vor.u32 $0x30, v14;
	[tilespmem:$0x1FF10] =	vst v11  }
0xa: {  	v27 =	vor.u32 $0x450, v14;
	[tilespmem:$0x1FF20] =	vst v7  }
0xb: {  	v29 =	vor.u32 $0x460, v14;
	[tilespmem:$0x1FF60] =	vst v27  }
0xc: {  	v31 =	vor.u32 $0x470, v14;
	[tilespmem:$0x1FF80] =	vst v29  }
0xd: {  	v62 =	vmul.u32 $0x40, v14;
	v3 =	vor.u32 $0x70, v14;
	[tilespmem:$0x1FFA0] =	vst v31  }
0xe: {  	v25 =	vor.u32 $0x410, v14;
	[tilespmem:$0x1FFD0] =	vst v3  }
0xf: {  	[tilespmem:$0x1FFF0] =	vst v25;
	v13 =	vor.u32 $0x2800, v62  }
0x10: {  	v58 =	vor.u32 $0x2C00, v62;
	[tilespmem:$0x1FE70] =	vst v13  }
0x11: {  	s2 =	srdreg.scid;
	s21 =	stileid.u32;
	v23 =	vor.u32 $0x3000, v62;
	[tilespmem:$0x1FE90] =	vst v58  }
0x12: {  	s14 =	simm.s32 $0x800;
	s15 =	simm.s32 $0x7A1400;
	s16 =	simm.s32 $0x4000;
	v36 =	vor.u32 $0x1000, v62;
	[tilespmem:$0x1FEB0] =	vst v23  }
0x13: {  	s17 =	simm.s32 $0x1;
	s18 =	simm.s32 $0xA000;
	s19 =	simm.s32 $0x2;
	v4 =	vor.u32 $0x400, v62;
	[tilespmem:$0x1FED0] =	vst v36  }
0x14: {  	s20 =	simm.s32 $0xE000;
	s22 =	simm.s32 $0x4;
	s24 =	simm.s32 $0x8000;
	v19 =	vor.u32 $0x800, v62;
	[tilespmem:$0x1FEE0] =	vst v4  }
0x15: {  	s25 =	simm.s32 $0x0;
	s6 =	sand.u32 $0x1, s2;
	s31 =	sshll.u32 s21, $0x1;
	v20 =	vor.u32 $0xC00, v62;
	[tilespmem:$0x1FF00] =	vst v19  }
0x16: {  	s3 =	sadd.s32 $0x1000, s12;
	s8 =	sadd.s32 $0x11000, s12;
	s12 =	sadd.s32 $0x7A2000, s12;
	v6 =	vor.u32 $0x3C00, v62;
	[tilespmem:$0x1FF30] =	vst v20  }
0x17: {  	p0 =	sne.s32 s21, $0x0;
	s21 =	simm.s32 $0x3;
	s2 =	sor.u32 s6, s31;
	v1 =	vor.u32 $0x1C00, v62;
	[tilespmem:$0x1FF40] =	vst v6  }
0x18: {  	s5 =	ssub.s32 $0x2, s6;
	s10 =	sor.u32 $0xF40, s6;
	s6 =	sadd.s32 $0x4000, s11;
	v28 =	vor.u32 $0x3400, v62;
	[tilespmem:$0x1FF50] =	vst v1  }
.Ltmp0:
0x19: {  	s4 =	sshll.u32 s2, $0x8;
	s7 =	sshrl.u32 s5, $0x1;
	v30 =	vor.u32 $0x3800, v62;
	[tilespmem:$0x1FF70] =	vst v28;
	(pc) =	sbr.rel .LBB2_1-.Ltmp0, $4  }
0x1a: {  	s9 =	sshll.u32 s10, $0x8;
	s10 =	sshll.u32 s10, $0xB;
	v24 =	vor.u32 $0x2000, v62;
	p1 =	sne.s32 s2, $0x1F;
	[tilespmem:$0x1FF90] =	vst v30  }
0x1b: {  	v26 =	vor.u32 $0x2400, v62;
	s4 =	sadd.s32 s11, s4;
	s13 =	ssub.s32 s5, s7;
	s7 =	sadd.s32 $0x6000, s11;
	[tilespmem:$0x1FFB0] =	vst v24  }
0x1c: {  	v21 =	vor.u32 $0x1800, v62;
	s0 =	sadd.s32 s11, s9;
	s10 =	sadd.s32 s3, s10;
	s11 =	sadd.s32 $0xF4200, s11;
	[tilespmem:$0x1FFC0] =	vst v26  }
0x1d: {  	v16 =	vor.u32 $0x10, v14;
	v17 =	vor.u32 $0x50, v14;
	v18 =	vor.u32 $0x1400, v62;
	[tilespmem:$0x1FFE0] =	vst v21;
	s5 =	sadd.s32 $0x2000, s4;
	[dreg:$0x3] =	wrdreg s0;
	s13 =	smax.u32 s13, $0x1  }
.LBB2_15:
0x1e: {  	s25 =	sadd.s32 $0x1, s25  }
0x1f: {  	p2 =	sne.s32 s25, s13  }
.Ltmp1:
0x20: {  	_ = 	snop;
	(pc) =	sbr.rel @!p2 .LBB2_16-.Ltmp1, $1  }
0x21: {  	_ =	sdelay $0x3  }
.LBB2_1:
0x22: {  	[tilespmem:s1], [sflag:$0x1] =	stream.strided.gather [hbm4b:s4+s14], $0x4000, s15, s14, $0x38;
	[tilespmem:$0x12000] =	vst v63  }
0x23: {  	s26 =	simm.s32 $0x0  }
0x24: {  	[tilespmem:s16], [sflag:$0x2] =	stream.strided.gather [hbm4b:s5+s14], $0x4000, s15, s14, $0x38;
	[tilespmem:$0x12000] =	vst v63  }
.LBB2_2:
0x25: {  	s28 =	simm.s32 $0x3  }
0x26: {  	v8 =	vadd.s32 s28, v14  }
0x27: {  	v9 =	vshll.u32 v8, $0x7;
	v10 =	vshll.u32 v8, $0x8  }
0x28: {  	s9 =	simm.s32 $0x1;
	v9 =	vand.u32 $0x380, v9;
	v10 =	vand.u32 $0x3800, v10  }
0x29: {  	_ =	swait.ge [sflag:s17], $0x4000;
	s23 =	simm.s32 $0x2;
	v32 =	vadd.s32 s9, v14;
	v40 =	vor.u32 v9, v10  }
0x2a: {  	p2 =	seq.s32 s26, $0x0;
	[sflag:s17] =	ssyncset.done $0x0;
	v34 =	vadd.s32 s23, v14;
	v41 =	vand.u32 $0x3F, v8;
	v33 =	vor.u32 v14, v40  }
0x2b: {  	s29 =	simm.s32 @!p2 $0x3;
	[sflag:s17] =	ssyncadd.s32 $0xFFFFC000;
	v8 =	vshll.u32 v34, $0x8;
	v9 =	vshll.u32 v32, $0x7;
	v10 =	vshll.u32 v32, $0x8  }
0x2c: {  	s31 =	simm.s32 $0x0;
	_ =	swait.ge @!p2 [sflag:s29], $0x4000;
	v8 =	vand.u32 $0x3800, v8;
	v9 =	vand.u32 $0x380, v9;
	v10 =	vand.u32 $0x3800, v10  }
0x2d: {  	v38 =	vor.u32 v62, v41;
	[sflag:s29] =	ssyncset.done @!p2 $0x0;
	v42 =	vor.u32 v9, v10;
	v10 =	vadd.s32 s31, v14  }
0x2e: {  	[sflag:s29] =	ssyncadd.s32 @!p2 $0xFFFFC000;
	v9 =	vshll.u32 v34, $0x7;
	v57 =	vshll.u32 v10, $0x8;
	v37 =	vshll.u32 v10, $0x7  }
0x2f: {  	v22 =	vmovc v36;
	v35 =	vor.u32 v14, v42;
	v36 =	vand.u32 $0x3800, v57;
	v37 =	vand.u32 $0x380, v37;
	v33 =	vld.idx.msk [tilespmem:v33+s1+$0x0], $0xffff  }
0x30: {  	v59 =	vor.u32 v16, v40;
	v9 =	vand.u32 $0x380, v9;
	v47 =	vor.u32 v37, v36  }
0x31: {  	v45 =	vor.u32 v9, v8;
	v8 =	vor.u32 v14, v47  }
0x32: {  	v9 =	vor.u32 v14, v45  }
0x33: {  	v61 =	vand.u32 $0x3F, v32  }
0x34: {  	v32 =	vor.u32 v62, v61;
	v35 =	vld.idx.msk [tilespmem:v35+s1+$0x0], $0xffff;
	[tilespmem:v38+s18+$0x0] =	vst.idx.msk $0xffff, v33  }
0x35: {  	v0 =	vor.u32 v4, v41;
	v63 =	vor.u32 v16, v42;
	v46 =	vand.u32 $0x3F, v10;
	v10 =	vld.idx.msk [tilespmem:v59+s1+$0x0], $0xffff  }
0x36: {  	v44 =	vand.u32 $0x3F, v34;
	v54 =	vor.u32 v15, v40;
	v53 =	vor.u32 v62, v46;
	v8 =	vld.idx.msk [tilespmem:v8+s1+$0x0], $0xffff  }
0x37: {  	v55 =	vor.u32 v62, v44;
	v39 =	vor.u32 v16, v47;
	v9 =	vld.idx.msk [tilespmem:v9+s1+$0x0], $0xffff;
	_ =	sdelay $0x1  }
0x38: {  	[tilespmem:v32+s18+$0x0] =	vst.idx.msk $0xffff, v35  }
0x39: {  	v57 =	vor.u32 v4, v61;
	v56 =	vor.u32 v16, v45;
	v35 =	vld.idx.msk [tilespmem:v63+s1+$0x0], $0xffff;
	[tilespmem:v0+s18+$0x0] =	vst.idx.msk $0xffff, v10  }
0x3a: {  	v48 =	vor.u32 v15, v42;
	[tilespmem:v53+s18+$0x0] =	vst.idx.msk $0xffff, v8;
	v10 =	vor.u32 v19, v41;
	v8 =	vld.idx.msk [tilespmem:v54+s1+$0x0], $0xffff  }
0x3b: {  	v60 =	vor.u32 v7, v40;
	[tilespmem:v55+s18+$0x0] =	vst.idx.msk $0xffff, v9;
	v9 =	vor.u32 v4, v46;
	v59 =	vld.idx.msk [tilespmem:v39+s1+$0x0], $0xffff  }
0x3c: {  	v63 =	vor.u32 v15, v47;
	_ =	sdelay $0x1  }
0x3d: {  	v32 =	vld.idx.msk [tilespmem:v56+s1+$0x0], $0xffff;
	v0 =	vor.u32 v4, v44;
	[tilespmem:v57+s18+$0x0] =	vst.idx.msk $0xffff, v35  }
0x3e: {  	v53 =	vor.u32 v19, v61;
	v54 =	vor.u32 v15, v45;
	v35 =	vld.idx.msk [tilespmem:v48+s1+$0x0], $0xffff;
	[tilespmem:v10+s18+$0x0] =	vst.idx.msk $0xffff, v8  }
0x3f: {  	v55 =	vor.u32 v7, v42;
	[tilespmem:v9+s18+$0x0] =	vst.idx.msk $0xffff, v59;
	v9 =	vor.u32 v20, v41;
	v8 =	vld.idx.msk [tilespmem:v60+s1+$0x0], $0xffff  }
0x40: {  	v56 =	vor.u32 v19, v46;
	v57 =	vor.u32 v2, v40;
	v10 =	vld.idx.msk [tilespmem:v63+s1+$0x0], $0xffff  }
0x41: {  	v59 =	vor.u32 v7, v47  }
0x42: {  	[tilespmem:v0+s18+$0x0] =	vst.idx.msk $0xffff, v32  }
0x43: {  	v63 =	vor.u32 v19, v44;
	v60 =	vld.idx.msk [tilespmem:v54+s1+$0x0], $0xffff;
	[tilespmem:v53+s18+$0x0] =	vst.idx.msk $0xffff, v35  }
0x44: {  	v0 =	vor.u32 v20, v61;
	v53 =	vor.u32 v7, v45;
	v37 =	vld.idx.msk [tilespmem:v55+s1+$0x0], $0xffff;
	[tilespmem:v9+s18+$0x0] =	vst.idx.msk $0xffff, v8  }
0x45: {  	v54 =	vor.u32 v2, v42;
	[tilespmem:v56+s18+$0x0] =	vst.idx.msk $0xffff, v10;
	v9 =	vor.u32 v22, v41;
	v8 =	vld.idx.msk [tilespmem:v57+s1+$0x0], $0xffff  }
0x46: {  	v55 =	vor.u32 v20, v46;
	v56 =	vor.u32 v17, v40;
	v10 =	vld.idx.msk [tilespmem:v59+s1+$0x0], $0xffff  }
0x47: {  	v57 =	vor.u32 v2, v47  }
0x48: {  	[tilespmem:v63+s18+$0x0] =	vst.idx.msk $0xffff, v60  }
0x49: {  	v59 =	vor.u32 v20, v44;
	v35 =	vld.idx.msk [tilespmem:v53+s1+$0x0], $0xffff;
	[tilespmem:v0+s18+$0x0] =	vst.idx.msk $0xffff, v37  }
0x4a: {  	v60 =	vor.u32 v22, v61;
	v63 =	vor.u32 v2, v45;
	v37 =	vld.idx.msk [tilespmem:v54+s1+$0x0], $0xffff;
	[tilespmem:v9+s18+$0x0] =	vst.idx.msk $0xffff, v8  }
0x4b: {  	v0 =	vor.u32 v17, v42;
	[tilespmem:v55+s18+$0x0] =	vst.idx.msk $0xffff, v10;
	v9 =	vor.u32 v18, v41;
	v8 =	vld.idx.msk [tilespmem:v56+s1+$0x0], $0xffff  }
0x4c: {  	v53 =	vor.u32 v22, v46;
	v54 =	vor.u32 v11, v40;
	v10 =	vld.idx.msk [tilespmem:v57+s1+$0x0], $0xffff  }
0x4d: {  	v55 =	vor.u32 v17, v47  }
0x4e: {  	[tilespmem:v59+s18+$0x0] =	vst.idx.msk $0xffff, v35  }
0x4f: {  	v35 =	vld.idx.msk [tilespmem:v63+s1+$0x0], $0xffff;
	v56 =	vor.u32 v22, v44;
	[tilespmem:v60+s18+$0x0] =	vst.idx.msk $0xffff, v37  }
0x50: {  	v57 =	vor.u32 v18, v61;
	v59 =	vor.u32 v17, v45;
	v37 =	vld.idx.msk [tilespmem:v0+s1+$0x0], $0xffff;
	[tilespmem:v9+s18+$0x0] =	vst.idx.msk $0xffff, v8  }
0x51: {  	v60 =	vor.u32 v11, v42;
	[tilespmem:v53+s18+$0x0] =	vst.idx.msk $0xffff, v10;
	v9 =	vor.u32 v21, v41;
	v8 =	vld.idx.msk [tilespmem:v54+s1+$0x0], $0xffff  }
0x52: {  	v63 =	vor.u32 v18, v46;
	v0 =	vor.u32 v3, v40;
	v10 =	vld.idx.msk [tilespmem:v55+s1+$0x0], $0xffff;
	_ =	sdelay $0x1  }
0x53: {  	[tilespmem:v56+s18+$0x0] =	vst.idx.msk $0xffff, v35  }
0x54: {  	v53 =	vld.idx.msk [tilespmem:v59+s1+$0x0], $0xffff;
	v54 =	vor.u32 v18, v44;
	[tilespmem:v57+s18+$0x0] =	vst.idx.msk $0xffff, v37;
	v57 =	vor.u32 v11, v47  }
0x55: {  	v56 =	vor.u32 v21, v61;
	v59 =	vor.u32 v11, v45;
	v55 =	vld.idx.msk [tilespmem:v60+s1+$0x0], $0xffff;
	[tilespmem:v9+s18+$0x0] =	vst.idx.msk $0xffff, v8  }
0x56: {  	[tilespmem:v63+s18+$0x0] =	vst.idx.msk $0xffff, v10;
	v10 =	vor.u32 v1, v41;
	v9 =	vld.idx.msk [tilespmem:v0+s1+$0x0], $0xffff;
	_ =	sdelay $0x2  }
0x57: {  	v63 =	vor.u32 v3, v42;
	[tilespmem:v54+s18+$0x0] =	vst.idx.msk $0xffff, v53;
	v35 =	vld.idx.msk [tilespmem:v57+s1+$0x0], $0xffff  }
0x58: {  	v60 =	vor.u32 v52, v40;
	v38 =	vld.idx.msk [tilespmem:v59+s1+$0x0], $0xffff;
	[tilespmem:v56+s18+$0x0] =	vst.idx.msk $0xffff, v55  }
0x59: {  	v0 =	vld [tilespmem:$0x1FE50];
	[tilespmem:v10+s18+$0x0] =	vst.idx.msk $0xffff, v9  }
0x5a: {  	v50 =	vor.u32 v24, v44;
	v49 =	vor.u32 v1, v46;
	v8 =	vor.u32 v21, v46;
	v59 =	vld [tilespmem:$0x1FE50]  }
0x5b: {  	v36 =	vor.u32 v21, v44;
	v51 =	vor.u32 v3, v45;
	v39 =	vor.u32 v24, v41  }
0x5c: {  	s0 =	simm.s32 $0x5;
	s29 =	simm.s32 $0x7;
	v48 =	vor.u32 v1, v61;
	v32 =	vor.u32 v3, v47;
	v37 =	vor.u32 v26, v41;
	v34 =	vld.idx.msk [tilespmem:v63+s1+$0x0], $0xffff  }
0x5d: {  	v57 =	vadd.s32 s0, v14;
	v56 =	vor.u32 v24, v61;
	v63 =	vadd.s32 s29, v14;
	v54 =	vld.idx.msk [tilespmem:v60+s1+$0x0], $0xffff  }
0x5e: {  	s9 =	simm.s32 $0x6;
	v33 =	vand.u32 $0x3F, v63;
	v9 =	vor.u32 v12, v40;
	v10 =	vor.u32 v1, v44;
	v60 =	vld [tilespmem:$0x1FE50]  }
0x5f: {  	[tilespmem:v8+s18+$0x0] =	vst.idx.msk $0xffff, v35;
	v8 =	vadd.s32 s9, v14;
	v53 =	vor.u32 v59, v45;
	v59 =	vor.u32 v25, v40  }
0x60: {  	v35 =	vshll.u32 v63, $0x7;
	v52 =	vor.u32 v0, v42;
	v0 =	vmovc v58;
	v58 =	vshll.u32 v63, $0x8  }
0x61: {  	[tilespmem:v36+s18+$0x0] =	vst.idx.msk $0xffff, v38;
	v32 =	vld.idx.msk [tilespmem:v32+s1+$0x0], $0xffff;
	v38 =	vshll.u32 v8, $0x8;
	v35 =	vand.u32 $0x380, v35;
	v58 =	vand.u32 $0x3800, v58  }
0x62: {  	s23 =	simm.s32 $0x4;
	v51 =	vld.idx.msk [tilespmem:v51+s1+$0x0], $0xffff;
	v63 =	vshll.u32 v8, $0x7;
	v38 =	vand.u32 $0x3800, v38;
	v35 =	vor.u32 v35, v58  }
0x63: {  	v55 =	vor.u32 v60, v47;
	v60 =	vshll.u32 v57, $0x7;
	[tilespmem:v39+s18+$0x0] =	vst.idx.msk $0xffff, v54;
	v54 =	vadd.s32 s23, v14  }
0x64: {  	[tilespmem:v48+s18+$0x0] =	vst.idx.msk $0xffff, v34;
	v39 =	vand.u32 $0x380, v63;
	v34 =	vshll.u32 v54, $0x8;
	v63 =	vshll.u32 v54, $0x7;
	v48 =	vld.idx.msk [tilespmem:v59+s1+$0x0], $0xffff  }
0x65: {  	v60 =	vand.u32 $0x380, v60;
	v52 =	vld.idx.msk [tilespmem:v52+s1+$0x0], $0xffff;
	v34 =	vand.u32 $0x3800, v34;
	v36 =	vand.u32 $0x380, v63  }
0x66: {  	[tilespmem:v49+s18+$0x0] =	vst.idx.msk $0xffff, v32;
	v63 =	vor.u32 v14, v35;
	v36 =	vor.u32 v36, v34;
	v59 =	vshll.u32 v57, $0x8  }
0x67: {  	[tilespmem:v10+s18+$0x0] =	vst.idx.msk $0xffff, v51;
	v34 =	vor.u32 v39, v38;
	v51 =	vor.u32 v14, v36;
	v10 =	vand.u32 $0x3800, v59  }
0x68: {  	v32 =	vand.u32 $0x3F, v8;
	v8 =	vor.u32 v14, v34;
	v53 =	vld.idx.msk [tilespmem:v53+s1+$0x0], $0xffff;
	v38 =	vor.u32 v60, v10  }
0x69: {  	v55 =	vld.idx.msk [tilespmem:v55+s1+$0x0], $0xffff;
	v10 =	vor.u32 v14, v38;
	[tilespmem:v37+s18+$0x0] =	vst.idx.msk $0xffff, v48;
	v48 =	vor.u32 v24, v46  }
0x6a: {  	[tilespmem:v56+s18+$0x0] =	vst.idx.msk $0xffff, v52;
	v52 =	vor.u32 v13, v41;
	v60 =	vor.u32 v25, v42;
	v9 =	vld.idx.msk [tilespmem:v9+s1+$0x0], $0xffff  }
0x6b: {  	v58 =	vor.u32 v25, v45;
	v39 =	vand.u32 $0x3F, v54;
	v49 =	vld.idx.msk [tilespmem:v63+s1+$0x0], $0xffff;
	v63 =	vor.u32 v62, v33  }
0x6c: {  	v59 =	vor.u32 v62, v39;
	v51 =	vld.idx.msk [tilespmem:v51+s1+$0x0], $0xffff;
	v37 =	vand.u32 $0x3F, v57;
	v57 =	vor.u32 v25, v47  }
0x6d: {  	v8 =	vld.idx.msk [tilespmem:v8+s1+$0x0], $0xffff;
	[tilespmem:v50+s18+$0x0] =	vst.idx.msk $0xffff, v53;
	v50 =	vor.u32 v62, v32;
	v53 =	vor.u32 v16, v35  }
0x6e: {  	v10 =	vld.idx.msk [tilespmem:v10+s1+$0x0], $0xffff;
	[tilespmem:v48+s18+$0x0] =	vst.idx.msk $0xffff, v55;
	v48 =	vor.u32 v62, v37;
	v55 =	vor.u32 v16, v36  }
0x6f: {  	v56 =	vld.idx.msk [tilespmem:v60+s1+$0x0], $0xffff;
	v60 =	vor.u32 v26, v61;
	[tilespmem:v52+s18+$0x0] =	vst.idx.msk $0xffff, v9;
	v9 =	vor.u32 v43, v40  }
0x70: {  	v54 =	vld.idx.msk [tilespmem:v58+s1+$0x0], $0xffff;
	[tilespmem:v63+s18+$0x0] =	vst.idx.msk $0xffff, v49;
	v49 =	vor.u32 v16, v38;
	v63 =	vor.u32 v26, v44  }
0x71: {  	[tilespmem:v59+s18+$0x0] =	vst.idx.msk $0xffff, v51;
	v51 =	vor.u32 v12, v42;
	v59 =	vor.u32 v26, v46;
	v57 =	vld.idx.msk [tilespmem:v57+s1+$0x0], $0xffff  }
0x72: {  	[tilespmem:v50+s18+$0x0] =	vst.idx.msk $0xffff, v8;
	v8 =	vor.u32 v16, v34;
	v50 =	vld.idx.msk [tilespmem:v53+s1+$0x0], $0xffff;
	v53 =	vor.u32 v4, v33  }
0x73: {  	v55 =	vld.idx.msk [tilespmem:v55+s1+$0x0], $0xffff;
	[tilespmem:v48+s18+$0x0] =	vst.idx.msk $0xffff, v10;
	v10 =	vor.u32 v12, v47;
	v48 =	vor.u32 v4, v39  }
0x74: {  	v52 =	vor.u32 v15, v35;
	[tilespmem:v60+s18+$0x0] =	vst.idx.msk $0xffff, v56;
	v60 =	vor.u32 v0, v41;
	v9 =	vld.idx.msk [tilespmem:v9+s1+$0x0], $0xffff  }
0x75: {  	[tilespmem:v63+s18+$0x0] =	vst.idx.msk $0xffff, v54;
	v54 =	vor.u32 v15, v36;
	v63 =	vor.u32 v4, v37;
	v49 =	vld.idx.msk [tilespmem:v49+s1+$0x0], $0xffff  }
0x76: {  	v51 =	vld.idx.msk [tilespmem:v51+s1+$0x0], $0xffff;
	[tilespmem:v59+s18+$0x0] =	vst.idx.msk $0xffff, v57;
	v57 =	vor.u32 v12, v45;
	v59 =	vor.u32 v13, v61  }
0x77: {  	[tilespmem:v53+s18+$0x0] =	vst.idx.msk $0xffff, v50;
	v50 =	vor.u32 v15, v38;
	v8 =	vld.idx.msk [tilespmem:v8+s1+$0x0], $0xffff;
	v53 =	vor.u32 v4, v32  }
0x78: {  	v10 =	vld.idx.msk [tilespmem:v10+s1+$0x0], $0xffff;
	[tilespmem:v48+s18+$0x0] =	vst.idx.msk $0xffff, v55;
	v48 =	vor.u32 v5, v40;
	v55 =	vor.u32 v13, v46  }
0x79: {  	v52 =	vld.idx.msk [tilespmem:v52+s1+$0x0], $0xffff;
	[tilespmem:v60+s18+$0x0] =	vst.idx.msk $0xffff, v9;
	v9 =	vor.u32 v43, v42;
	v60 =	vor.u32 v19, v33  }
0x7a: {  	v54 =	vld.idx.msk [tilespmem:v54+s1+$0x0], $0xffff;
	[tilespmem:v63+s18+$0x0] =	vst.idx.msk $0xffff, v49;
	v49 =	vor.u32 v43, v47;
	v63 =	vor.u32 v19, v39  }
0x7b: {  	[tilespmem:v59+s18+$0x0] =	vst.idx.msk $0xffff, v51;
	v51 =	vor.u32 v7, v35;
	v57 =	vld.idx.msk [tilespmem:v57+s1+$0x0], $0xffff;
	v59 =	vor.u32 v13, v44  }
0x7c: {  	[tilespmem:v53+s18+$0x0] =	vst.idx.msk $0xffff, v8;
	v8 =	vor.u32 v7, v36;
	v53 =	vor.u32 v19, v37;
	v50 =	vld.idx.msk [tilespmem:v50+s1+$0x0], $0xffff  }
0x7d: {  	[tilespmem:v55+s18+$0x0] =	vst.idx.msk $0xffff, v10;
	v10 =	vor.u32 v43, v45;
	v48 =	vld.idx.msk [tilespmem:v48+s1+$0x0], $0xffff;
	v43 =	vor.u32 v23, v41  }
0x7e: {  	[tilespmem:v60+s18+$0x0] =	vst.idx.msk $0xffff, v52;
	v52 =	vor.u32 v15, v34;
	v9 =	vld.idx.msk [tilespmem:v9+s1+$0x0], $0xffff;
	v60 =	vor.u32 v0, v61  }
0x7f: {  	[tilespmem:v63+s18+$0x0] =	vst.idx.msk $0xffff, v54;
	v54 =	vor.u32 v7, v38;
	v49 =	vld.idx.msk [tilespmem:v49+s1+$0x0], $0xffff;
	v63 =	vor.u32 v0, v46  }
0x80: {  	[tilespmem:v59+s18+$0x0] =	vst.idx.msk $0xffff, v57;
	v57 =	vor.u32 v27, v40;
	v59 =	vor.u32 v20, v33;
	v51 =	vld.idx.msk [tilespmem:v51+s1+$0x0], $0xffff  }
0x81: {  	v8 =	vld.idx.msk [tilespmem:v8+s1+$0x0], $0xffff;
	[tilespmem:v53+s18+$0x0] =	vst.idx.msk $0xffff, v50;
	v50 =	vor.u32 v5, v47;
	v53 =	vor.u32 v20, v39  }
0x82: {  	[tilespmem:v43+s18+$0x0] =	vst.idx.msk $0xffff, v48;
	v48 =	vor.u32 v2, v35;
	v10 =	vld.idx.msk [tilespmem:v10+s1+$0x0], $0xffff;
	v43 =	vor.u32 v0, v44  }
0x83: {  	[tilespmem:v60+s18+$0x0] =	vst.idx.msk $0xffff, v9;
	v9 =	vor.u32 v2, v36;
	v52 =	vld.idx.msk [tilespmem:v52+s1+$0x0], $0xffff;
	v60 =	vor.u32 v19, v32  }
0x84: {  	v54 =	vld.idx.msk [tilespmem:v54+s1+$0x0], $0xffff;
	[tilespmem:v63+s18+$0x0] =	vst.idx.msk $0xffff, v49;
	v49 =	vor.u32 v5, v42;
	v63 =	vor.u32 v20, v37  }
0x85: {  	v0 =	vor.u32 v28, v41;
	v57 =	vld.idx.msk [tilespmem:v57+s1+$0x0], $0xffff;
	[tilespmem:v59+s18+$0x0] =	vst.idx.msk $0xffff, v51;
	v51 =	vor.u32 v7, v34  }
0x86: {  	[tilespmem:v53+s18+$0x0] =	vst.idx.msk $0xffff, v8;
	v8 =	vor.u32 v2, v38;
	v50 =	vld.idx.msk [tilespmem:v50+s1+$0x0], $0xffff;
	v53 =	vor.u32 v23, v46  }
0x87: {  	v55 =	vor.u32 v22, v33;
	v48 =	vld.idx.msk [tilespmem:v48+s1+$0x0], $0xffff;
	[tilespmem:v43+s18+$0x0] =	vst.idx.msk $0xffff, v10;
	v10 =	vor.u32 v29, v40  }
0x88: {  	v9 =	vld.idx.msk [tilespmem:v9+s1+$0x0], $0xffff;
	[tilespmem:v60+s18+$0x0] =	vst.idx.msk $0xffff, v52;
	v52 =	vor.u32 v27, v47;
	v60 =	vor.u32 v22, v39  }
0x89: {  	v43 =	vor.u32 v17, v35;
	[tilespmem:v63+s18+$0x0] =	vst.idx.msk $0xffff, v54;
	v49 =	vld.idx.msk [tilespmem:v49+s1+$0x0], $0xffff;
	v63 =	vor.u32 v23, v61  }
0x8a: {  	[tilespmem:v0+s18+$0x0] =	vst.idx.msk $0xffff, v57;
	v57 =	vor.u32 v17, v36;
	v0 =	vor.u32 v20, v32;
	v51 =	vld.idx.msk [tilespmem:v51+s1+$0x0], $0xffff  }
0x8b: {  	v8 =	vld.idx.msk [tilespmem:v8+s1+$0x0], $0xffff;
	[tilespmem:v53+s18+$0x0] =	vst.idx.msk $0xffff, v50;
	v50 =	vor.u32 v27, v42;
	v53 =	vor.u32 v22, v37  }
0x8c: {  	[tilespmem:v55+s18+$0x0] =	vst.idx.msk $0xffff, v48;
	v10 =	vld.idx.msk [tilespmem:v10+s1+$0x0], $0xffff;
	v55 =	vor.u32 v30, v41  }
0x8d: {  	v48 =	vor.u32 v2, v34;
	[tilespmem:v60+s18+$0x0] =	vst.idx.msk $0xffff, v9;
	v52 =	vld.idx.msk [tilespmem:v52+s1+$0x0], $0xffff;
	v60 =	vor.u32 v28, v46  }
0x8e: {  	v9 =	vor.u32 v17, v38;
	[tilespmem:v63+s18+$0x0] =	vst.idx.msk $0xffff, v49;
	v49 =	vld.idx.msk [tilespmem:v43+s1+$0x0], $0xffff;
	v63 =	vor.u32 v18, v33  }
0x8f: {  	v54 =	vor.u32 v31, v40;
	v57 =	vld.idx.msk [tilespmem:v57+s1+$0x0], $0xffff;
	[tilespmem:v0+s18+$0x0] =	vst.idx.msk $0xffff, v51;
	v0 =	vor.u32 v18, v39  }
0x90: {  	v2 =	vor.u32 v28, v61;
	[tilespmem:v53+s18+$0x0] =	vst.idx.msk $0xffff, v8;
	v8 =	vor.u32 v11, v35;
	v50 =	vld.idx.msk [tilespmem:v50+s1+$0x0], $0xffff  }
0x91: {  	v51 =	vor.u32 v29, v47;
	[tilespmem:v55+s18+$0x0] =	vst.idx.msk $0xffff, v10  }
0x92: {  	v10 =	vor.u32 v11, v36;
	v48 =	vld.idx.msk [tilespmem:v48+s1+$0x0], $0xffff;
	v55 =	vor.u32 v22, v32;
	[tilespmem:v60+s18+$0x0] =	vst.idx.msk $0xffff, v52  }
0x93: {  	v52 =	vor.u32 v5, v45;
	v9 =	vld.idx.msk [tilespmem:v9+s1+$0x0], $0xffff;
	v60 =	vor.u32 v18, v37;
	[tilespmem:v63+s18+$0x0] =	vst.idx.msk $0xffff, v49  }
0x94: {  	v49 =	vld.idx.msk [tilespmem:v54+s1+$0x0], $0xffff;
	v63 =	vor.u32 v6, v41;
	[tilespmem:v0+s18+$0x0] =	vst.idx.msk $0xffff, v57;
	v57 =	vor.u32 v17, v34  }
0x95: {  	v53 =	vor.u32 v21, v33;
	[tilespmem:v2+s18+$0x0] =	vst.idx.msk $0xffff, v50;
	v2 =	vor.u32 v11, v38;
	v8 =	vld.idx.msk [tilespmem:v8+s1+$0x0], $0xffff  }
0x96: {  	v51 =	vld.idx.msk [tilespmem:v51+s1+$0x0], $0xffff;
	v0 =	vor.u32 v30, v46  }
0x97: {  	v43 =	vor.u32 v21, v39;
	[tilespmem:v55+s18+$0x0] =	vst.idx.msk $0xffff, v48;
	v10 =	vld.idx.msk [tilespmem:v10+s1+$0x0], $0xffff  }
0x98: {  	[tilespmem:v60+s18+$0x0] =	vst.idx.msk $0xffff, v9;
	v9 =	vor.u32 v23, v44;
	v60 =	vor.u32 v29, v42;
	v52 =	vld.idx.msk [tilespmem:v52+s1+$0x0], $0xffff  }
0x99: {  	v47 =	vor.u32 v31, v47;
	[tilespmem:v63+s18+$0x0] =	vst.idx.msk $0xffff, v49;
	v56 =	vld.idx.msk [tilespmem:v57+s1+$0x0], $0xffff;
	v57 =	vor.u32 v18, v32  }
0x9a: {  	v63 =	vor.u32 v3, v35;
	v2 =	vld.idx.msk [tilespmem:v2+s1+$0x0], $0xffff;
	[tilespmem:v53+s18+$0x0] =	vst.idx.msk $0xffff, v8;
	v8 =	vor.u32 v21, v37  }
0x9b: {  	[tilespmem:v0+s18+$0x0] =	vst.idx.msk $0xffff, v51  }
0x9c: {  	[tilespmem:v43+s18+$0x0] =	vst.idx.msk $0xffff, v10  }
0x9d: {  	v48 =	vld.idx.msk [tilespmem:v60+s1+$0x0], $0xffff;
	[tilespmem:v9+s18+$0x0] =	vst.idx.msk $0xffff, v52  }
0x9e: {  	v9 =	vor.u32 v30, v61;
	v52 =	vld.idx.msk [tilespmem:v47+s1+$0x0], $0xffff;
	[tilespmem:v57+s18+$0x0] =	vst.idx.msk $0xffff, v56  }
0x9f: {  	v46 =	vor.u32 v6, v46;
	v0 =	vor.u32 v3, v36;
	v60 =	vld.idx.msk [tilespmem:v63+s1+$0x0], $0xffff;
	[tilespmem:v8+s18+$0x0] =	vst.idx.msk $0xffff, v2  }
0xa0: {  	v63 =	vld [tilespmem:$0x1FE50]  }
0xa1: {  	v54 =	vor.u32 v27, v45  }
0xa2: {  	v53 =	vor.u32 v29, v45;
	v51 =	vor.u32 v31, v45;
	v45 =	vor.u32 v3, v38  }
0xa3: {  	v7 =	vmov v62;
	v62 =	vor.u32 v1, v33;
	v10 =	vor.u32 v11, v34;
	[tilespmem:v9+s18+$0x0] =	vst.idx.msk $0xffff, v48  }
0xa4: {  	v42 =	vor.u32 v31, v42;
	v43 =	vor.u32 v1, v39;
	v4 =	vld.idx.msk [tilespmem:v0+s1+$0x0], $0xffff;
	[tilespmem:v46+s18+$0x0] =	vst.idx.msk $0xffff, v52  }
0xa5: {  	v58 =	vor.u32 v12, v35;
	v15 =	vmovc v16;
	v40 =	vor.u32 v24, v33;
	v52 =	vld [tilespmem:$0x1FE50];
	v0 =	vor.u32 v63, v35  }
0xa6: {  	v41 =	vor.u32 v28, v44;
	v50 =	vor.u32 v30, v44;
	v49 =	vor.u32 v6, v44;
	v44 =	vld.idx.msk [tilespmem:v54+s1+$0x0], $0xffff  }
0xa7: {  	v22 =	vmovc v3;
	v23 =	vmov v1;
	v56 =	vor.u32 v24, v32;
	v54 =	vor.u32 v6, v61;
	v47 =	vld.idx.msk [tilespmem:v45+s1+$0x0], $0xffff  }
0xa8: {  	v57 =	vor.u32 v26, v33;
	v8 =	vor.u32 v1, v37;
	v61 =	vld.idx.msk [tilespmem:v10+s1+$0x0], $0xffff;
	[tilespmem:v62+s18+$0x0] =	vst.idx.msk $0xffff, v60  }
0xa9: {  	s31 =	sshll.u32 s26, $0x6;
	v14 =	vlaneseq.u32;
	v10 =	vor.u32 v3, v34;
	v9 =	vor.u32 v21, v32;
	v55 =	vld.idx.msk [tilespmem:v42+s1+$0x0], $0xffff;
	[tilespmem:v43+s18+$0x0] =	vst.idx.msk $0xffff, v4  }
0xaa: {  	s30 =	simm.s32 $0x8;
	s29 =	sor.u32 s2, s31;
	v60 =	vor.u32 v1, v32;
	v63 =	vor.u32 v52, v38;
	v59 =	vor.u32 v52, v34;
	v62 =	vld.idx.msk [tilespmem:v0+s1+$0x0], $0xffff  }
.LBB2_3:
0xab: {  	s23 =	smov.u32 s30;
	v5 =	vld [tilespmem:$0x1FEA0]  }
0xac: {  	s31 =	sadd.s32 $0x1, s30;
	s0 =	sadd.s32 $0x3, s30;
	v0 =	vor.u32 v52, v36;
	v11 =	vor.u32 v24, v37;
	v6 =	vld [tilespmem:$0x1FEB0];
	s9 =	sadd.s32 $0x2, s23  }
0xad: {  	v52 =	vmovc v35;
	v43 =	vmovc v37;
	v4 =	vld [tilespmem:$0x1FE80];
	v37 =	vadd.s32 s31, v14;
	v1 =	vadd.s32 s0, v14;
	v2 =	vadd.s32 s9, v14;
	[tilespmem:v41+s18+$0x0] =	vst.idx.msk $0xffff, v44  }
0xae: {  	v46 =	vmovc v34;
	v16 =	vld [tilespmem:$0x1FEF0];
	v42 =	vand.u32 $0x3F, v1;
	v3 =	vshll.u32 v1, $0x7;
	[tilespmem:v9+s18+$0x0] =	vst.idx.msk $0xffff, v61;
	v9 =	vor.u32 v25, v52  }
0xaf: {  	v48 =	vmovc v36;
	v34 =	vshll.u32 v2, $0x7;
	v36 =	vand.u32 $0x380, v3;
	v44 =	vmovc v32;
	v32 =	vand.u32 $0x3F, v2;
	v35 =	vld.idx.msk [tilespmem:v53+s1+$0x0], $0xffff  }
0xb0: {  	[tilespmem:v8+s18+$0x0] =	vst.idx.msk $0xffff, v47;
	v34 =	vand.u32 $0x380, v34;
	v61 =	vshll.u32 v1, $0x8;
	v1 =	vshll.u32 v37, $0x8;
	v8 =	vld.idx.msk [tilespmem:v10+s1+$0x0], $0xffff  }
0xb1: {  	v47 =	vmovc v39;
	v63 =	vld.idx.msk [tilespmem:v63+s1+$0x0], $0xffff;
	v10 =	vshll.u32 v37, $0x7;
	v53 =	vshll.u32 v2, $0x8;
	v39 =	vand.u32 $0x3800, v61  }
0xb2: {  	v45 =	vmovc v38;
	v19 =	vld [tilespmem:$0x1FF00];
	[tilespmem:v40+s18+$0x0] =	vst.idx.msk $0xffff, v62;
	v62 =	vand.u32 $0x3800, v1;
	v38 =	vand.u32 $0x3800, v53;
	v53 =	vadd.s32 s23, v14  }
0xb3: {  	[tilespmem:v54+s18+$0x0] =	vst.idx.msk $0xffff, v55;
	v34 =	vor.u32 v34, v38;
	v2 =	vshll.u32 v53, $0x8;
	v3 =	vshll.u32 v53, $0x7;
	v9 =	vld.idx.msk [tilespmem:v9+s1+$0x0], $0xffff  }
0xb4: {  	v0 =	vld.idx.msk [tilespmem:v0+s1+$0x0], $0xffff;
	v38 =	vand.u32 $0x3800, v2;
	v61 =	vand.u32 $0x380, v3;
	[tilespmem:v50+s18+$0x0] =	vst.idx.msk $0xffff, v35;
	v35 =	vor.u32 v36, v39  }
0xb5: {  	v10 =	vand.u32 $0x380, v10;
	v3 =	vld [tilespmem:$0x1FE70];
	v36 =	vor.u32 v61, v38;
	[tilespmem:v60+s18+$0x0] =	vst.idx.msk $0xffff, v8;
	v39 =	vor.u32 v14, v35  }
0xb6: {  	[tilespmem:v11+s18+$0x0] =	vst.idx.msk $0xffff, v63;
	v38 =	vor.u32 v10, v62;
	v11 =	vor.u32 v14, v36;
	v8 =	vld.idx.msk [tilespmem:v51+s1+$0x0], $0xffff  }
0xb7: {  	v2 =	vld [tilespmem:$0x1FE60];
	v51 =	vor.u32 v14, v38  }
0xb8: {  	v54 =	vor.u32 v24, v47;
	v41 =	vor.u32 v14, v34;
	v50 =	vld.idx.msk [tilespmem:v59+s1+$0x0], $0xffff;
	[tilespmem:v57+s18+$0x0] =	vst.idx.msk $0xffff, v9  }
0xb9: {  	v57 =	vor.u32 v25, v45;
	v58 =	vld.idx.msk [tilespmem:v58+s1+$0x0], $0xffff  }
0xba: {  	v9 =	vor.u32 v3, v33;
	v60 =	vld.idx.msk [tilespmem:v39+s1+$0x0], $0xffff;
	v39 =	vand.u32 $0x3F, v53;
	v53 =	vor.u32 v25, v48  }
0xbb: {  	[tilespmem:v49+s18+$0x0] =	vst.idx.msk $0xffff, v8;
	v8 =	vld.idx.msk [tilespmem:v11+s1+$0x0], $0xffff;
	v62 =	vor.u32 v7, v39  }
0xbc: {  	v61 =	vor.u32 v25, v46;
	v51 =	vld.idx.msk [tilespmem:v51+s1+$0x0], $0xffff  }
0xbd: {  	v37 =	vand.u32 $0x3F, v37;
	v11 =	vor.u32 v7, v42;
	[tilespmem:v54+s18+$0x0] =	vst.idx.msk $0xffff, v0;
	v63 =	vld.idx.msk [tilespmem:v41+s1+$0x0], $0xffff  }
0xbe: {  	v10 =	vor.u32 v7, v37;
	v1 =	vor.u32 v15, v35;
	[tilespmem:v56+s18+$0x0] =	vst.idx.msk $0xffff, v50;
	v0 =	vld.idx.msk [tilespmem:v57+s1+$0x0], $0xffff  }
0xbf: {  	v55 =	vor.u32 v7, v32;
	v56 =	vor.u32 v15, v36;
	[tilespmem:v9+s18+$0x0] =	vst.idx.msk $0xffff, v58;
	v9 =	vld.idx.msk [tilespmem:v53+s1+$0x0], $0xffff  }
0xc0: {  	v13 =	vor.u32 v26, v43;
	v12 =	vor.u32 v15, v38;
	[tilespmem:v62+s18+$0x0] =	vst.idx.msk $0xffff, v8;
	v62 =	vld [tilespmem:$0x1FEE0]  }
0xc1: {  	v61 =	vld.idx.msk [tilespmem:v61+s1+$0x0], $0xffff;
	v53 =	vor.u32 v26, v44  }
0xc2: {  	v20 =	vld [tilespmem:$0x1FF20];
	v59 =	vor.u32 v15, v34;
	[tilespmem:v11+s18+$0x0] =	vst.idx.msk $0xffff, v60;
	v8 =	vor.u32 v26, v47  }
0xc3: {  	v57 =	vor.u32 v4, v52;
	[tilespmem:v10+s18+$0x0] =	vst.idx.msk $0xffff, v51;
	v1 =	vld.idx.msk [tilespmem:v1+s1+$0x0], $0xffff  }
0xc4: {  	v11 =	vor.u32 v2, v45;
	v56 =	vld.idx.msk [tilespmem:v56+s1+$0x0], $0xffff;
	[tilespmem:v55+s18+$0x0] =	vst.idx.msk $0xffff, v63  }
0xc5: {  	v58 =	vor.u32 v2, v48;
	v12 =	vld.idx.msk [tilespmem:v12+s1+$0x0], $0xffff;
	[tilespmem:v13+s18+$0x0] =	vst.idx.msk $0xffff, v0;
	v55 =	vor.u32 v62, v42  }
0xc6: {  	v63 =	vld [tilespmem:$0x1FE90];
	[tilespmem:v53+s18+$0x0] =	vst.idx.msk $0xffff, v61;
	v53 =	vor.u32 v2, v46;
	v13 =	vor.u32 v62, v37  }
0xc7: {  	v59 =	vld.idx.msk [tilespmem:v59+s1+$0x0], $0xffff;
	[tilespmem:v8+s18+$0x0] =	vst.idx.msk $0xffff, v9;
	v9 =	vor.u32 v62, v32  }
0xc8: {  	v51 =	vld.idx.msk [tilespmem:v57+s1+$0x0], $0xffff  }
0xc9: {  	v10 =	vor.u32 v16, v35;
	v60 =	vor.u32 v62, v39;
	v11 =	vld.idx.msk [tilespmem:v11+s1+$0x0], $0xffff  }
0xca: {  	v57 =	vor.u32 v16, v36;
	v61 =	vor.u32 v16, v38;
	[tilespmem:v55+s18+$0x0] =	vst.idx.msk $0xffff, v1;
	v1 =	vld.idx.msk [tilespmem:v58+s1+$0x0], $0xffff  }
0xcb: {  	v8 =	vor.u32 v3, v43;
	v0 =	vor.u32 v63, v33;
	[tilespmem:v13+s18+$0x0] =	vst.idx.msk $0xffff, v12;
	v13 =	vld.idx.msk [tilespmem:v53+s1+$0x0], $0xffff  }
0xcc: {  	v62 =	vor.u32 v4, v48;
	[tilespmem:v9+s18+$0x0] =	vst.idx.msk $0xffff, v59;
	v59 =	vor.u32 v16, v34;
	v16 =	vld [tilespmem:$0x1FF30]  }
0xcd: {  	v55 =	vor.u32 v5, v52;
	v58 =	vor.u32 v4, v45;
	v9 =	vor.u32 v4, v46;
	v4 =	vld [tilespmem:$0x1FED0]  }
0xce: {  	[tilespmem:v60+s18+$0x0] =	vst.idx.msk $0xffff, v56;
	v56 =	vor.u32 v3, v47;
	v10 =	vld.idx.msk [tilespmem:v10+s1+$0x0], $0xffff  }
0xcf: {  	v60 =	vor.u32 v19, v42;
	v57 =	vld.idx.msk [tilespmem:v57+s1+$0x0], $0xffff  }
0xd0: {  	v12 =	vor.u32 v20, v35;
	[tilespmem:v0+s18+$0x0] =	vst.idx.msk $0xffff, v51;
	v0 =	vor.u32 v19, v39;
	v53 =	vld.idx.msk [tilespmem:v61+s1+$0x0], $0xffff  }
0xd1: {  	v51 =	vor.u32 v20, v36;
	[tilespmem:v8+s18+$0x0] =	vst.idx.msk $0xffff, v11;
	v8 =	vor.u32 v3, v44;
	v3 =	vld [tilespmem:$0x1FEC0]  }
0xd2: {  	v11 =	vor.u32 v19, v37;
	v55 =	vld.idx.msk [tilespmem:v55+s1+$0x0], $0xffff  }
0xd3: {  	[tilespmem:v56+s18+$0x0] =	vst.idx.msk $0xffff, v1;
	v1 =	vld.idx.msk [tilespmem:v58+s1+$0x0], $0xffff;
	v56 =	vor.u32 v6, v33  }
0xd4: {  	v58 =	vor.u32 v20, v38;
	[tilespmem:v60+s18+$0x0] =	vst.idx.msk $0xffff, v10;
	v10 =	vld.idx.msk [tilespmem:v62+s1+$0x0], $0xffff;
	v60 =	vor.u32 v63, v43  }
0xd5: {  	[tilespmem:v0+s18+$0x0] =	vst.idx.msk $0xffff, v57;
	v57 =	vor.u32 v27, v52;
	v0 =	vld.idx.msk [tilespmem:v12+s1+$0x0], $0xffff;
	v12 =	vor.u32 v63, v47  }
0xd6: {  	v61 =	vor.u32 v16, v42;
	v62 =	vor.u32 v5, v48;
	[tilespmem:v8+s18+$0x0] =	vst.idx.msk $0xffff, v13;
	v51 =	vld.idx.msk [tilespmem:v51+s1+$0x0], $0xffff  }
0xd7: {  	v8 =	vor.u32 v16, v39;
	[tilespmem:v11+s18+$0x0] =	vst.idx.msk $0xffff, v53;
	v11 =	vor.u32 v3, v35;
	v9 =	vld.idx.msk [tilespmem:v9+s1+$0x0], $0xffff  }
0xd8: {  	v13 =	vor.u32 v3, v36;
	v53 =	vld.idx.msk [tilespmem:v59+s1+$0x0], $0xffff;
	v59 =	vor.u32 v63, v44;
	[tilespmem:v56+s18+$0x0] =	vst.idx.msk $0xffff, v55  }
0xd9: {  	v55 =	vld.idx.msk [tilespmem:v58+s1+$0x0], $0xffff;
	v56 =	vor.u32 v19, v32;
	[tilespmem:v60+s18+$0x0] =	vst.idx.msk $0xffff, v1;
	v1 =	vor.u32 v5, v45  }
0xda: {  	v58 =	vor.u32 v16, v37;
	v60 =	vor.u32 v20, v34;
	[tilespmem:v12+s18+$0x0] =	vst.idx.msk $0xffff, v10;
	v10 =	vld.idx.msk [tilespmem:v57+s1+$0x0], $0xffff  }
0xdb: {  	v12 =	vor.u32 v3, v38;
	[tilespmem:v61+s18+$0x0] =	vst.idx.msk $0xffff, v0;
	v57 =	vor.u32 v28, v33;
	v0 =	vld.idx.msk [tilespmem:v62+s1+$0x0], $0xffff  }
0xdc: {  	[tilespmem:v8+s18+$0x0] =	vst.idx.msk $0xffff, v51;
	v8 =	vld.idx.msk [tilespmem:v11+s1+$0x0], $0xffff;
	v11 =	vor.u32 v6, v47  }
0xdd: {  	v61 =	vor.u32 v4, v42;
	[tilespmem:v59+s18+$0x0] =	vst.idx.msk $0xffff, v9;
	v51 =	vor.u32 v29, v52;
	v13 =	vld.idx.msk [tilespmem:v13+s1+$0x0], $0xffff  }
0xde: {  	v9 =	vor.u32 v4, v39;
	v62 =	vor.u32 v27, v48;
	[tilespmem:v56+s18+$0x0] =	vst.idx.msk $0xffff, v53;
	v1 =	vld.idx.msk [tilespmem:v1+s1+$0x0], $0xffff  }
0xdf: {  	v53 =	vor.u32 v17, v35;
	[tilespmem:v58+s18+$0x0] =	vst.idx.msk $0xffff, v55;
	v55 =	vld.idx.msk [tilespmem:v60+s1+$0x0], $0xffff;
	v58 =	vor.u32 v6, v43  }
0xe0: {  	v59 =	vor.u32 v16, v32;
	v60 =	vor.u32 v27, v45;
	v12 =	vld.idx.msk [tilespmem:v12+s1+$0x0], $0xffff;
	[tilespmem:v57+s18+$0x0] =	vst.idx.msk $0xffff, v10  }
0xe1: {  	v10 =	vor.u32 v4, v37;
	v57 =	vor.u32 v3, v34;
	v3 =	vld [tilespmem:$0x1FF10];
	[tilespmem:v11+s18+$0x0] =	vst.idx.msk $0xffff, v0  }
0xe2: {  	v0 =	vld.idx.msk [tilespmem:v51+s1+$0x0], $0xffff;
	[tilespmem:v61+s18+$0x0] =	vst.idx.msk $0xffff, v8  }
0xe3: {  	v56 =	vor.u32 v17, v36;
	v8 =	vld.idx.msk [tilespmem:v62+s1+$0x0], $0xffff;
	[tilespmem:v9+s18+$0x0] =	vst.idx.msk $0xffff, v13  }
0xe4: {  	v9 =	vld.idx.msk [tilespmem:v53+s1+$0x0], $0xffff;
	[tilespmem:v58+s18+$0x0] =	vst.idx.msk $0xffff, v1  }
0xe5: {  	v11 =	vor.u32 v17, v38;
	v51 =	vor.u32 v30, v33;
	[tilespmem:v59+s18+$0x0] =	vst.idx.msk $0xffff, v55;
	v58 =	vld.idx.msk [tilespmem:v60+s1+$0x0], $0xffff  }
0xe6: {  	v52 =	vor.u32 v31, v52;
	v13 =	vor.u32 v28, v47;
	[tilespmem:v10+s18+$0x0] =	vst.idx.msk $0xffff, v12;
	v10 =	vld.idx.msk [tilespmem:v57+s1+$0x0], $0xffff  }
0xe7: {  	v61 =	vor.u32 v18, v42;
	v62 =	vor.u32 v29, v48;
	v57 =	vor.u32 v4, v32;
	v4 =	vld [tilespmem:$0x1FF40]  }
0xe8: {  	v56 =	vld.idx.msk [tilespmem:v56+s1+$0x0], $0xffff;
	v1 =	vor.u32 v18, v39;
	v63 =	vor.u32 v3, v35  }
0xe9: {  	v59 =	vor.u32 v3, v36  }
0xea: {  	v50 =	vor.u32 v5, v46;
	v12 =	vor.u32 v28, v43;
	v11 =	vld.idx.msk [tilespmem:v11+s1+$0x0], $0xffff;
	[tilespmem:v51+s18+$0x0] =	vst.idx.msk $0xffff, v0  }
0xeb: {  	v0 =	vor.u32 v18, v37;
	v51 =	vor.u32 v17, v34;
	[tilespmem:v13+s18+$0x0] =	vst.idx.msk $0xffff, v8;
	v8 =	vld.idx.msk [tilespmem:v52+s1+$0x0], $0xffff  }
0xec: {  	v13 =	vor.u32 v3, v38;
	[tilespmem:v61+s18+$0x0] =	vst.idx.msk $0xffff, v9;
	v9 =	vld.idx.msk [tilespmem:v62+s1+$0x0], $0xffff;
	v33 =	vor.u32 v4, v33  }
0xed: {  	v40 =	vor.u32 v24, v42;
	[tilespmem:v1+s18+$0x0] =	vst.idx.msk $0xffff, v56;
	v1 =	vld.idx.msk [tilespmem:v63+s1+$0x0], $0xffff;
	v63 =	vor.u32 v30, v47  }
0xee: {  	v48 =	vor.u32 v31, v48;
	v61 =	vor.u32 v21, v42;
	v56 =	vld.idx.msk [tilespmem:v59+s1+$0x0], $0xffff;
	[tilespmem:v57+s18+$0x0] =	vst.idx.msk $0xffff, v10  }
0xef: {  	v49 =	vor.u32 v6, v44;
	v54 =	vor.u32 v27, v46;
	[tilespmem:v12+s18+$0x0] =	vst.idx.msk $0xffff, v58;
	v57 =	vld.idx.msk [tilespmem:v50+s1+$0x0], $0xffff  }
0xf0: {  	v60 =	vor.u32 v29, v45;
	v12 =	vor.u32 v21, v39;
	[tilespmem:v0+s18+$0x0] =	vst.idx.msk $0xffff, v11;
	v0 =	vld.idx.msk [tilespmem:v51+s1+$0x0], $0xffff  }
0xf1: {  	v41 =	vor.u32 v28, v44;
	v10 =	vor.u32 v22, v35;
	v11 =	vld.idx.msk [tilespmem:v13+s1+$0x0], $0xffff;
	[tilespmem:v33+s18+$0x0] =	vst.idx.msk $0xffff, v8  }
0xf2: {  	v62 =	vor.u32 v22, v36;
	v13 =	vor.u32 v18, v32;
	[tilespmem:v63+s18+$0x0] =	vst.idx.msk $0xffff, v9;
	v63 =	vld [tilespmem:$0x1FE50]  }
0xf3: {  	v53 =	vor.u32 v29, v46;
	v52 =	vor.u32 v4, v47;
	[tilespmem:v61+s18+$0x0] =	vst.idx.msk $0xffff, v1;
	v1 =	vld.idx.msk [tilespmem:v48+s1+$0x0], $0xffff  }
0xf4: {  	v45 =	vor.u32 v31, v45;
	v51 =	vor.u32 v31, v46;
	v8 =	vor.u32 v21, v37  }
0xf5: {  	v46 =	vld.idx.msk [tilespmem:v60+s1+$0x0], $0xffff;
	v9 =	vor.u32 v22, v38;
	v48 =	vor.u32 v30, v43;
	[tilespmem:v12+s18+$0x0] =	vst.idx.msk $0xffff, v56  }
0xf6: {  	v58 =	vor.u32 v23, v42;
	v33 =	vor.u32 v3, v34;
	[tilespmem:v49+s18+$0x0] =	vst.idx.msk $0xffff, v57;
	v12 =	vld.idx.msk [tilespmem:v10+s1+$0x0], $0xffff  }
0xf7: {  	v50 =	vor.u32 v30, v44;
	v60 =	vor.u32 v23, v39;
	v59 =	vld.idx.msk [tilespmem:v62+s1+$0x0], $0xffff;
	[tilespmem:v13+s18+$0x0] =	vst.idx.msk $0xffff, v0  }
0xf8: {  	p3 =	slt.u32 s30, $0x3C;
	v49 =	vor.u32 v4, v44;
	v0 =	vor.u32 v63, v35;
	[tilespmem:v52+s18+$0x0] =	vst.idx.msk $0xffff, v1;
	v52 =	vld [tilespmem:$0x1FE50]  }
.Ltmp2:
0xf9: {  	v56 =	vor.u32 v24, v32;
	v57 =	vor.u32 v26, v42;
	v44 =	vld.idx.msk [tilespmem:v54+s1+$0x0], $0xffff;
	[tilespmem:v8+s18+$0x0] =	vst.idx.msk $0xffff, v11;
	(pc) =	sbr.rel @p3 .LBB2_3-.Ltmp2, $4  }
0xfa: {  	v10 =	vor.u32 v22, v34;
	v54 =	vor.u32 v4, v43;
	v47 =	vld.idx.msk [tilespmem:v9+s1+$0x0], $0xffff;
	[tilespmem:v48+s18+$0x0] =	vst.idx.msk $0xffff, v46  }
0xfb: {  	v61 =	vld.idx.msk [tilespmem:v33+s1+$0x0], $0xffff;
	v8 =	vor.u32 v23, v37;
	v33 =	vmov v42;
	[tilespmem:v58+s18+$0x0] =	vst.idx.msk $0xffff, v12  }
0xfc: {  	s28 =	sadd.s32 $0x4, s30;
	v9 =	vor.u32 v21, v32;
	v55 =	vld.idx.msk [tilespmem:v45+s1+$0x0], $0xffff;
	v58 =	vor.u32 v2, v35;
	[tilespmem:v60+s18+$0x0] =	vst.idx.msk $0xffff, v59  }
0xfd: {  	s30 =	smov.u32 s28;
	v60 =	vor.u32 v23, v32;
	v62 =	vld.idx.msk [tilespmem:v0+s1+$0x0], $0xffff;
	v63 =	vor.u32 v52, v38;
	v59 =	vor.u32 v52, v34  }
0xfe: {  	_ =	sdelay $0x3  }
0xff: {  	[tilespmem:v9+s18+$0x0] =	vst.idx.msk $0xffff, v61  }
0x100: {  	v0 =	vor.u32 v52, v36;
	v1 =	vld.idx.msk [tilespmem:v10+s1+$0x0], $0xffff;
	_ =	sdelay $0x1  }
0x101: {  	v9 =	vor.u32 v25, v35  }
0x102: {  	[tilespmem:v8+s18+$0x0] =	vst.idx.msk $0xffff, v47  }
0x103: {  	v11 =	vld.idx.msk [tilespmem:v63+s1+$0x0], $0xffff;
	v10 =	vor.u32 v24, v37  }
0x104: {  	v8 =	vor.u32 v24, v39;
	v0 =	vld.idx.msk [tilespmem:v0+s1+$0x0], $0xffff;
	[tilespmem:v60+s18+$0x0] =	vst.idx.msk $0xffff, v1  }
0x105: {  	v45 =	vor.u32 v25, v36;
	[tilespmem:v40+s18+$0x0] =	vst.idx.msk $0xffff, v62;
	v12 =	vld.idx.msk [tilespmem:v59+s1+$0x0], $0xffff  }
0x106: {  	v9 =	vld.idx.msk [tilespmem:v9+s1+$0x0], $0xffff;
	_ =	sdelay $0x1  }
0x107: {  	[tilespmem:v10+s18+$0x0] =	vst.idx.msk $0xffff, v11  }
0x108: {  	[tilespmem:v8+s18+$0x0] =	vst.idx.msk $0xffff, v0  }
0x109: {  	v13 =	vor.u32 v25, v38;
	v0 =	vld.idx.msk [tilespmem:v45+s1+$0x0], $0xffff;
	[tilespmem:v56+s18+$0x0] =	vst.idx.msk $0xffff, v12  }
0x10a: {  	v42 =	vor.u32 v25, v34;
	v56 =	vld [tilespmem:$0x1FE60];
	[tilespmem:v57+s18+$0x0] =	vst.idx.msk $0xffff, v9  }
0x10b: {  	v46 =	vor.u32 v26, v39;
	v2 =	vld [tilespmem:$0x1FE70];
	_ =	sdelay $0x2  }
0x10c: {  	v10 =	vor.u32 v26, v37;
	v8 =	vld.idx.msk [tilespmem:v13+s1+$0x0], $0xffff  }
0x10d: {  	v47 =	vor.u32 v26, v32;
	v12 =	vld.idx.msk [tilespmem:v42+s1+$0x0], $0xffff  }
0x10e: {  	v43 =	vld.idx.msk [tilespmem:v58+s1+$0x0], $0xffff;
	[tilespmem:v46+s18+$0x0] =	vst.idx.msk $0xffff, v0;
	v11 =	vor.u32 v56, v36;
	v9 =	vor.u32 v2, v33  }
0x10f: {  	v3 =	vld [tilespmem:$0x1FE80];
	_ =	sdelay $0x1  }
0x110: {  	[tilespmem:v10+s18+$0x0] =	vst.idx.msk $0xffff, v8  }
0x111: {  	v13 =	vor.u32 v56, v38;
	[tilespmem:v47+s18+$0x0] =	vst.idx.msk $0xffff, v12  }
0x112: {  	v48 =	vor.u32 v56, v34;
	v1 =	vld.idx.msk [tilespmem:v11+s1+$0x0], $0xffff;
	[tilespmem:v9+s18+$0x0] =	vst.idx.msk $0xffff, v43  }
0x113: {  	v8 =	vor.u32 v2, v39;
	v57 =	vor.u32 v3, v35;
	v4 =	vld [tilespmem:$0x1FE90];
	_ =	sdelay $0x2  }
0x114: {  	v10 =	vld.idx.msk [tilespmem:v13+s1+$0x0], $0xffff;
	v11 =	vor.u32 v2, v37  }
0x115: {  	v58 =	vor.u32 v2, v32;
	v40 =	vld.idx.msk [tilespmem:v48+s1+$0x0], $0xffff  }
0x116: {  	v0 =	vld.idx.msk [tilespmem:v57+s1+$0x0], $0xffff;
	[tilespmem:v8+s18+$0x0] =	vst.idx.msk $0xffff, v1;
	v9 =	vor.u32 v4, v33  }
0x117: {  	v62 =	vld [tilespmem:$0x1FEA0]  }
0x118: {  	v12 =	vor.u32 v3, v36  }
0x119: {  	[tilespmem:v11+s18+$0x0] =	vst.idx.msk $0xffff, v10  }
0x11a: {  	v13 =	vor.u32 v3, v38;
	[tilespmem:v58+s18+$0x0] =	vst.idx.msk $0xffff, v40  }
0x11b: {  	v45 =	vor.u32 v3, v34;
	[tilespmem:v9+s18+$0x0] =	vst.idx.msk $0xffff, v0  }
0x11c: {  	v59 =	vor.u32 v62, v35;
	v5 =	vld [tilespmem:$0x1FEB0]  }
0x11d: {  	v8 =	vld.idx.msk [tilespmem:v12+s1+$0x0], $0xffff;
	v10 =	vor.u32 v4, v39;
	_ =	sdelay $0x1  }
0x11e: {  	v11 =	vld.idx.msk [tilespmem:v13+s1+$0x0], $0xffff;
	v12 =	vor.u32 v4, v37;
	v13 =	vor.u32 v62, v36  }
0x11f: {  	v40 =	vld.idx.msk [tilespmem:v45+s1+$0x0], $0xffff;
	v60 =	vor.u32 v4, v32;
	v61 =	vor.u32 v62, v38  }
0x120: {  	v63 =	vor.u32 v62, v34;
	v0 =	vld.idx.msk [tilespmem:v59+s1+$0x0], $0xffff;
	v48 =	vor.u32 v5, v33  }
0x121: {  	[tilespmem:v10+s18+$0x0] =	vst.idx.msk $0xffff, v8;
	v8 =	vor.u32 v27, v35;
	_ =	sdelay $0x1  }
0x122: {  	[tilespmem:v12+s18+$0x0] =	vst.idx.msk $0xffff, v11;
	v9 =	vld.idx.msk [tilespmem:v13+s1+$0x0], $0xffff;
	v10 =	vor.u32 v5, v39  }
0x123: {  	v11 =	vor.u32 v27, v36;
	[tilespmem:v60+s18+$0x0] =	vst.idx.msk $0xffff, v40;
	v12 =	vld.idx.msk [tilespmem:v61+s1+$0x0], $0xffff;
	v13 =	vor.u32 v5, v37  }
0x124: {  	v58 =	vor.u32 v27, v38;
	v59 =	vld.idx.msk [tilespmem:v63+s1+$0x0], $0xffff;
	v57 =	vor.u32 v5, v32;
	[tilespmem:v48+s18+$0x0] =	vst.idx.msk $0xffff, v0  }
0x125: {  	v60 =	vor.u32 v27, v34;
	v61 =	vor.u32 v28, v33;
	v0 =	vld.idx.msk [tilespmem:v8+s1+$0x0], $0xffff  }
0x126: {  	[tilespmem:v41+s18+$0x0] =	vst.idx.msk $0xffff, v44;
	v8 =	vor.u32 v29, v35  }
0x127: {  	v44 =	vld.idx.msk [tilespmem:v53+s1+$0x0], $0xffff;
	[tilespmem:v10+s18+$0x0] =	vst.idx.msk $0xffff, v9  }
0x128: {  	v10 =	vor.u32 v28, v39;
	[tilespmem:v13+s18+$0x0] =	vst.idx.msk $0xffff, v12;
	v9 =	vld.idx.msk [tilespmem:v11+s1+$0x0], $0xffff  }
0x129: {  	v13 =	vor.u32 v28, v37;
	[tilespmem:v57+s18+$0x0] =	vst.idx.msk $0xffff, v59;
	v12 =	vld.idx.msk [tilespmem:v58+s1+$0x0], $0xffff  }
0x12a: {  	v63 =	vor.u32 v28, v32;
	v43 =	vld.idx.msk [tilespmem:v60+s1+$0x0], $0xffff;
	[tilespmem:v61+s18+$0x0] =	vst.idx.msk $0xffff, v0  }
0x12b: {  	v11 =	vor.u32 v29, v36;
	v58 =	vor.u32 v30, v33;
	v0 =	vld.idx.msk [tilespmem:v8+s1+$0x0], $0xffff  }
0x12c: {  	[tilespmem:v50+s18+$0x0] =	vst.idx.msk $0xffff, v44  }
0x12d: {  	v48 =	vor.u32 v29, v38;
	[tilespmem:v10+s18+$0x0] =	vst.idx.msk $0xffff, v9  }
0x12e: {  	v57 =	vor.u32 v29, v34;
	[tilespmem:v13+s18+$0x0] =	vst.idx.msk $0xffff, v12  }
0x12f: {  	[tilespmem:v63+s18+$0x0] =	vst.idx.msk $0xffff, v43  }
0x130: {  	v9 =	vld.idx.msk [tilespmem:v11+s1+$0x0], $0xffff;
	[tilespmem:v58+s18+$0x0] =	vst.idx.msk $0xffff, v0  }
0x131: {  	v10 =	vor.u32 v30, v39;
	v8 =	vor.u32 v31, v35;
	v5 =	vld [tilespmem:$0x1FF40]  }
0x132: {  	v13 =	vor.u32 v30, v37;
	v11 =	vor.u32 v31, v36;
	v12 =	vld.idx.msk [tilespmem:v48+s1+$0x0], $0xffff  }
0x133: {  	v59 =	vor.u32 v30, v32;
	v60 =	vor.u32 v31, v38;
	v61 =	vld.idx.msk [tilespmem:v57+s1+$0x0], $0xffff  }
0x134: {  	v63 =	vor.u32 v31, v34  }
0x135: {  	v44 =	vld.idx.msk [tilespmem:v51+s1+$0x0], $0xffff  }
0x136: {  	v0 =	vld.idx.msk [tilespmem:v8+s1+$0x0], $0xffff;
	[tilespmem:v10+s18+$0x0] =	vst.idx.msk $0xffff, v9;
	v45 =	vor.u32 v5, v33  }
0x137: {  	[tilespmem:v13+s18+$0x0] =	vst.idx.msk $0xffff, v12;
	v8 =	vld.idx.msk [tilespmem:v11+s1+$0x0], $0xffff;
	v9 =	vor.u32 v5, v39  }
0x138: {  	[tilespmem:v59+s18+$0x0] =	vst.idx.msk $0xffff, v61;
	v11 =	vld.idx.msk [tilespmem:v60+s1+$0x0], $0xffff;
	v10 =	vor.u32 v5, v37  }
0x139: {  	[tilespmem:v54+s18+$0x0] =	vst.idx.msk $0xffff, v55;
	v13 =	vld.idx.msk [tilespmem:v63+s1+$0x0], $0xffff;
	v12 =	vor.u32 v5, v32  }
0x13a: {  	[tilespmem:v49+s18+$0x0] =	vst.idx.msk $0xffff, v44  }
0x13b: {  	[tilespmem:v45+s18+$0x0] =	vst.idx.msk $0xffff, v0  }
0x13c: {  	p3 =	seq.s32 s26, $0x3C;
	[tilespmem:v9+s18+$0x0] =	vst.idx.msk $0xffff, v8  }
0x13d: {  	s28 =	sshll.u32 @!p3 s29, $0x8;
	s23 =	simm.s32 @!p3 $0x800;
	[tilespmem:v10+s18+$0x0] =	vst.idx.msk $0xffff, v11  }
0x13e: {  	s30 =	simm.s32 @!p3 $0x7A1400;
	s31 =	simm.s32 @!p3 $0x0;
	s0 =	sadd.s32 @!p3 s28, s6;
	[tilespmem:v12+s18+$0x0] =	vst.idx.msk $0xffff, v13  }
0x13f: {  	[tilespmem:s31], [sflag:$0x1] =	stream.strided.gather @!p3 [hbm4b:s0+s23], $0x4000, s30, s23, $0x38;
	[tilespmem:$0x12000] =	vst v63  }
0x140: {  	s30 =	simm.s32 $0x3  }
0x141: {  	s29 =	sshll.u32 s29, $0xB;
	v46 =	vadd.s32 s30, v14  }
0x142: {  	s9 =	sadd.s32 s3, s29;
	v47 =	vshll.u32 v46, $0x7;
	v8 =	vshll.u32 v46, $0x8  }
0x143: {  	[hbm4b:s9+s1] =	stream.linear.scatter [tilespmem:s18], [sflag:$0x3], $0x4000, $0x38;
	v1 =	vand.u32 $0x380, v47;
	v8 =	vand.u32 $0x3800, v8;
	[tilespmem:$0x12000] =	vst v63  }
0x144: {  	_ =	swait.ge [sflag:s19], $0x4000;
	v40 =	vor.u32 v1, v8  }
0x145: {  	s23 =	simm.s32 $0x1;
	[sflag:s19] =	ssyncset.done $0x0;
	v10 =	vor.u32 v14, v40  }
0x146: {  	v9 =	vadd.s32 s23, v14;
	s23 =	simm.s32 @!p2 $0x4;
	[sflag:s19] =	ssyncadd.s32 $0xFFFFC000  }
0x147: {  	_ =	swait.ge @!p2 [sflag:s23], $0x4000  }
0x148: {  	[sflag:s23] =	ssyncset.done @!p2 $0x0  }
0x149: {  	v48 =	vshll.u32 v9, $0x7;
	v41 =	vand.u32 $0x3F, v46;
	v8 =	vshll.u32 v9, $0x8;
	[sflag:s23] =	ssyncadd.s32 @!p2 $0xFFFFC000  }
0x14a: {  	s9 =	simm.s32 $0x0;
	v53 =	vor.u32 v7, v41;
	v1 =	vand.u32 $0x380, v48;
	v8 =	vand.u32 $0x3800, v8;
	v10 =	vld.idx.msk [tilespmem:v10+s16+$0x0], $0xffff  }
0x14b: {  	v42 =	vor.u32 v1, v8;
	v8 =	vadd.s32 s9, v14  }
0x14c: {  	v13 =	vshll.u32 v8, $0x8;
	v51 =	vshll.u32 v8, $0x7  }
0x14d: {  	v13 =	vand.u32 $0x3800, v13;
	v32 =	vand.u32 $0x380, v51  }
0x14e: {  	v12 =	vor.u32 v14, v42;
	v47 =	vor.u32 v32, v13  }
0x14f: {  	s30 =	simm.s32 $0x2;
	v54 =	vor.u32 v14, v47;
	[tilespmem:v53+s20+$0x0] =	vst.idx.msk $0xffff, v10  }
0x150: {  	v11 =	vadd.s32 s30, v14;
	v13 =	vor.u32 v15, v40;
	v60 =	vld [tilespmem:$0x1FEE0]  }
0x151: {  	v49 =	vshll.u32 v11, $0x8  }
0x152: {  	v43 =	vand.u32 $0x3F, v9;
	v50 =	vshll.u32 v11, $0x7;
	v0 =	vand.u32 $0x3800, v49  }
0x153: {  	v9 =	vor.u32 v7, v43;
	v1 =	vand.u32 $0x380, v50;
	v46 =	vand.u32 $0x3F, v8;
	v12 =	vld.idx.msk [tilespmem:v12+s16+$0x0], $0xffff  }
0x154: {  	v44 =	vand.u32 $0x3F, v11;
	v45 =	vor.u32 v1, v0;
	v11 =	vor.u32 v7, v46;
	v0 =	vld.idx.msk [tilespmem:v54+s16+$0x0], $0xffff  }
0x155: {  	v1 =	vor.u32 v14, v45;
	v8 =	vld.idx.msk [tilespmem:v13+s16+$0x0], $0xffff;
	v10 =	vor.u32 v60, v41  }
0x156: {  	v16 =	vld [tilespmem:$0x1FEF0];
	_ =	sdelay $0x1  }
0x157: {  	[tilespmem:v9+s20+$0x0] =	vst.idx.msk $0xffff, v12  }
0x158: {  	v55 =	vor.u32 v15, v42;
	[tilespmem:v11+s20+$0x0] =	vst.idx.msk $0xffff, v0  }
0x159: {  	v58 =	vor.u32 v15, v47;
	v1 =	vld.idx.msk [tilespmem:v1+s16+$0x0], $0xffff;
	[tilespmem:v10+s20+$0x0] =	vst.idx.msk $0xffff, v8  }
0x15a: {  	v57 =	vor.u32 v7, v44;
	v13 =	vor.u32 v16, v40;
	v19 =	vld [tilespmem:$0x1FF00];
	_ =	sdelay $0x2  }
0x15b: {  	v12 =	vld.idx.msk [tilespmem:v55+s16+$0x0], $0xffff;
	v59 =	vor.u32 v60, v43  }
0x15c: {  	v9 =	vor.u32 v15, v45;
	v38 =	vor.u32 v60, v46;
	v10 =	vld.idx.msk [tilespmem:v58+s16+$0x0], $0xffff  }
0x15d: {  	v37 =	vld.idx.msk [tilespmem:v13+s16+$0x0], $0xffff;
	[tilespmem:v57+s20+$0x0] =	vst.idx.msk $0xffff, v1;
	v8 =	vor.u32 v19, v41  }
0x15e: {  	v63 =	vld [tilespmem:$0x1FF20];
	_ =	sdelay $0x1  }
0x15f: {  	v36 =	vor.u32 v16, v42;
	[tilespmem:v59+s20+$0x0] =	vst.idx.msk $0xffff, v12  }
0x160: {  	v39 =	vor.u32 v60, v44;
	v13 =	vor.u32 v16, v47;
	v9 =	vld.idx.msk [tilespmem:v9+s16+$0x0], $0xffff;
	[tilespmem:v38+s20+$0x0] =	vst.idx.msk $0xffff, v10  }
0x161: {  	[tilespmem:v8+s20+$0x0] =	vst.idx.msk $0xffff, v37  }
0x162: {  	v11 =	vor.u32 v63, v40;
	v20 =	vld [tilespmem:$0x1FF30];
	_ =	sdelay $0x1  }
0x163: {  	v12 =	vld.idx.msk [tilespmem:v36+s16+$0x0], $0xffff  }
0x164: {  	v48 =	vor.u32 v19, v43;
	v8 =	vld.idx.msk [tilespmem:v13+s16+$0x0], $0xffff;
	[tilespmem:v39+s20+$0x0] =	vst.idx.msk $0xffff, v9  }
0x165: {  	v49 =	vor.u32 v16, v45;
	v10 =	vor.u32 v19, v46;
	v6 =	vld [tilespmem:$0x1FEC0]  }
0x166: {  	v0 =	vld.idx.msk [tilespmem:v11+s16+$0x0], $0xffff;
	v51 =	vor.u32 v20, v41;
	_ =	sdelay $0x1  }
0x167: {  	v50 =	vor.u32 v63, v42  }
0x168: {  	v11 =	vor.u32 v63, v47;
	[tilespmem:v48+s20+$0x0] =	vst.idx.msk $0xffff, v12  }
0x169: {  	v13 =	vor.u32 v19, v44;
	v12 =	vld.idx.msk [tilespmem:v49+s16+$0x0], $0xffff;
	[tilespmem:v10+s20+$0x0] =	vst.idx.msk $0xffff, v8;
	v9 =	vor.u32 v6, v40  }
0x16a: {  	v54 =	vor.u32 v63, v45;
	[tilespmem:v51+s20+$0x0] =	vst.idx.msk $0xffff, v0  }
0x16b: {  	v59 =	vld [tilespmem:$0x1FED0]  }
0x16c: {  	v32 =	vld.idx.msk [tilespmem:v50+s16+$0x0], $0xffff  }
0x16d: {  	v53 =	vor.u32 v20, v43;
	v8 =	vld.idx.msk [tilespmem:v11+s16+$0x0], $0xffff  }
0x16e: {  	v0 =	vld.idx.msk [tilespmem:v9+s16+$0x0], $0xffff;
	v9 =	vor.u32 v20, v46;
	[tilespmem:v13+s20+$0x0] =	vst.idx.msk $0xffff, v12  }
0x16f: {  	v13 =	vor.u32 v20, v44;
	v12 =	vld.idx.msk [tilespmem:v54+s16+$0x0], $0xffff  }
0x170: {  	v61 =	vor.u32 v59, v41;
	_ =	sdelay $0x1  }
0x171: {  	v55 =	vor.u32 v6, v42;
	[tilespmem:v53+s20+$0x0] =	vst.idx.msk $0xffff, v32  }
0x172: {  	[tilespmem:v9+s20+$0x0] =	vst.idx.msk $0xffff, v8  }
0x173: {  	[tilespmem:v13+s20+$0x0] =	vst.idx.msk $0xffff, v12  }
0x174: {  	v10 =	vor.u32 v17, v40;
	[tilespmem:v61+s20+$0x0] =	vst.idx.msk $0xffff, v0  }
0x175: {  	v11 =	vor.u32 v6, v47;
	v61 =	vld [tilespmem:$0x1FF10]  }
0x176: {  	v37 =	vor.u32 v6, v45;
	v32 =	vld.idx.msk [tilespmem:v55+s16+$0x0], $0xffff;
	v36 =	vor.u32 v59, v43  }
0x177: {  	v38 =	vor.u32 v17, v42;
	_ =	sdelay $0x1  }
0x178: {  	v39 =	vor.u32 v18, v41;
	v0 =	vld.idx.msk [tilespmem:v10+s16+$0x0], $0xffff  }
0x179: {  	v9 =	vor.u32 v59, v46;
	v8 =	vld.idx.msk [tilespmem:v11+s16+$0x0], $0xffff;
	v10 =	vor.u32 v61, v40  }
0x17a: {  	v11 =	vor.u32 v17, v47;
	v13 =	vor.u32 v59, v44;
	v12 =	vld.idx.msk [tilespmem:v37+s16+$0x0], $0xffff;
	[tilespmem:v36+s20+$0x0] =	vst.idx.msk $0xffff, v32  }
0x17b: {  	v48 =	vor.u32 v18, v43;
	v49 =	vor.u32 v17, v45;
	v32 =	vld.idx.msk [tilespmem:v38+s16+$0x0], $0xffff  }
0x17c: {  	v50 =	vor.u32 v61, v42  }
0x17d: {  	[tilespmem:v39+s20+$0x0] =	vst.idx.msk $0xffff, v0  }
0x17e: {  	v51 =	vor.u32 v21, v41;
	[tilespmem:v9+s20+$0x0] =	vst.idx.msk $0xffff, v8;
	v0 =	vld.idx.msk [tilespmem:v10+s16+$0x0], $0xffff  }
0x17f: {  	v9 =	vor.u32 v18, v46;
	v8 =	vld.idx.msk [tilespmem:v11+s16+$0x0], $0xffff;
	[tilespmem:v13+s20+$0x0] =	vst.idx.msk $0xffff, v12;
	v10 =	vor.u32 v22, v40  }
0x180: {  	v12 =	vor.u32 v18, v44;
	v11 =	vld.idx.msk [tilespmem:v49+s16+$0x0], $0xffff;
	[tilespmem:v48+s20+$0x0] =	vst.idx.msk $0xffff, v32  }
0x181: {  	v53 =	vor.u32 v21, v43;
	v54 =	vor.u32 v61, v47;
	v13 =	vld.idx.msk [tilespmem:v50+s16+$0x0], $0xffff;
	_ =	sdelay $0x1  }
0x182: {  	v34 =	vor.u32 v24, v41;
	v55 =	vor.u32 v61, v45;
	[tilespmem:v51+s20+$0x0] =	vst.idx.msk $0xffff, v0  }
0x183: {  	v37 =	vor.u32 v26, v41;
	[tilespmem:v9+s20+$0x0] =	vst.idx.msk $0xffff, v8;
	v8 =	vor.u32 v23, v41;
	v1 =	vld.idx.msk [tilespmem:v10+s16+$0x0], $0xffff  }
0x184: {  	v36 =	vor.u32 v23, v43;
	[tilespmem:v12+s20+$0x0] =	vst.idx.msk $0xffff, v11;
	v10 =	vor.u32 v52, v40  }
0x185: {  	v11 =	vor.u32 v22, v42;
	v0 =	vor.u32 v21, v46;
	[tilespmem:v53+s20+$0x0] =	vst.idx.msk $0xffff, v13;
	v13 =	vld.idx.msk [tilespmem:v54+s16+$0x0], $0xffff  }
0x186: {  	v38 =	vor.u32 v22, v45;
	v49 =	vor.u32 v52, v45;
	v39 =	vor.u32 v52, v42  }
0x187: {  	v9 =	vor.u32 v22, v47;
	v48 =	vor.u32 v24, v44;
	v32 =	vor.u32 v21, v44;
	v35 =	vld.idx.msk [tilespmem:v55+s16+$0x0], $0xffff  }
0x188: {  	s30 =	simm.s32 $0x7;
	v12 =	vor.u32 v23, v46;
	v50 =	vor.u32 v52, v47;
	[tilespmem:v8+s20+$0x0] =	vst.idx.msk $0xffff, v1  }
0x189: {  	s9 =	simm.s32 $0x6;
	s23 =	simm.s32 $0x5;
	v51 =	vor.u32 v24, v43;
	v53 =	vadd.s32 s30, v14;
	v54 =	vor.u32 v25, v40;
	v10 =	vld.idx.msk [tilespmem:v10+s16+$0x0], $0xffff  }
0x18a: {  	v11 =	vld.idx.msk [tilespmem:v11+s16+$0x0], $0xffff;
	v52 =	vadd.s32 s23, v14;
	v33 =	vand.u32 $0x3F, v53;
	[tilespmem:v0+s20+$0x0] =	vst.idx.msk $0xffff, v13;
	v0 =	vadd.s32 s9, v14  }
0x18b: {  	v58 =	vmovc v56;
	v13 =	vshll.u32 v53, $0x7;
	v53 =	vshll.u32 v53, $0x8;
	v1 =	vor.u32 v56, v40  }
0x18c: {  	[tilespmem:v32+s20+$0x0] =	vst.idx.msk $0xffff, v35;
	v8 =	vor.u32 v23, v44;
	v9 =	vld.idx.msk [tilespmem:v9+s16+$0x0], $0xffff;
	v56 =	vshll.u32 v52, $0x7;
	v57 =	vshll.u32 v0, $0x8  }
0x18d: {  	s30 =	simm.s32 $0x4;
	v38 =	vld.idx.msk [tilespmem:v38+s16+$0x0], $0xffff;
	v32 =	vshll.u32 v0, $0x7;
	v13 =	vand.u32 $0x380, v13;
	v55 =	vand.u32 $0x380, v56  }
0x18e: {  	v56 =	vand.u32 $0x3800, v57;
	v57 =	vadd.s32 s30, v14;
	[tilespmem:v34+s20+$0x0] =	vst.idx.msk $0xffff, v10;
	v10 =	vand.u32 $0x380, v32  }
0x18f: {  	[tilespmem:v36+s20+$0x0] =	vst.idx.msk $0xffff, v11;
	v32 =	vshll.u32 v57, $0x8;
	v34 =	vshll.u32 v57, $0x7;
	v11 =	vld.idx.msk [tilespmem:v54+s16+$0x0], $0xffff;
	v54 =	vand.u32 $0x3800, v53  }
0x190: {  	v39 =	vld.idx.msk [tilespmem:v39+s16+$0x0], $0xffff;
	v32 =	vand.u32 $0x3800, v32;
	v34 =	vand.u32 $0x380, v34;
	v35 =	vor.u32 v13, v54  }
0x191: {  	[tilespmem:v12+s20+$0x0] =	vst.idx.msk $0xffff, v9;
	v9 =	vshll.u32 v52, $0x8;
	v36 =	vor.u32 v34, v32;
	v12 =	vor.u32 v14, v35  }
0x192: {  	[tilespmem:v8+s20+$0x0] =	vst.idx.msk $0xffff, v38;
	v8 =	vand.u32 $0x3800, v9;
	v34 =	vor.u32 v10, v56;
	v9 =	vor.u32 v14, v36  }
0x193: {  	v38 =	vor.u32 v55, v8;
	v32 =	vand.u32 $0x3F, v0;
	v10 =	vld.idx.msk [tilespmem:v49+s16+$0x0], $0xffff;
	v0 =	vor.u32 v14, v34  }
0x194: {  	v8 =	vor.u32 v14, v38;
	v13 =	vld.idx.msk [tilespmem:v50+s16+$0x0], $0xffff;
	[tilespmem:v37+s20+$0x0] =	vst.idx.msk $0xffff, v11;
	v11 =	vor.u32 v24, v46  }
0x195: {  	[tilespmem:v51+s20+$0x0] =	vst.idx.msk $0xffff, v39;
	v49 =	vor.u32 v2, v41;
	v50 =	vor.u32 v25, v42;
	v1 =	vld.idx.msk [tilespmem:v1+s16+$0x0], $0xffff  }
0x196: {  	v51 =	vor.u32 v25, v45;
	v39 =	vand.u32 $0x3F, v57;
	v57 =	vor.u32 v7, v33;
	v12 =	vld.idx.msk [tilespmem:v12+s16+$0x0], $0xffff  }
0x197: {  	v54 =	vor.u32 v7, v39;
	v37 =	vand.u32 $0x3F, v52;
	v52 =	vor.u32 v25, v47;
	v9 =	vld.idx.msk [tilespmem:v9+s16+$0x0], $0xffff  }
0x198: {  	[tilespmem:v48+s20+$0x0] =	vst.idx.msk $0xffff, v10;
	v10 =	vor.u32 v7, v32;
	v48 =	vor.u32 v15, v35;
	v0 =	vld.idx.msk [tilespmem:v0+s16+$0x0], $0xffff  }
0x199: {  	v8 =	vld.idx.msk [tilespmem:v8+s16+$0x0], $0xffff;
	[tilespmem:v11+s20+$0x0] =	vst.idx.msk $0xffff, v13;
	v11 =	vor.u32 v7, v37;
	v13 =	vor.u32 v15, v36  }
0x19a: {  	v50 =	vld.idx.msk [tilespmem:v50+s16+$0x0], $0xffff;
	[tilespmem:v49+s20+$0x0] =	vst.idx.msk $0xffff, v1;
	v1 =	vor.u32 v3, v40;
	v49 =	vor.u32 v26, v43  }
0x19b: {  	v51 =	vld.idx.msk [tilespmem:v51+s16+$0x0], $0xffff;
	[tilespmem:v57+s20+$0x0] =	vst.idx.msk $0xffff, v12;
	v12 =	vor.u32 v15, v38;
	v57 =	vor.u32 v26, v44  }
0x19c: {  	v52 =	vld.idx.msk [tilespmem:v52+s16+$0x0], $0xffff;
	[tilespmem:v54+s20+$0x0] =	vst.idx.msk $0xffff, v9;
	v9 =	vor.u32 v58, v42;
	v54 =	vor.u32 v26, v46  }
0x19d: {  	[tilespmem:v10+s20+$0x0] =	vst.idx.msk $0xffff, v0;
	v0 =	vor.u32 v15, v34;
	v10 =	vld.idx.msk [tilespmem:v48+s16+$0x0], $0xffff;
	v48 =	vor.u32 v60, v33  }
0x19e: {  	v13 =	vld.idx.msk [tilespmem:v13+s16+$0x0], $0xffff;
	[tilespmem:v11+s20+$0x0] =	vst.idx.msk $0xffff, v8;
	v8 =	vor.u32 v58, v47;
	v11 =	vor.u32 v60, v39  }
0x19f: {  	[tilespmem:v49+s20+$0x0] =	vst.idx.msk $0xffff, v50;
	v1 =	vld.idx.msk [tilespmem:v1+s16+$0x0], $0xffff;
	v50 =	vor.u32 v4, v41  }
0x1a0: {  	[tilespmem:v57+s20+$0x0] =	vst.idx.msk $0xffff, v51;
	v12 =	vld.idx.msk [tilespmem:v12+s16+$0x0], $0xffff;
	v57 =	vor.u32 v60, v37  }
0x1a1: {  	v9 =	vld.idx.msk [tilespmem:v9+s16+$0x0], $0xffff;
	[tilespmem:v54+s20+$0x0] =	vst.idx.msk $0xffff, v52;
	v54 =	vor.u32 v2, v43  }
0x1a2: {  	v0 =	vld.idx.msk [tilespmem:v0+s16+$0x0], $0xffff;
	[tilespmem:v48+s20+$0x0] =	vst.idx.msk $0xffff, v10;
	v48 =	vor.u32 v60, v32  }
0x1a3: {  	v49 =	vor.u32 v16, v35;
	v8 =	vld.idx.msk [tilespmem:v8+s16+$0x0], $0xffff;
	[tilespmem:v11+s20+$0x0] =	vst.idx.msk $0xffff, v13;
	v13 =	vor.u32 v2, v46  }
0x1a4: {  	[tilespmem:v50+s20+$0x0] =	vst.idx.msk $0xffff, v1  }
0x1a5: {  	v51 =	vor.u32 v16, v36;
	[tilespmem:v57+s20+$0x0] =	vst.idx.msk $0xffff, v12  }
0x1a6: {  	v52 =	vor.u32 v58, v45;
	[tilespmem:v54+s20+$0x0] =	vst.idx.msk $0xffff, v9  }
0x1a7: {  	v10 =	vor.u32 v16, v38;
	[tilespmem:v48+s20+$0x0] =	vst.idx.msk $0xffff, v0  }
0x1a8: {  	v60 =	vor.u32 v19, v33;
	v49 =	vld.idx.msk [tilespmem:v49+s16+$0x0], $0xffff;
	v1 =	vor.u32 v3, v42;
	[tilespmem:v13+s20+$0x0] =	vst.idx.msk $0xffff, v8  }
0x1a9: {  	v11 =	vor.u32 v62, v40;
	v54 =	vor.u32 v2, v44;
	v2 =	vld [tilespmem:$0x1FEB0]  }
0x1aa: {  	v51 =	vld.idx.msk [tilespmem:v51+s16+$0x0], $0xffff;
	v12 =	vor.u32 v3, v47;
	v57 =	vor.u32 v19, v39  }
0x1ab: {  	v9 =	vor.u32 v63, v35;
	v52 =	vld.idx.msk [tilespmem:v52+s16+$0x0], $0xffff  }
0x1ac: {  	v0 =	vor.u32 v63, v36;
	v10 =	vld.idx.msk [tilespmem:v10+s16+$0x0], $0xffff;
	v48 =	vor.u32 v19, v37  }
0x1ad: {  	[tilespmem:v60+s20+$0x0] =	vst.idx.msk $0xffff, v49;
	v49 =	vor.u32 v16, v34;
	v1 =	vld.idx.msk [tilespmem:v1+s16+$0x0], $0xffff;
	v60 =	vor.u32 v4, v43  }
0x1ae: {  	v8 =	vor.u32 v3, v45;
	v11 =	vld.idx.msk [tilespmem:v11+s16+$0x0], $0xffff;
	v13 =	vor.u32 v2, v41  }
0x1af: {  	[tilespmem:v57+s20+$0x0] =	vst.idx.msk $0xffff, v51;
	v51 =	vor.u32 v63, v38;
	v12 =	vld.idx.msk [tilespmem:v12+s16+$0x0], $0xffff;
	v57 =	vor.u32 v4, v46  }
0x1b0: {  	v9 =	vld.idx.msk [tilespmem:v9+s16+$0x0], $0xffff;
	[tilespmem:v54+s20+$0x0] =	vst.idx.msk $0xffff, v52;
	v52 =	vor.u32 v27, v40;
	v54 =	vor.u32 v20, v33  }
0x1b1: {  	v0 =	vld.idx.msk [tilespmem:v0+s16+$0x0], $0xffff;
	[tilespmem:v48+s20+$0x0] =	vst.idx.msk $0xffff, v10;
	v10 =	vor.u32 v62, v47;
	v48 =	vor.u32 v20, v39  }
0x1b2: {  	[tilespmem:v60+s20+$0x0] =	vst.idx.msk $0xffff, v1;
	v1 =	vor.u32 v6, v36;
	v49 =	vld.idx.msk [tilespmem:v49+s16+$0x0], $0xffff;
	v60 =	vor.u32 v19, v32  }
0x1b3: {  	v8 =	vld.idx.msk [tilespmem:v8+s16+$0x0], $0xffff;
	[tilespmem:v13+s20+$0x0] =	vst.idx.msk $0xffff, v11;
	v11 =	vor.u32 v6, v35;
	v13 =	vor.u32 v4, v44  }
0x1b4: {  	v51 =	vld.idx.msk [tilespmem:v51+s16+$0x0], $0xffff;
	[tilespmem:v57+s20+$0x0] =	vst.idx.msk $0xffff, v12;
	v12 =	vor.u32 v62, v42;
	v57 =	vor.u32 v20, v37  }
0x1b5: {  	[tilespmem:v54+s20+$0x0] =	vst.idx.msk $0xffff, v9;
	v9 =	vor.u32 v63, v34;
	v63 =	vor.u32 v28, v41;
	v52 =	vld.idx.msk [tilespmem:v52+s16+$0x0], $0xffff  }
0x1b6: {  	[tilespmem:v48+s20+$0x0] =	vst.idx.msk $0xffff, v0;
	v0 =	vor.u32 v6, v38;
	v10 =	vld.idx.msk [tilespmem:v10+s16+$0x0], $0xffff;
	v48 =	vor.u32 v2, v46  }
0x1b7: {  	v1 =	vld.idx.msk [tilespmem:v1+s16+$0x0], $0xffff;
	[tilespmem:v60+s20+$0x0] =	vst.idx.msk $0xffff, v49;
	v49 =	vor.u32 v27, v47;
	v60 =	vor.u32 v59, v39  }
0x1b8: {  	v11 =	vld.idx.msk [tilespmem:v11+s16+$0x0], $0xffff;
	[tilespmem:v13+s20+$0x0] =	vst.idx.msk $0xffff, v8;
	v8 =	vor.u32 v29, v40;
	v13 =	vor.u32 v59, v33  }
0x1b9: {  	[tilespmem:v57+s20+$0x0] =	vst.idx.msk $0xffff, v51;
	v51 =	vor.u32 v17, v35;
	v12 =	vld.idx.msk [tilespmem:v12+s16+$0x0], $0xffff;
	v57 =	vor.u32 v2, v43  }
0x1ba: {  	v9 =	vld.idx.msk [tilespmem:v9+s16+$0x0], $0xffff;
	[tilespmem:v63+s20+$0x0] =	vst.idx.msk $0xffff, v52;
	v52 =	vor.u32 v17, v36;
	v63 =	vor.u32 v20, v32  }
0x1bb: {  	v0 =	vld.idx.msk [tilespmem:v0+s16+$0x0], $0xffff;
	[tilespmem:v48+s20+$0x0] =	vst.idx.msk $0xffff, v10;
	v10 =	vor.u32 v27, v42;
	v48 =	vor.u32 v59, v37  }
0x1bc: {  	v56 =	vor.u32 v28, v46;
	[tilespmem:v60+s20+$0x0] =	vst.idx.msk $0xffff, v1;
	v60 =	vor.u32 v17, v38;
	v49 =	vld.idx.msk [tilespmem:v49+s16+$0x0], $0xffff  }
0x1bd: {  	[tilespmem:v13+s20+$0x0] =	vst.idx.msk $0xffff, v11;
	v11 =	vor.u32 v6, v34;
	v8 =	vld.idx.msk [tilespmem:v8+s16+$0x0], $0xffff;
	v13 =	vor.u32 v30, v41  }
0x1be: {  	[tilespmem:v57+s20+$0x0] =	vst.idx.msk $0xffff, v12;
	v57 =	vor.u32 v18, v33;
	v12 =	vld.idx.msk [tilespmem:v51+s16+$0x0], $0xffff;
	v51 =	vor.u32 v31, v40  }
0x1bf: {  	v52 =	vld.idx.msk [tilespmem:v52+s16+$0x0], $0xffff;
	[tilespmem:v63+s20+$0x0] =	vst.idx.msk $0xffff, v9;
	v9 =	vor.u32 v29, v47;
	v63 =	vor.u32 v18, v39  }
0x1c0: {  	[tilespmem:v48+s20+$0x0] =	vst.idx.msk $0xffff, v0;
	v0 =	vor.u32 v61, v35;
	v10 =	vld.idx.msk [tilespmem:v10+s16+$0x0], $0xffff;
	v48 =	vor.u32 v28, v43  }
0x1c1: {  	[tilespmem:v56+s20+$0x0] =	vst.idx.msk $0xffff, v49;
	v1 =	vld.idx.msk [tilespmem:v60+s16+$0x0], $0xffff;
	v60 =	vor.u32 v18, v37  }
0x1c2: {  	v56 =	vor.u32 v62, v45;
	[tilespmem:v13+s20+$0x0] =	vst.idx.msk $0xffff, v8;
	v11 =	vld.idx.msk [tilespmem:v11+s16+$0x0], $0xffff;
	v13 =	vor.u32 v59, v32  }
0x1c3: {  	v62 =	vor.u32 v5, v41;
	v8 =	vor.u32 v61, v36;
	[tilespmem:v57+s20+$0x0] =	vst.idx.msk $0xffff, v12;
	v12 =	vld.idx.msk [tilespmem:v51+s16+$0x0], $0xffff  }
0x1c4: {  	[tilespmem:v63+s20+$0x0] =	vst.idx.msk $0xffff, v52;
	v63 =	vor.u32 v17, v34;
	v9 =	vld.idx.msk [tilespmem:v9+s16+$0x0], $0xffff;
	v57 =	vor.u32 v30, v46  }
0x1c5: {  	[tilespmem:v48+s20+$0x0] =	vst.idx.msk $0xffff, v10;
	v10 =	vor.u32 v61, v38;
	v59 =	vor.u32 v21, v33;
	v0 =	vld.idx.msk [tilespmem:v0+s16+$0x0], $0xffff  }
0x1c6: {  	[tilespmem:v60+s20+$0x0] =	vst.idx.msk $0xffff, v1  }
0x1c7: {  	v60 =	vor.u32 v2, v44;
	v49 =	vld.idx.msk [tilespmem:v56+s16+$0x0], $0xffff;
	[tilespmem:v13+s20+$0x0] =	vst.idx.msk $0xffff, v11  }
0x1c8: {  	v47 =	vor.u32 v31, v47;
	v8 =	vld.idx.msk [tilespmem:v8+s16+$0x0], $0xffff;
	v11 =	vor.u32 v21, v39;
	[tilespmem:v62+s20+$0x0] =	vst.idx.msk $0xffff, v12  }
0x1c9: {  	v13 =	vor.u32 v29, v42;
	v52 =	vld.idx.msk [tilespmem:v63+s16+$0x0], $0xffff;
	[tilespmem:v57+s20+$0x0] =	vst.idx.msk $0xffff, v9;
	v9 =	vor.u32 v18, v32  }
0x1ca: {  	v10 =	vld.idx.msk [tilespmem:v10+s16+$0x0], $0xffff;
	v62 =	vor.u32 v22, v35;
	[tilespmem:v59+s20+$0x0] =	vst.idx.msk $0xffff, v0;
	v0 =	vor.u32 v21, v37;
	_ =	sdelay $0x1  }
0x1cb: {  	v53 =	vor.u32 v29, v45;
	v51 =	vor.u32 v31, v45;
	[tilespmem:v60+s20+$0x0] =	vst.idx.msk $0xffff, v49  }
0x1cc: {  	v46 =	vor.u32 v5, v46;
	v12 =	vor.u32 v27, v45;
	v45 =	vld.idx.msk [tilespmem:v47+s16+$0x0], $0xffff;
	[tilespmem:v11+s20+$0x0] =	vst.idx.msk $0xffff, v8  }
0x1cd: {  	v1 =	vor.u32 v30, v43;
	v11 =	vld.idx.msk [tilespmem:v13+s16+$0x0], $0xffff;
	[tilespmem:v9+s20+$0x0] =	vst.idx.msk $0xffff, v52  }
0x1ce: {  	v63 =	vor.u32 v22, v36;
	v48 =	vld.idx.msk [tilespmem:v62+s16+$0x0], $0xffff;
	v52 =	vor.u32 v23, v33;
	[tilespmem:v0+s20+$0x0] =	vst.idx.msk $0xffff, v10  }
0x1cf: {  	v0 =	vld [tilespmem:$0x1FE50];
	_ =	sdelay $0x1  }
0x1d0: {  	v8 =	vor.u32 v61, v34;
	[tilespmem:v46+s20+$0x0] =	vst.idx.msk $0xffff, v45  }
0x1d1: {  	v13 =	vor.u32 v22, v38;
	[tilespmem:v1+s20+$0x0] =	vst.idx.msk $0xffff, v11  }
0x1d2: {  	v42 =	vor.u32 v31, v42;
	v60 =	vor.u32 v23, v39;
	v59 =	vld.idx.msk [tilespmem:v63+s16+$0x0], $0xffff;
	[tilespmem:v52+s20+$0x0] =	vst.idx.msk $0xffff, v48  }
0x1d3: {  	v52 =	vld [tilespmem:$0x1FE50];
	v0 =	vor.u32 v0, v35  }
0x1d4: {  	v50 =	vor.u32 v30, v44;
	v41 =	vor.u32 v28, v44;
	v49 =	vor.u32 v5, v44;
	v44 =	vld.idx.msk [tilespmem:v12+s16+$0x0], $0xffff  }
0x1d5: {  	v58 =	vor.u32 v58, v35;
	v54 =	vor.u32 v5, v43;
	v40 =	vor.u32 v24, v33;
	v61 =	vld.idx.msk [tilespmem:v8+s16+$0x0], $0xffff  }
0x1d6: {  	v56 =	vor.u32 v24, v32;
	v57 =	vor.u32 v26, v33;
	v9 =	vor.u32 v23, v37;
	v47 =	vld.idx.msk [tilespmem:v13+s16+$0x0], $0xffff  }
0x1d7: {  	v63 =	vor.u32 v22, v34;
	v10 =	vor.u32 v21, v32;
	v55 =	vld.idx.msk [tilespmem:v42+s16+$0x0], $0xffff;
	[tilespmem:v60+s20+$0x0] =	vst.idx.msk $0xffff, v59  }
0x1d8: {  	s31 =	simm.s32 $0x8;
	v60 =	vor.u32 v23, v32;
	v8 =	vor.u32 v52, v38;
	v59 =	vor.u32 v52, v34;
	v62 =	vld.idx.msk [tilespmem:v0+s16+$0x0], $0xffff  }
.LBB2_5:
0x1d9: {  	v5 =	vld [tilespmem:$0x1FEA0]  }
0x1da: {  	s0 =	sadd.s32 $0x1, s31;
	s23 =	sadd.s32 $0x3, s31;
	v0 =	vor.u32 v52, v36;
	v1 =	vor.u32 v24, v37;
	s9 =	smov.u32 s31;
	v6 =	vld [tilespmem:$0x1FEB0]  }
0x1db: {  	v52 =	vmovc v35;
	v4 =	vld [tilespmem:$0x1FE80];
	v19 =	vmov v18;
	v11 =	vadd.s32 s0, v14;
	s0 =	sadd.s32 $0x2, s9;
	v12 =	vadd.s32 s23, v14;
	[tilespmem:v41+s20+$0x0] =	vst.idx.msk $0xffff, v44  }
0x1dc: {  	v18 =	vmovc v17;
	v17 =	vld [tilespmem:$0x1FEF0];
	v2 =	vadd.s32 s0, v14;
	v42 =	vand.u32 $0x3F, v12;
	[tilespmem:v10+s20+$0x0] =	vst.idx.msk $0xffff, v61;
	v10 =	vor.u32 v25, v52  }
0x1dd: {  	v43 =	vmovc v37;
	v3 =	vshll.u32 v12, $0x7;
	v12 =	vshll.u32 v12, $0x8;
	v37 =	vand.u32 $0x3F, v11;
	v13 =	vld.idx.msk [tilespmem:v53+s16+$0x0], $0xffff  }
0x1de: {  	v46 =	vmovc v34;
	[tilespmem:v9+s20+$0x0] =	vst.idx.msk $0xffff, v47;
	v34 =	vshll.u32 v2, $0x7;
	v35 =	vand.u32 $0x380, v3;
	v12 =	vand.u32 $0x3800, v12;
	v9 =	vld.idx.msk [tilespmem:v63+s16+$0x0], $0xffff  }
0x1df: {  	v20 =	vld [tilespmem:$0x1FF20];
	v3 =	vshll.u32 v11, $0x8;
	v34 =	vand.u32 $0x380, v34;
	v35 =	vor.u32 v35, v12  }
0x1e0: {  	v8 =	vld.idx.msk [tilespmem:v8+s16+$0x0], $0xffff;
	[tilespmem:v40+s20+$0x0] =	vst.idx.msk $0xffff, v62;
	v12 =	vand.u32 $0x3800, v3;
	v53 =	vshll.u32 v2, $0x8;
	v63 =	vadd.s32 s9, v14  }
0x1e1: {  	v48 =	vmovc v36;
	[tilespmem:v54+s20+$0x0] =	vst.idx.msk $0xffff, v55;
	v36 =	vand.u32 $0x3800, v53;
	v53 =	vshll.u32 v63, $0x8;
	v54 =	vshll.u32 v63, $0x7;
	v10 =	vld.idx.msk [tilespmem:v10+s16+$0x0], $0xffff  }
0x1e2: {  	v45 =	vmovc v38;
	v3 =	vld [tilespmem:$0x1FE70];
	v34 =	vor.u32 v34, v36;
	v55 =	vand.u32 $0x380, v54;
	[tilespmem:v50+s20+$0x0] =	vst.idx.msk $0xffff, v13;
	v13 =	vand.u32 $0x3800, v53  }
0x1e3: {  	v0 =	vld.idx.msk [tilespmem:v0+s16+$0x0], $0xffff;
	[tilespmem:v60+s20+$0x0] =	vst.idx.msk $0xffff, v9;
	v36 =	vor.u32 v55, v13;
	v13 =	vor.u32 v14, v35  }
0x1e4: {  	v47 =	vmovc v39;
	v44 =	vmovc v32;
	v41 =	vshll.u32 v11, $0x7;
	v32 =	vand.u32 $0x3F, v2;
	v9 =	vld.idx.msk [tilespmem:v51+s16+$0x0], $0xffff;
	v60 =	vor.u32 v14, v36  }
0x1e5: {  	v61 =	vand.u32 $0x380, v41;
	v2 =	vld [tilespmem:$0x1FE60];
	v54 =	vor.u32 v25, v45;
	[tilespmem:v1+s20+$0x0] =	vst.idx.msk $0xffff, v8;
	v53 =	vor.u32 v24, v47  }
0x1e6: {  	v38 =	vor.u32 v61, v12;
	v8 =	vor.u32 v14, v34;
	v11 =	vld.idx.msk [tilespmem:v59+s16+$0x0], $0xffff;
	[tilespmem:v57+s20+$0x0] =	vst.idx.msk $0xffff, v10  }
0x1e7: {  	v41 =	vor.u32 v14, v38;
	v55 =	vld.idx.msk [tilespmem:v58+s16+$0x0], $0xffff  }
0x1e8: {  	v16 =	vmov v15;
	v39 =	vand.u32 $0x3F, v63;
	v13 =	vld.idx.msk [tilespmem:v13+s16+$0x0], $0xffff  }
0x1e9: {  	v10 =	vor.u32 v3, v33;
	v58 =	vor.u32 v25, v46;
	[tilespmem:v49+s20+$0x0] =	vst.idx.msk $0xffff, v9;
	v1 =	vld.idx.msk [tilespmem:v60+s16+$0x0], $0xffff  }
0x1ea: {  	v59 =	vor.u32 v25, v48;
	v9 =	vor.u32 v7, v42;
	[tilespmem:v53+s20+$0x0] =	vst.idx.msk $0xffff, v0;
	v0 =	vld.idx.msk [tilespmem:v54+s16+$0x0], $0xffff  }
0x1eb: {  	v12 =	vor.u32 v7, v37;
	v61 =	vor.u32 v15, v35;
	v60 =	vor.u32 v7, v39;
	v8 =	vld.idx.msk [tilespmem:v8+s16+$0x0], $0xffff  }
0x1ec: {  	v51 =	vor.u32 v7, v32;
	[tilespmem:v56+s20+$0x0] =	vst.idx.msk $0xffff, v11;
	v11 =	vor.u32 v15, v36;
	v56 =	vld.idx.msk [tilespmem:v41+s16+$0x0], $0xffff  }
0x1ed: {  	v62 =	vor.u32 v15, v38;
	v57 =	vor.u32 v15, v34;
	v53 =	vor.u32 v4, v52;
	v15 =	vmovc v7;
	v7 =	vld [tilespmem:$0x1FEE0]  }
0x1ee: {  	v58 =	vld.idx.msk [tilespmem:v58+s16+$0x0], $0xffff;
	[tilespmem:v10+s20+$0x0] =	vst.idx.msk $0xffff, v55  }
0x1ef: {  	v63 =	vor.u32 v26, v43;
	[tilespmem:v9+s20+$0x0] =	vst.idx.msk $0xffff, v13;
	v9 =	vld.idx.msk [tilespmem:v59+s16+$0x0], $0xffff  }
0x1f0: {  	v10 =	vor.u32 v2, v45;
	v13 =	vor.u32 v26, v44;
	[tilespmem:v60+s20+$0x0] =	vst.idx.msk $0xffff, v1;
	v1 =	vld.idx.msk [tilespmem:v61+s16+$0x0], $0xffff  }
0x1f1: {  	v55 =	vor.u32 v26, v47;
	v11 =	vld.idx.msk [tilespmem:v11+s16+$0x0], $0xffff;
	[tilespmem:v51+s20+$0x0] =	vst.idx.msk $0xffff, v8  }
0x1f2: {  	[tilespmem:v12+s20+$0x0] =	vst.idx.msk $0xffff, v56;
	v53 =	vld.idx.msk [tilespmem:v53+s16+$0x0], $0xffff  }
0x1f3: {  	v8 =	vor.u32 v7, v42;
	v51 =	vor.u32 v2, v48;
	v59 =	vor.u32 v7, v39;
	v60 =	vld.idx.msk [tilespmem:v62+s16+$0x0], $0xffff  }
0x1f4: {  	v12 =	vor.u32 v17, v35;
	v56 =	vor.u32 v17, v36;
	[tilespmem:v63+s20+$0x0] =	vst.idx.msk $0xffff, v0;
	v63 =	vld [tilespmem:$0x1FE90]  }
0x1f5: {  	v61 =	vor.u32 v7, v37;
	v10 =	vld.idx.msk [tilespmem:v10+s16+$0x0], $0xffff;
	[tilespmem:v13+s20+$0x0] =	vst.idx.msk $0xffff, v58;
	v13 =	vor.u32 v2, v46  }
0x1f6: {  	[tilespmem:v55+s20+$0x0] =	vst.idx.msk $0xffff, v9;
	v55 =	vor.u32 v7, v32;
	v7 =	vmov v15;
	v15 =	vmov v16;
	v16 =	vld [tilespmem:$0x1FF00]  }
0x1f7: {  	v58 =	vor.u32 v17, v38;
	v9 =	vor.u32 v3, v43;
	v57 =	vld.idx.msk [tilespmem:v57+s16+$0x0], $0xffff  }
0x1f8: {  	[tilespmem:v8+s20+$0x0] =	vst.idx.msk $0xffff, v1;
	v1 =	vld.idx.msk [tilespmem:v51+s16+$0x0], $0xffff  }
0x1f9: {  	[tilespmem:v59+s20+$0x0] =	vst.idx.msk $0xffff, v11;
	v0 =	vor.u32 v63, v33;
	v11 =	vld.idx.msk [tilespmem:v12+s16+$0x0], $0xffff  }
0x1fa: {  	v62 =	vor.u32 v4, v48;
	v56 =	vld.idx.msk [tilespmem:v56+s16+$0x0], $0xffff  }
0x1fb: {  	v51 =	vor.u32 v4, v45;
	v12 =	vor.u32 v3, v47;
	[tilespmem:v61+s20+$0x0] =	vst.idx.msk $0xffff, v60;
	v13 =	vld.idx.msk [tilespmem:v13+s16+$0x0], $0xffff  }
0x1fc: {  	v8 =	vor.u32 v5, v52;
	v59 =	vor.u32 v16, v42;
	v58 =	vld.idx.msk [tilespmem:v58+s16+$0x0], $0xffff;
	[tilespmem:v9+s20+$0x0] =	vst.idx.msk $0xffff, v10  }
0x1fd: {  	v9 =	vor.u32 v3, v44;
	v3 =	vld [tilespmem:$0x1FEC0];
	[tilespmem:v55+s20+$0x0] =	vst.idx.msk $0xffff, v57;
	v57 =	vor.u32 v17, v34;
	v17 =	vmov v18  }
0x1fe: {  	v18 =	vmov v19;
	v19 =	vld [tilespmem:$0x1FF30];
	[tilespmem:v0+s20+$0x0] =	vst.idx.msk $0xffff, v53;
	v0 =	vor.u32 v16, v39;
	v53 =	vor.u32 v20, v35  }
0x1ff: {  	v55 =	vor.u32 v4, v46;
	v4 =	vld [tilespmem:$0x1FED0]  }
0x200: {  	v60 =	vor.u32 v20, v36;
	v10 =	vor.u32 v16, v37;
	[tilespmem:v12+s20+$0x0] =	vst.idx.msk $0xffff, v1;
	v1 =	vld.idx.msk [tilespmem:v51+s16+$0x0], $0xffff  }
0x201: {  	v12 =	vor.u32 v6, v33;
	v8 =	vld.idx.msk [tilespmem:v8+s16+$0x0], $0xffff;
	[tilespmem:v59+s20+$0x0] =	vst.idx.msk $0xffff, v11  }
0x202: {  	v51 =	vor.u32 v20, v38;
	v11 =	vld.idx.msk [tilespmem:v62+s16+$0x0], $0xffff;
	v59 =	vor.u32 v63, v43;
	[tilespmem:v9+s20+$0x0] =	vst.idx.msk $0xffff, v13  }
0x203: {  	[tilespmem:v0+s20+$0x0] =	vst.idx.msk $0xffff, v56;
	v0 =	vld.idx.msk [tilespmem:v53+s16+$0x0], $0xffff;
	v53 =	vor.u32 v63, v47;
	v56 =	vor.u32 v27, v52  }
0x204: {  	v62 =	vor.u32 v5, v48;
	v61 =	vor.u32 v19, v42;
	v13 =	vld.idx.msk [tilespmem:v55+s16+$0x0], $0xffff  }
0x205: {  	[tilespmem:v10+s20+$0x0] =	vst.idx.msk $0xffff, v58;
	v10 =	vor.u32 v3, v35;
	v9 =	vor.u32 v19, v39;
	v60 =	vld.idx.msk [tilespmem:v60+s16+$0x0], $0xffff  }
0x206: {  	v58 =	vor.u32 v63, v44;
	v55 =	vor.u32 v3, v36;
	v57 =	vld.idx.msk [tilespmem:v57+s16+$0x0], $0xffff;
	[tilespmem:v12+s20+$0x0] =	vst.idx.msk $0xffff, v8  }
0x207: {  	v8 =	vld.idx.msk [tilespmem:v51+s16+$0x0], $0xffff;
	v12 =	vor.u32 v16, v32;
	[tilespmem:v59+s20+$0x0] =	vst.idx.msk $0xffff, v1;
	v1 =	vor.u32 v5, v45  }
0x208: {  	v51 =	vor.u32 v19, v37;
	v59 =	vor.u32 v20, v34;
	[tilespmem:v53+s20+$0x0] =	vst.idx.msk $0xffff, v11;
	v11 =	vld.idx.msk [tilespmem:v56+s16+$0x0], $0xffff  }
0x209: {  	v53 =	vor.u32 v3, v38;
	[tilespmem:v61+s20+$0x0] =	vst.idx.msk $0xffff, v0;
	v0 =	vld.idx.msk [tilespmem:v62+s16+$0x0], $0xffff  }
0x20a: {  	v56 =	vor.u32 v28, v33;
	[tilespmem:v9+s20+$0x0] =	vst.idx.msk $0xffff, v60;
	v9 =	vld.idx.msk [tilespmem:v10+s16+$0x0], $0xffff  }
0x20b: {  	[tilespmem:v58+s20+$0x0] =	vst.idx.msk $0xffff, v13;
	v10 =	vor.u32 v6, v47;
	v60 =	vor.u32 v29, v52;
	v55 =	vld.idx.msk [tilespmem:v55+s16+$0x0], $0xffff  }
0x20c: {  	v61 =	vor.u32 v4, v42;
	v62 =	vor.u32 v27, v48;
	[tilespmem:v12+s20+$0x0] =	vst.idx.msk $0xffff, v57;
	v1 =	vld.idx.msk [tilespmem:v1+s16+$0x0], $0xffff  }
0x20d: {  	v13 =	vor.u32 v4, v39;
	v12 =	vor.u32 v17, v35;
	[tilespmem:v51+s20+$0x0] =	vst.idx.msk $0xffff, v8;
	v8 =	vld.idx.msk [tilespmem:v59+s16+$0x0], $0xffff  }
0x20e: {  	v57 =	vor.u32 v17, v36;
	v51 =	vor.u32 v6, v43;
	v53 =	vld.idx.msk [tilespmem:v53+s16+$0x0], $0xffff  }
0x20f: {  	v59 =	vor.u32 v27, v45;
	[tilespmem:v56+s20+$0x0] =	vst.idx.msk $0xffff, v11;
	v56 =	vor.u32 v3, v34;
	v3 =	vld [tilespmem:$0x1FF10]  }
0x210: {  	[tilespmem:v10+s20+$0x0] =	vst.idx.msk $0xffff, v0;
	v0 =	vld.idx.msk [tilespmem:v60+s16+$0x0], $0xffff  }
0x211: {  	v58 =	vor.u32 v19, v32;
	[tilespmem:v61+s20+$0x0] =	vst.idx.msk $0xffff, v9;
	v9 =	vld.idx.msk [tilespmem:v62+s16+$0x0], $0xffff  }
0x212: {  	v11 =	vor.u32 v4, v37;
	[tilespmem:v13+s20+$0x0] =	vst.idx.msk $0xffff, v55;
	v12 =	vld.idx.msk [tilespmem:v12+s16+$0x0], $0xffff  }
0x213: {  	v10 =	vor.u32 v17, v38;
	v60 =	vor.u32 v30, v33;
	v55 =	vld.idx.msk [tilespmem:v57+s16+$0x0], $0xffff;
	[tilespmem:v51+s20+$0x0] =	vst.idx.msk $0xffff, v1  }
0x214: {  	v52 =	vor.u32 v31, v52;
	v13 =	vor.u32 v28, v47;
	v51 =	vld.idx.msk [tilespmem:v59+s16+$0x0], $0xffff  }
0x215: {  	v61 =	vor.u32 v29, v48;
	v57 =	vor.u32 v18, v42;
	v59 =	vor.u32 v4, v32;
	v4 =	vld [tilespmem:$0x1FF40]  }
0x216: {  	v1 =	vor.u32 v18, v39;
	[tilespmem:v58+s20+$0x0] =	vst.idx.msk $0xffff, v8;
	v8 =	vor.u32 v3, v35  }
0x217: {  	v58 =	vor.u32 v3, v36;
	[tilespmem:v11+s20+$0x0] =	vst.idx.msk $0xffff, v53;
	v11 =	vld.idx.msk [tilespmem:v56+s16+$0x0], $0xffff  }
0x218: {  	v50 =	vor.u32 v5, v46;
	v56 =	vor.u32 v28, v43;
	v10 =	vld.idx.msk [tilespmem:v10+s16+$0x0], $0xffff;
	[tilespmem:v60+s20+$0x0] =	vst.idx.msk $0xffff, v0  }
0x219: {  	v0 =	vor.u32 v18, v37;
	v60 =	vor.u32 v17, v34;
	[tilespmem:v13+s20+$0x0] =	vst.idx.msk $0xffff, v9;
	v9 =	vld.idx.msk [tilespmem:v52+s16+$0x0], $0xffff  }
0x21a: {  	v13 =	vor.u32 v3, v38;
	[tilespmem:v57+s20+$0x0] =	vst.idx.msk $0xffff, v12;
	v12 =	vld.idx.msk [tilespmem:v61+s16+$0x0], $0xffff;
	v33 =	vor.u32 v4, v33  }
0x21b: {  	v52 =	vor.u32 v29, v45;
	[tilespmem:v1+s20+$0x0] =	vst.idx.msk $0xffff, v55;
	v1 =	vld.idx.msk [tilespmem:v8+s16+$0x0], $0xffff;
	v8 =	vor.u32 v30, v47  }
0x21c: {  	v48 =	vor.u32 v31, v48;
	v57 =	vor.u32 v21, v42;
	v55 =	vld.idx.msk [tilespmem:v58+s16+$0x0], $0xffff;
	[tilespmem:v59+s20+$0x0] =	vst.idx.msk $0xffff, v11  }
0x21d: {  	v61 =	vor.u32 v21, v39;
	[tilespmem:v56+s20+$0x0] =	vst.idx.msk $0xffff, v51;
	v62 =	vld.idx.msk [tilespmem:v50+s16+$0x0], $0xffff  }
0x21e: {  	v63 =	vor.u32 v22, v36;
	[tilespmem:v0+s20+$0x0] =	vst.idx.msk $0xffff, v10;
	v0 =	vld.idx.msk [tilespmem:v60+s16+$0x0], $0xffff  }
0x21f: {  	v10 =	vld.idx.msk [tilespmem:v13+s16+$0x0], $0xffff;
	[tilespmem:v33+s20+$0x0] =	vst.idx.msk $0xffff, v9  }
0x220: {  	v49 =	vor.u32 v6, v44;
	[tilespmem:v8+s20+$0x0] =	vst.idx.msk $0xffff, v12;
	v8 =	vld.idx.msk [tilespmem:v52+s16+$0x0], $0xffff  }
0x221: {  	v11 =	vor.u32 v22, v35;
	v13 =	vor.u32 v18, v32;
	[tilespmem:v57+s20+$0x0] =	vst.idx.msk $0xffff, v1;
	v1 =	vld.idx.msk [tilespmem:v48+s16+$0x0], $0xffff  }
0x222: {  	[tilespmem:v61+s20+$0x0] =	vst.idx.msk $0xffff, v55;
	v48 =	vor.u32 v4, v47;
	v61 =	vld [tilespmem:$0x1FE50]  }
0x223: {  	v40 =	vor.u32 v24, v42;
	v54 =	vor.u32 v27, v46;
	v60 =	vor.u32 v23, v39;
	v52 =	vld.idx.msk [tilespmem:v63+s16+$0x0], $0xffff  }
0x224: {  	v41 =	vor.u32 v28, v44;
	v53 =	vor.u32 v29, v46;
	v9 =	vor.u32 v21, v37  }
0x225: {  	v51 =	vor.u32 v31, v46;
	v12 =	vor.u32 v22, v38;
	[tilespmem:v49+s20+$0x0] =	vst.idx.msk $0xffff, v62  }
0x226: {  	v46 =	vor.u32 v30, v43;
	v33 =	vor.u32 v3, v34;
	v11 =	vld.idx.msk [tilespmem:v11+s16+$0x0], $0xffff;
	[tilespmem:v13+s20+$0x0] =	vst.idx.msk $0xffff, v0  }
0x227: {  	v45 =	vor.u32 v31, v45;
	v59 =	vor.u32 v23, v42;
	v62 =	vld [tilespmem:$0x1FE50];
	[tilespmem:v48+s20+$0x0] =	vst.idx.msk $0xffff, v1  }
0x228: {  	p2 =	slt.u32 s31, $0x3C;
	v56 =	vor.u32 v24, v32;
	v0 =	vor.u32 v61, v35;
	[tilespmem:v60+s20+$0x0] =	vst.idx.msk $0xffff, v52;
	v52 =	vld [tilespmem:$0x1FE50]  }
.Ltmp3:
0x229: {  	v50 =	vor.u32 v30, v44;
	v49 =	vor.u32 v4, v44;
	v44 =	vld.idx.msk [tilespmem:v54+s16+$0x0], $0xffff;
	[tilespmem:v9+s20+$0x0] =	vst.idx.msk $0xffff, v10;
	(pc) =	sbr.rel @p2 .LBB2_5-.Ltmp3, $4  }
0x22a: {  	v58 =	vor.u32 v2, v35;
	v57 =	vor.u32 v26, v42;
	v63 =	vor.u32 v22, v34;
	v47 =	vld.idx.msk [tilespmem:v12+s16+$0x0], $0xffff  }
0x22b: {  	v54 =	vor.u32 v4, v43;
	v10 =	vor.u32 v21, v32;
	[tilespmem:v46+s20+$0x0] =	vst.idx.msk $0xffff, v8;
	v61 =	vld.idx.msk [tilespmem:v33+s16+$0x0], $0xffff  }
0x22c: {  	s30 =	sadd.s32 $0x4, s31;
	v9 =	vor.u32 v23, v37;
	v55 =	vld.idx.msk [tilespmem:v45+s16+$0x0], $0xffff;
	v8 =	vor.u32 v62, v38;
	[tilespmem:v59+s20+$0x0] =	vst.idx.msk $0xffff, v11  }
0x22d: {  	s31 =	smov.u32 s30;
	v33 =	vmov v42;
	v60 =	vor.u32 v23, v32;
	v62 =	vld.idx.msk [tilespmem:v0+s16+$0x0], $0xffff;
	v59 =	vor.u32 v52, v34  }
0x22e: {  	_ =	sdelay $0x3  }
0x22f: {  	[tilespmem:v10+s20+$0x0] =	vst.idx.msk $0xffff, v61  }
0x230: {  	v0 =	vor.u32 v52, v36;
	v1 =	vld.idx.msk [tilespmem:v63+s16+$0x0], $0xffff;
	_ =	sdelay $0x1  }
0x231: {  	v10 =	vor.u32 v25, v35  }
0x232: {  	[tilespmem:v9+s20+$0x0] =	vst.idx.msk $0xffff, v47  }
0x233: {  	v11 =	vor.u32 v24, v37;
	v8 =	vld.idx.msk [tilespmem:v8+s16+$0x0], $0xffff  }
0x234: {  	v9 =	vor.u32 v24, v39;
	v0 =	vld.idx.msk [tilespmem:v0+s16+$0x0], $0xffff;
	[tilespmem:v60+s20+$0x0] =	vst.idx.msk $0xffff, v1  }
0x235: {  	[tilespmem:v40+s20+$0x0] =	vst.idx.msk $0xffff, v62;
	v1 =	vor.u32 v25, v36;
	v12 =	vld.idx.msk [tilespmem:v59+s16+$0x0], $0xffff  }
0x236: {  	v10 =	vld.idx.msk [tilespmem:v10+s16+$0x0], $0xffff;
	_ =	sdelay $0x1  }
0x237: {  	[tilespmem:v11+s20+$0x0] =	vst.idx.msk $0xffff, v8  }
0x238: {  	[tilespmem:v9+s20+$0x0] =	vst.idx.msk $0xffff, v0  }
0x239: {  	v13 =	vor.u32 v25, v38;
	v0 =	vld.idx.msk [tilespmem:v1+s16+$0x0], $0xffff;
	[tilespmem:v56+s20+$0x0] =	vst.idx.msk $0xffff, v12  }
0x23a: {  	v42 =	vor.u32 v25, v34;
	v46 =	vld [tilespmem:$0x1FE60];
	[tilespmem:v57+s20+$0x0] =	vst.idx.msk $0xffff, v10  }
0x23b: {  	v1 =	vor.u32 v26, v39;
	v47 =	vld [tilespmem:$0x1FE70];
	_ =	sdelay $0x2  }
0x23c: {  	v8 =	vld.idx.msk [tilespmem:v13+s16+$0x0], $0xffff;
	v9 =	vor.u32 v26, v37  }
0x23d: {  	v56 =	vor.u32 v26, v32;
	v12 =	vld.idx.msk [tilespmem:v42+s16+$0x0], $0xffff  }
0x23e: {  	v43 =	vld.idx.msk [tilespmem:v58+s16+$0x0], $0xffff;
	[tilespmem:v1+s20+$0x0] =	vst.idx.msk $0xffff, v0;
	v11 =	vor.u32 v46, v36;
	v10 =	vor.u32 v47, v33  }
0x23f: {  	v6 =	vld [tilespmem:$0x1FE80];
	_ =	sdelay $0x1  }
0x240: {  	[tilespmem:v9+s20+$0x0] =	vst.idx.msk $0xffff, v8  }
0x241: {  	v13 =	vor.u32 v46, v38;
	[tilespmem:v56+s20+$0x0] =	vst.idx.msk $0xffff, v12  }
0x242: {  	v59 =	vor.u32 v46, v34;
	v1 =	vld.idx.msk [tilespmem:v11+s16+$0x0], $0xffff;
	[tilespmem:v10+s20+$0x0] =	vst.idx.msk $0xffff, v43  }
0x243: {  	v8 =	vor.u32 v47, v39;
	v0 =	vor.u32 v6, v35;
	v58 =	vld [tilespmem:$0x1FE90];
	_ =	sdelay $0x2  }
0x244: {  	v9 =	vld.idx.msk [tilespmem:v13+s16+$0x0], $0xffff;
	v11 =	vor.u32 v47, v37  }
0x245: {  	v60 =	vor.u32 v47, v32;
	v40 =	vld.idx.msk [tilespmem:v59+s16+$0x0], $0xffff  }
0x246: {  	v0 =	vld.idx.msk [tilespmem:v0+s16+$0x0], $0xffff;
	[tilespmem:v8+s20+$0x0] =	vst.idx.msk $0xffff, v1;
	v10 =	vor.u32 v58, v33  }
0x247: {  	v5 =	vld [tilespmem:$0x1FEA0]  }
0x248: {  	v12 =	vor.u32 v6, v36  }
0x249: {  	[tilespmem:v11+s20+$0x0] =	vst.idx.msk $0xffff, v9  }
0x24a: {  	v13 =	vor.u32 v6, v38;
	[tilespmem:v60+s20+$0x0] =	vst.idx.msk $0xffff, v40  }
0x24b: {  	v45 =	vor.u32 v6, v34;
	[tilespmem:v10+s20+$0x0] =	vst.idx.msk $0xffff, v0  }
0x24c: {  	v1 =	vor.u32 v5, v35;
	v56 =	vld [tilespmem:$0x1FEB0]  }
0x24d: {  	v8 =	vld.idx.msk [tilespmem:v12+s16+$0x0], $0xffff;
	v9 =	vor.u32 v58, v39;
	_ =	sdelay $0x1  }
0x24e: {  	v11 =	vld.idx.msk [tilespmem:v13+s16+$0x0], $0xffff;
	v12 =	vor.u32 v58, v37;
	v13 =	vor.u32 v5, v36  }
0x24f: {  	v40 =	vld.idx.msk [tilespmem:v45+s16+$0x0], $0xffff;
	v61 =	vor.u32 v58, v32;
	v62 =	vor.u32 v5, v38  }
0x250: {  	v63 =	vor.u32 v5, v34;
	v0 =	vld.idx.msk [tilespmem:v1+s16+$0x0], $0xffff;
	v1 =	vor.u32 v56, v33  }
0x251: {  	[tilespmem:v9+s20+$0x0] =	vst.idx.msk $0xffff, v8;
	v8 =	vor.u32 v27, v35;
	_ =	sdelay $0x1  }
0x252: {  	[tilespmem:v12+s20+$0x0] =	vst.idx.msk $0xffff, v11;
	v9 =	vld.idx.msk [tilespmem:v13+s16+$0x0], $0xffff;
	v10 =	vor.u32 v56, v39  }
0x253: {  	v11 =	vor.u32 v27, v36;
	[tilespmem:v61+s20+$0x0] =	vst.idx.msk $0xffff, v40;
	v12 =	vld.idx.msk [tilespmem:v62+s16+$0x0], $0xffff;
	v13 =	vor.u32 v56, v37  }
0x254: {  	v57 =	vor.u32 v27, v38;
	v59 =	vld.idx.msk [tilespmem:v63+s16+$0x0], $0xffff;
	v48 =	vor.u32 v56, v32;
	[tilespmem:v1+s20+$0x0] =	vst.idx.msk $0xffff, v0  }
0x255: {  	v60 =	vor.u32 v27, v34;
	v1 =	vor.u32 v28, v33;
	v0 =	vld.idx.msk [tilespmem:v8+s16+$0x0], $0xffff  }
0x256: {  	[tilespmem:v41+s20+$0x0] =	vst.idx.msk $0xffff, v44;
	v8 =	vor.u32 v29, v35  }
0x257: {  	v44 =	vld.idx.msk [tilespmem:v53+s16+$0x0], $0xffff;
	[tilespmem:v10+s20+$0x0] =	vst.idx.msk $0xffff, v9  }
0x258: {  	v10 =	vor.u32 v28, v39;
	[tilespmem:v13+s20+$0x0] =	vst.idx.msk $0xffff, v12;
	v9 =	vld.idx.msk [tilespmem:v11+s16+$0x0], $0xffff  }
0x259: {  	v13 =	vor.u32 v28, v37;
	[tilespmem:v48+s20+$0x0] =	vst.idx.msk $0xffff, v59;
	v12 =	vld.idx.msk [tilespmem:v57+s16+$0x0], $0xffff  }
0x25a: {  	v61 =	vor.u32 v28, v32;
	v43 =	vld.idx.msk [tilespmem:v60+s16+$0x0], $0xffff;
	[tilespmem:v1+s20+$0x0] =	vst.idx.msk $0xffff, v0  }
0x25b: {  	v11 =	vor.u32 v29, v36;
	v1 =	vor.u32 v30, v33;
	v0 =	vld.idx.msk [tilespmem:v8+s16+$0x0], $0xffff  }
0x25c: {  	[tilespmem:v50+s20+$0x0] =	vst.idx.msk $0xffff, v44  }
0x25d: {  	v62 =	vor.u32 v29, v38;
	[tilespmem:v10+s20+$0x0] =	vst.idx.msk $0xffff, v9  }
0x25e: {  	v63 =	vor.u32 v29, v34;
	[tilespmem:v13+s20+$0x0] =	vst.idx.msk $0xffff, v12  }
0x25f: {  	[tilespmem:v61+s20+$0x0] =	vst.idx.msk $0xffff, v43  }
0x260: {  	v9 =	vld.idx.msk [tilespmem:v11+s16+$0x0], $0xffff;
	[tilespmem:v1+s20+$0x0] =	vst.idx.msk $0xffff, v0  }
0x261: {  	v10 =	vor.u32 v30, v39;
	v8 =	vor.u32 v31, v35;
	v59 =	vld [tilespmem:$0x1FF40]  }
0x262: {  	v13 =	vor.u32 v30, v37;
	v11 =	vor.u32 v31, v36;
	v12 =	vld.idx.msk [tilespmem:v62+s16+$0x0], $0xffff  }
0x263: {  	v45 =	vor.u32 v31, v38;
	v35 =	vor.u32 v30, v32;
	v48 =	vld.idx.msk [tilespmem:v63+s16+$0x0], $0xffff  }
0x264: {  	v53 =	vor.u32 v31, v34  }
0x265: {  	v57 =	vld.idx.msk [tilespmem:v51+s16+$0x0], $0xffff  }
0x266: {  	v0 =	vld.idx.msk [tilespmem:v8+s16+$0x0], $0xffff;
	[tilespmem:v10+s20+$0x0] =	vst.idx.msk $0xffff, v9;
	v1 =	vor.u32 v59, v33  }
0x267: {  	[tilespmem:v13+s20+$0x0] =	vst.idx.msk $0xffff, v12;
	v8 =	vld.idx.msk [tilespmem:v11+s16+$0x0], $0xffff;
	v9 =	vor.u32 v59, v39  }
0x268: {  	[tilespmem:v35+s20+$0x0] =	vst.idx.msk $0xffff, v48;
	v11 =	vld.idx.msk [tilespmem:v45+s16+$0x0], $0xffff;
	v10 =	vor.u32 v59, v37  }
0x269: {  	[tilespmem:v54+s20+$0x0] =	vst.idx.msk $0xffff, v55;
	v13 =	vld.idx.msk [tilespmem:v53+s16+$0x0], $0xffff;
	v12 =	vor.u32 v59, v32  }
0x26a: {  	[tilespmem:v49+s20+$0x0] =	vst.idx.msk $0xffff, v57  }
0x26b: {  	[tilespmem:v1+s20+$0x0] =	vst.idx.msk $0xffff, v0  }
0x26c: {  	[tilespmem:v9+s20+$0x0] =	vst.idx.msk $0xffff, v8  }
0x26d: {  	[tilespmem:v10+s20+$0x0] =	vst.idx.msk $0xffff, v11  }
0x26e: {  	[tilespmem:v12+s20+$0x0] =	vst.idx.msk $0xffff, v13  }
0x26f: {  	v2 =	vld [tilespmem:$0x1FEC0]  }
0x270: {  	s26 =	sadd.s32 $0x1, s26;
	v36 =	vld [tilespmem:$0x1FED0]  }
0x271: {  	p2 =	sne.s32 s26, $0x3D;
	v4 =	vld [tilespmem:$0x1FEE0]  }
.Ltmp4:
0x272: {  	s0 =	sadd.s32 @!p3 s28, s7;
	v16 =	vmov v15;
	v15 =	vld [tilespmem:$0x1FEF0];
	(pc) =	sbr.rel @p2 .LBB2_2-.Ltmp4, $4  }
0x273: {  	s9 =	simm.s32 @!p3 $0x800;
	s23 =	simm.s32 @!p3 $0x7A1400;
	s28 =	simm.s32 @!p3 $0x4000;
	v19 =	vld [tilespmem:$0x1FF00]  }
0x274: {  	v62 =	vmov v7;
	[tilespmem:s28], [sflag:$0x2] =	stream.strided.gather @!p3 [hbm4b:s0+s9], $0x4000, s23, s9, $0x38;
	v7 =	vld [tilespmem:$0x1FF20]  }
0x275: {  	s31 =	sadd.s32 s29, s8;
	v14 =	vlaneseq.u32;
	v3 =	vmov v22;
	v43 =	vmov v6;
	v11 =	vld [tilespmem:$0x1FF10]  }
0x276: {  	v6 =	vmovc v59;
	v1 =	vmovc v23;
	v12 =	vmov v46;
	v13 =	vmov v47;
	v23 =	vmov v56;
	v20 =	vld [tilespmem:$0x1FF30];
	[hbm4b:s31+s1] =	stream.linear.scatter [tilespmem:s20], [sflag:$0x4], $0x4000, $0x38  }
0x277: {  	_ =	swait.ge [sflag:s21], $0x4000  }
.Ltmp5:
0x278: {  	[sflag:s21] =	ssyncset.done $0x0;
	(pc) =	sbr.rel @p0 .LBB2_11-.Ltmp5, $4  }
0x279: {  	[sflag:s21] =	ssyncadd.s32 $0xFFFFC000  }
0x27a: {  	_ =	swait.ge [sflag:s22], $0x4000  }
0x27b: {  	[sflag:s22] =	ssyncset.done $0x0  }
0x27c: {  	[sflag:s22] =	ssyncadd.s32 $0xFFFFC000  }
0x27d: {  	s0 =	simm.s32 $0x3  }
0x27e: {  	v0 =	vadd.s32 s0, v14  }
0x27f: {  	v59 =	vmov v1;
	v1 =	vshll.u32 v0, $0x7;
	v8 =	vshll.u32 v0, $0x8  }
0x280: {  	s30 =	simm.s32 $0x1;
	v1 =	vand.u32 $0x380, v1;
	v8 =	vand.u32 $0x3800, v8  }
0x281: {  	s9 =	simm.s32 $0x2;
	v9 =	vadd.s32 s30, v14;
	v40 =	vor.u32 v1, v8  }
0x282: {  	s31 =	simm.s32 $0x0;
	s23 =	rddreg [dreg:$0x3];
	v60 =	vmovc v11;
	v11 =	vadd.s32 s9, v14;
	v41 =	vand.u32 $0x3F, v0;
	v10 =	vor.u32 v14, v40  }
0x283: {  	[tilespmem:s31], [sflag:$0x1] =	stream.strided.gather [hbm4b:s23+s14], $0x4000, s15, s14, $0x38;
	v0 =	vshll.u32 v11, $0x8;
	v1 =	vshll.u32 v9, $0x7;
	v8 =	vshll.u32 v9, $0x8;
	[tilespmem:$0x12000] =	vst v63  }
0x284: {  	_ =	swait.ge [sflag:s17], $0x4000;
	v0 =	vand.u32 $0x3800, v0;
	v1 =	vand.u32 $0x380, v1;
	v8 =	vand.u32 $0x3800, v8  }
0x285: {  	[sflag:s17] =	ssyncset.done $0x0;
	v33 =	vor.u32 v62, v41;
	v42 =	vor.u32 v1, v8;
	v8 =	vadd.s32 s31, v14  }
0x286: {  	v22 =	vmovc v12;
	v61 =	vmovc v13;
	[sflag:s17] =	ssyncadd.s32 $0xFFFFC000;
	v12 =	vor.u32 v14, v42;
	v13 =	vshll.u32 v8, $0x8;
	v32 =	vshll.u32 v8, $0x7  }
0x287: {  	v1 =	vshll.u32 v11, $0x7;
	v13 =	vand.u32 $0x3800, v13;
	v32 =	vand.u32 $0x380, v32;
	v10 =	vld.idx.msk [tilespmem:v10+s1+$0x0], $0xffff  }
0x288: {  	v1 =	vand.u32 $0x380, v1;
	v47 =	vor.u32 v32, v13;
	v13 =	vor.u32 v16, v40  }
0x289: {  	v45 =	vor.u32 v1, v0;
	v0 =	vor.u32 v14, v47  }
0x28a: {  	v63 =	vmov v43;
	v43 =	vand.u32 $0x3F, v9;
	v1 =	vor.u32 v14, v45  }
0x28b: {  	v9 =	vor.u32 v62, v43;
	v12 =	vld.idx.msk [tilespmem:v12+s1+$0x0], $0xffff  }
0x28c: {  	v49 =	vor.u32 v16, v42;
	[tilespmem:v33+s18+$0x0] =	vst.idx.msk $0xffff, v10  }
0x28d: {  	v46 =	vand.u32 $0x3F, v8;
	v10 =	vor.u32 v4, v41;
	v8 =	vld.idx.msk [tilespmem:v13+s1+$0x0], $0xffff  }
0x28e: {  	v44 =	vand.u32 $0x3F, v11;
	v11 =	vor.u32 v62, v46;
	v0 =	vld.idx.msk [tilespmem:v0+s1+$0x0], $0xffff;
	v13 =	vor.u32 v15, v40  }
0x28f: {  	v50 =	vor.u32 v62, v44;
	v34 =	vor.u32 v16, v47;
	v1 =	vld.idx.msk [tilespmem:v1+s1+$0x0], $0xffff  }
0x290: {  	[tilespmem:v9+s18+$0x0] =	vst.idx.msk $0xffff, v12;
	v9 =	vor.u32 v16, v45  }
0x291: {  	v51 =	vor.u32 v4, v43;
	v12 =	vld.idx.msk [tilespmem:v49+s1+$0x0], $0xffff  }
0x292: {  	v35 =	vor.u32 v15, v42;
	[tilespmem:v10+s18+$0x0] =	vst.idx.msk $0xffff, v8  }
0x293: {  	[tilespmem:v11+s18+$0x0] =	vst.idx.msk $0xffff, v0;
	v8 =	vor.u32 v19, v41;
	v0 =	vld.idx.msk [tilespmem:v13+s1+$0x0], $0xffff  }
0x294: {  	[tilespmem:v50+s18+$0x0] =	vst.idx.msk $0xffff, v1;
	v1 =	vor.u32 v4, v46;
	v11 =	vor.u32 v7, v40;
	v10 =	vld.idx.msk [tilespmem:v34+s1+$0x0], $0xffff  }
0x295: {  	v53 =	vor.u32 v4, v44;
	v13 =	vor.u32 v15, v47;
	v9 =	vld.idx.msk [tilespmem:v9+s1+$0x0], $0xffff  }
0x296: {  	[tilespmem:v51+s18+$0x0] =	vst.idx.msk $0xffff, v12  }
0x297: {  	v54 =	vor.u32 v19, v43;
	v55 =	vor.u32 v15, v45;
	v12 =	vld.idx.msk [tilespmem:v35+s1+$0x0], $0xffff  }
0x298: {  	v56 =	vor.u32 v7, v42;
	[tilespmem:v8+s18+$0x0] =	vst.idx.msk $0xffff, v0  }
0x299: {  	[tilespmem:v1+s18+$0x0] =	vst.idx.msk $0xffff, v10;
	v1 =	vor.u32 v20, v41;
	v0 =	vld.idx.msk [tilespmem:v11+s1+$0x0], $0xffff  }
0x29a: {  	v10 =	vor.u32 v19, v46;
	v8 =	vld.idx.msk [tilespmem:v13+s1+$0x0], $0xffff;
	[tilespmem:v53+s18+$0x0] =	vst.idx.msk $0xffff, v9;
	v9 =	vor.u32 v2, v40  }
0x29b: {  	v11 =	vor.u32 v7, v47  }
0x29c: {  	v13 =	vor.u32 v19, v44;
	[tilespmem:v54+s18+$0x0] =	vst.idx.msk $0xffff, v12;
	v12 =	vld.idx.msk [tilespmem:v55+s1+$0x0], $0xffff  }
0x29d: {  	v57 =	vor.u32 v20, v43;
	v37 =	vor.u32 v7, v45;
	v32 =	vld.idx.msk [tilespmem:v56+s1+$0x0], $0xffff  }
0x29e: {  	v38 =	vor.u32 v2, v42;
	[tilespmem:v1+s18+$0x0] =	vst.idx.msk $0xffff, v0  }
0x29f: {  	[tilespmem:v10+s18+$0x0] =	vst.idx.msk $0xffff, v8;
	v1 =	vor.u32 v36, v41;
	v0 =	vld.idx.msk [tilespmem:v9+s1+$0x0], $0xffff  }
0x2a0: {  	v10 =	vor.u32 v17, v40;
	v8 =	vld.idx.msk [tilespmem:v11+s1+$0x0], $0xffff;
	v9 =	vor.u32 v20, v46  }
0x2a1: {  	v11 =	vor.u32 v2, v47;
	[tilespmem:v13+s18+$0x0] =	vst.idx.msk $0xffff, v12  }
0x2a2: {  	v13 =	vor.u32 v20, v44;
	[tilespmem:v57+s18+$0x0] =	vst.idx.msk $0xffff, v32;
	v12 =	vld.idx.msk [tilespmem:v37+s1+$0x0], $0xffff  }
0x2a3: {  	v39 =	vor.u32 v36, v43;
	v48 =	vor.u32 v2, v45;
	v32 =	vld.idx.msk [tilespmem:v38+s1+$0x0], $0xffff  }
0x2a4: {  	v49 =	vor.u32 v17, v42;
	[tilespmem:v1+s18+$0x0] =	vst.idx.msk $0xffff, v0  }
0x2a5: {  	[tilespmem:v9+s18+$0x0] =	vst.idx.msk $0xffff, v8;
	v1 =	vor.u32 v18, v41;
	v0 =	vld.idx.msk [tilespmem:v10+s1+$0x0], $0xffff  }
0x2a6: {  	v9 =	vor.u32 v36, v46;
	v8 =	vld.idx.msk [tilespmem:v11+s1+$0x0], $0xffff;
	v10 =	vor.u32 v60, v40  }
0x2a7: {  	[tilespmem:v13+s18+$0x0] =	vst.idx.msk $0xffff, v12;
	v11 =	vor.u32 v17, v47  }
0x2a8: {  	v13 =	vor.u32 v36, v44;
	[tilespmem:v39+s18+$0x0] =	vst.idx.msk $0xffff, v32;
	v12 =	vld.idx.msk [tilespmem:v48+s1+$0x0], $0xffff  }
0x2a9: {  	v50 =	vor.u32 v18, v43;
	v51 =	vor.u32 v17, v45;
	v32 =	vld.idx.msk [tilespmem:v49+s1+$0x0], $0xffff  }
0x2aa: {  	v53 =	vor.u32 v60, v42;
	[tilespmem:v1+s18+$0x0] =	vst.idx.msk $0xffff, v0  }
0x2ab: {  	[tilespmem:v9+s18+$0x0] =	vst.idx.msk $0xffff, v8;
	v1 =	vor.u32 v21, v41;
	v0 =	vld.idx.msk [tilespmem:v10+s1+$0x0], $0xffff  }
0x2ac: {  	v9 =	vor.u32 v18, v46;
	v8 =	vld.idx.msk [tilespmem:v11+s1+$0x0], $0xffff;
	v10 =	vor.u32 v3, v40  }
0x2ad: {  	[tilespmem:v13+s18+$0x0] =	vst.idx.msk $0xffff, v12  }
0x2ae: {  	v12 =	vor.u32 v18, v44;
	[tilespmem:v50+s18+$0x0] =	vst.idx.msk $0xffff, v32;
	v11 =	vld.idx.msk [tilespmem:v51+s1+$0x0], $0xffff  }
0x2af: {  	v54 =	vor.u32 v21, v43;
	v55 =	vor.u32 v60, v47;
	v13 =	vld.idx.msk [tilespmem:v53+s1+$0x0], $0xffff  }
0x2b0: {  	v56 =	vor.u32 v60, v45;
	[tilespmem:v1+s18+$0x0] =	vst.idx.msk $0xffff, v0  }
0x2b1: {  	v34 =	vor.u32 v24, v41;
	[tilespmem:v9+s18+$0x0] =	vst.idx.msk $0xffff, v8;
	v8 =	vor.u32 v59, v41;
	v1 =	vld.idx.msk [tilespmem:v10+s1+$0x0], $0xffff  }
0x2b2: {  	v57 =	vor.u32 v21, v44;
	v37 =	vor.u32 v26, v41;
	v10 =	vor.u32 v52, v40  }
0x2b3: {  	v38 =	vor.u32 v3, v45;
	[tilespmem:v12+s18+$0x0] =	vst.idx.msk $0xffff, v11;
	v11 =	vor.u32 v3, v42  }
0x2b4: {  	v36 =	vor.u32 v59, v43;
	v0 =	vor.u32 v21, v46;
	[tilespmem:v54+s18+$0x0] =	vst.idx.msk $0xffff, v13;
	v13 =	vld.idx.msk [tilespmem:v55+s1+$0x0], $0xffff  }
0x2b5: {  	s29 =	simm.s32 $0x7;
	v48 =	vor.u32 v24, v44;
	v39 =	vor.u32 v52, v42;
	v9 =	vor.u32 v3, v47;
	v35 =	vld.idx.msk [tilespmem:v56+s1+$0x0], $0xffff  }
0x2b6: {  	s26 =	simm.s32 $0x5;
	v49 =	vor.u32 v52, v45;
	v50 =	vor.u32 v52, v47;
	v53 =	vadd.s32 s29, v14;
	[tilespmem:v8+s18+$0x0] =	vst.idx.msk $0xffff, v1  }
0x2b7: {  	v51 =	vor.u32 v24, v43;
	v33 =	vand.u32 $0x3F, v53;
	v52 =	vadd.s32 s26, v14;
	v10 =	vld.idx.msk [tilespmem:v10+s1+$0x0], $0xffff  }
0x2b8: {  	v12 =	vor.u32 v59, v46;
	v54 =	vor.u32 v25, v40;
	v56 =	vshll.u32 v52, $0x7;
	v11 =	vld.idx.msk [tilespmem:v11+s1+$0x0], $0xffff  }
0x2b9: {  	s30 =	simm.s32 $0x6;
	v55 =	vand.u32 $0x380, v56;
	v1 =	vor.u32 v22, v40;
	v8 =	vor.u32 v59, v44;
	[tilespmem:v0+s18+$0x0] =	vst.idx.msk $0xffff, v13  }
0x2ba: {  	v0 =	vadd.s32 s30, v14;
	v13 =	vshll.u32 v53, $0x7;
	[tilespmem:v57+s18+$0x0] =	vst.idx.msk $0xffff, v35;
	v53 =	vshll.u32 v53, $0x8;
	v9 =	vld.idx.msk [tilespmem:v9+s1+$0x0], $0xffff  }
0x2bb: {  	s31 =	simm.s32 $0x4;
	v57 =	vshll.u32 v0, $0x8;
	v38 =	vld.idx.msk [tilespmem:v38+s1+$0x0], $0xffff;
	v32 =	vshll.u32 v0, $0x7;
	v13 =	vand.u32 $0x380, v13  }
0x2bc: {  	v56 =	vand.u32 $0x3800, v57;
	v57 =	vadd.s32 s31, v14;
	[tilespmem:v34+s18+$0x0] =	vst.idx.msk $0xffff, v10;
	v10 =	vand.u32 $0x380, v32  }
0x2bd: {  	[tilespmem:v36+s18+$0x0] =	vst.idx.msk $0xffff, v11;
	v32 =	vshll.u32 v57, $0x8;
	v34 =	vshll.u32 v57, $0x7;
	v11 =	vld.idx.msk [tilespmem:v54+s1+$0x0], $0xffff;
	v54 =	vand.u32 $0x3800, v53  }
0x2be: {  	v39 =	vld.idx.msk [tilespmem:v39+s1+$0x0], $0xffff;
	v32 =	vand.u32 $0x3800, v32;
	v34 =	vand.u32 $0x380, v34;
	v35 =	vor.u32 v13, v54  }
0x2bf: {  	[tilespmem:v12+s18+$0x0] =	vst.idx.msk $0xffff, v9;
	v9 =	vshll.u32 v52, $0x8;
	v36 =	vor.u32 v34, v32;
	v12 =	vor.u32 v14, v35  }
0x2c0: {  	[tilespmem:v8+s18+$0x0] =	vst.idx.msk $0xffff, v38;
	v34 =	vor.u32 v10, v56;
	v8 =	vand.u32 $0x3800, v9;
	v9 =	vor.u32 v14, v36  }
0x2c1: {  	v32 =	vand.u32 $0x3F, v0;
	v10 =	vld.idx.msk [tilespmem:v49+s1+$0x0], $0xffff;
	v0 =	vor.u32 v14, v34;
	v38 =	vor.u32 v55, v8  }
0x2c2: {  	v13 =	vld.idx.msk [tilespmem:v50+s1+$0x0], $0xffff;
	v8 =	vor.u32 v14, v38;
	[tilespmem:v37+s18+$0x0] =	vst.idx.msk $0xffff, v11;
	v11 =	vor.u32 v24, v46  }
0x2c3: {  	v53 =	vor.u32 v62, v33;
	v49 =	vor.u32 v61, v41;
	v50 =	vor.u32 v25, v42;
	v1 =	vld.idx.msk [tilespmem:v1+s1+$0x0], $0xffff  }
0x2c4: {  	[tilespmem:v51+s18+$0x0] =	vst.idx.msk $0xffff, v39;
	v51 =	vor.u32 v25, v45;
	v39 =	vand.u32 $0x3F, v57;
	v12 =	vld.idx.msk [tilespmem:v12+s1+$0x0], $0xffff  }
0x2c5: {  	v37 =	vand.u32 $0x3F, v52;
	v52 =	vor.u32 v25, v47;
	v54 =	vor.u32 v62, v39;
	v9 =	vld.idx.msk [tilespmem:v9+s1+$0x0], $0xffff  }
0x2c6: {  	v57 =	vor.u32 v16, v35;
	[tilespmem:v48+s18+$0x0] =	vst.idx.msk $0xffff, v10;
	v10 =	vor.u32 v62, v32;
	v0 =	vld.idx.msk [tilespmem:v0+s1+$0x0], $0xffff  }
0x2c7: {  	v8 =	vld.idx.msk [tilespmem:v8+s1+$0x0], $0xffff;
	[tilespmem:v11+s18+$0x0] =	vst.idx.msk $0xffff, v13;
	v11 =	vor.u32 v62, v37;
	v13 =	vor.u32 v16, v36  }
0x2c8: {  	v50 =	vld.idx.msk [tilespmem:v50+s1+$0x0], $0xffff;
	[tilespmem:v49+s18+$0x0] =	vst.idx.msk $0xffff, v1;
	v1 =	vor.u32 v63, v40;
	v49 =	vor.u32 v26, v43  }
0x2c9: {  	v51 =	vld.idx.msk [tilespmem:v51+s1+$0x0], $0xffff;
	[tilespmem:v53+s18+$0x0] =	vst.idx.msk $0xffff, v12;
	v12 =	vor.u32 v16, v38;
	v53 =	vor.u32 v26, v44  }
0x2ca: {  	v52 =	vld.idx.msk [tilespmem:v52+s1+$0x0], $0xffff;
	[tilespmem:v54+s18+$0x0] =	vst.idx.msk $0xffff, v9;
	v9 =	vor.u32 v22, v42;
	v54 =	vor.u32 v26, v46  }
0x2cb: {  	[tilespmem:v10+s18+$0x0] =	vst.idx.msk $0xffff, v0;
	v0 =	vor.u32 v16, v34;
	v10 =	vld.idx.msk [tilespmem:v57+s1+$0x0], $0xffff;
	v57 =	vor.u32 v4, v33  }
0x2cc: {  	v13 =	vld.idx.msk [tilespmem:v13+s1+$0x0], $0xffff;
	[tilespmem:v11+s18+$0x0] =	vst.idx.msk $0xffff, v8;
	v8 =	vor.u32 v22, v47;
	v11 =	vor.u32 v4, v39  }
0x2cd: {  	[tilespmem:v49+s18+$0x0] =	vst.idx.msk $0xffff, v50;
	v49 =	vor.u32 v15, v35;
	v1 =	vld.idx.msk [tilespmem:v1+s1+$0x0], $0xffff;
	v50 =	vor.u32 v58, v41  }
0x2ce: {  	[tilespmem:v53+s18+$0x0] =	vst.idx.msk $0xffff, v51;
	v51 =	vor.u32 v15, v36;
	v12 =	vld.idx.msk [tilespmem:v12+s1+$0x0], $0xffff;
	v53 =	vor.u32 v4, v37  }
0x2cf: {  	v9 =	vld.idx.msk [tilespmem:v9+s1+$0x0], $0xffff;
	[tilespmem:v54+s18+$0x0] =	vst.idx.msk $0xffff, v52;
	v52 =	vor.u32 v22, v45;
	v54 =	vor.u32 v61, v43  }
0x2d0: {  	v0 =	vld.idx.msk [tilespmem:v0+s1+$0x0], $0xffff;
	[tilespmem:v57+s18+$0x0] =	vst.idx.msk $0xffff, v10;
	v10 =	vor.u32 v15, v38;
	v57 =	vor.u32 v4, v32  }
0x2d1: {  	v8 =	vld.idx.msk [tilespmem:v8+s1+$0x0], $0xffff;
	[tilespmem:v11+s18+$0x0] =	vst.idx.msk $0xffff, v13;
	v11 =	vor.u32 v5, v40;
	v13 =	vor.u32 v61, v46  }
0x2d2: {  	v49 =	vld.idx.msk [tilespmem:v49+s1+$0x0], $0xffff;
	[tilespmem:v50+s18+$0x0] =	vst.idx.msk $0xffff, v1;
	v1 =	vor.u32 v63, v42;
	v50 =	vor.u32 v19, v33  }
0x2d3: {  	v51 =	vld.idx.msk [tilespmem:v51+s1+$0x0], $0xffff;
	[tilespmem:v53+s18+$0x0] =	vst.idx.msk $0xffff, v12;
	v12 =	vor.u32 v63, v47;
	v53 =	vor.u32 v19, v39  }
0x2d4: {  	[tilespmem:v54+s18+$0x0] =	vst.idx.msk $0xffff, v9;
	v9 =	vor.u32 v7, v35;
	v52 =	vld.idx.msk [tilespmem:v52+s1+$0x0], $0xffff;
	v54 =	vor.u32 v61, v44  }
0x2d5: {  	[tilespmem:v57+s18+$0x0] =	vst.idx.msk $0xffff, v0;
	v0 =	vor.u32 v7, v36;
	v10 =	vld.idx.msk [tilespmem:v10+s1+$0x0], $0xffff;
	v57 =	vor.u32 v19, v37  }
0x2d6: {  	[tilespmem:v13+s18+$0x0] =	vst.idx.msk $0xffff, v8;
	v8 =	vor.u32 v63, v45;
	v11 =	vld.idx.msk [tilespmem:v11+s1+$0x0], $0xffff;
	v13 =	vor.u32 v23, v41  }
0x2d7: {  	[tilespmem:v50+s18+$0x0] =	vst.idx.msk $0xffff, v49;
	v1 =	vld.idx.msk [tilespmem:v1+s1+$0x0], $0xffff;
	v50 =	vor.u32 v58, v43  }
0x2d8: {  	v61 =	vor.u32 v58, v46;
	[tilespmem:v53+s18+$0x0] =	vst.idx.msk $0xffff, v51;
	v12 =	vld.idx.msk [tilespmem:v12+s1+$0x0], $0xffff  }
0x2d9: {  	v63 =	vor.u32 v20, v33;
	v9 =	vld.idx.msk [tilespmem:v9+s1+$0x0], $0xffff;
	[tilespmem:v54+s18+$0x0] =	vst.idx.msk $0xffff, v52  }
0x2da: {  	v0 =	vld.idx.msk [tilespmem:v0+s1+$0x0], $0xffff;
	[tilespmem:v57+s18+$0x0] =	vst.idx.msk $0xffff, v10;
	v57 =	vor.u32 v20, v39  }
0x2db: {  	[tilespmem:v13+s18+$0x0] =	vst.idx.msk $0xffff, v11;
	v8 =	vld.idx.msk [tilespmem:v8+s1+$0x0], $0xffff;
	v13 =	vor.u32 v58, v44  }
0x2dc: {  	[tilespmem:v50+s18+$0x0] =	vst.idx.msk $0xffff, v1  }
0x2dd: {  	v49 =	vor.u32 v15, v34;
	[tilespmem:v61+s18+$0x0] =	vst.idx.msk $0xffff, v12  }
0x2de: {  	v51 =	vor.u32 v7, v38;
	[tilespmem:v63+s18+$0x0] =	vst.idx.msk $0xffff, v9  }
0x2df: {  	v52 =	vor.u32 v27, v40;
	[tilespmem:v57+s18+$0x0] =	vst.idx.msk $0xffff, v0  }
0x2e0: {  	v10 =	vor.u32 v5, v47;
	[tilespmem:v13+s18+$0x0] =	vst.idx.msk $0xffff, v8  }
0x2e1: {  	v11 =	vor.u32 v2, v35;
	v14 =	vld [tilespmem:$0x1FED0]  }
0x2e2: {  	v1 =	vor.u32 v2, v36;
	v49 =	vld.idx.msk [tilespmem:v49+s1+$0x0], $0xffff;
	v50 =	vor.u32 v19, v32  }
0x2e3: {  	v51 =	vld.idx.msk [tilespmem:v51+s1+$0x0], $0xffff;
	v12 =	vor.u32 v5, v42;
	v61 =	vor.u32 v20, v37  }
0x2e4: {  	v9 =	vor.u32 v7, v34;
	v52 =	vld.idx.msk [tilespmem:v52+s1+$0x0], $0xffff;
	v63 =	vor.u32 v28, v41  }
0x2e5: {  	v0 =	vor.u32 v2, v38;
	v10 =	vld.idx.msk [tilespmem:v10+s1+$0x0], $0xffff;
	v57 =	vor.u32 v23, v46  }
0x2e6: {  	v11 =	vld.idx.msk [tilespmem:v11+s1+$0x0], $0xffff;
	v8 =	vor.u32 v29, v40;
	v13 =	vor.u32 v14, v33  }
0x2e7: {  	v1 =	vld.idx.msk [tilespmem:v1+s1+$0x0], $0xffff;
	[tilespmem:v50+s18+$0x0] =	vst.idx.msk $0xffff, v49;
	v49 =	vor.u32 v27, v47;
	v50 =	vor.u32 v14, v39  }
0x2e8: {  	[tilespmem:v61+s18+$0x0] =	vst.idx.msk $0xffff, v51;
	v51 =	vor.u32 v17, v35;
	v12 =	vld.idx.msk [tilespmem:v12+s1+$0x0], $0xffff;
	v61 =	vor.u32 v23, v43  }
0x2e9: {  	[tilespmem:v63+s18+$0x0] =	vst.idx.msk $0xffff, v52;
	v52 =	vor.u32 v17, v36;
	v9 =	vld.idx.msk [tilespmem:v9+s1+$0x0], $0xffff;
	v63 =	vor.u32 v20, v32  }
0x2ea: {  	v0 =	vld.idx.msk [tilespmem:v0+s1+$0x0], $0xffff;
	[tilespmem:v57+s18+$0x0] =	vst.idx.msk $0xffff, v10;
	v10 =	vor.u32 v27, v42;
	v57 =	vor.u32 v14, v37  }
0x2eb: {  	v8 =	vld.idx.msk [tilespmem:v8+s1+$0x0], $0xffff;
	[tilespmem:v13+s18+$0x0] =	vst.idx.msk $0xffff, v11;
	v11 =	vor.u32 v2, v34;
	v13 =	vor.u32 v30, v41  }
0x2ec: {  	v56 =	vor.u32 v28, v46;
	v49 =	vld.idx.msk [tilespmem:v49+s1+$0x0], $0xffff;
	[tilespmem:v50+s18+$0x0] =	vst.idx.msk $0xffff, v1;
	v1 =	vor.u32 v17, v38  }
0x2ed: {  	[tilespmem:v61+s18+$0x0] =	vst.idx.msk $0xffff, v12;
	v61 =	vor.u32 v18, v33;
	v12 =	vld.idx.msk [tilespmem:v51+s1+$0x0], $0xffff;
	v51 =	vor.u32 v31, v40  }
0x2ee: {  	[tilespmem:v63+s18+$0x0] =	vst.idx.msk $0xffff, v9;
	v9 =	vor.u32 v29, v47;
	v63 =	vor.u32 v18, v39;
	v52 =	vld.idx.msk [tilespmem:v52+s1+$0x0], $0xffff  }
0x2ef: {  	v10 =	vld.idx.msk [tilespmem:v10+s1+$0x0], $0xffff;
	[tilespmem:v57+s18+$0x0] =	vst.idx.msk $0xffff, v0;
	v0 =	vor.u32 v60, v35;
	v57 =	vor.u32 v28, v43  }
0x2f0: {  	[tilespmem:v13+s18+$0x0] =	vst.idx.msk $0xffff, v8;
	v11 =	vld.idx.msk [tilespmem:v11+s1+$0x0], $0xffff;
	v13 =	vor.u32 v14, v32  }
0x2f1: {  	[tilespmem:v56+s18+$0x0] =	vst.idx.msk $0xffff, v49;
	v56 =	vor.u32 v18, v37;
	v8 =	vor.u32 v60, v36;
	v1 =	vld.idx.msk [tilespmem:v1+s1+$0x0], $0xffff  }
0x2f2: {  	v49 =	vor.u32 v5, v45;
	[tilespmem:v61+s18+$0x0] =	vst.idx.msk $0xffff, v12;
	v12 =	vld.idx.msk [tilespmem:v51+s1+$0x0], $0xffff;
	v61 =	vor.u32 v6, v41  }
0x2f3: {  	v9 =	vld.idx.msk [tilespmem:v9+s1+$0x0], $0xffff;
	[tilespmem:v63+s18+$0x0] =	vst.idx.msk $0xffff, v52;
	v52 =	vor.u32 v17, v34;
	v63 =	vor.u32 v30, v46  }
0x2f4: {  	[tilespmem:v57+s18+$0x0] =	vst.idx.msk $0xffff, v10;
	v10 =	vor.u32 v60, v38;
	v57 =	vor.u32 v21, v33;
	v0 =	vld.idx.msk [tilespmem:v0+s1+$0x0], $0xffff  }
0x2f5: {  	[tilespmem:v13+s18+$0x0] =	vst.idx.msk $0xffff, v11  }
0x2f6: {  	v47 =	vor.u32 v31, v47;
	v8 =	vld.idx.msk [tilespmem:v8+s1+$0x0], $0xffff;
	v11 =	vor.u32 v21, v39;
	[tilespmem:v56+s18+$0x0] =	vst.idx.msk $0xffff, v1  }
0x2f7: {  	v49 =	vld.idx.msk [tilespmem:v49+s1+$0x0], $0xffff;
	v1 =	vor.u32 v23, v44;
	v13 =	vor.u32 v29, v42;
	[tilespmem:v61+s18+$0x0] =	vst.idx.msk $0xffff, v12  }
0x2f8: {  	v61 =	vor.u32 v3, v35;
	v52 =	vld.idx.msk [tilespmem:v52+s1+$0x0], $0xffff;
	[tilespmem:v63+s18+$0x0] =	vst.idx.msk $0xffff, v9;
	v9 =	vor.u32 v18, v32  }
0x2f9: {  	v63 =	vor.u32 v3, v36;
	v10 =	vld.idx.msk [tilespmem:v10+s1+$0x0], $0xffff;
	[tilespmem:v57+s18+$0x0] =	vst.idx.msk $0xffff, v0;
	v0 =	vor.u32 v21, v37  }
0x2fa: {  	v53 =	vor.u32 v29, v45;
	v51 =	vor.u32 v31, v45  }
0x2fb: {  	v46 =	vor.u32 v6, v46;
	v12 =	vor.u32 v27, v45;
	v45 =	vld.idx.msk [tilespmem:v47+s1+$0x0], $0xffff;
	[tilespmem:v11+s18+$0x0] =	vst.idx.msk $0xffff, v8  }
0x2fc: {  	v8 =	vor.u32 v60, v34;
	v11 =	vld.idx.msk [tilespmem:v13+s1+$0x0], $0xffff;
	[tilespmem:v1+s18+$0x0] =	vst.idx.msk $0xffff, v49;
	v1 =	vor.u32 v30, v43  }
0x2fd: {  	v13 =	vor.u32 v3, v38;
	v48 =	vld.idx.msk [tilespmem:v61+s1+$0x0], $0xffff;
	[tilespmem:v9+s18+$0x0] =	vst.idx.msk $0xffff, v52;
	v52 =	vor.u32 v59, v33  }
0x2fe: {  	v9 =	vmov v59;
	v59 =	vld.idx.msk [tilespmem:v63+s1+$0x0], $0xffff;
	[tilespmem:v0+s18+$0x0] =	vst.idx.msk $0xffff, v10  }
0x2ff: {  	v22 =	vmovc v60;
	v50 =	vor.u32 v30, v44;
	v41 =	vor.u32 v28, v44;
	v42 =	vor.u32 v31, v42;
	v0 =	vld [tilespmem:$0x1FE50]  }
0x300: {  	v49 =	vor.u32 v6, v44;
	v44 =	vld.idx.msk [tilespmem:v12+s1+$0x0], $0xffff;
	v60 =	vor.u32 v9, v39;
	[tilespmem:v46+s18+$0x0] =	vst.idx.msk $0xffff, v45  }
0x301: {  	v61 =	vld.idx.msk [tilespmem:v8+s1+$0x0], $0xffff;
	[tilespmem:v1+s18+$0x0] =	vst.idx.msk $0xffff, v11  }
0x302: {  	v47 =	vld.idx.msk [tilespmem:v13+s1+$0x0], $0xffff;
	[tilespmem:v52+s18+$0x0] =	vst.idx.msk $0xffff, v48  }
0x303: {  	v52 =	vld [tilespmem:$0x1FE50]  }
0x304: {  	v25 =	vld [tilespmem:$0x1FE60];
	v0 =	vor.u32 v0, v35  }
0x305: {  	v54 =	vor.u32 v6, v43;
	v40 =	vor.u32 v24, v33;
	v55 =	vld.idx.msk [tilespmem:v42+s1+$0x0], $0xffff;
	[tilespmem:v60+s18+$0x0] =	vst.idx.msk $0xffff, v59  }
0x306: {  	v56 =	vor.u32 v24, v32;
	v31 =	vmovc v5;
	v5 =	vmovc v18;
	v18 =	vmov v17;
	v63 =	vor.u32 v3, v34;
	v3 =	vld [tilespmem:$0x1FED0]  }
0x307: {  	v17 =	vmovc v15;
	v15 =	vmovc v62;
	v57 =	vor.u32 v26, v33;
	v14 =	vmov v9;
	v10 =	vor.u32 v21, v32;
	v28 =	vld [tilespmem:$0x1FE70]  }
0x308: {  	v30 =	vmovc v58;
	v6 =	vmovc v22;
	v9 =	vor.u32 v9, v37;
	v60 =	vor.u32 v14, v32;
	v14 =	vlaneseq.u32;
	v29 =	vld [tilespmem:$0x1FE80]  }
0x309: {  	s28 =	simm.s32 $0x8;
	v8 =	vor.u32 v52, v38;
	v58 =	vor.u32 v25, v35;
	v59 =	vor.u32 v52, v34;
	v62 =	vld.idx.msk [tilespmem:v0+s1+$0x0], $0xffff  }
.LBB2_9:
0x30a: {  	v21 =	vld [tilespmem:$0x1FFF0];
	_ =	sdelay $0x2  }
0x30b: {  	s0 =	sadd.s32 $0x1, s28;
	s9 =	sadd.s32 $0x3, s28;
	v0 =	vor.u32 v52, v36;
	v22 =	vld [tilespmem:$0x1FFB0];
	s23 =	smov.u32 s28;
	[tilespmem:v9+s18+$0x0] =	vst.idx.msk $0xffff, v47  }
0x30c: {  	v46 =	vmovc v34;
	v52 =	vmov v35;
	v11 =	vadd.s32 s0, v14;
	s31 =	sadd.s32 $0x2, s23;
	v12 =	vadd.s32 s9, v14;
	[tilespmem:v41+s18+$0x0] =	vst.idx.msk $0xffff, v44  }
0x30d: {  	v34 =	vadd.s32 s31, v14;
	v35 =	vshll.u32 v12, $0x7;
	v8 =	vld.idx.msk [tilespmem:v8+s1+$0x0], $0xffff;
	[tilespmem:v10+s18+$0x0] =	vst.idx.msk $0xffff, v61;
	v10 =	vor.u32 v21, v52  }
0x30e: {  	v42 =	vand.u32 $0x3F, v12;
	v12 =	vshll.u32 v12, $0x8;
	v35 =	vand.u32 $0x380, v35;
	v13 =	vld.idx.msk [tilespmem:v53+s1+$0x0], $0xffff  }
0x30f: {  	v12 =	vand.u32 $0x3800, v12;
	v44 =	vmovc v32;
	v41 =	vshll.u32 v11, $0x7;
	v32 =	vand.u32 $0x3F, v34;
	v9 =	vld.idx.msk [tilespmem:v63+s1+$0x0], $0xffff  }
0x310: {  	[tilespmem:v40+s18+$0x0] =	vst.idx.msk $0xffff, v62;
	v62 =	vadd.s32 s23, v14;
	v35 =	vor.u32 v35, v12;
	v1 =	vor.u32 v22, v37  }
0x311: {  	v48 =	vmovc v36;
	v24 =	vld [tilespmem:$0x1FF70];
	[tilespmem:v54+s18+$0x0] =	vst.idx.msk $0xffff, v55;
	v54 =	vshll.u32 v62, $0x7;
	v53 =	vshll.u32 v34, $0x8;
	v34 =	vshll.u32 v34, $0x7  }
0x312: {  	v43 =	vmovc v37;
	v45 =	vmovc v38;
	v36 =	vand.u32 $0x3800, v53;
	v34 =	vand.u32 $0x380, v34;
	v53 =	vshll.u32 v62, $0x8;
	v10 =	vld.idx.msk [tilespmem:v10+s1+$0x0], $0xffff  }
0x313: {  	v26 =	vld [tilespmem:$0x1FFC0];
	v47 =	vmovc v39;
	v55 =	vand.u32 $0x380, v54;
	v34 =	vor.u32 v34, v36;
	[tilespmem:v50+s18+$0x0] =	vst.idx.msk $0xffff, v13;
	v13 =	vand.u32 $0x3800, v53  }
0x314: {  	v27 =	vld [tilespmem:$0x1FF60];
	v61 =	vand.u32 $0x380, v41;
	[tilespmem:v60+s18+$0x0] =	vst.idx.msk $0xffff, v9;
	v36 =	vor.u32 v55, v13;
	v13 =	vor.u32 v14, v35  }
0x315: {  	v37 =	vand.u32 $0x3F, v11;
	v63 =	vshll.u32 v11, $0x8;
	[tilespmem:v1+s18+$0x0] =	vst.idx.msk $0xffff, v8;
	v9 =	vld.idx.msk [tilespmem:v51+s1+$0x0], $0xffff;
	v1 =	vor.u32 v14, v36  }
0x316: {  	v0 =	vld.idx.msk [tilespmem:v0+s1+$0x0], $0xffff;
	v54 =	vor.u32 v21, v45;
	v12 =	vand.u32 $0x3800, v63;
	v53 =	vor.u32 v22, v47  }
0x317: {  	v38 =	vor.u32 v61, v12;
	v8 =	vor.u32 v14, v34;
	v11 =	vld.idx.msk [tilespmem:v59+s1+$0x0], $0xffff;
	[tilespmem:v57+s18+$0x0] =	vst.idx.msk $0xffff, v10  }
0x318: {  	v41 =	vor.u32 v14, v38;
	v55 =	vld.idx.msk [tilespmem:v58+s1+$0x0], $0xffff  }
0x319: {  	v39 =	vand.u32 $0x3F, v62;
	v10 =	vor.u32 v28, v33;
	v58 =	vor.u32 v21, v46;
	v13 =	vld.idx.msk [tilespmem:v13+s1+$0x0], $0xffff  }
0x31a: {  	v59 =	vor.u32 v21, v48;
	[tilespmem:v49+s18+$0x0] =	vst.idx.msk $0xffff, v9;
	v1 =	vld.idx.msk [tilespmem:v1+s1+$0x0], $0xffff;
	v9 =	vor.u32 v15, v42  }
0x31b: {  	v61 =	vor.u32 v16, v35;
	v60 =	vor.u32 v15, v39;
	[tilespmem:v53+s18+$0x0] =	vst.idx.msk $0xffff, v0;
	v0 =	vld.idx.msk [tilespmem:v54+s1+$0x0], $0xffff  }
0x31c: {  	v51 =	vor.u32 v15, v32;
	v8 =	vld.idx.msk [tilespmem:v8+s1+$0x0], $0xffff;
	[tilespmem:v56+s18+$0x0] =	vst.idx.msk $0xffff, v11;
	v11 =	vor.u32 v16, v36  }
0x31d: {  	v12 =	vor.u32 v15, v37;
	v53 =	vor.u32 v29, v52;
	v56 =	vld.idx.msk [tilespmem:v41+s1+$0x0], $0xffff  }
0x31e: {  	v62 =	vor.u32 v16, v38;
	v58 =	vld.idx.msk [tilespmem:v58+s1+$0x0], $0xffff;
	[tilespmem:v10+s18+$0x0] =	vst.idx.msk $0xffff, v55  }
0x31f: {  	v63 =	vor.u32 v26, v43;
	[tilespmem:v9+s18+$0x0] =	vst.idx.msk $0xffff, v13;
	v9 =	vld.idx.msk [tilespmem:v59+s1+$0x0], $0xffff  }
0x320: {  	v10 =	vor.u32 v25, v45;
	v13 =	vor.u32 v26, v44;
	[tilespmem:v60+s18+$0x0] =	vst.idx.msk $0xffff, v1;
	v1 =	vld.idx.msk [tilespmem:v61+s1+$0x0], $0xffff  }
0x321: {  	v57 =	vor.u32 v16, v34;
	v55 =	vor.u32 v26, v47;
	v11 =	vld.idx.msk [tilespmem:v11+s1+$0x0], $0xffff;
	[tilespmem:v51+s18+$0x0] =	vst.idx.msk $0xffff, v8  }
0x322: {  	v8 =	vor.u32 v4, v42;
	v51 =	vor.u32 v25, v48;
	[tilespmem:v12+s18+$0x0] =	vst.idx.msk $0xffff, v56;
	v53 =	vld.idx.msk [tilespmem:v53+s1+$0x0], $0xffff  }
0x323: {  	v59 =	vor.u32 v4, v39;
	v12 =	vor.u32 v17, v35;
	v60 =	vld.idx.msk [tilespmem:v62+s1+$0x0], $0xffff  }
0x324: {  	v56 =	vor.u32 v17, v36;
	[tilespmem:v63+s18+$0x0] =	vst.idx.msk $0xffff, v0;
	v0 =	vor.u32 v30, v33;
	v63 =	vld [tilespmem:$0x1FF80]  }
0x325: {  	v61 =	vor.u32 v4, v37;
	v10 =	vld.idx.msk [tilespmem:v10+s1+$0x0], $0xffff;
	[tilespmem:v13+s18+$0x0] =	vst.idx.msk $0xffff, v58;
	v13 =	vor.u32 v25, v46  }
0x326: {  	v58 =	vor.u32 v17, v38;
	[tilespmem:v55+s18+$0x0] =	vst.idx.msk $0xffff, v9;
	v9 =	vor.u32 v28, v43;
	v57 =	vld.idx.msk [tilespmem:v57+s1+$0x0], $0xffff  }
0x327: {  	v55 =	vor.u32 v4, v32;
	[tilespmem:v8+s18+$0x0] =	vst.idx.msk $0xffff, v1;
	v1 =	vld.idx.msk [tilespmem:v51+s1+$0x0], $0xffff;
	v8 =	vor.u32 v31, v52  }
0x328: {  	[tilespmem:v59+s18+$0x0] =	vst.idx.msk $0xffff, v11;
	v51 =	vor.u32 v29, v45;
	v11 =	vld.idx.msk [tilespmem:v12+s1+$0x0], $0xffff;
	v12 =	vor.u32 v28, v47  }
0x329: {  	v62 =	vor.u32 v29, v48;
	v59 =	vor.u32 v19, v42;
	v56 =	vld.idx.msk [tilespmem:v56+s1+$0x0], $0xffff;
	[tilespmem:v0+s18+$0x0] =	vst.idx.msk $0xffff, v53  }
0x32a: {  	v0 =	vor.u32 v19, v39;
	[tilespmem:v61+s18+$0x0] =	vst.idx.msk $0xffff, v60;
	v53 =	vor.u32 v7, v35;
	v13 =	vld.idx.msk [tilespmem:v13+s1+$0x0], $0xffff  }
0x32b: {  	v60 =	vor.u32 v7, v36;
	v58 =	vld.idx.msk [tilespmem:v58+s1+$0x0], $0xffff;
	[tilespmem:v9+s18+$0x0] =	vst.idx.msk $0xffff, v10;
	v9 =	vor.u32 v28, v44  }
0x32c: {  	v10 =	vor.u32 v19, v37;
	[tilespmem:v55+s18+$0x0] =	vst.idx.msk $0xffff, v57;
	v55 =	vor.u32 v29, v46;
	v8 =	vld.idx.msk [tilespmem:v8+s1+$0x0], $0xffff  }
0x32d: {  	v57 =	vor.u32 v17, v34;
	[tilespmem:v12+s18+$0x0] =	vst.idx.msk $0xffff, v1;
	v1 =	vld.idx.msk [tilespmem:v51+s1+$0x0], $0xffff;
	v12 =	vor.u32 v23, v33  }
0x32e: {  	v51 =	vor.u32 v7, v38;
	[tilespmem:v59+s18+$0x0] =	vst.idx.msk $0xffff, v11;
	v59 =	vor.u32 v30, v43;
	v11 =	vld.idx.msk [tilespmem:v62+s1+$0x0], $0xffff  }
0x32f: {  	[tilespmem:v0+s18+$0x0] =	vst.idx.msk $0xffff, v56;
	v0 =	vld.idx.msk [tilespmem:v53+s1+$0x0], $0xffff;
	v53 =	vor.u32 v30, v47;
	v56 =	vor.u32 v27, v52  }
0x330: {  	v61 =	vor.u32 v20, v42;
	v62 =	vor.u32 v31, v48;
	v60 =	vld.idx.msk [tilespmem:v60+s1+$0x0], $0xffff;
	[tilespmem:v9+s18+$0x0] =	vst.idx.msk $0xffff, v13  }
0x331: {  	v9 =	vor.u32 v20, v39;
	[tilespmem:v10+s18+$0x0] =	vst.idx.msk $0xffff, v58;
	v10 =	vor.u32 v2, v35;
	v13 =	vld.idx.msk [tilespmem:v55+s1+$0x0], $0xffff  }
0x332: {  	v58 =	vor.u32 v30, v44;
	v55 =	vor.u32 v2, v36;
	v57 =	vld.idx.msk [tilespmem:v57+s1+$0x0], $0xffff;
	[tilespmem:v12+s18+$0x0] =	vst.idx.msk $0xffff, v8  }
0x333: {  	v8 =	vld.idx.msk [tilespmem:v51+s1+$0x0], $0xffff;
	v12 =	vor.u32 v19, v32;
	[tilespmem:v59+s18+$0x0] =	vst.idx.msk $0xffff, v1;
	v1 =	vor.u32 v31, v45  }
0x334: {  	v51 =	vor.u32 v20, v37;
	v59 =	vor.u32 v7, v34;
	[tilespmem:v53+s18+$0x0] =	vst.idx.msk $0xffff, v11;
	v11 =	vld.idx.msk [tilespmem:v56+s1+$0x0], $0xffff  }
0x335: {  	[tilespmem:v61+s18+$0x0] =	vst.idx.msk $0xffff, v0;
	v56 =	vor.u32 v24, v33;
	v0 =	vld.idx.msk [tilespmem:v62+s1+$0x0], $0xffff  }
0x336: {  	[tilespmem:v9+s18+$0x0] =	vst.idx.msk $0xffff, v60;
	v9 =	vld.idx.msk [tilespmem:v10+s1+$0x0], $0xffff;
	v10 =	vor.u32 v23, v47;
	v60 =	vor.u32 v63, v52  }
0x337: {  	v61 =	vor.u32 v3, v42;
	v62 =	vor.u32 v27, v48;
	v55 =	vld.idx.msk [tilespmem:v55+s1+$0x0], $0xffff;
	[tilespmem:v58+s18+$0x0] =	vst.idx.msk $0xffff, v13  }
0x338: {  	[tilespmem:v12+s18+$0x0] =	vst.idx.msk $0xffff, v57;
	v1 =	vld.idx.msk [tilespmem:v1+s1+$0x0], $0xffff  }
0x339: {  	v53 =	vor.u32 v2, v38;
	[tilespmem:v51+s18+$0x0] =	vst.idx.msk $0xffff, v8;
	v8 =	vld.idx.msk [tilespmem:v59+s1+$0x0], $0xffff  }
0x33a: {  	v54 =	vor.u32 v27, v46;
	v59 =	vor.u32 v27, v45;
	[tilespmem:v56+s18+$0x0] =	vst.idx.msk $0xffff, v11;
	v27 =	vld [tilespmem:$0x1FF90]  }
0x33b: {  	v13 =	vor.u32 v3, v39;
	v12 =	vor.u32 v18, v35;
	[tilespmem:v10+s18+$0x0] =	vst.idx.msk $0xffff, v0;
	v0 =	vld.idx.msk [tilespmem:v60+s1+$0x0], $0xffff  }
0x33c: {  	v57 =	vor.u32 v18, v36;
	v51 =	vor.u32 v23, v43;
	[tilespmem:v61+s18+$0x0] =	vst.idx.msk $0xffff, v9;
	v9 =	vld.idx.msk [tilespmem:v62+s1+$0x0], $0xffff  }
0x33d: {  	v58 =	vor.u32 v20, v32;
	v62 =	vld [tilespmem:$0x1FFA0]  }
0x33e: {  	v53 =	vld.idx.msk [tilespmem:v53+s1+$0x0], $0xffff;
	v11 =	vor.u32 v3, v37;
	v56 =	vor.u32 v2, v34;
	_ =	sdelay $0x1  }
0x33f: {  	[tilespmem:v13+s18+$0x0] =	vst.idx.msk $0xffff, v55;
	v12 =	vld.idx.msk [tilespmem:v12+s1+$0x0], $0xffff  }
0x340: {  	v10 =	vor.u32 v18, v38;
	v55 =	vld.idx.msk [tilespmem:v57+s1+$0x0], $0xffff;
	[tilespmem:v51+s18+$0x0] =	vst.idx.msk $0xffff, v1;
	v60 =	vor.u32 v27, v33  }
0x341: {  	v13 =	vor.u32 v24, v47;
	[tilespmem:v58+s18+$0x0] =	vst.idx.msk $0xffff, v8;
	v51 =	vld.idx.msk [tilespmem:v59+s1+$0x0], $0xffff;
	v52 =	vor.u32 v62, v52  }
0x342: {  	v61 =	vor.u32 v63, v48;
	v57 =	vor.u32 v5, v42;
	[tilespmem:v11+s18+$0x0] =	vst.idx.msk $0xffff, v53;
	v11 =	vld.idx.msk [tilespmem:v56+s1+$0x0], $0xffff  }
0x343: {  	v41 =	vor.u32 v24, v44;
	v56 =	vor.u32 v24, v43;
	v24 =	vld [tilespmem:$0x1FF40]  }
0x344: {  	v21 =	vld [tilespmem:$0x1FFE0];
	v1 =	vor.u32 v5, v39;
	v8 =	vor.u32 v6, v35  }
0x345: {  	v58 =	vor.u32 v6, v36;
	v59 =	vor.u32 v3, v32;
	v10 =	vld.idx.msk [tilespmem:v10+s1+$0x0], $0xffff;
	[tilespmem:v60+s18+$0x0] =	vst.idx.msk $0xffff, v0  }
0x346: {  	v50 =	vor.u32 v31, v46;
	v53 =	vor.u32 v63, v46;
	[tilespmem:v13+s18+$0x0] =	vst.idx.msk $0xffff, v9;
	v9 =	vld.idx.msk [tilespmem:v52+s1+$0x0], $0xffff  }
0x347: {  	v0 =	vor.u32 v5, v37;
	v60 =	vor.u32 v18, v34;
	[tilespmem:v57+s18+$0x0] =	vst.idx.msk $0xffff, v12;
	v12 =	vld.idx.msk [tilespmem:v61+s1+$0x0], $0xffff  }
0x348: {  	v13 =	vor.u32 v6, v38;
	v33 =	vor.u32 v24, v33;
	v52 =	vor.u32 v63, v45;
	v63 =	vld [tilespmem:$0x1FFD0]  }
0x349: {  	[tilespmem:v1+s18+$0x0] =	vst.idx.msk $0xffff, v55;
	v1 =	vld.idx.msk [tilespmem:v8+s1+$0x0], $0xffff;
	v8 =	vor.u32 v27, v47  }
0x34a: {  	[tilespmem:v59+s18+$0x0] =	vst.idx.msk $0xffff, v11;
	v57 =	vor.u32 v21, v42;
	v55 =	vld.idx.msk [tilespmem:v58+s1+$0x0], $0xffff  }
0x34b: {  	v49 =	vor.u32 v23, v44;
	[tilespmem:v56+s18+$0x0] =	vst.idx.msk $0xffff, v51;
	v58 =	vld.idx.msk [tilespmem:v50+s1+$0x0], $0xffff  }
0x34c: {  	v48 =	vor.u32 v62, v48;
	v56 =	vor.u32 v21, v39;
	[tilespmem:v0+s18+$0x0] =	vst.idx.msk $0xffff, v10;
	v0 =	vld.idx.msk [tilespmem:v60+s1+$0x0], $0xffff  }
0x34d: {  	v51 =	vor.u32 v62, v46;
	v10 =	vld.idx.msk [tilespmem:v13+s1+$0x0], $0xffff;
	v13 =	vor.u32 v5, v32;
	[tilespmem:v33+s18+$0x0] =	vst.idx.msk $0xffff, v9  }
0x34e: {  	v45 =	vor.u32 v62, v45;
	v62 =	vld [tilespmem:$0x1FF50];
	v61 =	vor.u32 v63, v36;
	[tilespmem:v8+s18+$0x0] =	vst.idx.msk $0xffff, v12  }
0x34f: {  	[tilespmem:v57+s18+$0x0] =	vst.idx.msk $0xffff, v1  }
0x350: {  	v8 =	vld.idx.msk [tilespmem:v52+s1+$0x0], $0xffff;
	[tilespmem:v49+s18+$0x0] =	vst.idx.msk $0xffff, v58  }
0x351: {  	v11 =	vor.u32 v63, v35;
	v1 =	vld.idx.msk [tilespmem:v48+s1+$0x0], $0xffff;
	[tilespmem:v56+s18+$0x0] =	vst.idx.msk $0xffff, v55  }
0x352: {  	v48 =	vor.u32 v24, v47;
	[tilespmem:v13+s18+$0x0] =	vst.idx.msk $0xffff, v0;
	v0 =	vld [tilespmem:$0x1FE50]  }
0x353: {  	v60 =	vor.u32 v62, v39;
	v52 =	vld.idx.msk [tilespmem:v61+s1+$0x0], $0xffff;
	_ =	sdelay $0x1  }
0x354: {  	v9 =	vor.u32 v21, v37;
	v33 =	vor.u32 v6, v34  }
0x355: {  	v46 =	vor.u32 v27, v43;
	v12 =	vor.u32 v63, v38;
	v11 =	vld.idx.msk [tilespmem:v11+s1+$0x0], $0xffff  }
0x356: {  	v40 =	vor.u32 v22, v42;
	v59 =	vor.u32 v62, v42;
	[tilespmem:v48+s18+$0x0] =	vst.idx.msk $0xffff, v1;
	v1 =	vld [tilespmem:$0x1FE50]  }
0x357: {  	p2 =	slt.u32 s28, $0x3C;
	v50 =	vor.u32 v27, v44;
	v0 =	vor.u32 v0, v35;
	[tilespmem:v60+s18+$0x0] =	vst.idx.msk $0xffff, v52;
	v52 =	vld [tilespmem:$0x1FE50]  }
.Ltmp6:
0x358: {  	v49 =	vor.u32 v24, v44;
	v57 =	vor.u32 v26, v42;
	v63 =	vor.u32 v63, v34;
	v44 =	vld.idx.msk [tilespmem:v54+s1+$0x0], $0xffff;
	(pc) =	sbr.rel @p2 .LBB2_9-.Ltmp6, $4  }
0x359: {  	v58 =	vor.u32 v25, v35;
	v56 =	vor.u32 v22, v32;
	[tilespmem:v9+s18+$0x0] =	vst.idx.msk $0xffff, v10;
	v61 =	vld.idx.msk [tilespmem:v33+s1+$0x0], $0xffff  }
0x35a: {  	v54 =	vor.u32 v24, v43;
	v10 =	vor.u32 v21, v32;
	v47 =	vld.idx.msk [tilespmem:v12+s1+$0x0], $0xffff;
	[tilespmem:v46+s18+$0x0] =	vst.idx.msk $0xffff, v8  }
0x35b: {  	s26 =	sadd.s32 $0x4, s28;
	v9 =	vor.u32 v62, v37;
	v33 =	vmov v42;
	v55 =	vld.idx.msk [tilespmem:v45+s1+$0x0], $0xffff;
	[tilespmem:v59+s18+$0x0] =	vst.idx.msk $0xffff, v11  }
0x35c: {  	s28 =	smov.u32 s26;
	v60 =	vor.u32 v62, v32;
	v8 =	vor.u32 v1, v38;
	v62 =	vld.idx.msk [tilespmem:v0+s1+$0x0], $0xffff;
	v59 =	vor.u32 v52, v34  }
0x35d: {  	_ =	sdelay $0x3  }
0x35e: {  	[tilespmem:v10+s18+$0x0] =	vst.idx.msk $0xffff, v61  }
0x35f: {  	v21 =	vld [tilespmem:$0x1FFF0];
	[tilespmem:v9+s18+$0x0] =	vst.idx.msk $0xffff, v47  }
0x360: {  	v0 =	vor.u32 v52, v36;
	v24 =	vld [tilespmem:$0x1FFB0];
	_ =	sdelay $0x3  }
0x361: {  	v1 =	vld.idx.msk [tilespmem:v63+s1+$0x0], $0xffff  }
0x362: {  	v0 =	vld.idx.msk [tilespmem:v0+s1+$0x0], $0xffff;
	v9 =	vor.u32 v24, v39  }
0x363: {  	v8 =	vld.idx.msk [tilespmem:v8+s1+$0x0], $0xffff;
	v11 =	vor.u32 v24, v37;
	_ =	sdelay $0x1  }
0x364: {  	[tilespmem:v40+s18+$0x0] =	vst.idx.msk $0xffff, v62  }
0x365: {  	[tilespmem:v60+s18+$0x0] =	vst.idx.msk $0xffff, v1  }
0x366: {  	[tilespmem:v9+s18+$0x0] =	vst.idx.msk $0xffff, v0  }
0x367: {  	v10 =	vor.u32 v21, v35;
	[tilespmem:v11+s18+$0x0] =	vst.idx.msk $0xffff, v8  }
0x368: {  	v1 =	vor.u32 v21, v36;
	v26 =	vld [tilespmem:$0x1FFC0]  }
0x369: {  	v13 =	vor.u32 v21, v38;
	v12 =	vld.idx.msk [tilespmem:v59+s1+$0x0], $0xffff  }
0x36a: {  	v42 =	vor.u32 v21, v34;
	_ =	sdelay $0x1  }
0x36b: {  	v10 =	vld.idx.msk [tilespmem:v10+s1+$0x0], $0xffff  }
0x36c: {  	v0 =	vld.idx.msk [tilespmem:v1+s1+$0x0], $0xffff;
	v1 =	vor.u32 v26, v39  }
0x36d: {  	v11 =	vor.u32 v25, v36;
	[tilespmem:v56+s18+$0x0] =	vst.idx.msk $0xffff, v12;
	v8 =	vld.idx.msk [tilespmem:v13+s1+$0x0], $0xffff;
	v9 =	vor.u32 v26, v37  }
0x36e: {  	v13 =	vor.u32 v25, v38;
	v12 =	vld.idx.msk [tilespmem:v42+s1+$0x0], $0xffff;
	v48 =	vor.u32 v26, v32;
	_ =	sdelay $0x1  }
0x36f: {  	[tilespmem:v57+s18+$0x0] =	vst.idx.msk $0xffff, v10  }
0x370: {  	v56 =	vor.u32 v25, v34;
	v10 =	vor.u32 v28, v33;
	v43 =	vld.idx.msk [tilespmem:v58+s1+$0x0], $0xffff;
	[tilespmem:v1+s18+$0x0] =	vst.idx.msk $0xffff, v0  }
0x371: {  	v0 =	vor.u32 v29, v35;
	[tilespmem:v9+s18+$0x0] =	vst.idx.msk $0xffff, v8;
	v8 =	vor.u32 v28, v39;
	v1 =	vld.idx.msk [tilespmem:v11+s1+$0x0], $0xffff  }
0x372: {  	[tilespmem:v48+s18+$0x0] =	vst.idx.msk $0xffff, v12;
	v12 =	vor.u32 v29, v36;
	v9 =	vld.idx.msk [tilespmem:v13+s1+$0x0], $0xffff;
	v11 =	vor.u32 v28, v37;
	_ =	sdelay $0x2  }
0x373: {  	v58 =	vor.u32 v28, v32;
	[tilespmem:v10+s18+$0x0] =	vst.idx.msk $0xffff, v43;
	v13 =	vor.u32 v29, v38;
	v40 =	vld.idx.msk [tilespmem:v56+s1+$0x0], $0xffff  }
0x374: {  	v45 =	vor.u32 v29, v34;
	v10 =	vor.u32 v30, v33;
	v0 =	vld.idx.msk [tilespmem:v0+s1+$0x0], $0xffff;
	[tilespmem:v8+s18+$0x0] =	vst.idx.msk $0xffff, v1  }
0x375: {  	v1 =	vor.u32 v31, v35;
	[tilespmem:v11+s18+$0x0] =	vst.idx.msk $0xffff, v9;
	v9 =	vor.u32 v30, v39;
	v8 =	vld.idx.msk [tilespmem:v12+s1+$0x0], $0xffff;
	_ =	sdelay $0x2  }
0x376: {  	[tilespmem:v58+s18+$0x0] =	vst.idx.msk $0xffff, v40;
	v11 =	vld.idx.msk [tilespmem:v13+s1+$0x0], $0xffff;
	v12 =	vor.u32 v30, v37  }
0x377: {  	v59 =	vor.u32 v30, v32;
	v40 =	vld.idx.msk [tilespmem:v45+s1+$0x0], $0xffff;
	[tilespmem:v10+s18+$0x0] =	vst.idx.msk $0xffff, v0  }
0x378: {  	v13 =	vor.u32 v31, v36;
	v0 =	vld.idx.msk [tilespmem:v1+s1+$0x0], $0xffff;
	v1 =	vor.u32 v23, v33;
	[tilespmem:v9+s18+$0x0] =	vst.idx.msk $0xffff, v8  }
0x379: {  	v27 =	vld [tilespmem:$0x1FF60];
	_ =	sdelay $0x1  }
0x37a: {  	v60 =	vor.u32 v31, v38;
	[tilespmem:v12+s18+$0x0] =	vst.idx.msk $0xffff, v11  }
0x37b: {  	v61 =	vor.u32 v31, v34;
	[tilespmem:v59+s18+$0x0] =	vst.idx.msk $0xffff, v40  }
0x37c: {  	v9 =	vld.idx.msk [tilespmem:v13+s1+$0x0], $0xffff;
	[tilespmem:v1+s18+$0x0] =	vst.idx.msk $0xffff, v0  }
0x37d: {  	v10 =	vor.u32 v23, v39;
	v47 =	vld [tilespmem:$0x1FF70];
	v8 =	vor.u32 v27, v35;
	_ =	sdelay $0x1  }
0x37e: {  	v13 =	vor.u32 v23, v37;
	v12 =	vld.idx.msk [tilespmem:v60+s1+$0x0], $0xffff  }
0x37f: {  	v62 =	vor.u32 v23, v32;
	v56 =	vld.idx.msk [tilespmem:v61+s1+$0x0], $0xffff;
	_ =	sdelay $0x1  }
0x380: {  	v11 =	vor.u32 v27, v36;
	[tilespmem:v10+s18+$0x0] =	vst.idx.msk $0xffff, v9;
	v1 =	vor.u32 v47, v33;
	v0 =	vld.idx.msk [tilespmem:v8+s1+$0x0], $0xffff  }
0x381: {  	v48 =	vld [tilespmem:$0x1FF80]  }
0x382: {  	[tilespmem:v13+s18+$0x0] =	vst.idx.msk $0xffff, v12  }
0x383: {  	v63 =	vor.u32 v27, v38;
	[tilespmem:v62+s18+$0x0] =	vst.idx.msk $0xffff, v56  }
0x384: {  	v57 =	vor.u32 v27, v34;
	[tilespmem:v41+s18+$0x0] =	vst.idx.msk $0xffff, v44  }
0x385: {  	v9 =	vld.idx.msk [tilespmem:v11+s1+$0x0], $0xffff;
	[tilespmem:v1+s18+$0x0] =	vst.idx.msk $0xffff, v0  }
0x386: {  	v10 =	vor.u32 v47, v39;
	v8 =	vor.u32 v48, v35;
	v45 =	vld [tilespmem:$0x1FF90];
	_ =	sdelay $0x1  }
0x387: {  	v13 =	vor.u32 v47, v37;
	v12 =	vld.idx.msk [tilespmem:v63+s1+$0x0], $0xffff  }
0x388: {  	v58 =	vor.u32 v47, v32;
	v43 =	vld.idx.msk [tilespmem:v57+s1+$0x0], $0xffff  }
0x389: {  	v44 =	vld.idx.msk [tilespmem:v53+s1+$0x0], $0xffff;
	v11 =	vor.u32 v48, v36  }
0x38a: {  	v0 =	vld.idx.msk [tilespmem:v8+s1+$0x0], $0xffff;
	[tilespmem:v10+s18+$0x0] =	vst.idx.msk $0xffff, v9;
	v1 =	vor.u32 v45, v33  }
0x38b: {  	v53 =	vld [tilespmem:$0x1FFA0]  }
0x38c: {  	v59 =	vor.u32 v48, v38;
	[tilespmem:v13+s18+$0x0] =	vst.idx.msk $0xffff, v12  }
0x38d: {  	v60 =	vor.u32 v48, v34;
	[tilespmem:v58+s18+$0x0] =	vst.idx.msk $0xffff, v43  }
0x38e: {  	v9 =	vld.idx.msk [tilespmem:v11+s1+$0x0], $0xffff;
	[tilespmem:v50+s18+$0x0] =	vst.idx.msk $0xffff, v44  }
0x38f: {  	v50 =	vld.idx.msk [tilespmem:v51+s1+$0x0], $0xffff;
	[tilespmem:v1+s18+$0x0] =	vst.idx.msk $0xffff, v0  }
0x390: {  	v10 =	vor.u32 v45, v39;
	v8 =	vor.u32 v53, v35;
	v51 =	vld [tilespmem:$0x1FF40]  }
0x391: {  	v12 =	vld.idx.msk [tilespmem:v59+s1+$0x0], $0xffff;
	v13 =	vor.u32 v45, v37;
	v11 =	vor.u32 v53, v36  }
0x392: {  	v63 =	vld.idx.msk [tilespmem:v60+s1+$0x0], $0xffff;
	v61 =	vor.u32 v45, v32;
	v62 =	vor.u32 v53, v38  }
0x393: {  	v46 =	vor.u32 v53, v34;
	_ =	sdelay $0x1  }
0x394: {  	v0 =	vld.idx.msk [tilespmem:v8+s1+$0x0], $0xffff;
	[tilespmem:v10+s18+$0x0] =	vst.idx.msk $0xffff, v9;
	v1 =	vor.u32 v51, v33  }
0x395: {  	[tilespmem:v13+s18+$0x0] =	vst.idx.msk $0xffff, v12;
	v8 =	vld.idx.msk [tilespmem:v11+s1+$0x0], $0xffff;
	v9 =	vor.u32 v51, v39  }
0x396: {  	[tilespmem:v61+s18+$0x0] =	vst.idx.msk $0xffff, v63;
	v11 =	vld.idx.msk [tilespmem:v62+s1+$0x0], $0xffff;
	v10 =	vor.u32 v51, v37  }
0x397: {  	[tilespmem:v54+s18+$0x0] =	vst.idx.msk $0xffff, v55;
	v13 =	vld.idx.msk [tilespmem:v46+s1+$0x0], $0xffff;
	v12 =	vor.u32 v51, v32  }
0x398: {  	[tilespmem:v49+s18+$0x0] =	vst.idx.msk $0xffff, v50  }
0x399: {  	[tilespmem:v1+s18+$0x0] =	vst.idx.msk $0xffff, v0  }
0x39a: {  	[tilespmem:v9+s18+$0x0] =	vst.idx.msk $0xffff, v8  }
0x39b: {  	[tilespmem:v10+s18+$0x0] =	vst.idx.msk $0xffff, v11  }
0x39c: {  	[tilespmem:v12+s18+$0x0] =	vst.idx.msk $0xffff, v13  }
0x39d: {  	[hbm4b:s10+s1] =	stream.linear.scatter [tilespmem:s18], [sflag:$0x3], $0x4000, $0x38;
	[tilespmem:$0x12000] =	vst v63  }
0x39e: {  	v14 =	vlaneseq.u32;
	v43 =	vmov v29;
	v58 =	vmov v30;
	_ =	swait.ge [sflag:s21], $0x4000  }
0x39f: {  	v29 =	vmovc v48;
	v30 =	vmovc v45;
	v36 =	vmov v3;
	v62 =	vmov v15;
	v15 =	vmov v17;
	v3 =	vld [tilespmem:$0x1FFD0]  }
0x3a0: {  	v17 =	vmovc v18;
	v18 =	vmovc v5;
	v5 =	vmov v31;
	v31 =	vmov v53;
	v11 =	vmov v6;
	[sflag:s21] =	ssyncset.done $0x0;
	v1 =	vld [tilespmem:$0x1FF50]  }
0x3a1: {  	v12 =	vmovc v25;
	v25 =	vmovc v21;
	v13 =	vmov v28;
	v28 =	vmov v47;
	v6 =	vmov v51;
	v21 =	vld [tilespmem:$0x1FFE0];
	[sflag:s21] =	ssyncadd.s32 $0xFFFFC000  }
.LBB2_11:
.Ltmp7:
0x3a2: {  	(pc) =	sbr.rel @p1 .LBB2_15-.Ltmp7, $1  }
0x3a3: {  	_ =	sdelay $0x3  }
0x3a4: {  	s0 =	simm.s32 $0x0  }
0x3a5: {  	v0 =	vadd.s32 s0, v14  }
0x3a6: {  	v40 =	vand.u32 $0x3F, v0  }
0x3a7: {  	v0 =	vshll.u32 v40, $0x7  }
0x3a8: {  	s9 =	simm.s32 $0x400;
	s23 =	simm.s32 $0x3;
	v1 =	vor.u32 v14, v0  }
0x3a9: {  	[tilespmem:s24], [sflag:$0x2] =	stream.strided.gather [hbm4b:s11+s9], $0x2000, s15, s9, $0x38;
	[tilespmem:$0x12000] =	vst v63  }
0x3aa: {  	v8 =	vadd.s32 s23, v14;
	_ =	swait.ge [sflag:s19], $0x2000  }
0x3ab: {  	v32 =	vand.u32 $0x3F, v8;
	[sflag:s19] =	ssyncset.done $0x0  }
0x3ac: {  	s26 =	simm.s32 $0x2;
	v38 =	vshll.u32 v32, $0x7;
	[sflag:s19] =	ssyncadd.s32 $0xFFFFE000  }
0x3ad: {  	s9 =	simm.s32 $0x1;
	v9 =	vadd.s32 s26, v14;
	v8 =	vor.u32 v62, v40;
	v10 =	vor.u32 v14, v38;
	v1 =	vld.idx.msk [tilespmem:v1+s24+$0x0], $0xffff  }
0x3ae: {  	v59 =	vmov v12;
	v12 =	vadd.s32 s9, v14;
	v33 =	vand.u32 $0x3F, v9  }
0x3af: {  	v63 =	vmovc v58;
	v58 =	vmovc v11;
	v35 =	vand.u32 $0x3F, v12;
	v37 =	vshll.u32 v33, $0x7;
	v11 =	vor.u32 v16, v0  }
0x3b0: {  	v22 =	vmov v36;
	v36 =	vshll.u32 v35, $0x7;
	v9 =	vor.u32 v14, v37  }
0x3b1: {  	s29 =	simm.s32 $0x4;
	v12 =	vor.u32 v14, v36  }
0x3b2: {  	[tilespmem:v8+s20+$0x0] =	vst.idx.msk $0xffff, v1;
	v1 =	vadd.s32 s29, v14;
	v8 =	vld.idx.msk [tilespmem:v10+s24+$0x0], $0xffff;
	v10 =	vor.u32 v62, v32  }
0x3b3: {  	v34 =	vand.u32 $0x3F, v1;
	v1 =	vor.u32 v16, v38  }
0x3b4: {  	v60 =	vmov v13;
	v13 =	vor.u32 v4, v40;
	v11 =	vld.idx.msk [tilespmem:v11+s24+$0x0], $0xffff;
	v39 =	vshll.u32 v34, $0x7  }
0x3b5: {  	v44 =	vor.u32 v62, v33;
	v9 =	vld.idx.msk [tilespmem:v9+s24+$0x0], $0xffff;
	v57 =	vor.u32 v14, v39  }
0x3b6: {  	v46 =	vor.u32 v62, v35;
	v47 =	vor.u32 v16, v37;
	v12 =	vld.idx.msk [tilespmem:v12+s24+$0x0], $0xffff  }
0x3b7: {  	v48 =	vor.u32 v16, v36;
	[tilespmem:v10+s20+$0x0] =	vst.idx.msk $0xffff, v8  }
0x3b8: {  	v8 =	vor.u32 v15, v0;
	v10 =	vor.u32 v4, v32;
	v1 =	vld.idx.msk [tilespmem:v1+s24+$0x0], $0xffff  }
0x3b9: {  	v42 =	vor.u32 v19, v40;
	[tilespmem:v13+s20+$0x0] =	vst.idx.msk $0xffff, v11;
	v11 =	vor.u32 v15, v38  }
0x3ba: {  	s30 =	simm.s32 $0x7;
	v55 =	vor.u32 v4, v33;
	[tilespmem:v44+s20+$0x0] =	vst.idx.msk $0xffff, v9;
	v54 =	vor.u32 v62, v34;
	v49 =	vld.idx.msk [tilespmem:v57+s24+$0x0], $0xffff  }
0x3bb: {  	v53 =	vor.u32 v4, v35;
	v9 =	vadd.s32 s30, v14;
	[tilespmem:v46+s20+$0x0] =	vst.idx.msk $0xffff, v12;
	v51 =	vld.idx.msk [tilespmem:v47+s24+$0x0], $0xffff  }
0x3bc: {  	v61 =	vmovc v43;
	s31 =	simm.s32 $0x6;
	v50 =	vor.u32 v15, v36;
	v43 =	vand.u32 $0x3F, v9;
	v47 =	vld.idx.msk [tilespmem:v48+s24+$0x0], $0xffff;
	v45 =	vor.u32 v16, v39  }
0x3bd: {  	v9 =	vadd.s32 s31, v14;
	v48 =	vor.u32 v15, v37;
	v44 =	vshll.u32 v43, $0x7;
	v52 =	vld.idx.msk [tilespmem:v8+s24+$0x0], $0xffff;
	[tilespmem:v10+s20+$0x0] =	vst.idx.msk $0xffff, v1  }
0x3be: {  	s28 =	simm.s32 $0x5;
	s26 =	simm.s32 $0x8;
	v46 =	vor.u32 v7, v0;
	v41 =	vor.u32 v4, v34;
	v8 =	vor.u32 v14, v44;
	v56 =	vld.idx.msk [tilespmem:v11+s24+$0x0], $0xffff  }
.LBB2_13:
0x3bf: {  	[tilespmem:v54+s20+$0x0] =	vst.idx.msk $0xffff, v49;
	v0 =	vadd.s32 s28, v14  }
0x3c0: {  	p2 =	slt.u32 s26, $0x3C;
	v1 =	vand.u32 $0x3F, v9;
	v9 =	vor.u32 v19, v32;
	v10 =	vmovc v39;
	v11 =	vmovc v32;
	v32 =	vmov v43  }
0x3c1: {  	v39 =	vor.u32 v7, v38;
	v12 =	vld.idx.msk [tilespmem:v45+s24+$0x0], $0xffff;
	v0 =	vand.u32 $0x3F, v0;
	v13 =	vshll.u32 v1, $0x7;
	[tilespmem:v55+s20+$0x0] =	vst.idx.msk $0xffff, v51  }
0x3c2: {  	v38 =	vmov v44;
	v43 =	vshll.u32 v0, $0x7;
	v45 =	vor.u32 v14, v13;
	[tilespmem:v53+s20+$0x0] =	vst.idx.msk $0xffff, v47;
	v47 =	vld.idx.msk [tilespmem:v48+s24+$0x0], $0xffff  }
0x3c3: {  	v44 =	vadd.s32 s26, v14;
	v48 =	vor.u32 v14, v43;
	v49 =	vld.idx.msk [tilespmem:v50+s24+$0x0], $0xffff;
	v50 =	vor.u32 v19, v33  }
0x3c4: {  	v51 =	vor.u32 v7, v37;
	v8 =	vld.idx.msk [tilespmem:v8+s24+$0x0], $0xffff;
	[tilespmem:v42+s20+$0x0] =	vst.idx.msk $0xffff, v52;
	v42 =	vor.u32 v19, v35  }
0x3c5: {  	v53 =	vor.u32 v7, v36;
	v52 =	vor.u32 v62, v32;
	v46 =	vld.idx.msk [tilespmem:v46+s24+$0x0], $0xffff;
	[tilespmem:v9+s20+$0x0] =	vst.idx.msk $0xffff, v56  }
0x3c6: {  	v40 =	vor.u32 v20, v40;
	v57 =	vand.u32 $0x3F, v44;
	v37 =	vmovc v13;
	v9 =	vor.u32 v16, v38;
	v44 =	vld.idx.msk [tilespmem:v39+s24+$0x0], $0xffff  }
0x3c7: {  	v11 =	vor.u32 v20, v11;
	v36 =	vmov v43;
	v39 =	vshll.u32 v57, $0x7;
	[tilespmem:v41+s20+$0x0] =	vst.idx.msk $0xffff, v12;
	v12 =	vld.idx.msk [tilespmem:v45+s24+$0x0], $0xffff  }
0x3c8: {  	v13 =	vor.u32 v14, v39;
	v45 =	vor.u32 v62, v1;
	v43 =	vld.idx.msk [tilespmem:v48+s24+$0x0], $0xffff;
	[tilespmem:v50+s20+$0x0] =	vst.idx.msk $0xffff, v47  }
0x3c9: {  	v47 =	vor.u32 v62, v0;
	v48 =	vor.u32 v16, v37;
	[tilespmem:v42+s20+$0x0] =	vst.idx.msk $0xffff, v49;
	v50 =	vld.idx.msk [tilespmem:v51+s24+$0x0], $0xffff  }
0x3ca: {  	v55 =	vor.u32 v16, v36;
	[tilespmem:v52+s20+$0x0] =	vst.idx.msk $0xffff, v8;
	v8 =	vld.idx.msk [tilespmem:v53+s24+$0x0], $0xffff;
	v52 =	vor.u32 v20, v33  }
0x3cb: {  	v42 =	vor.u32 v19, v34;
	v9 =	vld.idx.msk [tilespmem:v9+s24+$0x0], $0xffff;
	[tilespmem:v40+s20+$0x0] =	vst.idx.msk $0xffff, v46;
	v40 =	vor.u32 v20, v35  }
0x3cc: {  	v56 =	vor.u32 v4, v32;
	v33 =	vmov v1;
	v46 =	vor.u32 v15, v10;
	[tilespmem:v11+s20+$0x0] =	vst.idx.msk $0xffff, v44  }
0x3cd: {  	v41 =	vor.u32 v4, v57;
	v1 =	vor.u32 v15, v38;
	v49 =	vld.idx.msk [tilespmem:v13+s24+$0x0], $0xffff;
	[tilespmem:v45+s20+$0x0] =	vst.idx.msk $0xffff, v12  }
.Ltmp8:
0x3ce: {  	s0 =	sadd.s32 $0x3, s26;
	v54 =	vor.u32 v62, v57;
	v45 =	vor.u32 v16, v39;
	[tilespmem:v47+s20+$0x0] =	vst.idx.msk $0xffff, v43;
	v51 =	vld.idx.msk [tilespmem:v48+s24+$0x0], $0xffff;
	(pc) =	sbr.rel @p2 .LBB2_13-.Ltmp8, $4  }
0x3cf: {  	v35 =	vmov v0;
	v11 =	vadd.s32 s0, v14;
	v47 =	vld.idx.msk [tilespmem:v55+s24+$0x0], $0xffff;
	v55 =	vor.u32 v4, v33;
	[tilespmem:v52+s20+$0x0] =	vst.idx.msk $0xffff, v50  }
0x3d0: {  	v53 =	vor.u32 v4, v35;
	v43 =	vand.u32 $0x3F, v11;
	v48 =	vor.u32 v15, v37;
	[tilespmem:v40+s20+$0x0] =	vst.idx.msk $0xffff, v8  }
0x3d1: {  	s0 =	sadd.s32 $0x2, s26;
	v44 =	vshll.u32 v43, $0x7;
	v50 =	vor.u32 v15, v36;
	v40 =	vmov v34;
	v52 =	vld.idx.msk [tilespmem:v46+s24+$0x0], $0xffff;
	[tilespmem:v56+s20+$0x0] =	vst.idx.msk $0xffff, v9  }
0x3d2: {  	s28 =	sadd.s32 $0x1, s26;
	s26 =	sadd.s32 $0x4, s26;
	v8 =	vor.u32 v14, v44;
	v34 =	vmovc v57;
	v9 =	vadd.s32 s0, v14;
	v46 =	vor.u32 v7, v10;
	v56 =	vld.idx.msk [tilespmem:v1+s24+$0x0], $0xffff  }
0x3d3: {  	v0 =	vadd.s32 s28, v14;
	v1 =	vand.u32 $0x3F, v9  }
0x3d4: {  	v0 =	vand.u32 $0x3F, v0;
	v9 =	vshll.u32 v1, $0x7  }
0x3d5: {  	v10 =	vshll.u32 v0, $0x7;
	v11 =	vor.u32 v14, v9  }
0x3d6: {  	v12 =	vor.u32 v14, v10;
	_ =	sdelay $0x1  }
0x3d7: {  	v13 =	vor.u32 v19, v32  }
0x3d8: {  	[tilespmem:v54+s20+$0x0] =	vst.idx.msk $0xffff, v49;
	v8 =	vld.idx.msk [tilespmem:v8+s24+$0x0], $0xffff;
	v49 =	vor.u32 v62, v43  }
0x3d9: {  	[tilespmem:v55+s20+$0x0] =	vst.idx.msk $0xffff, v51;
	v51 =	vor.u32 v16, v44;
	v57 =	vor.u32 v62, v1;
	v11 =	vld.idx.msk [tilespmem:v11+s24+$0x0], $0xffff  }
0x3da: {  	[tilespmem:v53+s20+$0x0] =	vst.idx.msk $0xffff, v47;
	v47 =	vor.u32 v62, v0;
	v53 =	vor.u32 v16, v9;
	v12 =	vld.idx.msk [tilespmem:v12+s24+$0x0], $0xffff  }
0x3db: {  	[tilespmem:v42+s20+$0x0] =	vst.idx.msk $0xffff, v52;
	v42 =	vld.idx.msk [tilespmem:v45+s24+$0x0], $0xffff;
	v45 =	vor.u32 v16, v10  }
0x3dc: {  	[tilespmem:v13+s20+$0x0] =	vst.idx.msk $0xffff, v56;
	v13 =	vld.idx.msk [tilespmem:v48+s24+$0x0], $0xffff;
	v48 =	vor.u32 v19, v33  }
0x3dd: {  	[tilespmem:v49+s20+$0x0] =	vst.idx.msk $0xffff, v8;
	v8 =	vor.u32 v7, v38;
	v38 =	vld.idx.msk [tilespmem:v50+s24+$0x0], $0xffff;
	v49 =	vor.u32 v19, v35  }
0x3de: {  	v56 =	vld.idx.msk [tilespmem:v51+s24+$0x0], $0xffff;
	[tilespmem:v57+s20+$0x0] =	vst.idx.msk $0xffff, v11;
	v11 =	vor.u32 v15, v39;
	v57 =	vor.u32 v4, v43  }
0x3df: {  	v52 =	vor.u32 v4, v1;
	[tilespmem:v47+s20+$0x0] =	vst.idx.msk $0xffff, v12;
	v12 =	vor.u32 v15, v44;
	v47 =	vld.idx.msk [tilespmem:v53+s24+$0x0], $0xffff  }
0x3e0: {  	[tilespmem:v41+s20+$0x0] =	vst.idx.msk $0xffff, v42;
	v42 =	vor.u32 v4, v0;
	v53 =	vor.u32 v15, v9;
	v41 =	vld.idx.msk [tilespmem:v45+s24+$0x0], $0xffff  }
0x3e1: {  	v40 =	vor.u32 v20, v40;
	v54 =	vor.u32 v15, v10;
	[tilespmem:v48+s20+$0x0] =	vst.idx.msk $0xffff, v13;
	v13 =	vld.idx.msk [tilespmem:v46+s24+$0x0], $0xffff  }
0x3e2: {  	v55 =	vor.u32 v20, v32;
	v36 =	vor.u32 v7, v36;
	v8 =	vld.idx.msk [tilespmem:v8+s24+$0x0], $0xffff;
	[tilespmem:v49+s20+$0x0] =	vst.idx.msk $0xffff, v38  }
0x3e3: {  	v37 =	vor.u32 v7, v37;
	v38 =	vor.u32 v19, v34;
	v11 =	vld.idx.msk [tilespmem:v11+s24+$0x0], $0xffff;
	[tilespmem:v57+s20+$0x0] =	vst.idx.msk $0xffff, v56  }
0x3e4: {  	v56 =	vor.u32 v7, v39;
	v57 =	vor.u32 v19, v43;
	v12 =	vld.idx.msk [tilespmem:v12+s24+$0x0], $0xffff;
	[tilespmem:v52+s20+$0x0] =	vst.idx.msk $0xffff, v47  }
0x3e5: {  	v50 =	vor.u32 v7, v44;
	v52 =	vor.u32 v19, v1;
	[tilespmem:v42+s20+$0x0] =	vst.idx.msk $0xffff, v41;
	v51 =	vld.idx.msk [tilespmem:v53+s24+$0x0], $0xffff  }
0x3e6: {  	v9 =	vor.u32 v7, v9;
	[tilespmem:v40+s20+$0x0] =	vst.idx.msk $0xffff, v13;
	v53 =	vor.u32 v19, v0;
	v13 =	vld.idx.msk [tilespmem:v54+s24+$0x0], $0xffff  }
0x3e7: {  	[tilespmem:v55+s20+$0x0] =	vst.idx.msk $0xffff, v8;
	v8 =	vor.u32 v7, v10;
	v10 =	vld.idx.msk [tilespmem:v36+s24+$0x0], $0xffff;
	v55 =	vor.u32 v20, v35  }
0x3e8: {  	v37 =	vld.idx.msk [tilespmem:v37+s24+$0x0], $0xffff;
	v54 =	vor.u32 v20, v33;
	[tilespmem:v38+s20+$0x0] =	vst.idx.msk $0xffff, v11  }
0x3e9: {  	v11 =	vld.idx.msk [tilespmem:v56+s24+$0x0], $0xffff;
	[tilespmem:v57+s20+$0x0] =	vst.idx.msk $0xffff, v12;
	v12 =	vor.u32 v20, v34  }
0x3ea: {  	v57 =	vor.u32 v20, v43;
	v56 =	vld.idx.msk [tilespmem:v50+s24+$0x0], $0xffff;
	[tilespmem:v52+s20+$0x0] =	vst.idx.msk $0xffff, v51  }
0x3eb: {  	v1 =	vor.u32 v20, v1;
	[tilespmem:v53+s20+$0x0] =	vst.idx.msk $0xffff, v13;
	v9 =	vld.idx.msk [tilespmem:v9+s24+$0x0], $0xffff  }
0x3ec: {  	v0 =	vor.u32 v20, v0;
	[tilespmem:v55+s20+$0x0] =	vst.idx.msk $0xffff, v10;
	v8 =	vld.idx.msk [tilespmem:v8+s24+$0x0], $0xffff  }
0x3ed: {  	[tilespmem:v54+s20+$0x0] =	vst.idx.msk $0xffff, v37  }
0x3ee: {  	[tilespmem:v12+s20+$0x0] =	vst.idx.msk $0xffff, v11  }
0x3ef: {  	[tilespmem:v57+s20+$0x0] =	vst.idx.msk $0xffff, v56  }
0x3f0: {  	[tilespmem:v1+s20+$0x0] =	vst.idx.msk $0xffff, v9  }
.Ltmp9:
0x3f1: {  	[tilespmem:v0+s20+$0x0] =	vst.idx.msk $0xffff, v8;
	(pc) =	sbr.rel .LBB2_15-.Ltmp9, $4  }
0x3f2: {  	[hbm4b:s12+s1] =	stream.linear.scatter [tilespmem:s20], [sflag:$0x4], $0x1000, $0x38;
	[tilespmem:$0x12000] =	vst v63  }
0x3f3: {  	_ =	swait.ge [sflag:s22], $0x1000  }
0x3f4: {  	v36 =	vmov v22;
	[sflag:s22] =	ssyncset.done $0x0;
	v1 =	vld [tilespmem:$0x1FF50]  }
0x3f5: {  	v43 =	vmovc v61;
	v13 =	vmovc v60;
	v11 =	vmov v58;
	v12 =	vmov v59;
	v58 =	vmov v63;
	v52 =	vld [tilespmem:$0x1FE50];
	[sflag:s22] =	ssyncadd.s32 $0xFFFFF000  }
.LBB2_16:
0x3f6: {  	_ =	sfence.sel $0x180000  }
0x3f7: {  	[bflag:$0x0] =	sbarrier.arrive $0xFFFF  }
0x3f8: {  	_ =	strace $0x90000047  }
0x3f9: {  	[bflag:$0x2] =	sbarrier.arrive $0xFFFF  }
0x3fa: {  	s0 =	rddreg [dreg:$0x2]  }
0x3fb: {  	s0 =	sadd.s32 @!p0 $0x100000, s0  }
0x3fc: {  	[sflag:s0] =	ssyncadd.tile.s32 @!p0 $0x1;
	_ =	shalt  }
.Lfunc_end2:
_tile_overlayer_lowered:
.L_overlay_start_2:
0x3fd: {  	(tag) =	ssettag $0x2  }
0x3fe: {  	s0 =	rddreg [dreg:$0x0];
	s2 =	stileid.u32  }
0x3ff: {  	s1 =	rddreg [dreg:$0x1];
	p0 =	sne.s32 s2, $0x0  }
0x400: {  	s3 =	rddreg [dreg:$0x2];
	[bflag:$0x3] =	sbarrier.arrive $0xFFFF;
	s2 =	simm.s32 @!p0 $0x1C05  }
0x401: {  	[timem:s3], [sflag:s2] =	dma.local @!p0 [hbm:s0], s1  }
0x402: {  	s0 =	simm.s32 @!p0 $0x5  }
0x403: {  	_ =	swait.ge @!p0 [sflag:s0], s1  }
0x404: {  	s1 =	ssub.s32 @!p0 $0x0, s1;
	[sflag:s0] =	ssyncset.done @!p0 $0x0  }
0x405: {  	[sflag:s0] =	ssyncadd.s32 @!p0 s1  }
0x406: {  	[bflag:$0x3] =	sbarrier.arrive $0xFFFF  }
0x407: {  	_ =	shalt  }

// kernel: kernel.7.cloned.1.call-start
scs
__scs_entry_jumppad:
0x0: {  	(pc) =	sbr.rel $0x88, $3  }
0x1: {  	(tag) =	ssettag $0x0;
	lr =	simm.s32 $0x1  }
0x2: {  	[smem:$0x3F9D] =	sst lr;
	_ =	strace $0xD0000000  }
0x3: {  	_ = 	snop  }
0x4: {  	_ = 	snop  }
0x5: {  	_ = 	snop  }
0x6: {  	_ = 	snop  }
0x7: {  	_ = 	snop  }
__scs_overlays_trampoline_lowered:
0x8: {  	[smem:$0x3FAC] =	sst s0  }
0x9: {  	[smem:$0x3FAD] =	sst s1  }
0xa: {  	[smem:$0x3FAE] =	sst s2  }
0xb: {  	[smem:$0x3FAF] =	sst s3  }
0xc: {  	[smem:$0x3FB0] =	sst s4  }
0xd: {  	[smem:$0x3FB1] =	sst s5  }
0xe: {  	[smem:$0x3FB2] =	sst s6  }
0xf: {  	[smem:$0x3FB3] =	sst s7  }
0x10: {  	[smem:$0x3FB4] =	sst s8  }
0x11: {  	[smem:$0x3FB5] =	sst s9;
	s0 =	simm.s32 @!p0 $0x0  }
0x12: {  	s1 =	sld [smem:$0x3F9B];
	s0 =	simm.s32 @p0 $0x1  }
0x13: {  	[smem:$0x3FB6] =	sst s0;
	s0 =	simm.s32 @!p1 $0x0  }
0x14: {  	s2 =	sld [smem:$0x3F9A];
	s0 =	simm.s32 @p1 $0x1  }
0x15: {  	[smem:$0x3FB7] =	sst s0;
	s0 =	simm.s32 @!p2 $0x0  }
0x16: {  	s3 =	sld [smem:$0x3FDB];
	s0 =	simm.s32 @p2 $0x1  }
0x17: {  	s4 =	simm.s32 $0x1BF5;
	[smem:$0x3FB9] =	sst s0  }
0x18: {  	s0 =	sld [smem:$0x3F9C];
	_ =	swait.ge [sflag:s4], $0x0  }
0x19: {  	s7 =	sld [smem:$0x3F9D]  }
0x1a: {  	s8 =	sadd.s32 $0xFFFFE003, lr  }
0x1b: {  	s9 =	sadd.s32 $0xFFFFFEF7, lr;
	s5 =	simm.s32 $0xFFFFFFFF;
	p2 =	slt.u32 s8, $0xFFFFF086  }
0x1c: {  	p1 =	slt.u32 s9, $0xF7A;
	s5 =	simm.s32 @!p2 $0x0  }
0x1d: {  	s5 =	simm.s32 @p1 $0x1;
	p0 =	seq.s32 s7, s2  }
0x1e: {  	s7 =	smul.u32 @!p0 $0xF7A, s2;
	p2 =	seq.s32 @!p0 s5, $0x0  }
0x1f: {  	s9 =	smul.u32 $0xF7A, s1;
	s8 =	simm.s32 @!p0 $0x1BF5;
	p2 =	por !p2, p0  }
0x20: {  	[sflag:s8] =	ssyncset.s32 @!p0 $0xFFFFF086;
	s6 =	sadd.s32 @!p0 s3, s7;
	s7 =	simm.s32 @!p0 $0x108  }
0x21: {  	s3 =	sadd.s32 s3, s9;
	s6 =	sadd.s32 @!p0 $0x88, s6;
	s7 =	simm.s32 @p2 $0x1082  }
0x22: {  	[simem:s7], [sflag:s8] =	dma.local @!p0 [hbm:s6], $0xF7A  }
0x23: {  	s9 =	sor.u32 $0xD0000000, s2;
	s6 =	simm.s32 $0x108;
	_ =	swait.ge @!p0 [sflag:s8], $0x0  }
0x24: {  	s3 =	sadd.s32 $0x88, s3;
	s6 =	simm.s32 @!p1 $0x1082;
	[sflag:s4] =	ssyncset.s32 $0xFFFFF086  }
0x25: {  	[simem:s6], [sflag:s4] =	dma.local [hbm:s3], $0xF7A  }
0x26: {  	[smem:$0x3F9D] =	sst s1;
	(tag) =	ssettag s2;
	_ =	strace s9  }
0x27: {  	s1 =	sld [smem:$0x3FAD]  }
0x28: {  	s2 =	sld [smem:$0x3FAE]  }
0x29: {  	s4 =	sld [smem:$0x3FB0]  }
0x2a: {  	p0 =	seq.s32 s5, $0x0;
	s5 =	sld [smem:$0x3FB1]  }
0x2b: {  	s6 =	sld [smem:$0x3FB2]  }
0x2c: {  	s7 =	sld [smem:$0x3FB3]  }
0x2d: {  	s3 =	simm.s32 $0x108;
	s8 =	sld [smem:$0x3FB4]  }
0x2e: {  	s3 =	simm.s32 @!p0 $0x1082;
	s9 =	sld [smem:$0x3FB5]  }
0x2f: {  	lr =	sadd.s32 s0, s3;
	s0 =	sld [smem:$0x3FAC]  }
0x30: {  	s3 =	sld [smem:$0x3FAF]  }
0x31: {  	[smem:$0x3FB8] =	sst s10  }
0x32: {  	s10 =	sld [smem:$0x3FB6];
	_ =	sdelay $0x3  }
0x33: {  	p0 =	seq.s32 s10, $0x1;
	s10 =	sld [smem:$0x3FB8];
	_ =	sdelay $0x3  }
0x34: {  	[smem:$0x3FB8] =	sst s10  }
0x35: {  	s10 =	sld [smem:$0x3FB7];
	_ =	sdelay $0x3  }
0x36: {  	p1 =	seq.s32 s10, $0x1;
	s10 =	sld [smem:$0x3FB8];
	_ =	sdelay $0x3  }
0x37: {  	[smem:$0x3FB8] =	sst s10  }
0x38: {  	s10 =	sld [smem:$0x3FB9]  }
0x39: {  	_ = 	snop;
	(pc) =	sbr.ind lr, $3  }
0x3a: {  	_ = 	snop  }
0x3b: {  	_ = 	snop  }
0x3c: {  	p2 =	seq.s32 s10, $0x1;
	s10 =	sld [smem:$0x3FB8]  }
0x3d: {  	_ =	shalt  }
0x3e: {  	_ =	shalt  }
0x3f: {  	_ =	shalt  }
0x40: {  	_ =	shalt  }
0x41: {  	_ =	shalt  }
0x42: {  	_ =	shalt  }
0x43: {  	_ =	shalt  }
0x44: {  	_ =	shalt  }
0x45: {  	_ =	shalt  }
0x46: {  	_ =	shalt  }
0x47: {  	_ =	shalt  }
0x48: {  	_ =	shalt  }
0x49: {  	_ =	shalt  }
0x4a: {  	_ =	shalt  }
0x4b: {  	_ =	shalt  }
0x4c: {  	_ =	shalt  }
0x4d: {  	_ =	shalt  }
0x4e: {  	_ =	shalt  }
0x4f: {  	_ =	shalt  }
0x50: {  	_ =	shalt  }
0x51: {  	_ =	shalt  }
0x52: {  	_ =	shalt  }
0x53: {  	_ =	shalt  }
0x54: {  	_ =	shalt  }
0x55: {  	_ =	shalt  }
0x56: {  	_ =	shalt  }
0x57: {  	_ =	shalt  }
0x58: {  	_ =	shalt  }
0x59: {  	_ =	shalt  }
0x5a: {  	_ =	shalt  }
0x5b: {  	_ =	shalt  }
0x5c: {  	_ =	shalt  }
0x5d: {  	_ =	shalt  }
0x5e: {  	_ =	shalt  }
0x5f: {  	_ =	shalt  }
0x60: {  	_ =	shalt  }
0x61: {  	_ =	shalt  }
0x62: {  	_ =	shalt  }
0x63: {  	_ =	shalt  }
0x64: {  	_ =	shalt  }
0x65: {  	_ =	shalt  }
0x66: {  	_ =	shalt  }
0x67: {  	_ =	shalt  }
0x68: {  	_ =	shalt  }
0x69: {  	_ =	shalt  }
0x6a: {  	_ =	shalt  }
0x6b: {  	_ =	shalt  }
0x6c: {  	_ =	shalt  }
0x6d: {  	_ =	shalt  }
0x6e: {  	_ =	shalt  }
0x6f: {  	_ =	shalt  }
0x70: {  	_ =	shalt  }
0x71: {  	_ =	shalt  }
0x72: {  	_ =	shalt  }
0x73: {  	_ =	shalt  }
0x74: {  	_ =	shalt  }
0x75: {  	_ =	shalt  }
0x76: {  	_ =	shalt  }
0x77: {  	_ =	shalt  }
0x78: {  	_ =	shalt  }
0x79: {  	_ =	shalt  }
0x7a: {  	_ =	shalt  }
0x7b: {  	_ =	shalt  }
0x7c: {  	_ =	shalt  }
0x7d: {  	_ =	shalt  }
0x7e: {  	_ =	shalt  }
0x7f: {  	_ =	shalt  }
0x80: {  	_ =	shalt  }
0x81: {  	_ =	shalt  }
0x82: {  	_ =	shalt  }
0x83: {  	_ =	shalt  }
0x84: {  	_ =	shalt  }
0x85: {  	_ =	shalt  }
0x86: {  	_ =	shalt  }
0x87: {  	_ =	shalt  }
.Lfunc_end0:
.L_simem_size_0:
called_computation.1_lowered:
.L_overlay_start_0:
0x88: {  	s2 =	sld [smem:$0x3FD9]  }
0x89: {  	s3 =	sld [smem:$0x3FFE];
	_ =	sdelay $0x1  }
0x8a: {  	s1 =	srdreg.scid  }
0x8b: {  	s0 =	sand.u32 $0x1, s1  }
0x8c: {  	s17 =	sshll.u32 s0, $0xA;
	s2 =	sadd.s32 s3, s2  }
0x8d: {  	s2 =	sadd.s32 s2, s17  }
0x8e: {  	[smem:$0x3FC4] =	sst s2  }
0x8f: {  	_ = 	snop  }
0x90: {  	s2 =	sld [smem:$0x3FD0];
	(tm) =	ssettm $0x1  }
0x91: {  	s18 =	sld [smem:$0x3FFB];
	_ =	sdelay $0x3  }
0x92: {  	_ =	strace s18  }
0x93: {  	s3 =	sld [smem:$0x3FFC];
	_ =	sdelay $0x3  }
0x94: {  	_ =	strace s3  }
0x95: {  	s3 =	sld [smem:$0x3FFD];
	_ =	sdelay $0x3  }
0x96: {  	_ =	strace s3  }
0x97: {  	_ =	strace $0x8FFFFFFF  }
0x98: {  	s19 =	sld [smem:$0x3FDB];
	_ =	sdelay $0x1  }
0x99: {  	s4 =	simm.s32 $_scs_section_size  }
0x9a: {  	s5 =	simm.s32 $_size__tile_overlayer_lowered;
	s6 =	simm.s32 $_tile_overlayer_lowered  }
0x9b: {  	s22 =	simm.s32 $0x1BFF;
	s21 =	sshll.u32 s6, $0x1;
	s3 =	sadd.s32 s4, s19  }
0x9c: {  	s7 =	simm.s32 $0x0;
	s20 =	sshll.u32 s5, $0x1;
	s5 =	sadd.s32 s21, s3  }
0x9d: {  	[timem:s7], [sflag:s22] =	dma.local [hbm:s5], s20  }
0x9e: {  	_ =	swait.ge [sflag:s22], s20  }
0x9f: {  	s4 =	ssub.s32 $0x0, s20;
	[sflag:s22] =	ssyncset.done $0x0  }
0xa0: {  	[sflag:s22] =	ssyncadd.s32 s4;
	_ =	sdelay $0x1  }
0xa1: {  	s23 =	simm.s32 $0x1B8B  }
0xa2: {  	_ =	swait.ge [sflag:s23], $0x1  }
0xa3: {  	[sflag:s23] =	ssyncset.done $0x0  }
0xa4: {  	s25 =	simm.s32 $0x1B8E;
	s24 =	sld [smem:$0x3FFE];
	[sflag:s23] =	ssyncadd.s32 $0xFFFFFFFF  }
0xa5: {  	s26 =	simm.s32 $execute0_lowered;
	[smem:$0x3FD2] =	sst s25  }
0xa6: {  	s5 =	sshll.u32 s26, $0x1;
	_ =	strace $0x80000049;
	[dreg:$0x1] =	wrdreg $0xFFFFFFFF  }
0xa7: {  	s28 =	simm.s32 $_size_execute0_lowered;
	s3 =	sadd.s32 s3, s5;
	[dreg:$0x0] =	wrdreg $0x0  }
0xa8: {  	s5 =	sshll.u32 s28, $0x1;
	[dreg:$0x2] =	wrdreg s3  }
0xa9: {  	[dreg:$0x3] =	wrdreg s5  }
0xaa: {  	[dreg:$0x4] =	wrdreg $0xC0  }
0xab: {  	_ =	task [dreg:s7], $0x5FFFF  }
0xac: {  	[dreg:$0x1] =	wrdreg $0xFFFFFFFF  }
0xad: {  	[dreg:$0x0] =	wrdreg $0x60  }
0xae: {  	[dreg:$0x2] =	wrdreg s24  }
0xaf: {  	[dreg:$0x3] =	wrdreg s2  }
0xb0: {  	[dreg:$0x4] =	wrdreg $0x9  }
0xb1: {  	_ =	task.clear_ibuf [dreg:s7], $0x5FFFF;
	_ =	strace $0x90000049  }
0xb2: {  	s29 =	simm.s32 $0x9;
	_ =	strace $0x8000004B  }
0xb3: {  	_ =	swait.ge [sflag:s29], $0x1  }
0xb4: {  	[sflag:s29] =	ssyncadd.s32 $0xFFFFFFFF  }
0xb5: {  	_ =	strace $0x9000004B  }
0xb6: {  	_ =	sfence  }
0xb7: {  	s30 =	sld [smem:$0x0];
	_ =	sdelay $0x2  }
0xb8: {  	s31 =	sshll.u32 s1, $0xD;
	s1 =	sshrl.u32 s1, $0x2  }
0xb9: {  	s3 =	sand.u32 $0x4000, s31;
	s1 =	sadd.s32 s1, s30  }
0xba: {  	s0 =	sor.u32 s3, s0;
	s1 =	sshll.u32 s1, $0x11  }
0xbb: {  	s0 =	sor.u32 s1, s0  }
0xbc: {  	s0 =	sadd.s32 $0x8F2B, s0  }
0xbd: {  	[sflag:s0] =	ssyncadd.remote.s32 $0x1  }
0xbe: {  	_ =	sfence.sel $0xFFFF  }
0xbf: {  	[dreg:$0x0] =	wrdreg $0xFFFFFFFF;
	(pc) =	sbr.abs _section_cstart, $3  }
0xc0: {  	[dreg:$0x1] =	wrdreg $0xFFFFFFFF  }
0xc1: {  	_ =	task.clear_ibuf [dreg:s7], $0x2FFFF;
	_ =	strace $0x9FFFFFFF  }
0xc2: {  	(tm) =	ssettm $0x7FFFFFFF  }
0xc3: {  	_ =	shalt  }
tec
execute0_lowered:
.L_overlay_start_1:
0x0: {  	(tag) =	ssettag $0x1  }
0x1: {  	vm0 =	vcmask $0xB08  }
0x2: {  	vm1 =	vcmask $0x300;
	v0 =	vimm.s32 $0xEFCDAB89;
	v1 =	vimm.s32 $0x67452301  }
0x3: {  	v2 =	vimm.s32 $0xDCFE98BA;
	v3 =	vimm.s32 $0xBA98FEDC;
	v4 =	vimm.s32 $0x32107654  }
0x4: {  	vm2 =	vcmask $0x700;
	vm0 =	vmor vm1, vm0;
	vm1 =	vcmask $0x1310  }
0x5: {  	v0 =	vunpack.c.l.s4.s8 v0;
	v1 =	vunpack.c.l.s4.s8 v1;
	v3 =	vunpack.c.l.s4.s8 v3  }
0x6: {  	v4 =	vunpack.c.l.s4.s8 v4;
	vm0 =	vmor vm0, vm1;
	vm1 =	vcmask $0x1B18  }
0x7: {  	s0 =	srdreg.scid;
	vm0 =	vmor vm0, vm1;
	v0 =	vunpack.c.0.s8.s32 v0;
	v1 =	vunpack.c.0.s8.s32 v1  }
0x8: {  	s1 =	rddreg [dreg:$0x0];
	s2 =	stileid.u32;
	vm1 =	vcmask $0x2320;
	v3 =	vunpack.c.0.s8.s32 v3;
	v4 =	vunpack.c.0.s8.s32 v4  }
0x9: {  	s7 =	rddreg [dreg:$0x1];
	s10 =	simm.s32 $0x3;
	s11 =	simm.s32 $0x20;
	v0 =	vcombine.low v1, v0;
	v1 =	vunpack.c.l.s4.s8 v2;
	v2 =	vimm.s32 $0x54761032  }
0xa: {  	s12 =	simm.s32 $0x40;
	s14 =	simm.s32 $0x1;
	s15 =	simm.s32 $0x2840;
	vm0 =	vmor vm0, vm1;
	vm1 =	vcmask $0x2B28;
	v2 =	vunpack.c.l.s4.s8 v2  }
0xb: {  	s16 =	simm.s32 $0x80;
	s17 =	simm.s32 $0x3040;
	s18 =	simm.s32 $0xC0;
	vm3 =	vcmask $0xF00;
	vm0 =	vmor vm0, vm1;
	vm1 =	vcmask $0x3330  }
0xc: {  	s19 =	simm.s32 $0x5040;
	s20 =	simm.s32 $0x7040;
	s21 =	simm.s32 $0x9040;
	v3 =	vcombine.low v4, v3;
	v1 =	vunpack.c.0.s8.s32 v1;
	v2 =	vunpack.c.0.s8.s32 v2  }
0xd: {  	s22 =	simm.s32 $0x2;
	s23 =	simm.s32 $0xB040;
	s24 =	simm.s32 $0x0;
	v4 =	vimm.s32 $0x76543210;
	vm0 =	vmor vm0, vm1;
	vm1 =	vcmask $0x3B38  }
0xe: {  	s0 =	sand.u32 $0x1, s0;
	s3 =	sshll.u32 s2, $0x6;
	s2 =	simm.s32 $0x0;
	v4 =	vunpack.c.l.s4.s8 v4;
	v1 =	vcombine.low v2, v1;
	v2 =	vimm.s32 $0xFEDCBA98  }
0xf: {  	s4 =	sshll.u32 s0, $0x5;
	[smem:$0x7FF] =	sst s2;
	s0 =	ssub.s32 $0x2, s0;
	vm0 =	vmor vm0, vm1;
	vm1 =	vcmask $0x1710;
	v2 =	vunpack.c.l.s4.s8 v2  }
0x10: {  	s5 =	sor.u32 s4, s3;
	_ =	strace $0x8000004A;
	s4 =	sadd.s32 $0x7A2200, s1;
	v0 =	vand.u32 $0xF, v0;
	vm1 =	vmor vm2, vm1;
	vm2 =	vcmask $0x2720  }
0x11: {  	s9 =	sshrl.u32 s0, $0x1;
	s3 =	sshrl.u32 s5, $0x3;
	s8 =	sshll.u32 s5, $0x5;
	vm1 =	vmor vm1, vm2;
	vm2 =	vcmask $0x3730;
	v2 =	vunpack.c.0.s8.s32 v2  }
0x12: {  	s0 =	ssub.s32 s0, s9;
	s6 =	sadd.s32 s3, s1;
	s3 =	sadd.s32 $0x1000, s1;
	v4 =	vunpack.c.0.s8.s32 v4;
	vm1 =	vmor vm1, vm2;
	vm2 =	vcmask $0x2F20  }
0x13: {  	s1 =	sadd.s32 s8, s1;
	s7 =	sadd.s32 s7, s8;
	s5 =	sadd.s32 $0x7A4400, s6;
	vm2 =	vmor vm3, vm2;
	vm3 =	vmmov $0xff;
	v5 =	vand.u32 $0xF, v2  }
0x14: {  	s9 =	smax.u32 s0, $0x1;
	s6 =	sadd.s32 $0x7A4200, s6;
	s8 =	sadd.s32 $0x7A4600, s1;
	v1 =	vand.u32 $0xF, v1;
	v2 =	vand.u32 $0xF, v3;
	v3 =	vcombine.low v5, v4  }
.LBB2_1:
0x15: {  	[tilespmem:s2], [sflag:$0x3] =	stream.linear.gather [hbm4b:s5+s2], $0x20, $0x38;
	[tilespmem:$0xD040] =	vst v63  }
0x16: {  	_ =	swait.ge [sflag:s10], $0x20  }
0x17: {  	[sflag:s10] =	ssyncset.done $0x0  }
0x18: {  	[sflag:s10] =	ssyncadd.s32 $0xFFFFFFE0  }
0x19: {  	[tilespmem:s11], [sflag:$0x3] =	stream.linear.gather [hbm4b:s6+s2], $0x20, $0x38;
	[tilespmem:$0xD040] =	vst v63  }
0x1a: {  	_ =	swait.ge [sflag:s10], $0x20  }
0x1b: {  	[sflag:s10] =	ssyncset.done $0x0  }
0x1c: {  	[sflag:s10] =	ssyncadd.s32 $0xFFFFFFE0  }
0x1d: {  	[tilespmem:s12], [sflag:$0x3] =	stream.linear.gather [hbm4b:s7+s2], $0x2000, $0x38;
	[tilespmem:$0xD040] =	vst v63  }
0x1e: {  	_ =	swait.ge [sflag:s10], $0x2000  }
0x1f: {  	[sflag:s10] =	ssyncset.done $0x0  }
0x20: {  	s0 =	simm.s32 $0x2040;
	[sflag:s10] =	ssyncadd.s32 $0xFFFFE000  }
0x21: {  	[tilespmem:s0], [sflag:$0x1] =	stream.indirect.gather [hbm4b:s3+s11], $0x40, s2, s11, $0xb8;
	[tilespmem:$0xD040] =	vst v63  }
0x22: {  	_ =	swait.ge [sflag:s14], $0x800  }
0x23: {  	[sflag:s14] =	ssyncset.done $0x0  }
0x24: {  	[sflag:s14] =	ssyncadd.s32 $0xFFFFF800  }
0x25: {  	[tilespmem:s15], [sflag:$0x1] =	stream.indirect.gather [hbm4b:s4+s11], $0x40, s11, s11, $0xb8;
	[tilespmem:$0xD040] =	vst v63  }
0x26: {  	_ =	swait.ge [sflag:s14], $0x800  }
0x27: {  	[sflag:s14] =	ssyncset.done $0x0  }
0x28: {  	s0 =	simm.s32 $0x0;
	[sflag:s14] =	ssyncadd.s32 $0xFFFFF800  }
0x29: {  	v9 =	vld [tilespmem:s0+$0x2040]  }
0x2a: {  	v10 =	vld [tilespmem:s0+$0x2050]  }
0x2b: {  	v5 =	vld [tilespmem:s0+$0x2060]  }
0x2c: {  	v4 =	vld [tilespmem:s0+$0x2070]  }
0x2d: {  	v6 =	vld [tilespmem:s0+$0x2840]  }
0x2e: {  	v8 =	vld [tilespmem:s0+$0x2850]  }
0x2f: {  	s1 =	simm.s32 $0x100;
	v7 =	vld [tilespmem:s0+$0x2860]  }
.LBB2_2:
0x30: {  	s13 =	sshra.s32 s1, $0x2;
	p0 =	sne.s32 s1, $0x1F00;
	v11 =	vld [tilespmem:s0+$0x2870];
	v12 =	vmov v5  }
0x31: {  	v13 =	vld [tilespmem:s13+$0x2040];
	v14 =	vmov v4  }
0x32: {  	v15 =	vld [tilespmem:s13+$0x2050];
	v6 =	vmul.f32 v6, v9  }
.Ltmp0:
0x33: {  	v5 =	vld [tilespmem:s13+$0x2060];
	v8 =	vmul.f32 v8, v10;
	(pc) =	sbr.rel @p0 .LBB2_2-.Ltmp0, $4  }
0x34: {  	v4 =	vld [tilespmem:s13+$0x2070];
	[tilespmem:s0+$0x2840] =	vst v6;
	v7 =	vmul.f32 v7, v12  }
0x35: {  	v6 =	vld [tilespmem:s13+$0x2840];
	[tilespmem:s0+$0x2850] =	vst v8;
	v11 =	vmul.f32 v11, v14  }
0x36: {  	v8 =	vld [tilespmem:s13+$0x2850];
	[tilespmem:s0+$0x2860] =	vst v7;
	v9 =	vmov v13  }
0x37: {  	s1 =	sadd.s32 $0x100, s1;
	v7 =	vld [tilespmem:s13+$0x2860];
	[tilespmem:s0+$0x2870] =	vst v11;
	v10 =	vmov v15;
	s0 =	smov.u32 s13  }
0x38: {  	v11 =	vld [tilespmem:s0+$0x2870];
	_ =	sdelay $0x1  }
0x39: {  	v6 =	vmul.f32 v6, v9  }
0x3a: {  	v8 =	vmul.f32 v8, v10  }
0x3b: {  	[tilespmem:s0+$0x2840] =	vst v6;
	v5 =	vmul.f32 v7, v5  }
0x3c: {  	[tilespmem:s0+$0x2850] =	vst v8;
	v4 =	vmul.f32 v11, v4  }
0x3d: {  	[tilespmem:s0+$0x2860] =	vst v5  }
0x3e: {  	[tilespmem:s0+$0x2870] =	vst v4  }
0x3f: {  	[tilespmem:s17], [sflag:$0x1] =	stream.indirect.gather [hbm4b:s3+s16], $0x40, s12, s16, $0xb8;
	[tilespmem:$0xD040] =	vst v63  }
0x40: {  	s25 =	simm.s32 $0x0;
	s13 =	simm.s32 $0xB050;
	s28 =	simm.s32 $0xB150  }
0x41: {  	[tilespmem:s19], [sflag:$0x1] =	stream.indirect.gather [hbm4b:s3+s16], $0x40, s18, s16, $0xb8;
	[tilespmem:$0xD040] =	vst v63  }
.LBB2_4:
0x42: {  	s0 =	sshll.u32 s25, $0x9  }
0x43: {  	s1 =	sor.u32 $0x140, s0  }
0x44: {  	[tilespmem:s20], [sflag:$0x2] =	stream.indirect.gather [hbm4b:s3+s16], $0x40, s1, s16, $0xb8;
	[tilespmem:$0xD040] =	vst v63  }
0x45: {  	s26 =	sor.u32 $0x1C0, s0  }
0x46: {  	[tilespmem:s21], [sflag:$0x2] =	stream.indirect.gather [hbm4b:s3+s16], $0x40, s26, s16, $0xb8;
	[tilespmem:$0xD040] =	vst v63  }
0x47: {  	_ =	swait.ge [sflag:s14], $0x2000  }
0x48: {  	[sflag:s14] =	ssyncset.done $0x0  }
0x49: {  	[sflag:s14] =	ssyncadd.s32 $0xFFFFE000  }
0x4a: {  	_ =	swait.ge [sflag:s14], $0x2000  }
0x4b: {  	[sflag:s14] =	ssyncset.done $0x0  }
0x4c: {  	s26 =	sshra.s32 s0, $0x2;
	[sflag:s14] =	ssyncadd.s32 $0xFFFFE000  }
0x4d: {  	v5 =	vld [tilespmem:s26+$0x2840]  }
0x4e: {  	v6 =	vld [tilespmem:s26+$0x2850]  }
0x4f: {  	v7 =	vld [tilespmem:s26+$0x2860]  }
0x50: {  	v4 =	vld [tilespmem:s26+$0x2870];
	s26 =	simm.s32 $0x3440  }
0x51: {  	v8 =	vld [tilespmem:s26+$0x30]  }
0x52: {  	v9 =	vld [tilespmem:s26+$0x70]  }
0x53: {  	v10 =	vld [tilespmem:s26+$0xB0]  }
0x54: {  	v11 =	vld [tilespmem:s26+$0xF0]  }
0x55: {  	v12 =	vld [tilespmem:s26+$0x130]  }
0x56: {  	v13 =	vld [tilespmem:s26+$0x170]  }
0x57: {  	v14 =	vld [tilespmem:s26+$0x1B0]  }
0x58: {  	v15 =	vld [tilespmem:s26+$0x1F0]  }
0x59: {  	v16 =	vld [tilespmem:s26+$0x20]  }
0x5a: {  	v17 =	vld [tilespmem:s26+$0x60]  }
0x5b: {  	v18 =	vld [tilespmem:s26+$0xA0]  }
0x5c: {  	v19 =	vld [tilespmem:s26+$0xE0]  }
0x5d: {  	v20 =	vld [tilespmem:s26+$0x120]  }
0x5e: {  	v21 =	vld [tilespmem:s26+$0x160]  }
0x5f: {  	v22 =	vld [tilespmem:s26+$0x1A0]  }
0x60: {  	v23 =	vld [tilespmem:s26+$0x1E0]  }
0x61: {  	v24 =	vld [tilespmem:s26+$0x0]  }
0x62: {  	v25 =	vld [tilespmem:s26+$0x10]  }
0x63: {  	v26 =	vld [tilespmem:s26+$0x40]  }
0x64: {  	v27 =	vld [tilespmem:s26+$0x50]  }
0x65: {  	v28 =	vld [tilespmem:s26+$0x80]  }
0x66: {  	v29 =	vld [tilespmem:s26+$0x90]  }
0x67: {  	v30 =	vld [tilespmem:s26+$0xC0]  }
0x68: {  	v31 =	vld [tilespmem:s26+$0xD0]  }
0x69: {  	v32 =	vld [tilespmem:s26+$0x100]  }
0x6a: {  	v33 =	vld [tilespmem:s26+$0x110]  }
0x6b: {  	v34 =	vld [tilespmem:s26+$0x140]  }
0x6c: {  	v35 =	vld [tilespmem:s26+$0x150]  }
0x6d: {  	v36 =	vld [tilespmem:s26+$0x180]  }
0x6e: {  	v39 =	vld [tilespmem:s26+$0x190]  }
0x6f: {  	v40 =	vld [tilespmem:s26+$0x1C0]  }
0x70: {  	v41 =	vld [tilespmem:s26+$0x1D0];
	v37 =	vmul.f32 v8, v4  }
0x71: {  	v42 =	vld [tilespmem:s26+$0x240];
	v38 =	vmul.f32 v9, v4;
	v10 =	vmul.f32 v10, v4  }
0x72: {  	v43 =	vld [tilespmem:s26+$0x250];
	v11 =	vmul.f32 v11, v4;
	v12 =	vmul.f32 v12, v4  }
0x73: {  	v44 =	vld [tilespmem:s26+$0x280];
	v13 =	vmul.f32 v13, v4;
	v8 =	vmul.f32 v14, v4  }
0x74: {  	v45 =	vld [tilespmem:s26+$0x290];
	v9 =	vmul.f32 v15, v4;
	v15 =	vmul.f32 v16, v7  }
0x75: {  	v46 =	vld [tilespmem:s26+$0x2C0];
	v16 =	vmul.f32 v17, v7;
	v18 =	vmul.f32 v18, v7  }
0x76: {  	v47 =	vld [tilespmem:s26+$0x2D0];
	v19 =	vmul.f32 v19, v7;
	v20 =	vmul.f32 v20, v7  }
0x77: {  	v48 =	vld [tilespmem:s26+$0x300];
	v21 =	vmul.f32 v21, v7;
	v24 =	vmul.f32 v24, v5  }
0x78: {  	v49 =	vld [tilespmem:s26+$0x310];
	v25 =	vmul.f32 v25, v6;
	v26 =	vmul.f32 v26, v5  }
0x79: {  	v50 =	vld [tilespmem:s26+$0x340];
	v27 =	vmul.f32 v27, v6;
	v28 =	vmul.f32 v28, v5  }
0x7a: {  	v51 =	vld [tilespmem:s26+$0x350];
	v29 =	vmul.f32 v29, v6;
	v30 =	vmul.f32 v30, v5  }
0x7b: {  	v52 =	vld [tilespmem:s26+$0x380];
	v31 =	vmul.f32 v31, v6;
	v32 =	vmul.f32 v32, v5  }
0x7c: {  	v53 =	vld [tilespmem:s26+$0x390];
	v33 =	vmul.f32 v33, v6;
	v34 =	vmul.f32 v34, v5  }
0x7d: {  	v54 =	vld [tilespmem:s26+$0x3C0];
	v35 =	vmul.f32 v35, v6;
	v36 =	vmul.f32 v36, v5  }
0x7e: {  	v59 =	vld [tilespmem:s26+$0x2E0];
	v39 =	vmul.f32 v39, v6;
	v40 =	vmul.f32 v40, v5  }
0x7f: {  	v62 =	vld [tilespmem:s26+$0x320];
	v41 =	vmul.f32 v41, v6;
	v44 =	vmul.f32 v44, v5  }
0x80: {  	v56 =	vld [tilespmem:s26+$0x3E0];
	v45 =	vmul.f32 v45, v6;
	v46 =	vmul.f32 v46, v5  }
0x81: {  	v57 =	vld [tilespmem:s26+$0x230];
	v47 =	vmul.f32 v47, v6;
	v48 =	vmul.f32 v48, v5  }
0x82: {  	v14 =	vld [tilespmem:s26+$0x200];
	v49 =	vmul.f32 v49, v6;
	v50 =	vmul.f32 v50, v5;
	v24 =	vadd.f32 v25, v24  }
0x83: {  	v17 =	vld [tilespmem:s26+$0x210];
	v58 =	vmul.f32 v52, v5;
	v26 =	vadd.f32 v27, v26;
	v28 =	vadd.f32 v29, v28  }
0x84: {  	v61 =	vmul.f32 v53, v6;
	v52 =	vld [tilespmem:s26+$0x360];
	v30 =	vadd.f32 v31, v30;
	v32 =	vadd.f32 v33, v32  }
0x85: {  	v63 =	vmul.f32 v54, v5;
	v54 =	vld [tilespmem:s26+$0x3A0];
	v33 =	vadd.f32 v35, v34;
	v36 =	vadd.f32 v39, v36  }
0x86: {  	v25 =	vld [tilespmem:s26+$0x3D0];
	v31 =	vmul.f32 v51, v6;
	v60 =	vadd.f32 v41, v40;
	v44 =	vadd.f32 v45, v44  }
0x87: {  	v22 =	vmul.f32 v22, v7;
	v27 =	vld [tilespmem:s26+$0x220];
	v53 =	vadd.f32 v47, v46;
	v55 =	vadd.f32 v49, v48  }
0x88: {  	v23 =	vmul.f32 v23, v7;
	v29 =	vld [tilespmem:s26+$0x260];
	v34 =	vadd.f32 v61, v58;
	v31 =	vadd.f32 v31, v50  }
0x89: {  	v42 =	vmul.f32 v42, v5;
	v51 =	vld [tilespmem:s26+$0x2A0];
	v15 =	vadd.f32 v15, v24;
	v16 =	vadd.f32 v16, v26  }
0x8a: {  	v58 =	vmul.f32 v62, v7;
	v61 =	vld [tilespmem:s26+$0x330];
	v18 =	vadd.f32 v18, v28;
	v19 =	vadd.f32 v19, v30  }
0x8b: {  	v45 =	vld [tilespmem:s26+$0xFFFFFC40];
	v28 =	vmul.f32 v59, v7;
	v20 =	vadd.f32 v20, v32;
	v21 =	vadd.f32 v21, v33  }
0x8c: {  	v43 =	vmul.f32 v43, v6;
	v46 =	vld [tilespmem:s26+$0xFFFFFCC0];
	v22 =	vadd.f32 v22, v36;
	v23 =	vadd.f32 v23, v60  }
0x8d: {  	v62 =	vmul.f32 v56, v7;
	v56 =	vld [tilespmem:s26+$0xFFFFFE80];
	v32 =	vadd.f32 v58, v55;
	v28 =	vadd.f32 v28, v53  }
0x8e: {  	v40 =	vmul.f32 v57, v4;
	v26 =	vld [tilespmem:s26+$0x270];
	v15 =	vadd.f32 v37, v15;
	v16 =	vadd.f32 v38, v16  }
0x8f: {  	v30 =	vld [tilespmem:s26+$0x2B0];
	v14 =	vmul.f32 v14, v5;
	v10 =	vadd.f32 v10, v18;
	v11 =	vadd.f32 v11, v19  }
0x90: {  	v59 =	vld [tilespmem:s26+$0x2F0];
	v17 =	vmul.f32 v17, v6;
	v12 =	vadd.f32 v12, v20;
	v13 =	vadd.f32 v13, v21  }
0x91: {  	v50 =	vld [tilespmem:s26+$0xFFFFFD40];
	v60 =	vmul.f32 v52, v7;
	v22 =	vadd.f32 v8, v22;
	v9 =	vadd.f32 v9, v23  }
0x92: {  	v58 =	vld [tilespmem:s26+$0xFFFFFEC0];
	v14 =	vadd.f32 v17, v14;
	v25 =	vmul.f32 v25, v6;
	v27 =	vmul.f32 v27, v7  }
0x93: {  	v19 =	vld [tilespmem:s26+$0xFFFFFC50];
	v17 =	vadd.f32 v43, v42;
	v29 =	vmul.f32 v29, v7;
	v24 =	vmul.f32 v51, v7  }
0x94: {  	v21 =	vld [tilespmem:s26+$0xFFFFFC80];
	v31 =	vadd.f32 v60, v31;
	v20 =	vmul.f32 v61, v4;
	v33 =	vmul.f32 v46, v5  }
0x95: {  	v43 =	vld [tilespmem:s26+$0x3F0];
	v47 =	vsel vm0, v10, v11;
	v48 =	vsel vm0, v12, v13;
	v49 =	vsel vm0, v22, v9  }
0x96: {  	v61 =	vld [tilespmem:s26+$0xFFFFFF50];
	v10 =	vsel vm0, v11, v10;
	v11 =	vsel vm0, v13, v12;
	v25 =	vadd.f32 v25, v63  }
0x97: {  	v46 =	vld [tilespmem:s26+$0xFFFFFC00];
	v9 =	vsel vm0, v9, v22;
	v14 =	vadd.f32 v27, v14;
	v17 =	vadd.f32 v29, v17  }
0x98: {  	v12 =	vld [tilespmem:s26+$0xFFFFFD80];
	v27 =	vmul.f32 v54, v7;
	v24 =	vadd.f32 v24, v44;
	v26 =	vmul.f32 v26, v4  }
0x99: {  	v22 =	vld [tilespmem:s26+$0xFFFFFDD0];
	v30 =	vmul.f32 v30, v4;
	v18 =	vmul.f32 v59, v4;
	v20 =	vadd.f32 v20, v32  }
0x9a: {  	v29 =	vld [tilespmem:s26+$0x370];
	v10 =	vperm.xlane v10, v0;
	v27 =	vadd.f32 v27, v34;
	v25 =	vadd.f32 v62, v25  }
0x9b: {  	v63 =	vld [tilespmem:s26+$0x3B0];
	v9 =	vperm.xlane v9, v0;
	v14 =	vadd.f32 v40, v14;
	v17 =	vadd.f32 v26, v17  }
0x9c: {  	v44 =	vld [tilespmem:s26+$0xFFFFFC10];
	v11 =	vperm.xlane v11, v0;
	v24 =	vadd.f32 v30, v24;
	v18 =	vadd.f32 v18, v28  }
0x9d: {  	v54 =	vld [tilespmem:s26+$0xFFFFFD50];
	v10 =	vadd.f32 v10, v47;
	v9 =	vadd.f32 v9, v49;
	v49 =	vmul.f32 v56, v5  }
0x9e: {  	v59 =	vld [tilespmem:s26+$0xFFFFFED0];
	v11 =	vadd.f32 v11, v48;
	v28 =	vmul.f32 v43, v4;
	v40 =	vmul.f32 v46, v5  }
0x9f: {  	v30 =	vld [tilespmem:s26+$0xFFFFFCD0];
	v39 =	vmul.f32 v61, v6;
	v51 =	vsel vm0, v14, v17;
	v52 =	vsel vm0, v24, v18  }
0xa0: {  	v48 =	vld [tilespmem:s26+$0xFFFFFC20];
	v13 =	vsel vm0, v17, v14;
	v14 =	vsel vm0, v18, v24;
	v12 =	vmul.f32 v12, v5  }
0xa1: {  	v18 =	vld [tilespmem:s26+$0xFFFFFDC0];
	v55 =	vsel vm1, v11, v9;
	v22 =	vmul.f32 v22, v6;
	v23 =	vmul.f32 v29, v4  }
0xa2: {  	v24 =	vld [tilespmem:s26+$0xFFFFFE10];
	v9 =	vsel vm1, v9, v11;
	v26 =	vmul.f32 v63, v4;
	v8 =	vmul.f32 v44, v6  }
0xa3: {  	v29 =	vld [tilespmem:s26+$0xFFFFFC90];
	v25 =	vadd.f32 v28, v25;
	v13 =	vperm.xlane v13, v0;
	v14 =	vperm.xlane v14, v0  }
0xa4: {  	v28 =	vld [tilespmem:s26+$0xFFFFFD10];
	v9 =	vperm.xlane v9, v1;
	v44 =	vmul.f32 v54, v6;
	v23 =	vadd.f32 v23, v31  }
0xa5: {  	v63 =	vld [tilespmem:s26+$0xFFFFFF80];
	v26 =	vadd.f32 v26, v27;
	v27 =	vsel vm0, v15, v16;
	v13 =	vadd.f32 v13, v51  }
0xa6: {  	v54 =	vld [tilespmem:s26+$0xFFFFFE60];
	v15 =	vsel vm0, v16, v15;
	v14 =	vadd.f32 v14, v52;
	v9 =	vadd.f32 v9, v55  }
0xa7: {  	v31 =	vld [tilespmem:s26+$0xFFFFFD00];
	v8 =	vadd.f32 v8, v40;
	v36 =	vmul.f32 v48, v7;
	v15 =	vperm.xlane v15, v0  }
0xa8: {  	v16 =	vld [tilespmem:s26+$0xFFFFFD90];
	v53 =	vsel vm0, v20, v23;
	v17 =	vsel vm0, v23, v20;
	v20 =	vsel vm0, v25, v26  }
0xa9: {  	v51 =	vld [tilespmem:s26+$0xFFFFFD60];
	v25 =	vsel vm0, v26, v25;
	v11 =	vsel vm1, v14, v13;
	v18 =	vmul.f32 v18, v5  }
0xaa: {  	v52 =	vld [tilespmem:s26+$0xFFFFFDA0];
	v13 =	vsel vm1, v13, v14;
	v24 =	vmul.f32 v24, v6;
	v17 =	vperm.xlane v17, v0  }
0xab: {  	v23 =	vld [tilespmem:s26+$0xFFFFFE00];
	v8 =	vadd.f32 v36, v8;
	v20 =	vperm.xlane v20, v0;
	v11 =	vperm.xlane v11, v1  }
0xac: {  	v26 =	vld [tilespmem:s26+$0xFFFFFE50];
	v15 =	vadd.f32 v15, v27;
	v29 =	vmul.f32 v29, v6;
	v28 =	vmul.f32 v28, v6  }
0xad: {  	v55 =	vld [tilespmem:s26+$0xFFFFFEA0];
	v18 =	vadd.f32 v22, v18;
	v22 =	vmul.f32 v59, v6;
	v17 =	vadd.f32 v17, v53  }
0xae: {  	v27 =	vld [tilespmem:s26+$0xFFFFFE40];
	v20 =	vadd.f32 v20, v25;
	v25 =	vsel vm1, v15, v10;
	v10 =	vsel vm1, v10, v15  }
0xaf: {  	v59 =	vld [tilespmem:s26+$0xFFFFFC30];
	v11 =	vadd.f32 v11, v13;
	v16 =	vmul.f32 v16, v6;
	v56 =	vmul.f32 v51, v7  }
0xb0: {  	v15 =	vld [tilespmem:s26+$0xFFFFFE90];
	v10 =	vperm.xlane v10, v1;
	v57 =	vsel vm1, v20, v17;
	v23 =	vmul.f32 v23, v5  }
0xb1: {  	v53 =	vld [tilespmem:s26+$0xFFFFFE20];
	v17 =	vsel vm1, v17, v20;
	v26 =	vmul.f32 v26, v6;
	v14 =	vperm.xlane v57, v1  }
0xb2: {  	v20 =	vld [tilespmem:s26+$0xFFFFFF00];
	v12 =	vadd.f32 v16, v12;
	v16 =	vmul.f32 v58, v5;
	v10 =	vadd.f32 v10, v25  }
0xb3: {  	v58 =	vld [tilespmem:s26+$0xFFFFFFE0];
	v25 =	vmul.f32 v45, v5;
	v27 =	vmul.f32 v27, v5;
	v13 =	vadd.f32 v14, v17  }
0xb4: {  	v23 =	vadd.f32 v24, v23;
	v24 =	vld [tilespmem:s26+$0xFFFFFDE0];
	v22 =	vadd.f32 v22, v16;
	v17 =	vmul.f32 v19, v6  }
0xb5: {  	v14 =	vld [tilespmem:s26+$0xFFFFFF10];
	v19 =	vmul.f32 v21, v5;
	v32 =	vsel vm2, v9, v10;
	v60 =	vsel vm2, v13, v11  }
0xb6: {  	v21 =	vld [tilespmem:s26+$0xFFFFFF40];
	v17 =	vadd.f32 v17, v25;
	v25 =	vperm.xlane v32, v2;
	v62 =	vperm.xlane v60, v2  }
0xb7: {  	v9 =	vsel vm2, v10, v9;
	v15 =	vmul.f32 v15, v6;
	v10 =	vsel vm2, v11, v13;
	v11 =	vld [tilespmem:s26+$0xFFFFFF90]  }
0xb8: {  	v13 =	vmul.f32 v30, v6;
	v30 =	vld [tilespmem:s26+$0xFFFFFFD0];
	v9 =	vadd.f32 v25, v9;
	v10 =	vadd.f32 v62, v10  }
0xb9: {  	v19 =	vadd.f32 v29, v19;
	v29 =	vmul.f32 v31, v5;
	v31 =	vmul.f32 v50, v5;
	v50 =	vld [tilespmem:s26+$0xFFFFFD20]  }
0xba: {  	v26 =	vadd.f32 v26, v27;
	v27 =	vmul.f32 v63, v5;
	v25 =	vld [tilespmem:s26+$0xFFFFFFC0];
	v45 =	vsel vm3, v10, v9  }
0xbb: {  	v20 =	vmul.f32 v20, v5;
	v28 =	vadd.f32 v28, v29;
	v29 =	vld [tilespmem:s26+$0xFFFFFCE0];
	v47 =	vperm.xlane v45, v3  }
0xbc: {  	v15 =	vadd.f32 v15, v49;
	v13 =	vadd.f32 v13, v33;
	v9 =	vsel vm3, v9, v10;
	v10 =	vld [tilespmem:s26+$0xFFFFFC60]  }
0xbd: {  	v24 =	vmul.f32 v24, v7;
	v14 =	vmul.f32 v14, v6;
	v33 =	vadd.f32 v9, v47;
	v9 =	vld [tilespmem:s26+$0xFFFFFCA0]  }
0xbe: {  	v57 =	vld [tilespmem:s26+$0xFFFFFFA0];
	v31 =	vadd.f32 v44, v31;
	v21 =	vmul.f32 v21, v5;
	v11 =	vmul.f32 v11, v6  }
0xbf: {  	v30 =	vmul.f32 v30, v6;
	v20 =	vadd.f32 v14, v20;
	v14 =	vld [tilespmem:s26+$0xFFFFFEE0];
	v25 =	vmul.f32 v25, v5  }
0xc0: {  	v24 =	vadd.f32 v24, v18;
	v27 =	vadd.f32 v11, v27;
	v11 =	vld [tilespmem:s26+$0xFFFFFF20];
	v16 =	vmul.f32 v29, v7  }
0xc1: {  	v21 =	vadd.f32 v39, v21;
	v29 =	vld [tilespmem:s26+$0xFFFFFF60];
	v25 =	vadd.f32 v30, v25;
	v10 =	vmul.f32 v10, v7  }
0xc2: {  	v63 =	vld [tilespmem:s26+$0xFFFFFEB0];
	v30 =	vmul.f32 v50, v7;
	v60 =	vadd.f32 v16, v13;
	v9 =	vmul.f32 v9, v7  }
0xc3: {  	v18 =	vld [tilespmem:s26+$0xFFFFFCF0];
	v13 =	vmul.f32 v55, v7;
	v17 =	vadd.f32 v10, v17;
	v10 =	vmul.f32 v52, v7  }
0xc4: {  	v28 =	vadd.f32 v30, v28;
	v30 =	vld [tilespmem:s26+$0xFFFFFC70];
	v19 =	vadd.f32 v9, v19;
	v9 =	vmul.f32 v53, v7  }
0xc5: {  	v61 =	vadd.f32 v10, v12;
	v10 =	vmul.f32 v14, v7;
	v12 =	vld [tilespmem:s26+$0xFFFFFCB0];
	v14 =	vadd.f32 v13, v15  }
0xc6: {  	v15 =	vmul.f32 v29, v7;
	v29 =	vld [tilespmem:s26+$0xFFFFFDF0];
	v62 =	vadd.f32 v9, v23;
	v9 =	vmul.f32 v11, v7  }
0xc7: {  	v37 =	vmul.f32 v54, v7;
	v31 =	vadd.f32 v56, v31;
	v13 =	vadd.f32 v10, v22;
	v23 =	vld [tilespmem:s26+$0xFFFFFD30]  }
0xc8: {  	v10 =	vadd.f32 v15, v21;
	v15 =	vmul.f32 v59, v4;
	v11 =	vadd.f32 v9, v20;
	v20 =	vld [tilespmem:s26+$0xFFFFFD70]  }
0xc9: {  	v16 =	vadd.f32 v37, v26;
	v21 =	vmul.f32 v30, v4;
	v22 =	vld [tilespmem:s26+$0xFFFFFDB0];
	v9 =	vmul.f32 v57, v7  }
0xca: {  	v26 =	vmul.f32 v58, v7;
	[tilespmem:s13+$0x0] =	vst v33;
	v33 =	vmul.f32 v63, v4;
	v8 =	vadd.f32 v15, v8  }
0xcb: {  	v30 =	vld [tilespmem:s26+$0xFFFFFE30];
	v17 =	vadd.f32 v21, v17;
	v9 =	vadd.f32 v9, v27;
	v27 =	vmul.f32 v12, v4  }
0xcc: {  	v15 =	vmul.f32 v18, v4;
	v12 =	vadd.f32 v26, v25;
	v26 =	vld [tilespmem:s26+$0xFFFFFE70];
	v25 =	vmul.f32 v29, v4  }
0xcd: {  	v21 =	vmul.f32 v23, v4;
	v18 =	vadd.f32 v27, v19;
	v20 =	vmul.f32 v20, v4  }
0xce: {  	v23 =	vmul.f32 v22, v4;
	v19 =	vadd.f32 v15, v60;
	v27 =	vld [tilespmem:s26+$0xFFFFFEF0];
	v25 =	vadd.f32 v25, v24  }
0xcf: {  	v15 =	vsel vm0, v17, v8;
	v21 =	vadd.f32 v21, v28;
	v28 =	vld [tilespmem:s26+$0xFFFFFF30];
	v22 =	vadd.f32 v20, v31  }
0xd0: {  	v29 =	vld [tilespmem:s26+$0xFFFFFF70];
	v15 =	vperm.xlane v15, v0;
	v23 =	vadd.f32 v23, v61;
	v31 =	vmul.f32 v30, v4  }
0xd1: {  	s30 =	sshll.u32 s25, $0xB;
	s31 =	smov.u32 s13;
	s29 =	sor.u32 $0x100, s0;
	v20 =	vsel vm0, v19, v18;
	v32 =	vmul.f32 v26, v4;
	v30 =	vld [tilespmem:s26+$0xFFFFFFB0];
	v24 =	vsel vm0, v22, v21  }
0xd2: {  	s1 =	simm.s32 $0x0;
	s0 =	simm.s32 $0x3C40;
	v20 =	vperm.xlane v20, v0;
	v26 =	vadd.f32 v31, v62;
	v31 =	vld [tilespmem:s26+$0xFFFFFFF0];
	s26 =	smov.u32 s13;
	v24 =	vperm.xlane v24, v0  }
.LBB2_5:
0xd3: {  	v34 =	vld [tilespmem:s0+$0x30];
	v16 =	vadd.f32 v32, v16;
	v27 =	vmul.f32 v27, v4;
	v32 =	vsel vm0, v25, v23  }
0xd4: {  	v35 =	vld [tilespmem:s0+$0x70];
	v14 =	vadd.f32 v33, v14;
	v28 =	vmul.f32 v28, v4;
	v32 =	vperm.xlane v32, v0  }
0xd5: {  	v33 =	vld [tilespmem:s0+$0xB0];
	v13 =	vadd.f32 v27, v13;
	v27 =	vmul.f32 v29, v4;
	v29 =	vsel vm0, v16, v26  }
0xd6: {  	v36 =	vld [tilespmem:s0+$0xF0];
	v11 =	vadd.f32 v28, v11;
	v28 =	vmul.f32 v30, v4;
	v29 =	vperm.xlane v29, v0  }
0xd7: {  	v30 =	vld [tilespmem:s0+$0x130];
	v10 =	vadd.f32 v27, v10;
	v27 =	vmul.f32 v31, v4;
	v31 =	vsel vm0, v13, v14  }
0xd8: {  	v8 =	vsel vm0, v8, v17;
	v37 =	vld [tilespmem:s0+$0x170];
	v9 =	vadd.f32 v28, v9;
	v17 =	vperm.xlane v31, v0  }
0xd9: {  	v18 =	vsel vm0, v18, v19;
	v28 =	vld [tilespmem:s0+$0x1B0];
	v12 =	vadd.f32 v27, v12;
	v19 =	vsel vm0, v10, v11  }
0xda: {  	v21 =	vsel vm0, v21, v22;
	v22 =	vsel vm0, v23, v25;
	v27 =	vld [tilespmem:s0+$0x1F0];
	v19 =	vperm.xlane v19, v0  }
0xdb: {  	v16 =	vsel vm0, v26, v16;
	v13 =	vsel vm0, v14, v13;
	v23 =	vld [tilespmem:s0+$0x20];
	v14 =	vsel vm0, v12, v9  }
0xdc: {  	v10 =	vsel vm0, v11, v10;
	v9 =	vsel vm0, v9, v12;
	v25 =	vld [tilespmem:s0+$0x60];
	v11 =	vperm.xlane v14, v0  }
0xdd: {  	v8 =	vadd.f32 v15, v8;
	v12 =	vadd.f32 v20, v18;
	v26 =	vld [tilespmem:s0+$0xA0]  }
0xde: {  	v15 =	vadd.f32 v32, v22;
	v14 =	vadd.f32 v24, v21;
	v18 =	vld [tilespmem:s0+$0xE0]  }
0xdf: {  	v16 =	vadd.f32 v29, v16;
	v13 =	vadd.f32 v17, v13;
	v17 =	vsel vm1, v12, v8;
	v20 =	vld [tilespmem:s0+$0x120]  }
0xe0: {  	v10 =	vadd.f32 v19, v10;
	v9 =	vadd.f32 v11, v9;
	v11 =	vsel vm1, v15, v14;
	v21 =	vld [tilespmem:s0+$0x160]  }
0xe1: {  	v22 =	vsel vm1, v13, v16;
	v17 =	vperm.xlane v17, v1;
	v11 =	vperm.xlane v11, v1;
	v19 =	vld [tilespmem:s0+$0x1A0]  }
0xe2: {  	v8 =	vsel vm1, v8, v12;
	v12 =	vperm.xlane v22, v1;
	v22 =	vsel vm1, v9, v10;
	v24 =	vld [tilespmem:s0+$0x1E0]  }
0xe3: {  	v13 =	vsel vm1, v16, v13;
	v14 =	vsel vm1, v14, v15;
	v15 =	vperm.xlane v22, v1;
	v29 =	vld [tilespmem:s0+$0x0]  }
0xe4: {  	v8 =	vadd.f32 v17, v8;
	v9 =	vsel vm1, v10, v9;
	v11 =	vadd.f32 v11, v14;
	v22 =	vld [tilespmem:s0+$0x10]  }
0xe5: {  	v10 =	vadd.f32 v12, v13;
	v9 =	vadd.f32 v15, v9;
	v31 =	vld [tilespmem:s0+$0x40]  }
0xe6: {  	v12 =	vsel vm2, v8, v11;
	v8 =	vsel vm2, v11, v8;
	v32 =	vld [tilespmem:s0+$0x50]  }
0xe7: {  	v8 =	vperm.xlane v8, v2;
	v11 =	vsel vm2, v10, v9;
	v9 =	vsel vm2, v9, v10;
	v38 =	vld [tilespmem:s0+$0x80]  }
0xe8: {  	v9 =	vperm.xlane v9, v2;
	v39 =	vld [tilespmem:s0+$0x90]  }
0xe9: {  	v10 =	vadd.f32 v8, v12;
	v40 =	vld [tilespmem:s0+$0xC0]  }
0xea: {  	v9 =	vadd.f32 v9, v11;
	v41 =	vld [tilespmem:s0+$0xD0]  }
0xeb: {  	v42 =	vld [tilespmem:s0+$0x100]  }
0xec: {  	v8 =	vsel vm3, v10, v9;
	v9 =	vsel vm3, v9, v10;
	v43 =	vld [tilespmem:s0+$0x110]  }
0xed: {  	v16 =	vmul.f32 v34, v4;
	v17 =	vmul.f32 v35, v4;
	v34 =	vld [tilespmem:s0+$0x140]  }
0xee: {  	v14 =	vmul.f32 v33, v4;
	v15 =	vmul.f32 v36, v4;
	v33 =	vld [tilespmem:s0+$0x150]  }
0xef: {  	v13 =	vmul.f32 v37, v4;
	v12 =	vmul.f32 v30, v4;
	v30 =	vld [tilespmem:s0+$0x180]  }
0xf0: {  	v11 =	vmul.f32 v27, v4;
	v10 =	vmul.f32 v28, v4;
	v35 =	vld [tilespmem:s0+$0x190]  }
0xf1: {  	v23 =	vmul.f32 v23, v7;
	v25 =	vmul.f32 v25, v7;
	v27 =	vld [tilespmem:s0+$0x1C0]  }
0xf2: {  	v26 =	vmul.f32 v26, v7;
	v18 =	vmul.f32 v18, v7;
	v28 =	vld [tilespmem:s0+$0x1D0]  }
0xf3: {  	v20 =	vmul.f32 v20, v7;
	v21 =	vmul.f32 v21, v7;
	v36 =	vld [tilespmem:s0+$0x200]  }
0xf4: {  	v19 =	vmul.f32 v19, v7;
	v24 =	vmul.f32 v24, v7;
	v37 =	vld [tilespmem:s0+$0x210]  }
0xf5: {  	v29 =	vmul.f32 v29, v5;
	v22 =	vmul.f32 v22, v6;
	v44 =	vld [tilespmem:s0+$0x240]  }
0xf6: {  	v31 =	vmul.f32 v31, v5;
	v32 =	vmul.f32 v32, v6;
	v45 =	vld [tilespmem:s0+$0x250]  }
0xf7: {  	v38 =	vmul.f32 v38, v5;
	v39 =	vmul.f32 v39, v6;
	v46 =	vld [tilespmem:s0+$0x280]  }
0xf8: {  	v40 =	vmul.f32 v40, v5;
	v41 =	vmul.f32 v41, v6;
	v47 =	vld [tilespmem:s0+$0x290]  }
0xf9: {  	v42 =	vmul.f32 v42, v5;
	v43 =	vmul.f32 v43, v6;
	v48 =	vld [tilespmem:s0+$0x2C0]  }
0xfa: {  	v34 =	vmul.f32 v34, v5;
	v33 =	vmul.f32 v33, v6;
	v49 =	vld [tilespmem:s0+$0x2D0]  }
0xfb: {  	v30 =	vmul.f32 v30, v5;
	v35 =	vmul.f32 v35, v6;
	v50 =	vld [tilespmem:s0+$0x300]  }
0xfc: {  	v27 =	vmul.f32 v27, v5;
	v28 =	vmul.f32 v28, v6;
	v51 =	vld [tilespmem:s0+$0x310]  }
0xfd: {  	v36 =	vmul.f32 v36, v5;
	v37 =	vmul.f32 v37, v6;
	v52 =	vld [tilespmem:s0+$0x340]  }
0xfe: {  	v44 =	vmul.f32 v44, v5;
	v45 =	vmul.f32 v45, v6;
	v53 =	vld [tilespmem:s0+$0x350]  }
0xff: {  	v46 =	vmul.f32 v46, v5;
	v47 =	vmul.f32 v47, v6;
	v54 =	vld [tilespmem:s0+$0x380]  }
0x100: {  	v48 =	vmul.f32 v48, v5;
	v49 =	vmul.f32 v49, v6;
	v55 =	vld [tilespmem:s0+$0x390]  }
0x101: {  	v50 =	vmul.f32 v50, v5;
	v51 =	vmul.f32 v51, v6;
	v56 =	vld [tilespmem:s0+$0x3C0]  }
0x102: {  	v22 =	vadd.f32 v22, v29;
	v29 =	vadd.f32 v32, v31;
	v31 =	vmul.f32 v52, v5;
	v32 =	vld [tilespmem:s0+$0x3D0]  }
0x103: {  	v38 =	vadd.f32 v39, v38;
	v39 =	vadd.f32 v41, v40;
	v40 =	vld [tilespmem:s0+$0x220];
	v41 =	vmul.f32 v53, v6  }
0x104: {  	v42 =	vadd.f32 v43, v42;
	v33 =	vadd.f32 v33, v34;
	v34 =	vld [tilespmem:s0+$0x260];
	v43 =	vmul.f32 v54, v5  }
0x105: {  	v30 =	vadd.f32 v35, v30;
	v27 =	vadd.f32 v28, v27;
	v28 =	vld [tilespmem:s0+$0x2A0];
	v35 =	vmul.f32 v55, v6  }
0x106: {  	v36 =	vadd.f32 v37, v36;
	v37 =	vadd.f32 v45, v44;
	v44 =	vld [tilespmem:s0+$0x2E0];
	v45 =	vmul.f32 v56, v5  }
0x107: {  	v46 =	vadd.f32 v47, v46;
	v47 =	vadd.f32 v49, v48;
	v48 =	vld [tilespmem:s0+$0x320];
	v32 =	vmul.f32 v32, v6  }
0x108: {  	v49 =	vadd.f32 v51, v50;
	v31 =	vadd.f32 v41, v31;
	v40 =	vmul.f32 v40, v7;
	v41 =	vld [tilespmem:s0+$0x360]  }
0x109: {  	v35 =	vadd.f32 v35, v43;
	v34 =	vmul.f32 v34, v7;
	v43 =	vld [tilespmem:s0+$0x3A0];
	v32 =	vadd.f32 v32, v45  }
0x10a: {  	v22 =	vadd.f32 v23, v22;
	v23 =	vadd.f32 v25, v29;
	v25 =	vmul.f32 v28, v7;
	v28 =	vld [tilespmem:s0+$0x3E0]  }
0x10b: {  	v26 =	vadd.f32 v26, v38;
	v18 =	vadd.f32 v18, v39;
	v29 =	vld [tilespmem:s0+$0x230];
	v38 =	vmul.f32 v44, v7  }
0x10c: {  	v20 =	vadd.f32 v20, v42;
	v21 =	vadd.f32 v21, v33;
	v33 =	vld [tilespmem:s0+$0x270];
	v39 =	vmul.f32 v48, v7  }
0x10d: {  	v19 =	vadd.f32 v19, v30;
	v24 =	vadd.f32 v24, v27;
	v27 =	vld [tilespmem:s0+$0x2B0];
	v30 =	vmul.f32 v41, v7  }
0x10e: {  	v36 =	vadd.f32 v40, v36;
	v34 =	vadd.f32 v34, v37;
	v37 =	vld [tilespmem:s0+$0x2F0];
	v40 =	vmul.f32 v43, v7  }
0x10f: {  	v25 =	vadd.f32 v25, v46;
	v38 =	vadd.f32 v38, v47;
	v41 =	vld [tilespmem:s0+$0x330];
	v28 =	vmul.f32 v28, v7  }
0x110: {  	v39 =	vadd.f32 v39, v49;
	v30 =	vadd.f32 v30, v31;
	v29 =	vmul.f32 v29, v4;
	v31 =	vld [tilespmem:s0+$0x370]  }
0x111: {  	v35 =	vadd.f32 v40, v35;
	v33 =	vmul.f32 v33, v4;
	v40 =	vld [tilespmem:s0+$0x3B0];
	v28 =	vadd.f32 v28, v32  }
0x112: {  	v16 =	vadd.f32 v16, v22;
	v17 =	vadd.f32 v17, v23;
	v22 =	vmul.f32 v27, v4;
	v23 =	vld [tilespmem:s0+$0x3F0]  }
0x113: {  	v14 =	vadd.f32 v14, v26;
	v15 =	vadd.f32 v15, v18;
	v27 =	vld [tilespmem:s0+$0xFFFFFC10];
	v18 =	vmul.f32 v37, v4  }
0x114: {  	s1 =	sadd.s32 $0x2, s1;
	v12 =	vadd.f32 v12, v20;
	v13 =	vadd.f32 v13, v21;
	v26 =	vld [tilespmem:s0+$0xFFFFFC40];
	v20 =	vmul.f32 v41, v4  }
0x115: {  	p0 =	slt.u32 s1, $0xE;
	v19 =	vadd.f32 v10, v19;
	v11 =	vadd.f32 v11, v24;
	v21 =	vld [tilespmem:s0+$0xFFFFFC50];
	v24 =	vmul.f32 v31, v4  }
0x116: {  	v29 =	vadd.f32 v29, v36;
	v32 =	vadd.f32 v33, v34;
	v31 =	vld [tilespmem:s0+$0xFFFFFC80];
	v33 =	vmul.f32 v40, v4  }
0x117: {  	v22 =	vadd.f32 v22, v25;
	v18 =	vadd.f32 v18, v38;
	v34 =	vld [tilespmem:s0+$0xFFFFFC90];
	v23 =	vmul.f32 v23, v4  }
0x118: {  	v20 =	vadd.f32 v20, v39;
	v24 =	vadd.f32 v24, v30;
	v10 =	vmul.f32 v27, v6;
	v25 =	vld [tilespmem:s0+$0xFFFFFCC0]  }
0x119: {  	v30 =	vadd.f32 v33, v35;
	v27 =	vld [tilespmem:s0+$0xFFFFFCD0];
	v23 =	vadd.f32 v23, v28;
	v28 =	vsel vm0, v16, v17  }
0x11a: {  	v36 =	vsel vm0, v12, v13;
	v37 =	vsel vm0, v19, v11;
	v35 =	vsel vm0, v14, v15;
	v33 =	vld [tilespmem:s0+$0xFFFFFD00]  }
0x11b: {  	v39 =	vsel vm0, v29, v32;
	v40 =	vsel vm0, v22, v18;
	v41 =	vsel vm0, v20, v24;
	v38 =	vld [tilespmem:s0+$0xFFFFFD10]  }
0x11c: {  	v12 =	vsel vm0, v13, v12;
	v14 =	vsel vm0, v15, v14;
	v16 =	vsel vm0, v17, v16;
	v42 =	vld [tilespmem:s0+$0xFFFFFD40]  }
0x11d: {  	v11 =	vsel vm0, v11, v19;
	v15 =	vsel vm0, v32, v29;
	v17 =	vsel vm0, v18, v22;
	v13 =	vld [tilespmem:s0+$0xFFFFFD50]  }
0x11e: {  	v14 =	vperm.xlane v14, v0;
	v19 =	vsel vm0, v24, v20;
	v16 =	vperm.xlane v16, v0;
	v18 =	vld [tilespmem:s0+$0xFFFFFD80]  }
0x11f: {  	v12 =	vperm.xlane v12, v0;
	v11 =	vperm.xlane v11, v0;
	v22 =	vsel vm0, v23, v30;
	v20 =	vld [tilespmem:s0+$0xFFFFFD90]  }
0x120: {  	v15 =	vperm.xlane v15, v0;
	v17 =	vperm.xlane v17, v0;
	v16 =	vadd.f32 v16, v28;
	v24 =	vld [tilespmem:s0+$0xFFFFFDC0]  }
0x121: {  	v12 =	vadd.f32 v12, v36;
	v19 =	vperm.xlane v19, v0;
	v14 =	vadd.f32 v14, v35;
	v28 =	vld [tilespmem:s0+$0xFFFFFDD0]  }
0x122: {  	v11 =	vadd.f32 v11, v37;
	v15 =	vadd.f32 v15, v39;
	v22 =	vperm.xlane v22, v0;
	v29 =	vld [tilespmem:s0+$0xFFFFFE00]  }
0x123: {  	v23 =	vsel vm0, v30, v23;
	v17 =	vadd.f32 v17, v40;
	v19 =	vadd.f32 v19, v41;
	v32 =	vld [tilespmem:s0+$0xFFFFFE10]  }
0x124: {  	v35 =	vsel vm1, v12, v11;
	v22 =	vadd.f32 v22, v23;
	v23 =	vsel vm1, v16, v14;
	v30 =	vld [tilespmem:s0+$0xFFFFFE40]  }
0x125: {  	v11 =	vsel vm1, v11, v12;
	v14 =	vsel vm1, v14, v16;
	v12 =	vsel vm1, v17, v15;
	v36 =	vld [tilespmem:s0+$0xFFFFFE50]  }
0x126: {  	v11 =	vperm.xlane v11, v1;
	v14 =	vperm.xlane v14, v1;
	v37 =	vsel vm1, v22, v19;
	v16 =	vld [tilespmem:s0+$0xFFFFFE80]  }
0x127: {  	v15 =	vsel vm1, v15, v17;
	v12 =	vperm.xlane v12, v1;
	v17 =	vperm.xlane v37, v1;
	v39 =	vld [tilespmem:s0+$0xFFFFFE90]  }
0x128: {  	v11 =	vadd.f32 v11, v35;
	v19 =	vsel vm1, v19, v22;
	v14 =	vadd.f32 v14, v23;
	v37 =	vld [tilespmem:s0+$0xFFFFFEC0]  }
0x129: {  	v22 =	vmul.f32 v26, v5;
	v12 =	vadd.f32 v12, v15;
	v15 =	vadd.f32 v17, v19;
	v23 =	vld [tilespmem:s0+$0xFFFFFED0]  }
0x12a: {  	v17 =	vmul.f32 v21, v6;
	v19 =	vmul.f32 v31, v5;
	v21 =	vld [tilespmem:s0+$0xFFFFFF00]  }
0x12b: {  	v26 =	vmul.f32 v34, v6;
	v34 =	vsel vm2, v11, v14;
	v35 =	vsel vm2, v15, v12;
	v31 =	vld [tilespmem:s0+$0xFFFFFF10]  }
0x12c: {  	v34 =	vperm.xlane v34, v2;
	v17 =	vadd.f32 v17, v22;
	v35 =	vperm.xlane v35, v2;
	v22 =	vld [tilespmem:s0+$0xFFFFFF40]  }
0x12d: {  	v25 =	vmul.f32 v25, v5;
	v11 =	vsel vm2, v14, v11;
	v12 =	vsel vm2, v12, v15;
	v40 =	vld [tilespmem:s0+$0xFFFFFF50]  }
0x12e: {  	v14 =	vmul.f32 v27, v6;
	v11 =	vadd.f32 v34, v11;
	v12 =	vadd.f32 v35, v12;
	v15 =	vld [tilespmem:s0+$0xFFFFFF80]  }
0x12f: {  	v27 =	vmul.f32 v38, v6;
	v19 =	vadd.f32 v26, v19;
	v26 =	vmul.f32 v33, v5;
	v33 =	vld [tilespmem:s0+$0xFFFFFF90]  }
0x130: {  	v13 =	vmul.f32 v13, v6;
	v34 =	vmul.f32 v42, v5;
	v38 =	vsel vm3, v12, v11;
	v35 =	vld [tilespmem:s0+$0xFFFFFFC0]  }
0x131: {  	v18 =	vmul.f32 v18, v5;
	v14 =	vadd.f32 v14, v25;
	v38 =	vperm.xlane v38, v3;
	v25 =	vld [tilespmem:s0+$0xFFFFFFD0]  }
0x132: {  	v20 =	vmul.f32 v20, v6;
	v24 =	vmul.f32 v24, v5;
	v11 =	vsel vm3, v11, v12;
	v41 =	vld [tilespmem:s0+$0xFFFFFC00]  }
0x133: {  	v28 =	vmul.f32 v28, v6;
	v29 =	vmul.f32 v29, v5;
	v11 =	vadd.f32 v11, v38;
	v12 =	vld [tilespmem:s0+$0xFFFFFC20]  }
0x134: {  	s26 =	sadd.s32 $0x20, s26;
	v26 =	vadd.f32 v27, v26;
	v27 =	vmul.f32 v32, v6;
	v30 =	vmul.f32 v30, v5;
	v38 =	vld [tilespmem:s0+$0xFFFFFC60]  }
0x135: {  	v13 =	vadd.f32 v13, v34;
	v34 =	vmul.f32 v36, v6;
	v16 =	vmul.f32 v16, v5;
	v32 =	vld [tilespmem:s0+$0xFFFFFCA0];
	[tilespmem:s26+$0x0] =	vst v11  }
0x136: {  	v18 =	vadd.f32 v20, v18;
	v20 =	vmul.f32 v39, v6;
	v36 =	vmul.f32 v37, v5;
	v11 =	vld [tilespmem:s0+$0xFFFFFCE0]  }
0x137: {  	v24 =	vadd.f32 v28, v24;
	v23 =	vmul.f32 v23, v6;
	v37 =	vmul.f32 v41, v5;
	v39 =	vld [tilespmem:s0+$0xFFFFFD20]  }
0x138: {  	v27 =	vadd.f32 v27, v29;
	v21 =	vmul.f32 v21, v5;
	v29 =	vmul.f32 v31, v6;
	v28 =	vld [tilespmem:s0+$0xFFFFFD60]  }
0x139: {  	v22 =	vmul.f32 v22, v5;
	v10 =	vadd.f32 v10, v37;
	v31 =	vld [tilespmem:s0+$0xFFFFFDA0];
	v37 =	vmul.f32 v40, v6  }
0x13a: {  	v30 =	vadd.f32 v34, v30;
	v15 =	vmul.f32 v15, v5;
	v33 =	vmul.f32 v33, v6;
	v40 =	vld [tilespmem:s0+$0xFFFFFDE0]  }
0x13b: {  	v20 =	vadd.f32 v20, v16;
	v16 =	vmul.f32 v35, v5;
	v25 =	vmul.f32 v25, v6;
	v34 =	vld [tilespmem:s0+$0xFFFFFE20]  }
0x13c: {  	v23 =	vadd.f32 v23, v36;
	v21 =	vadd.f32 v29, v21;
	v12 =	vmul.f32 v12, v7;
	v35 =	vld [tilespmem:s0+$0xFFFFFE60]  }
0x13d: {  	v15 =	vadd.f32 v33, v15;
	v29 =	vmul.f32 v38, v7;
	v22 =	vadd.f32 v37, v22;
	v36 =	vld [tilespmem:s0+$0xFFFFFEA0]  }
0x13e: {  	v25 =	vadd.f32 v25, v16;
	v32 =	vmul.f32 v32, v7;
	v11 =	vmul.f32 v11, v7;
	v33 =	vld [tilespmem:s0+$0xFFFFFEE0]  }
0x13f: {  	v37 =	vadd.f32 v12, v10;
	v10 =	vmul.f32 v39, v7;
	v12 =	vmul.f32 v28, v7;
	v16 =	vld [tilespmem:s0+$0xFFFFFF20]  }
0x140: {  	v17 =	vadd.f32 v29, v17;
	v28 =	vmul.f32 v31, v7;
	v29 =	vmul.f32 v40, v7;
	v31 =	vld [tilespmem:s0+$0xFFFFFF60]  }
0x141: {  	v19 =	vadd.f32 v32, v19;
	v32 =	vmul.f32 v34, v7;
	v34 =	vmul.f32 v35, v7;
	v35 =	vld [tilespmem:s0+$0xFFFFFFA0]  }
0x142: {  	v38 =	vadd.f32 v11, v14;
	v26 =	vadd.f32 v10, v26;
	v10 =	vmul.f32 v36, v7;
	v36 =	vld [tilespmem:s0+$0xFFFFFFE0]  }
0x143: {  	v40 =	vadd.f32 v12, v13;
	v41 =	vadd.f32 v28, v18;
	v39 =	vld [tilespmem:s0+$0xFFFFFC30];
	v11 =	vmul.f32 v33, v7  }
0x144: {  	v24 =	vadd.f32 v29, v24;
	v33 =	vadd.f32 v32, v27;
	v12 =	vld [tilespmem:s0+$0xFFFFFC70];
	v18 =	vmul.f32 v16, v7  }
0x145: {  	v16 =	vadd.f32 v34, v30;
	v14 =	vadd.f32 v10, v20;
	v27 =	vld [tilespmem:s0+$0xFFFFFCB0];
	v10 =	vmul.f32 v31, v7  }
0x146: {  	v13 =	vadd.f32 v11, v23;
	v20 =	vld [tilespmem:s0+$0xFFFFFCF0];
	v11 =	vadd.f32 v18, v21;
	v18 =	vmul.f32 v35, v7  }
0x147: {  	v23 =	vperm.xlane v9, v3;
	v21 =	vld [tilespmem:s0+$0xFFFFFD30];
	v10 =	vadd.f32 v10, v22;
	v22 =	vmul.f32 v36, v7  }
0x148: {  	v28 =	vmul.f32 v39, v4;
	v29 =	vld [tilespmem:s0+$0xFFFFFD70];
	v9 =	vadd.f32 v18, v15  }
0x149: {  	v18 =	vadd.f32 v8, v23;
	v15 =	vmul.f32 v12, v4;
	v30 =	vld [tilespmem:s0+$0xFFFFFDB0];
	v12 =	vadd.f32 v22, v25  }
0x14a: {  	v8 =	vadd.f32 v28, v37;
	v22 =	vmul.f32 v27, v4;
	v23 =	vld [tilespmem:s0+$0xFFFFFDF0]  }
0x14b: {  	v17 =	vadd.f32 v15, v17;
	v15 =	vmul.f32 v20, v4;
	v20 =	vld [tilespmem:s0+$0xFFFFFE30];
	[tilespmem:s31+$0xFFFFFFF0] =	vst v18;
	s31 =	smov.u32 s26  }
0x14c: {  	v18 =	vadd.f32 v22, v19;
	v21 =	vmul.f32 v21, v4;
	v31 =	vld [tilespmem:s0+$0xFFFFFE70]  }
0x14d: {  	v19 =	vadd.f32 v15, v38;
	v22 =	vmul.f32 v29, v4;
	v34 =	vld [tilespmem:s0+$0xFFFFFEB0];
	v15 =	vsel vm0, v17, v8  }
.Ltmp1:
0x14e: {  	v21 =	vadd.f32 v21, v26;
	v25 =	vmul.f32 v30, v4;
	v27 =	vld [tilespmem:s0+$0xFFFFFEF0];
	v15 =	vperm.xlane v15, v0;
	(pc) =	sbr.rel @p0 .LBB2_5-.Ltmp1, $4  }
0x14f: {  	v22 =	vadd.f32 v22, v40;
	v26 =	vmul.f32 v23, v4;
	v28 =	vld [tilespmem:s0+$0xFFFFFF30];
	v30 =	vsel vm0, v19, v18  }
0x150: {  	v23 =	vadd.f32 v25, v41;
	v35 =	vmul.f32 v20, v4;
	v29 =	vld [tilespmem:s0+$0xFFFFFF70];
	v20 =	vperm.xlane v30, v0  }
0x151: {  	v25 =	vadd.f32 v26, v24;
	v32 =	vmul.f32 v31, v4;
	v30 =	vld [tilespmem:s0+$0xFFFFFFB0];
	v24 =	vsel vm0, v22, v21  }
0x152: {  	v26 =	vadd.f32 v35, v33;
	v33 =	vmul.f32 v34, v4;
	v31 =	vld [tilespmem:s0+$0xFFFFFFF0];
	v24 =	vperm.xlane v24, v0;
	s0 =	sadd.s32 $0x800, s0  }
0x153: {  	v5 =	vmul.f32 v27, v4;
	v6 =	vadd.f32 v32, v16  }
0x154: {  	v7 =	vsel vm0, v25, v23;
	v8 =	vsel vm0, v8, v17;
	v14 =	vadd.f32 v33, v14  }
0x155: {  	v16 =	vmul.f32 v28, v4;
	v7 =	vperm.xlane v7, v0;
	v8 =	vadd.f32 v15, v8  }
0x156: {  	v5 =	vadd.f32 v5, v13;
	v13 =	vmul.f32 v29, v4;
	v27 =	vsel vm0, v6, v26  }
0x157: {  	v6 =	vsel vm0, v26, v6;
	v28 =	vmul.f32 v30, v4;
	v11 =	vadd.f32 v16, v11  }
0x158: {  	v16 =	vperm.xlane v27, v0;
	v4 =	vmul.f32 v31, v4;
	v10 =	vadd.f32 v13, v10  }
0x159: {  	v13 =	vsel vm0, v5, v14;
	v5 =	vsel vm0, v14, v5;
	v9 =	vadd.f32 v28, v9  }
0x15a: {  	v13 =	vperm.xlane v13, v0;
	v6 =	vadd.f32 v16, v6;
	v4 =	vadd.f32 v4, v12  }
0x15b: {  	v12 =	vsel vm0, v18, v19;
	v17 =	vsel vm0, v10, v11;
	v18 =	vsel vm0, v21, v22  }
0x15c: {  	v19 =	vsel vm0, v23, v25;
	v10 =	vsel vm0, v11, v10;
	v17 =	vperm.xlane v17, v0  }
0x15d: {  	v7 =	vadd.f32 v7, v19;
	v5 =	vadd.f32 v13, v5;
	v14 =	vsel vm0, v4, v9  }
0x15e: {  	v4 =	vsel vm0, v9, v4;
	v9 =	vadd.f32 v20, v12;
	v11 =	vperm.xlane v14, v0  }
0x15f: {  	v12 =	vadd.f32 v24, v18;
	v10 =	vadd.f32 v17, v10  }
0x160: {  	v14 =	vsel vm1, v5, v6;
	v5 =	vsel vm1, v6, v5;
	v4 =	vadd.f32 v11, v4  }
0x161: {  	v13 =	vsel vm1, v9, v8;
	v8 =	vsel vm1, v8, v9;
	v9 =	vperm.xlane v14, v1  }
0x162: {  	v11 =	vsel vm1, v7, v12;
	v13 =	vperm.xlane v13, v1;
	v14 =	vsel vm1, v4, v10  }
0x163: {  	v7 =	vsel vm1, v12, v7;
	v11 =	vperm.xlane v11, v1;
	v6 =	vperm.xlane v14, v1  }
0x164: {  	v5 =	vadd.f32 v9, v5;
	v8 =	vadd.f32 v13, v8;
	v4 =	vsel vm1, v10, v4  }
0x165: {  	v7 =	vadd.f32 v11, v7;
	v4 =	vadd.f32 v6, v4;
	_ =	sdelay $0x1  }
0x166: {  	v6 =	vsel vm2, v7, v8;
	v9 =	vsel vm2, v4, v5  }
0x167: {  	v6 =	vperm.xlane v6, v2;
	v9 =	vperm.xlane v9, v2  }
0x168: {  	v7 =	vsel vm2, v8, v7;
	v4 =	vsel vm2, v5, v4  }
0x169: {  	v5 =	vadd.f32 v6, v7;
	v4 =	vadd.f32 v9, v4;
	_ =	sdelay $0x1  }
0x16a: {  	v6 =	vsel vm3, v4, v5  }
0x16b: {  	v6 =	vperm.xlane v6, v3  }
0x16c: {  	v4 =	vsel vm3, v5, v4  }
0x16d: {  	p0 =	seq.s32 s25, $0xF;
	v4 =	vadd.f32 v4, v6  }
0x16e: {  	s0 =	sshrl.u32 @!p0 s30, $0x2  }
0x16f: {  	s26 =	simm.s32 @!p0 $0x80;
	s30 =	simm.s32 @!p0 $0x3040;
	s1 =	sadd.s32 @!p0 $0x240, s0;
	[tilespmem:s31+$0xFFFFFFF0] =	vst v4  }
0x170: {  	[tilespmem:s30], [sflag:$0x1] =	stream.indirect.gather @!p0 [hbm4b:s3+s26], $0x40, s1, s26, $0xb8;
	[tilespmem:$0xD040] =	vst v63  }
0x171: {  	s0 =	sadd.s32 @!p0 $0x2C0, s0;
	s1 =	simm.s32 @!p0 $0x5040  }
0x172: {  	[tilespmem:s1], [sflag:$0x1] =	stream.indirect.gather @!p0 [hbm4b:s3+s26], $0x40, s0, s26, $0xb8;
	[tilespmem:$0xD040] =	vst v63  }
0x173: {  	_ =	swait.ge [sflag:s22], $0x2000  }
0x174: {  	[sflag:s22] =	ssyncset.done $0x0  }
0x175: {  	[sflag:s22] =	ssyncadd.s32 $0xFFFFE000  }
0x176: {  	_ =	swait.ge [sflag:s22], $0x2000  }
0x177: {  	[sflag:s22] =	ssyncset.done $0x0  }
0x178: {  	s30 =	sshra.s32 s29, $0x2;
	[sflag:s22] =	ssyncadd.s32 $0xFFFFE000  }
0x179: {  	v5 =	vld [tilespmem:s30+$0x2840]  }
0x17a: {  	v6 =	vld [tilespmem:s30+$0x2850]  }
0x17b: {  	v7 =	vld [tilespmem:s30+$0x2860]  }
0x17c: {  	s31 =	simm.s32 $0x7440;
	v4 =	vld [tilespmem:s30+$0x2870]  }
0x17d: {  	v8 =	vld [tilespmem:s31+$0x30]  }
0x17e: {  	v9 =	vld [tilespmem:s31+$0x70]  }
0x17f: {  	v10 =	vld [tilespmem:s31+$0xB0]  }
0x180: {  	v11 =	vld [tilespmem:s31+$0xF0]  }
0x181: {  	v12 =	vld [tilespmem:s31+$0x130]  }
0x182: {  	v13 =	vld [tilespmem:s31+$0x170]  }
0x183: {  	v14 =	vld [tilespmem:s31+$0x1B0]  }
0x184: {  	v15 =	vld [tilespmem:s31+$0x1F0]  }
0x185: {  	v16 =	vld [tilespmem:s31+$0x20]  }
0x186: {  	v17 =	vld [tilespmem:s31+$0x60]  }
0x187: {  	v18 =	vld [tilespmem:s31+$0xA0]  }
0x188: {  	v19 =	vld [tilespmem:s31+$0xE0]  }
0x189: {  	v20 =	vld [tilespmem:s31+$0x120]  }
0x18a: {  	v21 =	vld [tilespmem:s31+$0x160]  }
0x18b: {  	v22 =	vld [tilespmem:s31+$0x1A0]  }
0x18c: {  	v23 =	vld [tilespmem:s31+$0x1E0]  }
0x18d: {  	v24 =	vld [tilespmem:s31+$0x0]  }
0x18e: {  	v25 =	vld [tilespmem:s31+$0x10]  }
0x18f: {  	v26 =	vld [tilespmem:s31+$0x40]  }
0x190: {  	v27 =	vld [tilespmem:s31+$0x50]  }
0x191: {  	v28 =	vld [tilespmem:s31+$0x80]  }
0x192: {  	v29 =	vld [tilespmem:s31+$0x90]  }
0x193: {  	v30 =	vld [tilespmem:s31+$0xC0]  }
0x194: {  	v31 =	vld [tilespmem:s31+$0xD0]  }
0x195: {  	v56 =	vld [tilespmem:s31+$0x100]  }
0x196: {  	v57 =	vld [tilespmem:s31+$0x110]  }
0x197: {  	v34 =	vld [tilespmem:s31+$0x140]  }
0x198: {  	v35 =	vld [tilespmem:s31+$0x150]  }
0x199: {  	v36 =	vld [tilespmem:s31+$0x180]  }
0x19a: {  	v39 =	vld [tilespmem:s31+$0x190]  }
0x19b: {  	v40 =	vld [tilespmem:s31+$0x1C0]  }
0x19c: {  	v41 =	vld [tilespmem:s31+$0x1D0];
	v37 =	vmul.f32 v8, v4  }
0x19d: {  	v42 =	vld [tilespmem:s31+$0x240];
	v38 =	vmul.f32 v9, v4;
	v10 =	vmul.f32 v10, v4  }
0x19e: {  	v43 =	vld [tilespmem:s31+$0x250];
	v11 =	vmul.f32 v11, v4;
	v12 =	vmul.f32 v12, v4  }
0x19f: {  	v44 =	vld [tilespmem:s31+$0x280];
	v13 =	vmul.f32 v13, v4;
	v8 =	vmul.f32 v14, v4  }
0x1a0: {  	v45 =	vld [tilespmem:s31+$0x290];
	v9 =	vmul.f32 v15, v4;
	v15 =	vmul.f32 v16, v7  }
0x1a1: {  	v46 =	vld [tilespmem:s31+$0x2C0];
	v16 =	vmul.f32 v17, v7;
	v18 =	vmul.f32 v18, v7  }
0x1a2: {  	v47 =	vld [tilespmem:s31+$0x2D0];
	v19 =	vmul.f32 v19, v7;
	v20 =	vmul.f32 v20, v7  }
0x1a3: {  	v48 =	vld [tilespmem:s31+$0x300];
	v21 =	vmul.f32 v21, v7;
	v24 =	vmul.f32 v24, v5  }
0x1a4: {  	v49 =	vld [tilespmem:s31+$0x310];
	v25 =	vmul.f32 v25, v6;
	v26 =	vmul.f32 v26, v5  }
0x1a5: {  	v50 =	vld [tilespmem:s31+$0x340];
	v27 =	vmul.f32 v27, v6;
	v28 =	vmul.f32 v28, v5  }
0x1a6: {  	v51 =	vld [tilespmem:s31+$0x350];
	v29 =	vmul.f32 v29, v6;
	v30 =	vmul.f32 v30, v5  }
0x1a7: {  	v52 =	vld [tilespmem:s31+$0x380];
	v31 =	vmul.f32 v31, v6;
	v32 =	vmul.f32 v56, v5  }
0x1a8: {  	v53 =	vld [tilespmem:s31+$0x390];
	v33 =	vmul.f32 v57, v6;
	v34 =	vmul.f32 v34, v5  }
0x1a9: {  	v54 =	vld [tilespmem:s31+$0x3C0];
	v35 =	vmul.f32 v35, v6;
	v36 =	vmul.f32 v36, v5  }
0x1aa: {  	v59 =	vld [tilespmem:s31+$0x2E0];
	v39 =	vmul.f32 v39, v6;
	v40 =	vmul.f32 v40, v5  }
0x1ab: {  	v62 =	vld [tilespmem:s31+$0x320];
	v41 =	vmul.f32 v41, v6;
	v44 =	vmul.f32 v44, v5  }
0x1ac: {  	v14 =	vld [tilespmem:s31+$0x200];
	v45 =	vmul.f32 v45, v6;
	v46 =	vmul.f32 v46, v5  }
0x1ad: {  	v17 =	vld [tilespmem:s31+$0x210];
	v47 =	vmul.f32 v47, v6;
	v48 =	vmul.f32 v48, v5  }
0x1ae: {  	v49 =	vmul.f32 v49, v6;
	v58 =	vmul.f32 v52, v5;
	v52 =	vld [tilespmem:s31+$0x360];
	v24 =	vadd.f32 v25, v24  }
0x1af: {  	v63 =	vmul.f32 v54, v5;
	v54 =	vld [tilespmem:s31+$0x3A0];
	v26 =	vadd.f32 v27, v26;
	v28 =	vadd.f32 v29, v28  }
0x1b0: {  	v50 =	vmul.f32 v50, v5;
	v56 =	vld [tilespmem:s31+$0x3E0];
	v30 =	vadd.f32 v31, v30;
	v32 =	vadd.f32 v33, v32  }
0x1b1: {  	v61 =	vmul.f32 v53, v6;
	v57 =	vld [tilespmem:s31+$0x230];
	v33 =	vadd.f32 v35, v34;
	v36 =	vadd.f32 v39, v36  }
0x1b2: {  	v25 =	vld [tilespmem:s31+$0x3D0];
	v31 =	vmul.f32 v51, v6;
	v60 =	vadd.f32 v41, v40;
	v44 =	vadd.f32 v45, v44  }
0x1b3: {  	v22 =	vmul.f32 v22, v7;
	v27 =	vld [tilespmem:s31+$0x220];
	v53 =	vadd.f32 v47, v46;
	v55 =	vadd.f32 v49, v48  }
0x1b4: {  	v23 =	vmul.f32 v23, v7;
	v29 =	vld [tilespmem:s31+$0x260];
	v34 =	vadd.f32 v61, v58;
	v31 =	vadd.f32 v31, v50  }
0x1b5: {  	v42 =	vmul.f32 v42, v5;
	v51 =	vld [tilespmem:s31+$0x2A0];
	v15 =	vadd.f32 v15, v24;
	v16 =	vadd.f32 v16, v26  }
0x1b6: {  	v58 =	vmul.f32 v62, v7;
	v61 =	vld [tilespmem:s31+$0x330];
	v18 =	vadd.f32 v18, v28;
	v19 =	vadd.f32 v19, v30  }
0x1b7: {  	v45 =	vld [tilespmem:s31+$0xFFFFFCC0];
	v28 =	vmul.f32 v59, v7;
	v20 =	vadd.f32 v20, v32;
	v21 =	vadd.f32 v21, v33  }
0x1b8: {  	v43 =	vmul.f32 v43, v6;
	v49 =	vld [tilespmem:s31+$0xFFFFFD40];
	v22 =	vadd.f32 v22, v36;
	v23 =	vadd.f32 v23, v60  }
0x1b9: {  	v26 =	vld [tilespmem:s31+$0x270];
	v32 =	vadd.f32 v58, v55;
	v14 =	vmul.f32 v14, v5;
	v28 =	vadd.f32 v28, v53  }
0x1ba: {  	v30 =	vld [tilespmem:s31+$0x2B0];
	v17 =	vmul.f32 v17, v6;
	v15 =	vadd.f32 v37, v15;
	v16 =	vadd.f32 v38, v16  }
0x1bb: {  	v59 =	vld [tilespmem:s31+$0x2F0];
	v60 =	vmul.f32 v52, v7;
	v10 =	vadd.f32 v10, v18;
	v11 =	vadd.f32 v11, v19  }
0x1bc: {  	v55 =	vld [tilespmem:s31+$0xFFFFFE80];
	v62 =	vmul.f32 v56, v7;
	v12 =	vadd.f32 v12, v20;
	v13 =	vadd.f32 v13, v21  }
0x1bd: {  	v58 =	vld [tilespmem:s31+$0xFFFFFED0];
	v40 =	vmul.f32 v57, v4;
	v22 =	vadd.f32 v8, v22;
	v9 =	vadd.f32 v9, v23  }
0x1be: {  	v57 =	vld [tilespmem:s31+$0xFFFFFEC0];
	v14 =	vadd.f32 v17, v14;
	v25 =	vmul.f32 v25, v6;
	v27 =	vmul.f32 v27, v7  }
0x1bf: {  	v19 =	vld [tilespmem:s31+$0xFFFFFC50];
	v17 =	vadd.f32 v43, v42;
	v29 =	vmul.f32 v29, v7;
	v24 =	vmul.f32 v51, v7  }
0x1c0: {  	v21 =	vld [tilespmem:s31+$0xFFFFFC80];
	v31 =	vadd.f32 v60, v31;
	v20 =	vmul.f32 v61, v4;
	v33 =	vmul.f32 v45, v5  }
0x1c1: {  	v53 =	vld [tilespmem:s31+$0xFFFFFD50];
	v46 =	vsel vm0, v10, v11;
	v47 =	vsel vm0, v12, v13;
	v48 =	vsel vm0, v22, v9  }
0x1c2: {  	v42 =	vld [tilespmem:s31+$0x3F0];
	v10 =	vsel vm0, v11, v10;
	v11 =	vsel vm0, v13, v12;
	v25 =	vadd.f32 v25, v63  }
0x1c3: {  	v43 =	vld [tilespmem:s31+$0xFFFFFC10];
	v9 =	vsel vm0, v9, v22;
	v14 =	vadd.f32 v27, v14;
	v17 =	vadd.f32 v29, v17  }
0x1c4: {  	v60 =	vld [tilespmem:s31+$0xFFFFFF50];
	v27 =	vmul.f32 v54, v7;
	v24 =	vadd.f32 v24, v44;
	v26 =	vmul.f32 v26, v4  }
0x1c5: {  	v45 =	vld [tilespmem:s31+$0xFFFFFC00];
	v30 =	vmul.f32 v30, v4;
	v18 =	vmul.f32 v59, v4;
	v20 =	vadd.f32 v20, v32  }
0x1c6: {  	v12 =	vld [tilespmem:s31+$0xFFFFFD80];
	v10 =	vperm.xlane v10, v0;
	v27 =	vadd.f32 v27, v34;
	v25 =	vadd.f32 v62, v25  }
0x1c7: {  	v22 =	vld [tilespmem:s31+$0xFFFFFDD0];
	v9 =	vperm.xlane v9, v0;
	v14 =	vadd.f32 v40, v14;
	v17 =	vadd.f32 v26, v17  }
0x1c8: {  	v29 =	vld [tilespmem:s31+$0x370];
	v11 =	vperm.xlane v11, v0;
	v24 =	vadd.f32 v30, v24;
	v18 =	vadd.f32 v18, v28  }
0x1c9: {  	v63 =	vld [tilespmem:s31+$0x3B0];
	v10 =	vadd.f32 v10, v46;
	v9 =	vadd.f32 v9, v48;
	v48 =	vmul.f32 v55, v5  }
0x1ca: {  	v44 =	vld [tilespmem:s31+$0xFFFFFC40];
	v11 =	vadd.f32 v11, v47;
	v28 =	vmul.f32 v42, v4;
	v8 =	vmul.f32 v43, v6  }
0x1cb: {  	v30 =	vld [tilespmem:s31+$0xFFFFFCD0];
	v40 =	vmul.f32 v45, v5;
	v39 =	vmul.f32 v60, v6;
	v50 =	vsel vm0, v14, v17  }
0x1cc: {  	v62 =	vld [tilespmem:s31+$0xFFFFFF80];
	v51 =	vsel vm0, v24, v18;
	v13 =	vsel vm0, v17, v14;
	v14 =	vsel vm0, v18, v24  }
0x1cd: {  	v47 =	vld [tilespmem:s31+$0xFFFFFC20];
	v54 =	vsel vm1, v11, v9;
	v12 =	vmul.f32 v12, v5;
	v22 =	vmul.f32 v22, v6  }
0x1ce: {  	v18 =	vld [tilespmem:s31+$0xFFFFFDC0];
	v9 =	vsel vm1, v9, v11;
	v23 =	vmul.f32 v29, v4;
	v26 =	vmul.f32 v63, v4  }
0x1cf: {  	v24 =	vld [tilespmem:s31+$0xFFFFFE10];
	v25 =	vadd.f32 v28, v25;
	v13 =	vperm.xlane v13, v0;
	v14 =	vperm.xlane v14, v0  }
0x1d0: {  	v29 =	vld [tilespmem:s31+$0xFFFFFC90];
	v9 =	vperm.xlane v9, v1;
	v63 =	vmul.f32 v53, v6;
	v8 =	vadd.f32 v8, v40  }
0x1d1: {  	v28 =	vld [tilespmem:s31+$0xFFFFFD10];
	v23 =	vadd.f32 v23, v31;
	v26 =	vadd.f32 v26, v27;
	v27 =	vsel vm0, v15, v16  }
0x1d2: {  	v53 =	vld [tilespmem:s31+$0xFFFFFE60];
	v15 =	vsel vm0, v16, v15;
	v13 =	vadd.f32 v13, v50;
	v14 =	vadd.f32 v14, v51  }
0x1d3: {  	v31 =	vld [tilespmem:s31+$0xFFFFFD00];
	v9 =	vadd.f32 v9, v54;
	v36 =	vmul.f32 v47, v7;
	v15 =	vperm.xlane v15, v0  }
0x1d4: {  	v16 =	vld [tilespmem:s31+$0xFFFFFD90];
	v52 =	vsel vm0, v20, v23;
	v17 =	vsel vm0, v23, v20;
	v20 =	vsel vm0, v25, v26  }
0x1d5: {  	v50 =	vld [tilespmem:s31+$0xFFFFFD60];
	v25 =	vsel vm0, v26, v25;
	v11 =	vsel vm1, v14, v13;
	v18 =	vmul.f32 v18, v5  }
0x1d6: {  	v51 =	vld [tilespmem:s31+$0xFFFFFDA0];
	v13 =	vsel vm1, v13, v14;
	v24 =	vmul.f32 v24, v6;
	v17 =	vperm.xlane v17, v0  }
0x1d7: {  	v23 =	vld [tilespmem:s31+$0xFFFFFE00];
	v8 =	vadd.f32 v36, v8;
	v20 =	vperm.xlane v20, v0;
	v11 =	vperm.xlane v11, v1  }
0x1d8: {  	v26 =	vld [tilespmem:s31+$0xFFFFFE50];
	v15 =	vadd.f32 v15, v27;
	v29 =	vmul.f32 v29, v6;
	v28 =	vmul.f32 v28, v6  }
0x1d9: {  	v54 =	vld [tilespmem:s31+$0xFFFFFEA0];
	v18 =	vadd.f32 v22, v18;
	v22 =	vmul.f32 v58, v6;
	v17 =	vadd.f32 v17, v52  }
0x1da: {  	v27 =	vld [tilespmem:s31+$0xFFFFFE40];
	v20 =	vadd.f32 v20, v25;
	v25 =	vsel vm1, v15, v10;
	v10 =	vsel vm1, v10, v15  }
0x1db: {  	v58 =	vld [tilespmem:s31+$0xFFFFFC30];
	v11 =	vadd.f32 v11, v13;
	v16 =	vmul.f32 v16, v6;
	v55 =	vmul.f32 v50, v7  }
0x1dc: {  	v15 =	vld [tilespmem:s31+$0xFFFFFE90];
	v10 =	vperm.xlane v10, v1;
	v56 =	vsel vm1, v20, v17;
	v23 =	vmul.f32 v23, v5  }
0x1dd: {  	v52 =	vld [tilespmem:s31+$0xFFFFFE20];
	v17 =	vsel vm1, v17, v20;
	v26 =	vmul.f32 v26, v6;
	v14 =	vperm.xlane v56, v1  }
0x1de: {  	v20 =	vld [tilespmem:s31+$0xFFFFFF00];
	v12 =	vadd.f32 v16, v12;
	v16 =	vmul.f32 v57, v5;
	v10 =	vadd.f32 v10, v25  }
0x1df: {  	v57 =	vld [tilespmem:s31+$0xFFFFFFE0];
	v25 =	vmul.f32 v44, v5;
	v27 =	vmul.f32 v27, v5;
	v13 =	vadd.f32 v14, v17  }
0x1e0: {  	v23 =	vadd.f32 v24, v23;
	v24 =	vld [tilespmem:s31+$0xFFFFFDE0];
	v22 =	vadd.f32 v22, v16;
	v17 =	vmul.f32 v19, v6  }
0x1e1: {  	v14 =	vld [tilespmem:s31+$0xFFFFFF10];
	v19 =	vmul.f32 v21, v5;
	v32 =	vsel vm2, v9, v10;
	v59 =	vsel vm2, v13, v11  }
0x1e2: {  	v21 =	vld [tilespmem:s31+$0xFFFFFF40];
	v17 =	vadd.f32 v17, v25;
	v25 =	vperm.xlane v32, v2;
	v61 =	vperm.xlane v59, v2  }
0x1e3: {  	v9 =	vsel vm2, v10, v9;
	v15 =	vmul.f32 v15, v6;
	v10 =	vsel vm2, v11, v13;
	v11 =	vld [tilespmem:s31+$0xFFFFFF90]  }
0x1e4: {  	v13 =	vmul.f32 v30, v6;
	v30 =	vld [tilespmem:s31+$0xFFFFFFD0];
	v9 =	vadd.f32 v25, v9;
	v10 =	vadd.f32 v61, v10  }
0x1e5: {  	v19 =	vadd.f32 v29, v19;
	v29 =	vmul.f32 v31, v5;
	v31 =	vmul.f32 v49, v5;
	v49 =	vld [tilespmem:s31+$0xFFFFFD20]  }
0x1e6: {  	v26 =	vadd.f32 v26, v27;
	v27 =	vmul.f32 v62, v5;
	v25 =	vld [tilespmem:s31+$0xFFFFFFC0];
	v44 =	vsel vm3, v10, v9  }
0x1e7: {  	v20 =	vmul.f32 v20, v5;
	v28 =	vadd.f32 v28, v29;
	v29 =	vld [tilespmem:s31+$0xFFFFFCE0];
	v46 =	vperm.xlane v44, v3  }
0x1e8: {  	v15 =	vadd.f32 v15, v48;
	v13 =	vadd.f32 v13, v33;
	v9 =	vsel vm3, v9, v10;
	v10 =	vld [tilespmem:s31+$0xFFFFFC60]  }
0x1e9: {  	v24 =	vmul.f32 v24, v7;
	v14 =	vmul.f32 v14, v6;
	v33 =	vadd.f32 v9, v46;
	v9 =	vld [tilespmem:s31+$0xFFFFFCA0]  }
0x1ea: {  	v56 =	vld [tilespmem:s31+$0xFFFFFFA0];
	v31 =	vadd.f32 v63, v31;
	v21 =	vmul.f32 v21, v5;
	v11 =	vmul.f32 v11, v6  }
0x1eb: {  	v30 =	vmul.f32 v30, v6;
	v20 =	vadd.f32 v14, v20;
	v14 =	vld [tilespmem:s31+$0xFFFFFEE0];
	v25 =	vmul.f32 v25, v5  }
0x1ec: {  	v61 =	vadd.f32 v24, v18;
	v27 =	vadd.f32 v11, v27;
	v11 =	vld [tilespmem:s31+$0xFFFFFF20];
	v16 =	vmul.f32 v29, v7  }
0x1ed: {  	v21 =	vadd.f32 v39, v21;
	v29 =	vld [tilespmem:s31+$0xFFFFFF60];
	v25 =	vadd.f32 v30, v25;
	v10 =	vmul.f32 v10, v7  }
0x1ee: {  	v62 =	vld [tilespmem:s31+$0xFFFFFEB0];
	v30 =	vmul.f32 v49, v7;
	v59 =	vadd.f32 v16, v13;
	v9 =	vmul.f32 v9, v7  }
0x1ef: {  	v18 =	vld [tilespmem:s31+$0xFFFFFCF0];
	v13 =	vmul.f32 v54, v7;
	v17 =	vadd.f32 v10, v17;
	v10 =	vmul.f32 v51, v7  }
0x1f0: {  	v28 =	vadd.f32 v30, v28;
	v30 =	vld [tilespmem:s31+$0xFFFFFC70];
	v19 =	vadd.f32 v9, v19;
	v9 =	vmul.f32 v52, v7  }
0x1f1: {  	v24 =	vld [tilespmem:s31+$0xFFFFFD30];
	v60 =	vadd.f32 v10, v12;
	v10 =	vmul.f32 v14, v7;
	v14 =	vadd.f32 v13, v15  }
0x1f2: {  	v12 =	vld [tilespmem:s31+$0xFFFFFCB0];
	v15 =	vmul.f32 v29, v7;
	v23 =	vadd.f32 v9, v23;
	v9 =	vmul.f32 v11, v7  }
0x1f3: {  	v37 =	vmul.f32 v53, v7;
	v31 =	vadd.f32 v55, v31;
	v13 =	vadd.f32 v10, v22;
	v22 =	vld [tilespmem:s31+$0xFFFFFDB0]  }
0x1f4: {  	v10 =	vadd.f32 v15, v21;
	v15 =	vmul.f32 v58, v4;
	v11 =	vadd.f32 v9, v20;
	v20 =	vld [tilespmem:s31+$0xFFFFFD70]  }
0x1f5: {  	v16 =	vadd.f32 v37, v26;
	v26 =	vmul.f32 v57, v7;
	v29 =	vld [tilespmem:s31+$0xFFFFFDF0];
	v21 =	vmul.f32 v30, v4  }
0x1f6: {  	[tilespmem:s28+$0x0] =	vst v33;
	v33 =	vmul.f32 v62, v4;
	v8 =	vadd.f32 v15, v8;
	v9 =	vmul.f32 v56, v7  }
0x1f7: {  	v30 =	vld [tilespmem:s31+$0xFFFFFE30];
	v17 =	vadd.f32 v21, v17;
	v15 =	vmul.f32 v18, v4;
	v21 =	vmul.f32 v24, v4  }
0x1f8: {  	v9 =	vadd.f32 v9, v27;
	v27 =	vmul.f32 v12, v4;
	v12 =	vadd.f32 v26, v25;
	v26 =	vld [tilespmem:s31+$0xFFFFFE70]  }
0x1f9: {  	v21 =	vadd.f32 v21, v28;
	v24 =	vmul.f32 v22, v4;
	v20 =	vmul.f32 v20, v4  }
0x1fa: {  	v25 =	vmul.f32 v29, v4;
	v18 =	vadd.f32 v27, v19;
	v19 =	vadd.f32 v15, v59;
	v27 =	vld [tilespmem:s31+$0xFFFFFEF0]  }
0x1fb: {  	v28 =	vld [tilespmem:s31+$0xFFFFFF30];
	v15 =	vsel vm0, v17, v8;
	v24 =	vadd.f32 v24, v60;
	v22 =	vadd.f32 v20, v31  }
0x1fc: {  	v29 =	vld [tilespmem:s31+$0xFFFFFF70];
	v25 =	vadd.f32 v25, v61;
	v15 =	vperm.xlane v15, v0;
	v31 =	vmul.f32 v30, v4  }
0x1fd: {  	s29 =	smov.u32 s28;
	v20 =	vsel vm0, v19, v18;
	v32 =	vmul.f32 v26, v4;
	v30 =	vld [tilespmem:s31+$0xFFFFFFB0];
	v63 =	vsel vm0, v22, v21  }
0x1fe: {  	s1 =	simm.s32 $0x0;
	s0 =	simm.s32 $0x7C40;
	s26 =	smov.u32 s28;
	v20 =	vperm.xlane v20, v0;
	v26 =	vadd.f32 v31, v23;
	v31 =	vld [tilespmem:s31+$0xFFFFFFF0];
	v23 =	vperm.xlane v63, v0  }
.LBB2_7:
0x1ff: {  	v34 =	vld [tilespmem:s0+$0x30];
	v16 =	vadd.f32 v32, v16;
	v27 =	vmul.f32 v27, v4;
	v32 =	vsel vm0, v25, v24  }
0x200: {  	v35 =	vld [tilespmem:s0+$0x70];
	v14 =	vadd.f32 v33, v14;
	v28 =	vmul.f32 v28, v4;
	v32 =	vperm.xlane v32, v0  }
0x201: {  	v33 =	vld [tilespmem:s0+$0xB0];
	v13 =	vadd.f32 v27, v13;
	v27 =	vmul.f32 v29, v4;
	v29 =	vsel vm0, v16, v26  }
0x202: {  	v36 =	vld [tilespmem:s0+$0xF0];
	v11 =	vadd.f32 v28, v11;
	v28 =	vmul.f32 v30, v4;
	v29 =	vperm.xlane v29, v0  }
0x203: {  	v30 =	vld [tilespmem:s0+$0x130];
	v10 =	vadd.f32 v27, v10;
	v27 =	vmul.f32 v31, v4;
	v31 =	vsel vm0, v13, v14  }
0x204: {  	v8 =	vsel vm0, v8, v17;
	v37 =	vld [tilespmem:s0+$0x170];
	v9 =	vadd.f32 v28, v9;
	v17 =	vperm.xlane v31, v0  }
0x205: {  	v18 =	vsel vm0, v18, v19;
	v28 =	vld [tilespmem:s0+$0x1B0];
	v12 =	vadd.f32 v27, v12;
	v19 =	vsel vm0, v10, v11  }
0x206: {  	v21 =	vsel vm0, v21, v22;
	v22 =	vsel vm0, v24, v25;
	v27 =	vld [tilespmem:s0+$0x1F0];
	v19 =	vperm.xlane v19, v0  }
0x207: {  	v16 =	vsel vm0, v26, v16;
	v13 =	vsel vm0, v14, v13;
	v24 =	vld [tilespmem:s0+$0x20];
	v14 =	vsel vm0, v12, v9  }
0x208: {  	v10 =	vsel vm0, v11, v10;
	v9 =	vsel vm0, v9, v12;
	v25 =	vld [tilespmem:s0+$0x60];
	v11 =	vperm.xlane v14, v0  }
0x209: {  	v8 =	vadd.f32 v15, v8;
	v12 =	vadd.f32 v20, v18;
	v26 =	vld [tilespmem:s0+$0xA0]  }
0x20a: {  	v15 =	vadd.f32 v32, v22;
	v14 =	vadd.f32 v23, v21;
	v18 =	vld [tilespmem:s0+$0xE0]  }
0x20b: {  	v16 =	vadd.f32 v29, v16;
	v13 =	vadd.f32 v17, v13;
	v17 =	vsel vm1, v12, v8;
	v20 =	vld [tilespmem:s0+$0x120]  }
0x20c: {  	v10 =	vadd.f32 v19, v10;
	v9 =	vadd.f32 v11, v9;
	v11 =	vsel vm1, v15, v14;
	v21 =	vld [tilespmem:s0+$0x160]  }
0x20d: {  	v22 =	vsel vm1, v13, v16;
	v17 =	vperm.xlane v17, v1;
	v11 =	vperm.xlane v11, v1;
	v19 =	vld [tilespmem:s0+$0x1A0]  }
0x20e: {  	v8 =	vsel vm1, v8, v12;
	v12 =	vperm.xlane v22, v1;
	v22 =	vsel vm1, v9, v10;
	v23 =	vld [tilespmem:s0+$0x1E0]  }
0x20f: {  	v13 =	vsel vm1, v16, v13;
	v14 =	vsel vm1, v14, v15;
	v15 =	vperm.xlane v22, v1;
	v29 =	vld [tilespmem:s0+$0x0]  }
0x210: {  	v8 =	vadd.f32 v17, v8;
	v9 =	vsel vm1, v10, v9;
	v11 =	vadd.f32 v11, v14;
	v22 =	vld [tilespmem:s0+$0x10]  }
0x211: {  	v10 =	vadd.f32 v12, v13;
	v9 =	vadd.f32 v15, v9;
	v31 =	vld [tilespmem:s0+$0x40]  }
0x212: {  	v12 =	vsel vm2, v8, v11;
	v8 =	vsel vm2, v11, v8;
	v32 =	vld [tilespmem:s0+$0x50]  }
0x213: {  	v8 =	vperm.xlane v8, v2;
	v11 =	vsel vm2, v10, v9;
	v9 =	vsel vm2, v9, v10;
	v38 =	vld [tilespmem:s0+$0x80]  }
0x214: {  	v9 =	vperm.xlane v9, v2;
	v39 =	vld [tilespmem:s0+$0x90]  }
0x215: {  	v10 =	vadd.f32 v8, v12;
	v40 =	vld [tilespmem:s0+$0xC0]  }
0x216: {  	v9 =	vadd.f32 v9, v11;
	v41 =	vld [tilespmem:s0+$0xD0]  }
0x217: {  	v42 =	vld [tilespmem:s0+$0x100]  }
0x218: {  	v8 =	vsel vm3, v10, v9;
	v9 =	vsel vm3, v9, v10;
	v43 =	vld [tilespmem:s0+$0x110]  }
0x219: {  	v16 =	vmul.f32 v34, v4;
	v17 =	vmul.f32 v35, v4;
	v34 =	vld [tilespmem:s0+$0x140]  }
0x21a: {  	v14 =	vmul.f32 v33, v4;
	v15 =	vmul.f32 v36, v4;
	v33 =	vld [tilespmem:s0+$0x150]  }
0x21b: {  	v13 =	vmul.f32 v37, v4;
	v12 =	vmul.f32 v30, v4;
	v30 =	vld [tilespmem:s0+$0x180]  }
0x21c: {  	v11 =	vmul.f32 v27, v4;
	v10 =	vmul.f32 v28, v4;
	v35 =	vld [tilespmem:s0+$0x190]  }
0x21d: {  	v24 =	vmul.f32 v24, v7;
	v25 =	vmul.f32 v25, v7;
	v27 =	vld [tilespmem:s0+$0x1C0]  }
0x21e: {  	v26 =	vmul.f32 v26, v7;
	v18 =	vmul.f32 v18, v7;
	v28 =	vld [tilespmem:s0+$0x1D0]  }
0x21f: {  	v20 =	vmul.f32 v20, v7;
	v21 =	vmul.f32 v21, v7;
	v36 =	vld [tilespmem:s0+$0x200]  }
0x220: {  	v19 =	vmul.f32 v19, v7;
	v23 =	vmul.f32 v23, v7;
	v37 =	vld [tilespmem:s0+$0x210]  }
0x221: {  	v29 =	vmul.f32 v29, v5;
	v22 =	vmul.f32 v22, v6;
	v44 =	vld [tilespmem:s0+$0x240]  }
0x222: {  	v31 =	vmul.f32 v31, v5;
	v32 =	vmul.f32 v32, v6;
	v45 =	vld [tilespmem:s0+$0x250]  }
0x223: {  	v38 =	vmul.f32 v38, v5;
	v39 =	vmul.f32 v39, v6;
	v46 =	vld [tilespmem:s0+$0x280]  }
0x224: {  	v40 =	vmul.f32 v40, v5;
	v41 =	vmul.f32 v41, v6;
	v47 =	vld [tilespmem:s0+$0x290]  }
0x225: {  	v42 =	vmul.f32 v42, v5;
	v43 =	vmul.f32 v43, v6;
	v48 =	vld [tilespmem:s0+$0x2C0]  }
0x226: {  	v34 =	vmul.f32 v34, v5;
	v33 =	vmul.f32 v33, v6;
	v49 =	vld [tilespmem:s0+$0x2D0]  }
0x227: {  	v30 =	vmul.f32 v30, v5;
	v35 =	vmul.f32 v35, v6;
	v50 =	vld [tilespmem:s0+$0x300]  }
0x228: {  	v27 =	vmul.f32 v27, v5;
	v28 =	vmul.f32 v28, v6;
	v51 =	vld [tilespmem:s0+$0x310]  }
0x229: {  	v36 =	vmul.f32 v36, v5;
	v37 =	vmul.f32 v37, v6;
	v52 =	vld [tilespmem:s0+$0x340]  }
0x22a: {  	v44 =	vmul.f32 v44, v5;
	v45 =	vmul.f32 v45, v6;
	v53 =	vld [tilespmem:s0+$0x350]  }
0x22b: {  	v46 =	vmul.f32 v46, v5;
	v47 =	vmul.f32 v47, v6;
	v54 =	vld [tilespmem:s0+$0x380]  }
0x22c: {  	v48 =	vmul.f32 v48, v5;
	v49 =	vmul.f32 v49, v6;
	v55 =	vld [tilespmem:s0+$0x390]  }
0x22d: {  	v50 =	vmul.f32 v50, v5;
	v51 =	vmul.f32 v51, v6;
	v56 =	vld [tilespmem:s0+$0x3C0]  }
0x22e: {  	v22 =	vadd.f32 v22, v29;
	v29 =	vadd.f32 v32, v31;
	v31 =	vmul.f32 v52, v5;
	v32 =	vld [tilespmem:s0+$0x3D0]  }
0x22f: {  	v38 =	vadd.f32 v39, v38;
	v39 =	vadd.f32 v41, v40;
	v40 =	vld [tilespmem:s0+$0x220];
	v41 =	vmul.f32 v53, v6  }
0x230: {  	v42 =	vadd.f32 v43, v42;
	v33 =	vadd.f32 v33, v34;
	v34 =	vld [tilespmem:s0+$0x260];
	v43 =	vmul.f32 v54, v5  }
0x231: {  	v30 =	vadd.f32 v35, v30;
	v27 =	vadd.f32 v28, v27;
	v28 =	vld [tilespmem:s0+$0x2A0];
	v35 =	vmul.f32 v55, v6  }
0x232: {  	v36 =	vadd.f32 v37, v36;
	v37 =	vadd.f32 v45, v44;
	v44 =	vld [tilespmem:s0+$0x2E0];
	v45 =	vmul.f32 v56, v5  }
0x233: {  	v46 =	vadd.f32 v47, v46;
	v47 =	vadd.f32 v49, v48;
	v48 =	vld [tilespmem:s0+$0x320];
	v32 =	vmul.f32 v32, v6  }
0x234: {  	v49 =	vadd.f32 v51, v50;
	v31 =	vadd.f32 v41, v31;
	v40 =	vmul.f32 v40, v7;
	v41 =	vld [tilespmem:s0+$0x360]  }
0x235: {  	v35 =	vadd.f32 v35, v43;
	v34 =	vmul.f32 v34, v7;
	v43 =	vld [tilespmem:s0+$0x3A0];
	v32 =	vadd.f32 v32, v45  }
0x236: {  	v22 =	vadd.f32 v24, v22;
	v24 =	vadd.f32 v25, v29;
	v25 =	vmul.f32 v28, v7;
	v28 =	vld [tilespmem:s0+$0x3E0]  }
0x237: {  	v26 =	vadd.f32 v26, v38;
	v18 =	vadd.f32 v18, v39;
	v29 =	vld [tilespmem:s0+$0x230];
	v38 =	vmul.f32 v44, v7  }
0x238: {  	v20 =	vadd.f32 v20, v42;
	v21 =	vadd.f32 v21, v33;
	v33 =	vld [tilespmem:s0+$0x270];
	v39 =	vmul.f32 v48, v7  }
0x239: {  	v19 =	vadd.f32 v19, v30;
	v23 =	vadd.f32 v23, v27;
	v27 =	vld [tilespmem:s0+$0x2B0];
	v30 =	vmul.f32 v41, v7  }
0x23a: {  	v36 =	vadd.f32 v40, v36;
	v34 =	vadd.f32 v34, v37;
	v37 =	vld [tilespmem:s0+$0x2F0];
	v40 =	vmul.f32 v43, v7  }
0x23b: {  	v25 =	vadd.f32 v25, v46;
	v38 =	vadd.f32 v38, v47;
	v41 =	vld [tilespmem:s0+$0x330];
	v28 =	vmul.f32 v28, v7  }
0x23c: {  	v39 =	vadd.f32 v39, v49;
	v30 =	vadd.f32 v30, v31;
	v29 =	vmul.f32 v29, v4;
	v31 =	vld [tilespmem:s0+$0x370]  }
0x23d: {  	v35 =	vadd.f32 v40, v35;
	v33 =	vmul.f32 v33, v4;
	v40 =	vld [tilespmem:s0+$0x3B0];
	v28 =	vadd.f32 v28, v32  }
0x23e: {  	v16 =	vadd.f32 v16, v22;
	v17 =	vadd.f32 v17, v24;
	v22 =	vmul.f32 v27, v4;
	v24 =	vld [tilespmem:s0+$0x3F0]  }
0x23f: {  	v14 =	vadd.f32 v14, v26;
	v15 =	vadd.f32 v15, v18;
	v27 =	vld [tilespmem:s0+$0xFFFFFC10];
	v18 =	vmul.f32 v37, v4  }
0x240: {  	s1 =	sadd.s32 $0x2, s1;
	v12 =	vadd.f32 v12, v20;
	v13 =	vadd.f32 v13, v21;
	v26 =	vld [tilespmem:s0+$0xFFFFFC40];
	v20 =	vmul.f32 v41, v4  }
0x241: {  	p0 =	slt.u32 s1, $0xE;
	v19 =	vadd.f32 v10, v19;
	v11 =	vadd.f32 v11, v23;
	v21 =	vld [tilespmem:s0+$0xFFFFFC50];
	v23 =	vmul.f32 v31, v4  }
0x242: {  	v29 =	vadd.f32 v29, v36;
	v32 =	vadd.f32 v33, v34;
	v31 =	vld [tilespmem:s0+$0xFFFFFC80];
	v33 =	vmul.f32 v40, v4  }
0x243: {  	v22 =	vadd.f32 v22, v25;
	v18 =	vadd.f32 v18, v38;
	v34 =	vld [tilespmem:s0+$0xFFFFFC90];
	v24 =	vmul.f32 v24, v4  }
0x244: {  	v20 =	vadd.f32 v20, v39;
	v23 =	vadd.f32 v23, v30;
	v10 =	vmul.f32 v27, v6;
	v25 =	vld [tilespmem:s0+$0xFFFFFCC0]  }
0x245: {  	v30 =	vadd.f32 v33, v35;
	v27 =	vld [tilespmem:s0+$0xFFFFFCD0];
	v24 =	vadd.f32 v24, v28;
	v28 =	vsel vm0, v16, v17  }
0x246: {  	v36 =	vsel vm0, v12, v13;
	v37 =	vsel vm0, v19, v11;
	v35 =	vsel vm0, v14, v15;
	v33 =	vld [tilespmem:s0+$0xFFFFFD00]  }
0x247: {  	v39 =	vsel vm0, v29, v32;
	v40 =	vsel vm0, v22, v18;
	v41 =	vsel vm0, v20, v23;
	v38 =	vld [tilespmem:s0+$0xFFFFFD10]  }
0x248: {  	v12 =	vsel vm0, v13, v12;
	v14 =	vsel vm0, v15, v14;
	v16 =	vsel vm0, v17, v16;
	v42 =	vld [tilespmem:s0+$0xFFFFFD40]  }
0x249: {  	v11 =	vsel vm0, v11, v19;
	v15 =	vsel vm0, v32, v29;
	v17 =	vsel vm0, v18, v22;
	v13 =	vld [tilespmem:s0+$0xFFFFFD50]  }
0x24a: {  	v14 =	vperm.xlane v14, v0;
	v19 =	vsel vm0, v23, v20;
	v16 =	vperm.xlane v16, v0;
	v18 =	vld [tilespmem:s0+$0xFFFFFD80]  }
0x24b: {  	v12 =	vperm.xlane v12, v0;
	v11 =	vperm.xlane v11, v0;
	v22 =	vsel vm0, v24, v30;
	v20 =	vld [tilespmem:s0+$0xFFFFFD90]  }
0x24c: {  	v15 =	vperm.xlane v15, v0;
	v17 =	vperm.xlane v17, v0;
	v16 =	vadd.f32 v16, v28;
	v23 =	vld [tilespmem:s0+$0xFFFFFDC0]  }
0x24d: {  	v12 =	vadd.f32 v12, v36;
	v19 =	vperm.xlane v19, v0;
	v14 =	vadd.f32 v14, v35;
	v28 =	vld [tilespmem:s0+$0xFFFFFDD0]  }
0x24e: {  	v11 =	vadd.f32 v11, v37;
	v15 =	vadd.f32 v15, v39;
	v22 =	vperm.xlane v22, v0;
	v29 =	vld [tilespmem:s0+$0xFFFFFE00]  }
0x24f: {  	v24 =	vsel vm0, v30, v24;
	v17 =	vadd.f32 v17, v40;
	v19 =	vadd.f32 v19, v41;
	v32 =	vld [tilespmem:s0+$0xFFFFFE10]  }
0x250: {  	v35 =	vsel vm1, v12, v11;
	v22 =	vadd.f32 v22, v24;
	v24 =	vsel vm1, v16, v14;
	v30 =	vld [tilespmem:s0+$0xFFFFFE40]  }
0x251: {  	v11 =	vsel vm1, v11, v12;
	v14 =	vsel vm1, v14, v16;
	v12 =	vsel vm1, v17, v15;
	v36 =	vld [tilespmem:s0+$0xFFFFFE50]  }
0x252: {  	v11 =	vperm.xlane v11, v1;
	v14 =	vperm.xlane v14, v1;
	v37 =	vsel vm1, v22, v19;
	v16 =	vld [tilespmem:s0+$0xFFFFFE80]  }
0x253: {  	v15 =	vsel vm1, v15, v17;
	v12 =	vperm.xlane v12, v1;
	v17 =	vperm.xlane v37, v1;
	v39 =	vld [tilespmem:s0+$0xFFFFFE90]  }
0x254: {  	v11 =	vadd.f32 v11, v35;
	v19 =	vsel vm1, v19, v22;
	v14 =	vadd.f32 v14, v24;
	v37 =	vld [tilespmem:s0+$0xFFFFFEC0]  }
0x255: {  	v22 =	vmul.f32 v26, v5;
	v12 =	vadd.f32 v12, v15;
	v15 =	vadd.f32 v17, v19;
	v24 =	vld [tilespmem:s0+$0xFFFFFED0]  }
0x256: {  	v17 =	vmul.f32 v21, v6;
	v19 =	vmul.f32 v31, v5;
	v21 =	vld [tilespmem:s0+$0xFFFFFF00]  }
0x257: {  	v26 =	vmul.f32 v34, v6;
	v34 =	vsel vm2, v11, v14;
	v35 =	vsel vm2, v15, v12;
	v31 =	vld [tilespmem:s0+$0xFFFFFF10]  }
0x258: {  	v34 =	vperm.xlane v34, v2;
	v17 =	vadd.f32 v17, v22;
	v35 =	vperm.xlane v35, v2;
	v22 =	vld [tilespmem:s0+$0xFFFFFF40]  }
0x259: {  	v25 =	vmul.f32 v25, v5;
	v11 =	vsel vm2, v14, v11;
	v12 =	vsel vm2, v12, v15;
	v40 =	vld [tilespmem:s0+$0xFFFFFF50]  }
0x25a: {  	v14 =	vmul.f32 v27, v6;
	v11 =	vadd.f32 v34, v11;
	v12 =	vadd.f32 v35, v12;
	v15 =	vld [tilespmem:s0+$0xFFFFFF80]  }
0x25b: {  	v27 =	vmul.f32 v38, v6;
	v19 =	vadd.f32 v26, v19;
	v26 =	vmul.f32 v33, v5;
	v33 =	vld [tilespmem:s0+$0xFFFFFF90]  }
0x25c: {  	v13 =	vmul.f32 v13, v6;
	v34 =	vmul.f32 v42, v5;
	v38 =	vsel vm3, v12, v11;
	v35 =	vld [tilespmem:s0+$0xFFFFFFC0]  }
0x25d: {  	v18 =	vmul.f32 v18, v5;
	v14 =	vadd.f32 v14, v25;
	v38 =	vperm.xlane v38, v3;
	v25 =	vld [tilespmem:s0+$0xFFFFFFD0]  }
0x25e: {  	v20 =	vmul.f32 v20, v6;
	v23 =	vmul.f32 v23, v5;
	v11 =	vsel vm3, v11, v12;
	v41 =	vld [tilespmem:s0+$0xFFFFFC00]  }
0x25f: {  	v28 =	vmul.f32 v28, v6;
	v29 =	vmul.f32 v29, v5;
	v11 =	vadd.f32 v11, v38;
	v12 =	vld [tilespmem:s0+$0xFFFFFC20]  }
0x260: {  	s26 =	sadd.s32 $0x20, s26;
	v26 =	vadd.f32 v27, v26;
	v27 =	vmul.f32 v32, v6;
	v30 =	vmul.f32 v30, v5;
	v38 =	vld [tilespmem:s0+$0xFFFFFC60]  }
0x261: {  	v13 =	vadd.f32 v13, v34;
	v34 =	vmul.f32 v36, v6;
	v16 =	vmul.f32 v16, v5;
	v32 =	vld [tilespmem:s0+$0xFFFFFCA0];
	[tilespmem:s26+$0x0] =	vst v11  }
0x262: {  	v18 =	vadd.f32 v20, v18;
	v20 =	vmul.f32 v39, v6;
	v36 =	vmul.f32 v37, v5;
	v11 =	vld [tilespmem:s0+$0xFFFFFCE0]  }
0x263: {  	v23 =	vadd.f32 v28, v23;
	v24 =	vmul.f32 v24, v6;
	v37 =	vmul.f32 v41, v5;
	v39 =	vld [tilespmem:s0+$0xFFFFFD20]  }
0x264: {  	v27 =	vadd.f32 v27, v29;
	v21 =	vmul.f32 v21, v5;
	v29 =	vmul.f32 v31, v6;
	v28 =	vld [tilespmem:s0+$0xFFFFFD60]  }
0x265: {  	v22 =	vmul.f32 v22, v5;
	v10 =	vadd.f32 v10, v37;
	v31 =	vld [tilespmem:s0+$0xFFFFFDA0];
	v37 =	vmul.f32 v40, v6  }
0x266: {  	v30 =	vadd.f32 v34, v30;
	v15 =	vmul.f32 v15, v5;
	v33 =	vmul.f32 v33, v6;
	v40 =	vld [tilespmem:s0+$0xFFFFFDE0]  }
0x267: {  	v20 =	vadd.f32 v20, v16;
	v16 =	vmul.f32 v35, v5;
	v25 =	vmul.f32 v25, v6;
	v34 =	vld [tilespmem:s0+$0xFFFFFE20]  }
0x268: {  	v24 =	vadd.f32 v24, v36;
	v21 =	vadd.f32 v29, v21;
	v12 =	vmul.f32 v12, v7;
	v35 =	vld [tilespmem:s0+$0xFFFFFE60]  }
0x269: {  	v15 =	vadd.f32 v33, v15;
	v29 =	vmul.f32 v38, v7;
	v22 =	vadd.f32 v37, v22;
	v36 =	vld [tilespmem:s0+$0xFFFFFEA0]  }
0x26a: {  	v25 =	vadd.f32 v25, v16;
	v32 =	vmul.f32 v32, v7;
	v11 =	vmul.f32 v11, v7;
	v33 =	vld [tilespmem:s0+$0xFFFFFEE0]  }
0x26b: {  	v37 =	vadd.f32 v12, v10;
	v10 =	vmul.f32 v39, v7;
	v12 =	vmul.f32 v28, v7;
	v16 =	vld [tilespmem:s0+$0xFFFFFF20]  }
0x26c: {  	v17 =	vadd.f32 v29, v17;
	v28 =	vmul.f32 v31, v7;
	v29 =	vmul.f32 v40, v7;
	v31 =	vld [tilespmem:s0+$0xFFFFFF60]  }
0x26d: {  	v19 =	vadd.f32 v32, v19;
	v32 =	vmul.f32 v34, v7;
	v34 =	vmul.f32 v35, v7;
	v35 =	vld [tilespmem:s0+$0xFFFFFFA0]  }
0x26e: {  	v38 =	vadd.f32 v11, v14;
	v26 =	vadd.f32 v10, v26;
	v10 =	vmul.f32 v36, v7;
	v36 =	vld [tilespmem:s0+$0xFFFFFFE0]  }
0x26f: {  	v40 =	vadd.f32 v12, v13;
	v41 =	vadd.f32 v28, v18;
	v39 =	vld [tilespmem:s0+$0xFFFFFC30];
	v11 =	vmul.f32 v33, v7  }
0x270: {  	v23 =	vadd.f32 v29, v23;
	v33 =	vadd.f32 v32, v27;
	v12 =	vld [tilespmem:s0+$0xFFFFFC70];
	v18 =	vmul.f32 v16, v7  }
0x271: {  	v16 =	vadd.f32 v34, v30;
	v14 =	vadd.f32 v10, v20;
	v27 =	vld [tilespmem:s0+$0xFFFFFCB0];
	v10 =	vmul.f32 v31, v7  }
0x272: {  	v13 =	vadd.f32 v11, v24;
	v20 =	vld [tilespmem:s0+$0xFFFFFCF0];
	v11 =	vadd.f32 v18, v21;
	v18 =	vmul.f32 v35, v7  }
0x273: {  	v24 =	vperm.xlane v9, v3;
	v21 =	vld [tilespmem:s0+$0xFFFFFD30];
	v10 =	vadd.f32 v10, v22;
	v22 =	vmul.f32 v36, v7  }
0x274: {  	v28 =	vmul.f32 v39, v4;
	v29 =	vld [tilespmem:s0+$0xFFFFFD70];
	v9 =	vadd.f32 v18, v15  }
0x275: {  	v18 =	vadd.f32 v8, v24;
	v15 =	vmul.f32 v12, v4;
	v30 =	vld [tilespmem:s0+$0xFFFFFDB0];
	v12 =	vadd.f32 v22, v25  }
0x276: {  	v8 =	vadd.f32 v28, v37;
	v22 =	vmul.f32 v27, v4;
	v24 =	vld [tilespmem:s0+$0xFFFFFDF0]  }
0x277: {  	v17 =	vadd.f32 v15, v17;
	v15 =	vmul.f32 v20, v4;
	v20 =	vld [tilespmem:s0+$0xFFFFFE30];
	[tilespmem:s29+$0xFFFFFFF0] =	vst v18;
	s29 =	smov.u32 s26  }
0x278: {  	v18 =	vadd.f32 v22, v19;
	v21 =	vmul.f32 v21, v4;
	v31 =	vld [tilespmem:s0+$0xFFFFFE70]  }
0x279: {  	v19 =	vadd.f32 v15, v38;
	v22 =	vmul.f32 v29, v4;
	v34 =	vld [tilespmem:s0+$0xFFFFFEB0];
	v15 =	vsel vm0, v17, v8  }
.Ltmp2:
0x27a: {  	v21 =	vadd.f32 v21, v26;
	v25 =	vmul.f32 v30, v4;
	v27 =	vld [tilespmem:s0+$0xFFFFFEF0];
	v15 =	vperm.xlane v15, v0;
	(pc) =	sbr.rel @p0 .LBB2_7-.Ltmp2, $4  }
0x27b: {  	v22 =	vadd.f32 v22, v40;
	v26 =	vmul.f32 v24, v4;
	v28 =	vld [tilespmem:s0+$0xFFFFFF30];
	v30 =	vsel vm0, v19, v18  }
0x27c: {  	v24 =	vadd.f32 v25, v41;
	v35 =	vmul.f32 v20, v4;
	v29 =	vld [tilespmem:s0+$0xFFFFFF70];
	v20 =	vperm.xlane v30, v0  }
0x27d: {  	v25 =	vadd.f32 v26, v23;
	v32 =	vmul.f32 v31, v4;
	v30 =	vld [tilespmem:s0+$0xFFFFFFB0];
	v23 =	vsel vm0, v22, v21  }
0x27e: {  	v26 =	vadd.f32 v35, v33;
	v33 =	vmul.f32 v34, v4;
	v31 =	vld [tilespmem:s0+$0xFFFFFFF0];
	v23 =	vperm.xlane v23, v0;
	s0 =	sadd.s32 $0x800, s0  }
0x27f: {  	v5 =	vmul.f32 v27, v4  }
0x280: {  	v6 =	vadd.f32 v32, v16;
	v7 =	vsel vm0, v25, v24;
	v8 =	vsel vm0, v8, v17  }
0x281: {  	v49 =	vsel vm0, v18, v19;
	v51 =	vsel vm0, v21, v22;
	v52 =	vsel vm0, v24, v25  }
0x282: {  	v14 =	vadd.f32 v33, v14;
	v43 =	vmul.f32 v28, v4;
	v8 =	vadd.f32 v15, v8  }
0x283: {  	v7 =	vperm.xlane v7, v0;
	v54 =	vadd.f32 v20, v49;
	v56 =	vadd.f32 v23, v51  }
0x284: {  	v5 =	vadd.f32 v5, v13;
	v44 =	vmul.f32 v29, v4;
	v45 =	vsel vm0, v6, v26  }
0x285: {  	v46 =	vmul.f32 v30, v4;
	v11 =	vadd.f32 v43, v11;
	v4 =	vmul.f32 v31, v4  }
0x286: {  	v6 =	vsel vm0, v26, v6;
	v7 =	vadd.f32 v7, v52;
	v10 =	vadd.f32 v44, v10  }
0x287: {  	v47 =	vperm.xlane v45, v0;
	v9 =	vadd.f32 v46, v9;
	v4 =	vadd.f32 v4, v12  }
0x288: {  	v57 =	vsel vm1, v54, v8;
	v48 =	vsel vm0, v5, v14;
	v5 =	vsel vm0, v14, v5  }
0x289: {  	v13 =	vperm.xlane v48, v0;
	v50 =	vsel vm0, v10, v11;
	v53 =	vsel vm0, v4, v9  }
0x28a: {  	v6 =	vadd.f32 v47, v6;
	v17 =	vperm.xlane v50, v0;
	v55 =	vperm.xlane v53, v0  }
0x28b: {  	v10 =	vsel vm0, v11, v10;
	v5 =	vadd.f32 v13, v5;
	v4 =	vsel vm0, v9, v4  }
0x28c: {  	v58 =	vsel vm1, v7, v56;
	v10 =	vadd.f32 v17, v10;
	v4 =	vadd.f32 v55, v4  }
0x28d: {  	v8 =	vsel vm1, v8, v54;
	v7 =	vsel vm1, v56, v7;
	v11 =	vperm.xlane v58, v1  }
0x28e: {  	v13 =	vperm.xlane v57, v1;
	v59 =	vsel vm1, v5, v6;
	v61 =	vsel vm1, v4, v10  }
0x28f: {  	v7 =	vadd.f32 v11, v7;
	v60 =	vperm.xlane v59, v1;
	v62 =	vperm.xlane v61, v1  }
0x290: {  	v5 =	vsel vm1, v6, v5;
	v8 =	vadd.f32 v13, v8;
	v4 =	vsel vm1, v10, v4  }
0x291: {  	v5 =	vadd.f32 v60, v5;
	v4 =	vadd.f32 v62, v4;
	_ =	sdelay $0x1  }
0x292: {  	v63 =	vsel vm2, v7, v8;
	v9 =	vsel vm2, v4, v5  }
0x293: {  	v6 =	vperm.xlane v63, v2;
	v9 =	vperm.xlane v9, v2  }
0x294: {  	v7 =	vsel vm2, v8, v7;
	v4 =	vsel vm2, v5, v4  }
0x295: {  	v5 =	vadd.f32 v6, v7;
	v4 =	vadd.f32 v9, v4  }
0x296: {  	s25 =	sadd.s32 $0x1, s25  }
0x297: {  	p0 =	sne.s32 s25, $0x10;
	v6 =	vsel vm3, v4, v5  }
.Ltmp3:
0x298: {  	v6 =	vperm.xlane v6, v3;
	(pc) =	sbr.rel @p0 .LBB2_4-.Ltmp3, $3  }
0x299: {  	v4 =	vsel vm3, v5, v4  }
0x29a: {  	v4 =	vadd.f32 v4, v6;
	_ =	sdelay $0x1  }
0x29b: {  	s13 =	sadd.s32 $0x200, s13;
	s28 =	sadd.s32 $0x200, s28;
	[tilespmem:s29+$0xFFFFFFF0] =	vst v4  }
0x29c: {  	s24 =	sadd.s32 $0x1, s24  }
0x29d: {  	p0 =	sne.s32 s24, s9  }
.Ltmp4:
0x29e: {  	_ = 	snop;
	(pc) =	sbr.rel @p0 .LBB2_1-.Ltmp4, $4  }
0x29f: {  	[hbm4b:s8+s2] =	stream.linear.scatter [tilespmem:s23], [sflag:$0x3], $0x2000, $0x38;
	[tilespmem:$0xD040] =	vst v63  }
0x2a0: {  	_ =	swait.ge [sflag:s10], $0x2000  }
0x2a1: {  	[sflag:s10] =	ssyncset.done $0x0  }
0x2a2: {  	[sflag:s10] =	ssyncadd.s32 $0xFFFFE000  }
0x2a3: {  	_ =	sfence.sel $0x180000  }
0x2a4: {  	[bflag:$0x0] =	sbarrier.arrive $0xFFFF  }
0x2a5: {  	_ =	strace $0x9000004A  }
0x2a6: {  	s0 =	stileid.u32;
	[bflag:$0x2] =	sbarrier.arrive $0xFFFF  }
0x2a7: {  	p0 =	sne.s32 s0, $0x0;
	s0 =	rddreg [dreg:$0x2]  }
0x2a8: {  	s0 =	sadd.s32 @!p0 $0x100000, s0  }
0x2a9: {  	[sflag:s0] =	ssyncadd.tile.s32 @!p0 $0x1;
	_ =	shalt  }
.Lfunc_end2:
_tile_overlayer_lowered:
.L_overlay_start_2:
0x2aa: {  	(tag) =	ssettag $0x2  }
0x2ab: {  	s0 =	rddreg [dreg:$0x0];
	s2 =	stileid.u32  }
0x2ac: {  	s1 =	rddreg [dreg:$0x1];
	p0 =	sne.s32 s2, $0x0  }
0x2ad: {  	s3 =	rddreg [dreg:$0x2];
	[bflag:$0x3] =	sbarrier.arrive $0xFFFF;
	s2 =	simm.s32 @!p0 $0x1C03  }
0x2ae: {  	[timem:s3], [sflag:s2] =	dma.local @!p0 [hbm:s0], s1  }
0x2af: {  	s0 =	simm.s32 @!p0 $0x3  }
0x2b0: {  	_ =	swait.ge @!p0 [sflag:s0], s1  }
0x2b1: {  	s1 =	ssub.s32 @!p0 $0x0, s1;
	[sflag:s0] =	ssyncset.done @!p0 $0x0  }
0x2b2: {  	[sflag:s0] =	ssyncadd.s32 @!p0 s1  }
0x2b3: {  	[bflag:$0x3] =	sbarrier.arrive $0xFFFF  }
0x2b4: {  	_ =	shalt  }

</sc_bundles>
